<compile_context>
chip_gen: v7x
topology: tpu7x:2x2x1
jax: 0.10.2.dev20260603
libtpu: 0.0.44.dev20260713+nightly
codegen_flags: <defaults>
</compile_context>

<pallas_src>
import functools

import jax
import jax.numpy as jnp
from jax import lax
from jax.experimental import pallas as pl
from jax.experimental.pallas import tpu as pltpu
from jax.experimental.pallas import tpu_sc as plsc

N_NODES = 10000
D_FEAT = 256
D_EDGE = 16

NC, NS, LANES = 2, 16, 16
NW = NC * NS
K = 128
E_PAD = 163840
GATHER_ITERS = E_PAD // (NW * K)
E_PER_TILE = E_PAD // NS
SCATTER_ITERS = E_PER_TILE // K
N_PAD = 10240

_MESH = plsc.VectorSubcoreMesh(core_axis_name="c", subcore_axis_name="s")
NB = 3
NB_S = 2
CHUNK = GATHER_ITERS * K


IT0_FRAC = 55 / 80


def _make_gather(e_size):
    pair_iters = e_size // (NS * K)
    it0 = int(round(pair_iters * IT0_FRAC))
    it0 = min(max(it0, NB), pair_iters - NB)
    itmax = max(it0, pair_iters - it0)
    pair_e = pair_iters * K

    @functools.partial(
        pl.kernel,
        mesh=_MESH,
        out_type=jax.ShapeDtypeStruct((e_size, D_FEAT), jnp.float32),
        scratch_types=[
            pltpu.VMEM((pair_e,), jnp.int32),
            pltpu.VMEM((NB, K, D_FEAT), jnp.float32),
            pltpu.SemaphoreType.DMA((NB,)),
            pltpu.SemaphoreType.DMA((NB,)),
        ],
    )
    def _sc_gather(x_hbm, col_hbm, g_hbm, idx_v, rows_v, sem_g, sem_s):
        c = lax.axis_index("c")
        s = lax.axis_index("s")
        pair0 = pl.multiple_of(s * pair_e, K)
        ib = pl.multiple_of(c * (it0 * K), K)
        base0 = pl.multiple_of(pair0 + ib, K)
        iters = jnp.where(c == 0, it0, pair_iters - it0)
        pltpu.sync_copy(col_hbm.at[pl.ds(pair0, pair_e)], idx_v)

        def gather_desc(i, b):
            off = pl.multiple_of(ib + i * K, K)
            return pltpu.make_async_copy(
                x_hbm.at[idx_v.at[pl.ds(off, K)]], rows_v.at[b], sem_g.at[b])

        def store_desc(i, b):
            off = pl.multiple_of(base0 + i * K, K)
            return pltpu.make_async_copy(
                rows_v.at[b], g_hbm.at[pl.ds(off, K)], sem_s.at[b])

        gather_desc(0, 0).start()

        def body(i, carry):
            b = lax.rem(i, NB)
            nxt = i + 1

            @pl.when(nxt < iters)
            def _():
                bn = lax.rem(nxt, NB)

                @pl.when(nxt >= NB)
                def _():
                    store_desc(nxt - NB, bn).wait()

                gather_desc(nxt, bn).start()

            @pl.when(i < iters)
            def _():
                gather_desc(i, b).wait()
                store_desc(i, b).start()
            return carry

        lax.fori_loop(0, itmax, body, 0)
        for j in range(NB):
            i = iters - NB + j
            store_desc(i, lax.rem(i, NB)).wait()

    return _sc_gather


ROWS_PER_TILE = N_PAD // NS


def _make_scatter(e_size):
    e_per_tile = e_size // NS
    sc_iters = e_per_tile // K

    @functools.partial(
        pl.kernel,
        mesh=_MESH,
        out_type=jax.ShapeDtypeStruct((NC, N_PAD, 2, K), jnp.float32),
        scratch_types=[
            pltpu.VMEM_SHARED((N_PAD, K), jnp.float32),
            pltpu.VMEM((sc_iters, K), jnp.int32),
            pltpu.VMEM((NB_S, K, K), jnp.float32),
            pltpu.SemaphoreType.DMA((NB_S,)),
            pltpu.SemaphoreType.DMA((NB_S,)),
        ],
    )
    def _sc_scatter(hA, hB, tsel_hbm, agg_hbm,
                    acc_sh, idx_v, buf_v, sem_l, sem_sc):
        c = lax.axis_index("c")
        s = lax.axis_index("s")
        my_rows = pl.multiple_of(s * ROWS_PER_TILE, K)
        ebase0 = pl.multiple_of(s * e_per_tile, K)
        zeros16 = jnp.zeros((LANES,), jnp.float32)

        pltpu.sync_copy(tsel_hbm.at[c, s], idx_v)

        for ch, h_hbm in ((0, hA), (1, hB)):
            def load_desc(i, b, h_hbm=h_hbm):
                off = pl.multiple_of(ebase0 + i * K, K)
                return pltpu.make_async_copy(
                    h_hbm.at[pl.ds(off, K)], buf_v.at[b], sem_l.at[b])

            def scat_desc(i, b):
                return pltpu.make_async_copy(
                    buf_v.at[b], acc_sh.at[idx_v.at[i]], sem_sc.at[b])

            def zbody(r, carry):
                for j in range(K // LANES):
                    buf_v[0, r, pl.ds(j * LANES, LANES)] = zeros16
                return carry

            lax.fori_loop(0, K, zbody, 0)
            for kk in range(ROWS_PER_TILE // K):
                pltpu.sync_copy(buf_v.at[0],
                                acc_sh.at[pl.ds(my_rows + kk * K, K)])
            plsc.subcore_barrier()

            load_desc(0, 0).start()

            def body(i, carry):
                b = lax.rem(i, NB_S)
                nxt = i + 1

                @pl.when(nxt < sc_iters)
                def _():
                    bn = lax.rem(nxt, NB_S)

                    @pl.when(nxt >= NB_S)
                    def _():
                        scat_desc(nxt - NB_S, bn).wait()

                    load_desc(nxt, bn).start()

                load_desc(i, b).wait()
                scat_desc(i, b).start(add=True)
                return carry

            lax.fori_loop(0, sc_iters, body, 0)
            for j in range(NB_S):
                b = (sc_iters - NB_S + j) % NB_S
                scat_desc(sc_iters - NB_S + j, b).wait()
            plsc.subcore_barrier()

            for kk in range(ROWS_PER_TILE // K):
                r0 = pl.multiple_of(my_rows + kk * K, K)
                pltpu.sync_copy(acc_sh.at[pl.ds(r0, K)], buf_v.at[0])
                pltpu.sync_copy(buf_v.at[0], agg_hbm.at[c, pl.ds(r0, K), ch])
            plsc.subcore_barrier()

    return _sc_scatter


def _mlp_body(g_ref, ea_ref, dir_ref, wx_ref, we_ref, b_ref,
              o0_ref, o1_ref):
    acc = jnp.dot(g_ref[...].astype(jnp.bfloat16), wx_ref[...],
                  preferred_element_type=jnp.float32)
    acc = acc + jnp.dot(ea_ref[...].astype(jnp.bfloat16), we_ref[...],
                        preferred_element_type=jnp.float32)
    acc = jnp.maximum(acc + b_ref[...], 0.0)
    hsel = jnp.where(dir_ref[...] > 0, acc[:, :D_FEAT], acc[:, D_FEAT:])
    o0_ref[...] = hsel[:, :K]
    o1_ref[...] = hsel[:, K:]


def _edge_mlp(g, ea, dirf, wx, we, b):
    e_size = g.shape[0]
    be = 1024
    grid = (e_size // be,)
    return pl.pallas_call(
        _mlp_body,
        grid=grid,
        in_specs=[
            pl.BlockSpec((be, D_FEAT), lambda i: (i, 0)),
            pl.BlockSpec((be, D_EDGE), lambda i: (i, 0)),
            pl.BlockSpec((be, 1), lambda i: (i, 0)),
            pl.BlockSpec((D_FEAT, 2 * D_FEAT), lambda i: (0, 0)),
            pl.BlockSpec((D_EDGE, 2 * D_FEAT), lambda i: (0, 0)),
            pl.BlockSpec((1, 2 * D_FEAT), lambda i: (0, 0)),
        ],
        out_specs=[pl.BlockSpec((be, K), lambda i: (i, 0))] * 2,
        out_shape=[jax.ShapeDtypeStruct((e_size, K), jnp.float32)] * 2,
    )(g, ea, dirf, wx, we, b)


def _node_body(ainA, aoutA, ainB, aoutB, wt_ref, wb_ref, b_ref, o_ref):
    acc = jnp.dot(ainA[...] + ainB[...], wt_ref[...],
                  preferred_element_type=jnp.float32)
    acc = acc + jnp.dot(aoutA[...] + aoutB[...], wb_ref[...],
                        preferred_element_type=jnp.float32)
    o_ref[...] = jnp.maximum(acc + b_ref[...], 0.0)


def _node_mlp(aggA, aggB, wt, wb, b):
    bn = 512
    nblk = N_PAD // bn
    grid = (nblk,)
    sec = [
        pl.BlockSpec((bn, 2 * K), lambda i: (i, 0)),
        pl.BlockSpec((bn, 2 * K), lambda i: (i + nblk, 0)),
    ]
    return pl.pallas_call(
        _node_body,
        grid=grid,
        in_specs=sec + sec + [
            pl.BlockSpec((D_FEAT, D_FEAT), lambda i: (0, 0)),
            pl.BlockSpec((D_FEAT, D_FEAT), lambda i: (0, 0)),
            pl.BlockSpec((1, D_FEAT), lambda i: (0, 0)),
        ],
        out_specs=pl.BlockSpec((bn, D_FEAT), lambda i: (i, 0)),
        out_shape=jax.ShapeDtypeStruct((N_PAD, D_FEAT), jnp.float32),
    )(aggA, aggA, aggB, aggB, wt, wb, b)


E_H = E_PAD // 2
_gather_h = _make_gather(E_H)
_scatter_h = _make_scatter(E_H)


def kernel(x, edge_index, edge_attr, W_out, b_out, W_in, b_in, W_node, b_node):
    row = edge_index[0]
    col = edge_index[1]
    n_e = row.shape[0]
    pad_e = E_PAD - n_e

    spread = N_NODES + (jnp.arange(n_e, dtype=jnp.int32) & 127)
    t_in = jnp.where(row > col, row, spread)
    t_out = jnp.where(row < col, row, spread)
    dump = N_NODES + (jnp.arange(pad_e, dtype=jnp.int32) & 127)
    tsel = jnp.stack([jnp.concatenate([t_in, dump]),
                      jnp.concatenate([t_out, dump])])
    dirf = jnp.concatenate([(row > col).astype(jnp.float32),
                            jnp.zeros((pad_e,), jnp.float32)])
    dirf = dirf.reshape(E_PAD, 1)
    col_p = jnp.concatenate([col, jnp.zeros((pad_e,), jnp.int32)])
    ea_p = jnp.concatenate(
        [edge_attr, jnp.zeros((pad_e, D_EDGE), jnp.float32)])

    wcat = jnp.concatenate([W_in, W_out], axis=1)
    wx = wcat[:D_FEAT].astype(jnp.bfloat16)
    we = wcat[D_FEAT:].astype(jnp.bfloat16)
    bcat = jnp.concatenate([b_in, b_out]).reshape(1, 2 * D_FEAT)

    sc_it_h = E_H // NS // K
    aggs = []
    hs = []
    for ph in range(2):
        e0 = ph * E_H
        g = _gather_h(x, lax.dynamic_slice_in_dim(col_p, e0, E_H))
        hs.append(_edge_mlp(
            g, lax.dynamic_slice_in_dim(ea_p, e0, E_H),
            lax.dynamic_slice_in_dim(dirf, e0, E_H), wx, we, bcat))
    for ph in range(2):
        tsel4 = tsel[:, ph * E_H:(ph + 1) * E_H].reshape(NC, NS, sc_it_h, K)
        hA, hB = hs[ph]
        agg = _scatter_h(hA, hB, tsel4)
        aggs.append(agg.reshape(NC * N_PAD, 2 * K))
    out = _node_mlp(aggs[0], aggs[1], W_node[:D_FEAT], W_node[D_FEAT:],
                    b_node.reshape(1, D_FEAT))
    return out[:N_NODES]

# --- scband reference (transcript-rebuilt; emitter-appended) ---
"""Pipeline reference for scband-time-aware-node-model-4329327035191 (READ-ONLY COPY).

The authoritative reference and input builder live on the scoring server;
editing this copy changes nothing except your own understanding.
"""

import jax, jax.numpy as jnp
import numpy as np

N, E, D, DE = 10000, 160000, 256, 16


def setup_inputs(seed: int = 0) -> dict:
    key = jax.random.key(seed)
    ks = jax.random.split(key, 8)
    x = jax.random.normal(ks[0], (N, D), dtype=jnp.float32)
    edge_index = jax.random.randint(ks[1], (2, E), 0, N, dtype=jnp.int32)
    edge_attr = jax.random.normal(ks[2], (E, DE), dtype=jnp.float32)
    s1 = 1.0 / np.sqrt(D + DE)
    s2 = 1.0 / np.sqrt(2 * D)
    W_out = jax.random.normal(ks[3], (D + DE, D), dtype=jnp.float32) * s1
    b_out = jnp.zeros((D,), dtype=jnp.float32)
    W_in = jax.random.normal(ks[4], (D + DE, D), dtype=jnp.float32) * s1
    b_in = jnp.zeros((D,), dtype=jnp.float32)
    W_node = jax.random.normal(ks[5], (2 * D, D), dtype=jnp.float32) * s2
    b_node = jnp.zeros((D,), dtype=jnp.float32)
    return {"x": x, "edge_index": edge_index, "edge_attr": edge_attr,
            "W_out": W_out, "b_out": b_out, "W_in": W_in, "b_in": b_in,
            "W_node": W_node, "b_node": b_node}


def reference(x, edge_index, edge_attr, W_out, b_out, W_in, b_in, W_node, b_node):
    row = edge_index[0]
    col = edge_index[1]
    n_nodes = x.shape[0]

    # flow out: edges where row < col
    out_mask = (row < col).astype(jnp.float32)[:, None]
    flow_out_input = jnp.concatenate([x[col], edge_attr], axis=1)
    flow_out = jax.nn.relu(flow_out_input @ W_out + b_out)
    flow_out_agg = jax.ops.segment_sum(flow_out * out_mask, row, num_segments=n_nodes)

    # flow in: edges where row > col
    in_mask = (row > col).astype(jnp.float32)[:, None]
    flow_in_input = jnp.concatenate([x[col], edge_attr], axis=1)
    flow_in = jax.nn.relu(flow_in_input @ W_in + b_in)
    flow_in_agg = jax.ops.segment_sum(flow_in * in_mask, row, num_segments=n_nodes)

    flow = jnp.concatenate([flow_in_agg, flow_out_agg], axis=1)
    return jax.nn.relu(flow @ W_node + b_node)

if __name__ == "__main__":
    import jax
    _d = setup_inputs()
    print(jax.jit(kernel)(*tuple(_d.values())))

</pallas_src>

<mosaic_0001>
#map = affine_map<(d0, d1) -> (0, 0)>
#map1 = affine_map<(d0, d1) -> (0)>
module attributes {stable_mosaic.version = 14 : i64} {
  func.func @_sc_gather(%arg0: i32, %arg1: i32, %arg2: memref<10000x256xf32, #tpu.memory_space<hbm>>, %arg3: memref<81920xi32, #tpu.memory_space<hbm>>, %arg4: memref<81920x256xf32, #tpu.memory_space<hbm>>, %arg5: memref<5120xi32, #tpu.memory_space<vmem>>, %arg6: memref<3x128x256xf32, #tpu.memory_space<vmem>>, %arg7: memref<3x!tpu.dma_semaphore, #tpu.memory_space<semaphore_mem>>, %arg8: memref<3x!tpu.dma_semaphore, #tpu.memory_space<semaphore_mem>>) attributes {dimension_semantics = [#tpu.dimension_semantics<core_parallel>, #tpu.dimension_semantics<subcore_parallel>], iteration_bounds = array<i64: 2, 16>, scalar_prefetch = 0 : i64, scratch_operands = 4 : i64, tpu.core_type = #tpu.core_type<sc_vector_subcore>, window_params = [{transform_indices = #map}, {transform_indices = #map1}, {transform_indices = #map}]} {
    %mul3A = arith.constant 5120 : i32
    %mul3A_0 = arith.muli %arg1, %mul3A : i32
    %multiple_of3A = tpu.assume_multiple %mul3A_0, 128 : i32
    %mul3A_1 = arith.constant 3584 : i32
    %mul3A_2 = arith.muli %arg0, %mul3A_1 : i32
    %multiple_of3A_3 = tpu.assume_multiple %mul3A_2, 128 : i32
    %add3A = arith.addi %multiple_of3A, %multiple_of3A_3 : i32
    %multiple_of3A_4 = tpu.assume_multiple %add3A, 128 : i32
    %eq3A = arith.constant 0 : i32
    %eq3A_5 = arith.cmpi eq, %arg0, %eq3A : i32
    %jit3A = arith.constant 28 : i32
    %jit3A_6 = arith.constant 12 : i32
    %select_n3A = arith.select %eq3A_5, %jit3A, %jit3A_6 : i32
    "tpu.region"() ({
      %run_scoped3A = tpu.sem_alloc : memref<!tpu.dma_semaphore, #tpu.memory_space<semaphore_mem>>
      %dma_start3A_95 = tpu.memref_slice %arg3[%multiple_of3A] : memref<81920xi32, #tpu.memory_space<hbm>> -> memref<5120xi32, #tpu.memory_space<hbm>>
      %dma_start3A_96 = tpu.memref_slice %arg3[%multiple_of3A] : memref<81920xi32, #tpu.memory_space<hbm>> -> memref<5120xi32, #tpu.memory_space<hbm>>
      tpu.enqueue_dma source(%dma_start3A_96 : memref<5120xi32, #tpu.memory_space<hbm>>) target(%arg5 : memref<5120xi32, #tpu.memory_space<vmem>>) target_semaphore(%run_scoped3A : memref<!tpu.dma_semaphore, #tpu.memory_space<semaphore_mem>>)
      %dma_wait3A_97 = tpu.memref_slice %arg3[%multiple_of3A] : memref<81920xi32, #tpu.memory_space<hbm>> -> memref<5120xi32, #tpu.memory_space<hbm>>
      %dma_wait3A_98 = tpu.memref_slice %arg3[%multiple_of3A] : memref<81920xi32, #tpu.memory_space<hbm>> -> memref<5120xi32, #tpu.memory_space<hbm>>
      tpu.wait_dma2 semaphore(%run_scoped3A : memref<!tpu.dma_semaphore, #tpu.memory_space<semaphore_mem>>) src(%dma_wait3A_98 : memref<5120xi32, #tpu.memory_space<hbm>>) dst(%arg5 : memref<5120xi32, #tpu.memory_space<vmem>>)
      tpu.yield
    }) : () -> ()
    %add3A_7 = arith.constant 0 : i32
    %add3A_8 = arith.addi %multiple_of3A_3, %add3A_7 : i32
    %multiple_of3A_9 = tpu.assume_multiple %add3A_8, 128 : i32
    %dma_start3A = arith.constant 0 : i32
    %dma_start3A_10 = arith.constant 0 : i32
    %dma_start3A_11 = arith.constant 0 : i32
    %dma_start3A_12 = arith.constant 0 : i32
    %dma_start3A_13 = tpu.memref_slice %arg6[%dma_start3A, %dma_start3A_11, %dma_start3A_12] : memref<3x128x256xf32, #tpu.memory_space<vmem>> -> memref<1x128x256xf32, #tpu.memory_space<vmem>>
    %dma_start3A_14 = tpu.memref_squeeze %dma_start3A_13 : memref<1x128x256xf32, #tpu.memory_space<vmem>> -> memref<128x256xf32, #tpu.memory_space<vmem>>
    %dma_start3A_15 = tpu.memref_slice %arg5[%multiple_of3A_9] : memref<5120xi32, #tpu.memory_space<vmem>> -> memref<128xi32, #tpu.memory_space<vmem>>
    %dma_start3A_16 = arith.constant 0 : i32
    %dma_start3A_17 = arith.constant 0 : i32
    %dma_start3A_18 = tpu.memref_slice %arg2[%dma_start3A_16, %dma_start3A_17] : memref<10000x256xf32, #tpu.memory_space<hbm>> -> memref<10000x256xf32, #tpu.memory_space<hbm>>
    %dma_start3A_19 = tpu.memref_slice %arg7[%dma_start3A_10] : memref<3x!tpu.dma_semaphore, #tpu.memory_space<semaphore_mem>> -> memref<1x!tpu.dma_semaphore, #tpu.memory_space<semaphore_mem>>
    %dma_start3A_20 = tpu.memref_squeeze %dma_start3A_19 : memref<1x!tpu.dma_semaphore, #tpu.memory_space<semaphore_mem>> -> memref<!tpu.dma_semaphore, #tpu.memory_space<semaphore_mem>>
    tpu.enqueue_indirect_dma source(%dma_start3A_18 : memref<10000x256xf32, #tpu.memory_space<hbm>>) target(%dma_start3A_14 : memref<128x256xf32, #tpu.memory_space<vmem>>) offsets(%dma_start3A_15 : memref<128xi32, #tpu.memory_space<vmem>>) semaphore(%dma_start3A_20 : memref<!tpu.dma_semaphore, #tpu.memory_space<semaphore_mem>>)
    %scan3A = arith.constant 0 : i32
    %scan3A_21 = arith.constant 0 : i32
    %scan3A_22 = arith.constant 28 : i32
    %scan3A_23 = arith.addi %scan3A_21, %scan3A_22 : i32
    %scan3A_24 = arith.constant 1 : i32
    scf.for %scan3A_95 = %scan3A_21 to %scan3A_23 step %scan3A_24  : i32 {
      %rem3A_96 = arith.constant 3 : i32
      %rem3A_97 = arith.remsi %scan3A_95, %rem3A_96 : i32
      %add3A_98 = arith.constant 1 : i32
      %add3A_99 = arith.addi %scan3A_95, %add3A_98 : i32
      %lt3A = arith.cmpi slt, %add3A_99, %select_n3A : i32
      %convert_element_type3A = arith.extui %lt3A : i1 to i32
      %cond3A = arith.constant 0 : i32
      %cond3A_100 = arith.cmpi ne, %convert_element_type3A, %cond3A : i32
      scf.if %cond3A_100 {
        %rem3A_105 = arith.constant 3 : i32
        %rem3A_106 = arith.remsi %add3A_99, %rem3A_105 : i32
        %ge3A = arith.constant 3 : i32
        %ge3A_107 = arith.cmpi sge, %add3A_99, %ge3A : i32
        %convert_element_type3A_108 = arith.extui %ge3A_107 : i1 to i32
        %cond3A_109 = arith.constant 0 : i32
        %cond3A_110 = arith.cmpi ne, %convert_element_type3A_108, %cond3A_109 : i32
        scf.if %cond3A_110 {
          %sub3A_125 = arith.constant 3 : i32
          %sub3A_126 = arith.subi %add3A_99, %sub3A_125 : i32
          %mul3A_127 = arith.constant 128 : i32
          %mul3A_128 = arith.muli %sub3A_126, %mul3A_127 : i32
          %add3A_129 = arith.addi %multiple_of3A_4, %mul3A_128 : i32
          %multiple_of3A_130 = tpu.assume_multiple %add3A_129, 128 : i32
          %dma_wait3A_131 = arith.constant 0 : i32
          %dma_wait3A_132 = arith.constant 0 : i32
          %dma_wait3A_133 = tpu.memref_slice %arg6[%rem3A_106, %dma_wait3A_131, %dma_wait3A_132] : memref<3x128x256xf32, #tpu.memory_space<vmem>> -> memref<1x128x256xf32, #tpu.memory_space<vmem>>
          %dma_wait3A_134 = tpu.memref_squeeze %dma_wait3A_133 : memref<1x128x256xf32, #tpu.memory_space<vmem>> -> memref<128x256xf32, #tpu.memory_space<vmem>>
          %dma_wait3A_135 = arith.constant 0 : i32
          %dma_wait3A_136 = tpu.memref_slice %arg4[%multiple_of3A_130, %dma_wait3A_135] : memref<81920x256xf32, #tpu.memory_space<hbm>> -> memref<128x256xf32, #tpu.memory_space<hbm>>
          %dma_wait3A_137 = tpu.memref_slice %arg8[%rem3A_106] : memref<3x!tpu.dma_semaphore, #tpu.memory_space<semaphore_mem>> -> memref<1x!tpu.dma_semaphore, #tpu.memory_space<semaphore_mem>>
          %dma_wait3A_138 = tpu.memref_squeeze %dma_wait3A_137 : memref<1x!tpu.dma_semaphore, #tpu.memory_space<semaphore_mem>> -> memref<!tpu.dma_semaphore, #tpu.memory_space<semaphore_mem>>
          %dma_wait3A_139 = arith.constant 0 : i32
          %dma_wait3A_140 = tpu.memref_slice %arg4[%multiple_of3A_130, %dma_wait3A_139] : memref<81920x256xf32, #tpu.memory_space<hbm>> -> memref<128x256xf32, #tpu.memory_space<hbm>>
          %dma_wait3A_141 = arith.constant 0 : i32
          %dma_wait3A_142 = arith.constant 0 : i32
          %dma_wait3A_143 = tpu.memref_slice %arg6[%rem3A_106, %dma_wait3A_141, %dma_wait3A_142] : memref<3x128x256xf32, #tpu.memory_space<vmem>> -> memref<1x128x256xf32, #tpu.memory_space<vmem>>
          %dma_wait3A_144 = tpu.memref_squeeze %dma_wait3A_143 : memref<1x128x256xf32, #tpu.memory_space<vmem>> -> memref<128x256xf32, #tpu.memory_space<vmem>>
          tpu.wait_dma2 semaphore(%dma_wait3A_138 : memref<!tpu.dma_semaphore, #tpu.memory_space<semaphore_mem>>) src(%dma_wait3A_144 : memref<128x256xf32, #tpu.memory_space<vmem>>) dst(%dma_wait3A_140 : memref<128x256xf32, #tpu.memory_space<hbm>>)
        } else {
        }
        %mul3A_111 = arith.constant 128 : i32
        %mul3A_112 = arith.muli %add3A_99, %mul3A_111 : i32
        %add3A_113 = arith.addi %multiple_of3A_3, %mul3A_112 : i32
        %multiple_of3A_114 = tpu.assume_multiple %add3A_113, 128 : i32
        %dma_start3A_115 = arith.constant 0 : i32
        %dma_start3A_116 = arith.constant 0 : i32
        %dma_start3A_117 = tpu.memref_slice %arg6[%rem3A_106, %dma_start3A_115, %dma_start3A_116] : memref<3x128x256xf32, #tpu.memory_space<vmem>> -> memref<1x128x256xf32, #tpu.memory_space<vmem>>
        %dma_start3A_118 = tpu.memref_squeeze %dma_start3A_117 : memref<1x128x256xf32, #tpu.memory_space<vmem>> -> memref<128x256xf32, #tpu.memory_space<vmem>>
        %dma_start3A_119 = tpu.memref_slice %arg5[%multiple_of3A_114] : memref<5120xi32, #tpu.memory_space<vmem>> -> memref<128xi32, #tpu.memory_space<vmem>>
        %dma_start3A_120 = arith.constant 0 : i32
        %dma_start3A_121 = arith.constant 0 : i32
        %dma_start3A_122 = tpu.memref_slice %arg2[%dma_start3A_120, %dma_start3A_121] : memref<10000x256xf32, #tpu.memory_space<hbm>> -> memref<10000x256xf32, #tpu.memory_space<hbm>>
        %dma_start3A_123 = tpu.memref_slice %arg7[%rem3A_106] : memref<3x!tpu.dma_semaphore, #tpu.memory_space<semaphore_mem>> -> memref<1x!tpu.dma_semaphore, #tpu.memory_space<semaphore_mem>>
        %dma_start3A_124 = tpu.memref_squeeze %dma_start3A_123 : memref<1x!tpu.dma_semaphore, #tpu.memory_space<semaphore_mem>> -> memref<!tpu.dma_semaphore, #tpu.memory_space<semaphore_mem>>
        tpu.enqueue_indirect_dma source(%dma_start3A_122 : memref<10000x256xf32, #tpu.memory_space<hbm>>) target(%dma_start3A_118 : memref<128x256xf32, #tpu.memory_space<vmem>>) offsets(%dma_start3A_119 : memref<128xi32, #tpu.memory_space<vmem>>) semaphore(%dma_start3A_124 : memref<!tpu.dma_semaphore, #tpu.memory_space<semaphore_mem>>)
      } else {
      }
      %lt3A_101 = arith.cmpi slt, %scan3A_95, %select_n3A : i32
      %convert_element_type3A_102 = arith.extui %lt3A_101 : i1 to i32
      %cond3A_103 = arith.constant 0 : i32
      %cond3A_104 = arith.cmpi ne, %convert_element_type3A_102, %cond3A_103 : i32
      scf.if %cond3A_104 {
        %mul3A_105 = arith.constant 128 : i32
        %mul3A_106 = arith.muli %scan3A_95, %mul3A_105 : i32
        %add3A_107 = arith.addi %multiple_of3A_3, %mul3A_106 : i32
        %multiple_of3A_108 = tpu.assume_multiple %add3A_107, 128 : i32
        %dma_wait3A_109 = arith.constant 0 : i32
        %dma_wait3A_110 = arith.constant 0 : i32
        %dma_wait3A_111 = tpu.memref_slice %arg6[%rem3A_97, %dma_wait3A_109, %dma_wait3A_110] : memref<3x128x256xf32, #tpu.memory_space<vmem>> -> memref<1x128x256xf32, #tpu.memory_space<vmem>>
        %dma_wait3A_112 = tpu.memref_squeeze %dma_wait3A_111 : memref<1x128x256xf32, #tpu.memory_space<vmem>> -> memref<128x256xf32, #tpu.memory_space<vmem>>
        %dma_wait3A_113 = tpu.memref_slice %arg5[%multiple_of3A_108] : memref<5120xi32, #tpu.memory_space<vmem>> -> memref<128xi32, #tpu.memory_space<vmem>>
        %dma_wait3A_114 = arith.constant 0 : i32
        %dma_wait3A_115 = arith.constant 0 : i32
        %dma_wait3A_116 = tpu.memref_slice %arg2[%dma_wait3A_114, %dma_wait3A_115] : memref<10000x256xf32, #tpu.memory_space<hbm>> -> memref<10000x256xf32, #tpu.memory_space<hbm>>
        %dma_wait3A_117 = tpu.memref_slice %arg7[%rem3A_97] : memref<3x!tpu.dma_semaphore, #tpu.memory_space<semaphore_mem>> -> memref<1x!tpu.dma_semaphore, #tpu.memory_space<semaphore_mem>>
        %dma_wait3A_118 = tpu.memref_squeeze %dma_wait3A_117 : memref<1x!tpu.dma_semaphore, #tpu.memory_space<semaphore_mem>> -> memref<!tpu.dma_semaphore, #tpu.memory_space<semaphore_mem>>
        tpu.wait_indirect_dma semaphore(%dma_wait3A_118 : memref<!tpu.dma_semaphore, #tpu.memory_space<semaphore_mem>>) src(%dma_wait3A_116 : memref<10000x256xf32, #tpu.memory_space<hbm>>) dst(%dma_wait3A_112 : memref<128x256xf32, #tpu.memory_space<vmem>>)
        %mul3A_119 = arith.constant 128 : i32
        %mul3A_120 = arith.muli %scan3A_95, %mul3A_119 : i32
        %add3A_121 = arith.addi %multiple_of3A_4, %mul3A_120 : i32
        %multiple_of3A_122 = tpu.assume_multiple %add3A_121, 128 : i32
        %dma_start3A_123 = arith.constant 0 : i32
        %dma_start3A_124 = arith.constant 0 : i32
        %dma_start3A_125 = tpu.memref_slice %arg6[%rem3A_97, %dma_start3A_123, %dma_start3A_124] : memref<3x128x256xf32, #tpu.memory_space<vmem>> -> memref<1x128x256xf32, #tpu.memory_space<vmem>>
        %dma_start3A_126 = tpu.memref_squeeze %dma_start3A_125 : memref<1x128x256xf32, #tpu.memory_space<vmem>> -> memref<128x256xf32, #tpu.memory_space<vmem>>
        %dma_start3A_127 = arith.constant 0 : i32
        %dma_start3A_128 = tpu.memref_slice %arg4[%multiple_of3A_122, %dma_start3A_127] : memref<81920x256xf32, #tpu.memory_space<hbm>> -> memref<128x256xf32, #tpu.memory_space<hbm>>
        %dma_start3A_129 = tpu.memref_slice %arg8[%rem3A_97] : memref<3x!tpu.dma_semaphore, #tpu.memory_space<semaphore_mem>> -> memref<1x!tpu.dma_semaphore, #tpu.memory_space<semaphore_mem>>
        %dma_start3A_130 = tpu.memref_squeeze %dma_start3A_129 : memref<1x!tpu.dma_semaphore, #tpu.memory_space<semaphore_mem>> -> memref<!tpu.dma_semaphore, #tpu.memory_space<semaphore_mem>>
        %dma_start3A_131 = arith.constant 0 : i32
        %dma_start3A_132 = tpu.memref_slice %arg4[%multiple_of3A_122, %dma_start3A_131] : memref<81920x256xf32, #tpu.memory_space<hbm>> -> memref<128x256xf32, #tpu.memory_space<hbm>>
        %dma_start3A_133 = arith.constant 0 : i32
        %dma_start3A_134 = arith.constant 0 : i32
        %dma_start3A_135 = tpu.memref_slice %arg6[%rem3A_97, %dma_start3A_133, %dma_start3A_134] : memref<3x128x256xf32, #tpu.memory_space<vmem>> -> memref<1x128x256xf32, #tpu.memory_space<vmem>>
        %dma_start3A_136 = tpu.memref_squeeze %dma_start3A_135 : memref<1x128x256xf32, #tpu.memory_space<vmem>> -> memref<128x256xf32, #tpu.memory_space<vmem>>
        tpu.enqueue_dma source(%dma_start3A_136 : memref<128x256xf32, #tpu.memory_space<vmem>>) target(%dma_start3A_132 : memref<128x256xf32, #tpu.memory_space<hbm>>) target_semaphore(%dma_start3A_130 : memref<!tpu.dma_semaphore, #tpu.memory_space<semaphore_mem>>)
      } else {
      }
    }
    %scan3A_25 = arith.constant 28 : i32
    %sub3A = arith.constant 3 : i32
    %sub3A_26 = arith.subi %select_n3A, %sub3A : i32
    %add3A_27 = arith.constant 0 : i32
    %add3A_28 = arith.addi %sub3A_26, %add3A_27 : i32
    %rem3A = arith.constant 3 : i32
    %rem3A_29 = arith.remsi %add3A_28, %rem3A : i32
    %mul3A_30 = arith.constant 128 : i32
    %mul3A_31 = arith.muli %add3A_28, %mul3A_30 : i32
    %add3A_32 = arith.addi %multiple_of3A_4, %mul3A_31 : i32
    %multiple_of3A_33 = tpu.assume_multiple %add3A_32, 128 : i32
    %dma_wait3A = arith.constant 0 : i32
    %dma_wait3A_34 = arith.constant 0 : i32
    %dma_wait3A_35 = tpu.memref_slice %arg6[%rem3A_29, %dma_wait3A, %dma_wait3A_34] : memref<3x128x256xf32, #tpu.memory_space<vmem>> -> memref<1x128x256xf32, #tpu.memory_space<vmem>>
    %dma_wait3A_36 = tpu.memref_squeeze %dma_wait3A_35 : memref<1x128x256xf32, #tpu.memory_space<vmem>> -> memref<128x256xf32, #tpu.memory_space<vmem>>
    %dma_wait3A_37 = arith.constant 0 : i32
    %dma_wait3A_38 = tpu.memref_slice %arg4[%multiple_of3A_33, %dma_wait3A_37] : memref<81920x256xf32, #tpu.memory_space<hbm>> -> memref<128x256xf32, #tpu.memory_space<hbm>>
    %dma_wait3A_39 = tpu.memref_slice %arg8[%rem3A_29] : memref<3x!tpu.dma_semaphore, #tpu.memory_space<semaphore_mem>> -> memref<1x!tpu.dma_semaphore, #tpu.memory_space<semaphore_mem>>
    %dma_wait3A_40 = tpu.memref_squeeze %dma_wait3A_39 : memref<1x!tpu.dma_semaphore, #tpu.memory_space<semaphore_mem>> -> memref<!tpu.dma_semaphore, #tpu.memory_space<semaphore_mem>>
    %dma_wait3A_41 = arith.constant 0 : i32
    %dma_wait3A_42 = tpu.memref_slice %arg4[%multiple_of3A_33, %dma_wait3A_41] : memref<81920x256xf32, #tpu.memory_space<hbm>> -> memref<128x256xf32, #tpu.memory_space<hbm>>
    %dma_wait3A_43 = arith.constant 0 : i32
    %dma_wait3A_44 = arith.constant 0 : i32
    %dma_wait3A_45 = tpu.memref_slice %arg6[%rem3A_29, %dma_wait3A_43, %dma_wait3A_44] : memref<3x128x256xf32, #tpu.memory_space<vmem>> -> memref<1x128x256xf32, #tpu.memory_space<vmem>>
    %dma_wait3A_46 = tpu.memref_squeeze %dma_wait3A_45 : memref<1x128x256xf32, #tpu.memory_space<vmem>> -> memref<128x256xf32, #tpu.memory_space<vmem>>
    tpu.wait_dma2 semaphore(%dma_wait3A_40 : memref<!tpu.dma_semaphore, #tpu.memory_space<semaphore_mem>>) src(%dma_wait3A_46 : memref<128x256xf32, #tpu.memory_space<vmem>>) dst(%dma_wait3A_42 : memref<128x256xf32, #tpu.memory_space<hbm>>)
    %sub3A_47 = arith.constant 3 : i32
    %sub3A_48 = arith.subi %select_n3A, %sub3A_47 : i32
    %add3A_49 = arith.constant 1 : i32
    %add3A_50 = arith.addi %sub3A_48, %add3A_49 : i32
    %rem3A_51 = arith.constant 3 : i32
    %rem3A_52 = arith.remsi %add3A_50, %rem3A_51 : i32
    %mul3A_53 = arith.constant 128 : i32
    %mul3A_54 = arith.muli %add3A_50, %mul3A_53 : i32
    %add3A_55 = arith.addi %multiple_of3A_4, %mul3A_54 : i32
    %multiple_of3A_56 = tpu.assume_multiple %add3A_55, 128 : i32
    %dma_wait3A_57 = arith.constant 0 : i32
    %dma_wait3A_58 = arith.constant 0 : i32
    %dma_wait3A_59 = tpu.memref_slice %arg6[%rem3A_52, %dma_wait3A_57, %dma_wait3A_58] : memref<3x128x256xf32, #tpu.memory_space<vmem>> -> memref<1x128x256xf32, #tpu.memory_space<vmem>>
    %dma_wait3A_60 = tpu.memref_squeeze %dma_wait3A_59 : memref<1x128x256xf32, #tpu.memory_space<vmem>> -> memref<128x256xf32, #tpu.memory_space<vmem>>
    %dma_wait3A_61 = arith.constant 0 : i32
    %dma_wait3A_62 = tpu.memref_slice %arg4[%multiple_of3A_56, %dma_wait3A_61] : memref<81920x256xf32, #tpu.memory_space<hbm>> -> memref<128x256xf32, #tpu.memory_space<hbm>>
    %dma_wait3A_63 = tpu.memref_slice %arg8[%rem3A_52] : memref<3x!tpu.dma_semaphore, #tpu.memory_space<semaphore_mem>> -> memref<1x!tpu.dma_semaphore, #tpu.memory_space<semaphore_mem>>
    %dma_wait3A_64 = tpu.memref_squeeze %dma_wait3A_63 : memref<1x!tpu.dma_semaphore, #tpu.memory_space<semaphore_mem>> -> memref<!tpu.dma_semaphore, #tpu.memory_space<semaphore_mem>>
    %dma_wait3A_65 = arith.constant 0 : i32
    %dma_wait3A_66 = tpu.memref_slice %arg4[%multiple_of3A_56, %dma_wait3A_65] : memref<81920x256xf32, #tpu.memory_space<hbm>> -> memref<128x256xf32, #tpu.memory_space<hbm>>
    %dma_wait3A_67 = arith.constant 0 : i32
    %dma_wait3A_68 = arith.constant 0 : i32
    %dma_wait3A_69 = tpu.memref_slice %arg6[%rem3A_52, %dma_wait3A_67, %dma_wait3A_68] : memref<3x128x256xf32, #tpu.memory_space<vmem>> -> memref<1x128x256xf32, #tpu.memory_space<vmem>>
    %dma_wait3A_70 = tpu.memref_squeeze %dma_wait3A_69 : memref<1x128x256xf32, #tpu.memory_space<vmem>> -> memref<128x256xf32, #tpu.memory_space<vmem>>
    tpu.wait_dma2 semaphore(%dma_wait3A_64 : memref<!tpu.dma_semaphore, #tpu.memory_space<semaphore_mem>>) src(%dma_wait3A_70 : memref<128x256xf32, #tpu.memory_space<vmem>>) dst(%dma_wait3A_66 : memref<128x256xf32, #tpu.memory_space<hbm>>)
    %sub3A_71 = arith.constant 3 : i32
    %sub3A_72 = arith.subi %select_n3A, %sub3A_71 : i32
    %add3A_73 = arith.constant 2 : i32
    %add3A_74 = arith.addi %sub3A_72, %add3A_73 : i32
    %rem3A_75 = arith.constant 3 : i32
    %rem3A_76 = arith.remsi %add3A_74, %rem3A_75 : i32
    %mul3A_77 = arith.constant 128 : i32
    %mul3A_78 = arith.muli %add3A_74, %mul3A_77 : i32
    %add3A_79 = arith.addi %multiple_of3A_4, %mul3A_78 : i32
    %multiple_of3A_80 = tpu.assume_multiple %add3A_79, 128 : i32
    %dma_wait3A_81 = arith.constant 0 : i32
    %dma_wait3A_82 = arith.constant 0 : i32
    %dma_wait3A_83 = tpu.memref_slice %arg6[%rem3A_76, %dma_wait3A_81, %dma_wait3A_82] : memref<3x128x256xf32, #tpu.memory_space<vmem>> -> memref<1x128x256xf32, #tpu.memory_space<vmem>>
    %dma_wait3A_84 = tpu.memref_squeeze %dma_wait3A_83 : memref<1x128x256xf32, #tpu.memory_space<vmem>> -> memref<128x256xf32, #tpu.memory_space<vmem>>
    %dma_wait3A_85 = arith.constant 0 : i32
    %dma_wait3A_86 = tpu.memref_slice %arg4[%multiple_of3A_80, %dma_wait3A_85] : memref<81920x256xf32, #tpu.memory_space<hbm>> -> memref<128x256xf32, #tpu.memory_space<hbm>>
    %dma_wait3A_87 = tpu.memref_slice %arg8[%rem3A_76] : memref<3x!tpu.dma_semaphore, #tpu.memory_space<semaphore_mem>> -> memref<1x!tpu.dma_semaphore, #tpu.memory_space<semaphore_mem>>
    %dma_wait3A_88 = tpu.memref_squeeze %dma_wait3A_87 : memref<1x!tpu.dma_semaphore, #tpu.memory_space<semaphore_mem>> -> memref<!tpu.dma_semaphore, #tpu.memory_space<semaphore_mem>>
    %dma_wait3A_89 = arith.constant 0 : i32
    %dma_wait3A_90 = tpu.memref_slice %arg4[%multiple_of3A_80, %dma_wait3A_89] : memref<81920x256xf32, #tpu.memory_space<hbm>> -> memref<128x256xf32, #tpu.memory_space<hbm>>
    %dma_wait3A_91 = arith.constant 0 : i32
    %dma_wait3A_92 = arith.constant 0 : i32
    %dma_wait3A_93 = tpu.memref_slice %arg6[%rem3A_76, %dma_wait3A_91, %dma_wait3A_92] : memref<3x128x256xf32, #tpu.memory_space<vmem>> -> memref<1x128x256xf32, #tpu.memory_space<vmem>>
    %dma_wait3A_94 = tpu.memref_squeeze %dma_wait3A_93 : memref<1x128x256xf32, #tpu.memory_space<vmem>> -> memref<128x256xf32, #tpu.memory_space<vmem>>
    tpu.wait_dma2 semaphore(%dma_wait3A_88 : memref<!tpu.dma_semaphore, #tpu.memory_space<semaphore_mem>>) src(%dma_wait3A_94 : memref<128x256xf32, #tpu.memory_space<vmem>>) dst(%dma_wait3A_90 : memref<128x256xf32, #tpu.memory_space<hbm>>)
    return
  }
}

#map = affine_map<(d0, d1) -> (0, 0)>
#map1 = affine_map<(d0, d1) -> (0, 0, 0, 0)>
module attributes {stable_mosaic.version = 14 : i64} {
  func.func @_sc_scatter(%arg0: i32, %arg1: i32, %arg2: memref<81920x128xf32, #tpu.memory_space<hbm>>, %arg3: memref<81920x128xf32, #tpu.memory_space<hbm>>, %arg4: memref<2x16x40x128xi32, #tpu.memory_space<hbm>>, %arg5: memref<2x10240x2x128xf32, #tpu.memory_space<hbm>>, %arg6: memref<10240x128xf32, #tpu.memory_space<vmem_shared>>, %arg7: memref<40x128xi32, #tpu.memory_space<vmem>>, %arg8: memref<2x128x128xf32, #tpu.memory_space<vmem>>, %arg9: memref<2x!tpu.dma_semaphore, #tpu.memory_space<semaphore_mem>>, %arg10: memref<2x!tpu.dma_semaphore, #tpu.memory_space<semaphore_mem>>) attributes {dimension_semantics = [#tpu.dimension_semantics<core_parallel>, #tpu.dimension_semantics<subcore_parallel>], iteration_bounds = array<i64: 2, 16>, scalar_prefetch = 0 : i64, scratch_operands = 5 : i64, tpu.core_type = #tpu.core_type<sc_vector_subcore>, window_params = [{transform_indices = #map}, {transform_indices = #map}, {transform_indices = #map1}, {transform_indices = #map1}]} {
    %mul3A = arith.constant 640 : i32
    %mul3A_0 = arith.muli %arg1, %mul3A : i32
    %multiple_of3A = tpu.assume_multiple %mul3A_0, 128 : i32
    %mul3A_1 = arith.constant 5120 : i32
    %mul3A_2 = arith.muli %arg1, %mul3A_1 : i32
    %multiple_of3A_3 = tpu.assume_multiple %mul3A_2, 128 : i32
    %broadcast_in_dim3A = arith.constant 0.000000e+00 : f32
    %broadcast_in_dim3A_4 = vector.broadcast %broadcast_in_dim3A : f32 to vector<16xf32>
    "tpu.region"() ({
      %run_scoped3A_217 = tpu.sem_alloc : memref<!tpu.dma_semaphore, #tpu.memory_space<semaphore_mem>>
      %dma_start3A_218 = arith.constant 0 : i32
      %dma_start3A_219 = arith.constant 0 : i32
      %dma_start3A_220 = tpu.memref_slice %arg4[%arg0, %arg1, %dma_start3A_218, %dma_start3A_219] : memref<2x16x40x128xi32, #tpu.memory_space<hbm>> -> memref<1x1x40x128xi32, #tpu.memory_space<hbm>>
      %dma_start3A_221 = tpu.memref_squeeze %dma_start3A_220 : memref<1x1x40x128xi32, #tpu.memory_space<hbm>> -> memref<40x128xi32, #tpu.memory_space<hbm>>
      %dma_start3A_222 = arith.constant 0 : i32
      %dma_start3A_223 = arith.constant 0 : i32
      %dma_start3A_224 = tpu.memref_slice %arg4[%arg0, %arg1, %dma_start3A_222, %dma_start3A_223] : memref<2x16x40x128xi32, #tpu.memory_space<hbm>> -> memref<1x1x40x128xi32, #tpu.memory_space<hbm>>
      %dma_start3A_225 = tpu.memref_squeeze %dma_start3A_224 : memref<1x1x40x128xi32, #tpu.memory_space<hbm>> -> memref<40x128xi32, #tpu.memory_space<hbm>>
      tpu.enqueue_dma source(%dma_start3A_225 : memref<40x128xi32, #tpu.memory_space<hbm>>) target(%arg7 : memref<40x128xi32, #tpu.memory_space<vmem>>) target_semaphore(%run_scoped3A_217 : memref<!tpu.dma_semaphore, #tpu.memory_space<semaphore_mem>>)
      %dma_wait3A_226 = arith.constant 0 : i32
      %dma_wait3A_227 = arith.constant 0 : i32
      %dma_wait3A_228 = tpu.memref_slice %arg4[%arg0, %arg1, %dma_wait3A_226, %dma_wait3A_227] : memref<2x16x40x128xi32, #tpu.memory_space<hbm>> -> memref<1x1x40x128xi32, #tpu.memory_space<hbm>>
      %dma_wait3A_229 = tpu.memref_squeeze %dma_wait3A_228 : memref<1x1x40x128xi32, #tpu.memory_space<hbm>> -> memref<40x128xi32, #tpu.memory_space<hbm>>
      %dma_wait3A_230 = arith.constant 0 : i32
      %dma_wait3A_231 = arith.constant 0 : i32
      %dma_wait3A_232 = tpu.memref_slice %arg4[%arg0, %arg1, %dma_wait3A_230, %dma_wait3A_231] : memref<2x16x40x128xi32, #tpu.memory_space<hbm>> -> memref<1x1x40x128xi32, #tpu.memory_space<hbm>>
      %dma_wait3A_233 = tpu.memref_squeeze %dma_wait3A_232 : memref<1x1x40x128xi32, #tpu.memory_space<hbm>> -> memref<40x128xi32, #tpu.memory_space<hbm>>
      tpu.wait_dma2 semaphore(%run_scoped3A_217 : memref<!tpu.dma_semaphore, #tpu.memory_space<semaphore_mem>>) src(%dma_wait3A_233 : memref<40x128xi32, #tpu.memory_space<hbm>>) dst(%arg7 : memref<40x128xi32, #tpu.memory_space<vmem>>)
      tpu.yield
    }) : () -> ()
    %scan3A = arith.constant 0 : i32
    %scan3A_5 = arith.constant 0 : i32
    %scan3A_6 = arith.constant 128 : i32
    %scan3A_7 = arith.addi %scan3A_5, %scan3A_6 : i32
    %scan3A_8 = arith.constant 1 : i32
    scf.for %scan3A_217 = %scan3A_5 to %scan3A_7 step %scan3A_8  : i32 {
      %swap3A = arith.constant 0 : i32
      %swap3A_218 = arith.index_cast %swap3A : i32 to index
      %swap3A_219 = arith.index_cast %scan3A_217 : i32 to index
      %swap3A_220 = arith.constant 0 : index
      %swap3A_221 = tpu.vector_load %arg8[%swap3A_218, %swap3A_219, %swap3A_220] {strides = array<i32>} : memref<2x128x128xf32, #tpu.memory_space<vmem>>, vector<1x1x16xf32>,
      %swap3A_222 = vector.shape_cast %swap3A_221 : vector<1x1x16xf32> to vector<16xf32>
      %swap3A_223 = vector.shape_cast %broadcast_in_dim3A_4 : vector<16xf32> to vector<1x1x16xf32>
      tpu.vector_store %arg8[%swap3A_218, %swap3A_219, %swap3A_220], %swap3A_223 {strides = array<i32>} : memref<2x128x128xf32, #tpu.memory_space<vmem>>, vector<1x1x16xf32>,
      %swap3A_224 = arith.constant 0 : i32
      %swap3A_225 = arith.index_cast %swap3A_224 : i32 to index
      %swap3A_226 = arith.index_cast %scan3A_217 : i32 to index
      %swap3A_227 = arith.constant 16 : index
      %swap3A_228 = tpu.vector_load %arg8[%swap3A_225, %swap3A_226, %swap3A_227] {strides = array<i32>} : memref<2x128x128xf32, #tpu.memory_space<vmem>>, vector<1x1x16xf32>,
      %swap3A_229 = vector.shape_cast %swap3A_228 : vector<1x1x16xf32> to vector<16xf32>
      %swap3A_230 = vector.shape_cast %broadcast_in_dim3A_4 : vector<16xf32> to vector<1x1x16xf32>
      tpu.vector_store %arg8[%swap3A_225, %swap3A_226, %swap3A_227], %swap3A_230 {strides = array<i32>} : memref<2x128x128xf32, #tpu.memory_space<vmem>>, vector<1x1x16xf32>,
      %swap3A_231 = arith.constant 0 : i32
      %swap3A_232 = arith.index_cast %swap3A_231 : i32 to index
      %swap3A_233 = arith.index_cast %scan3A_217 : i32 to index
      %swap3A_234 = arith.constant 32 : index
      %swap3A_235 = tpu.vector_load %arg8[%swap3A_232, %swap3A_233, %swap3A_234] {strides = array<i32>} : memref<2x128x128xf32, #tpu.memory_space<vmem>>, vector<1x1x16xf32>,
      %swap3A_236 = vector.shape_cast %swap3A_235 : vector<1x1x16xf32> to vector<16xf32>
      %swap3A_237 = vector.shape_cast %broadcast_in_dim3A_4 : vector<16xf32> to vector<1x1x16xf32>
      tpu.vector_store %arg8[%swap3A_232, %swap3A_233, %swap3A_234], %swap3A_237 {strides = array<i32>} : memref<2x128x128xf32, #tpu.memory_space<vmem>>, vector<1x1x16xf32>,
      %swap3A_238 = arith.constant 0 : i32
      %swap3A_239 = arith.index_cast %swap3A_238 : i32 to index
      %swap3A_240 = arith.index_cast %scan3A_217 : i32 to index
      %swap3A_241 = arith.constant 48 : index
      %swap3A_242 = tpu.vector_load %arg8[%swap3A_239, %swap3A_240, %swap3A_241] {strides = array<i32>} : memref<2x128x128xf32, #tpu.memory_space<vmem>>, vector<1x1x16xf32>,
      %swap3A_243 = vector.shape_cast %swap3A_242 : vector<1x1x16xf32> to vector<16xf32>
      %swap3A_244 = vector.shape_cast %broadcast_in_dim3A_4 : vector<16xf32> to vector<1x1x16xf32>
      tpu.vector_store %arg8[%swap3A_239, %swap3A_240, %swap3A_241], %swap3A_244 {strides = array<i32>} : memref<2x128x128xf32, #tpu.memory_space<vmem>>, vector<1x1x16xf32>,
      %swap3A_245 = arith.constant 0 : i32
      %swap3A_246 = arith.index_cast %swap3A_245 : i32 to index
      %swap3A_247 = arith.index_cast %scan3A_217 : i32 to index
      %swap3A_248 = arith.constant 64 : index
      %swap3A_249 = tpu.vector_load %arg8[%swap3A_246, %swap3A_247, %swap3A_248] {strides = array<i32>} : memref<2x128x128xf32, #tpu.memory_space<vmem>>, vector<1x1x16xf32>,
      %swap3A_250 = vector.shape_cast %swap3A_249 : vector<1x1x16xf32> to vector<16xf32>
      %swap3A_251 = vector.shape_cast %broadcast_in_dim3A_4 : vector<16xf32> to vector<1x1x16xf32>
      tpu.vector_store %arg8[%swap3A_246, %swap3A_247, %swap3A_248], %swap3A_251 {strides = array<i32>} : memref<2x128x128xf32, #tpu.memory_space<vmem>>, vector<1x1x16xf32>,
      %swap3A_252 = arith.constant 0 : i32
      %swap3A_253 = arith.index_cast %swap3A_252 : i32 to index
      %swap3A_254 = arith.index_cast %scan3A_217 : i32 to index
      %swap3A_255 = arith.constant 80 : index
      %swap3A_256 = tpu.vector_load %arg8[%swap3A_253, %swap3A_254, %swap3A_255] {strides = array<i32>} : memref<2x128x128xf32, #tpu.memory_space<vmem>>, vector<1x1x16xf32>,
      %swap3A_257 = vector.shape_cast %swap3A_256 : vector<1x1x16xf32> to vector<16xf32>
      %swap3A_258 = vector.shape_cast %broadcast_in_dim3A_4 : vector<16xf32> to vector<1x1x16xf32>
      tpu.vector_store %arg8[%swap3A_253, %swap3A_254, %swap3A_255], %swap3A_258 {strides = array<i32>} : memref<2x128x128xf32, #tpu.memory_space<vmem>>, vector<1x1x16xf32>,
      %swap3A_259 = arith.constant 0 : i32
      %swap3A_260 = arith.index_cast %swap3A_259 : i32 to index
      %swap3A_261 = arith.index_cast %scan3A_217 : i32 to index
      %swap3A_262 = arith.constant 96 : index
      %swap3A_263 = tpu.vector_load %arg8[%swap3A_260, %swap3A_261, %swap3A_262] {strides = array<i32>} : memref<2x128x128xf32, #tpu.memory_space<vmem>>, vector<1x1x16xf32>,
      %swap3A_264 = vector.shape_cast %swap3A_263 : vector<1x1x16xf32> to vector<16xf32>
      %swap3A_265 = vector.shape_cast %broadcast_in_dim3A_4 : vector<16xf32> to vector<1x1x16xf32>
      tpu.vector_store %arg8[%swap3A_260, %swap3A_261, %swap3A_262], %swap3A_265 {strides = array<i32>} : memref<2x128x128xf32, #tpu.memory_space<vmem>>, vector<1x1x16xf32>,
      %swap3A_266 = arith.constant 0 : i32
      %swap3A_267 = arith.index_cast %swap3A_266 : i32 to index
      %swap3A_268 = arith.index_cast %scan3A_217 : i32 to index
      %swap3A_269 = arith.constant 112 : index
      %swap3A_270 = tpu.vector_load %arg8[%swap3A_267, %swap3A_268, %swap3A_269] {strides = array<i32>} : memref<2x128x128xf32, #tpu.memory_space<vmem>>, vector<1x1x16xf32>,
      %swap3A_271 = vector.shape_cast %swap3A_270 : vector<1x1x16xf32> to vector<16xf32>
      %swap3A_272 = vector.shape_cast %broadcast_in_dim3A_4 : vector<16xf32> to vector<1x1x16xf32>
      tpu.vector_store %arg8[%swap3A_267, %swap3A_268, %swap3A_269], %swap3A_272 {strides = array<i32>} : memref<2x128x128xf32, #tpu.memory_space<vmem>>, vector<1x1x16xf32>,
    }
    %scan3A_9 = arith.constant 128 : i32
    %add3A = arith.constant 0 : i32
    %add3A_10 = arith.addi %multiple_of3A, %add3A : i32
    %run_scoped3A = arith.constant 0 : i32
    "tpu.region"() ({
      %run_scoped3A_217 = tpu.sem_alloc : memref<!tpu.dma_semaphore, #tpu.memory_space<semaphore_mem>>
      %dma_start3A_218 = arith.constant 0 : i32
      %dma_start3A_219 = arith.constant 0 : i32
      %dma_start3A_220 = tpu.memref_slice %arg8[%run_scoped3A, %dma_start3A_218, %dma_start3A_219] : memref<2x128x128xf32, #tpu.memory_space<vmem>> -> memref<1x128x128xf32, #tpu.memory_space<vmem>>
      %dma_start3A_221 = tpu.memref_squeeze %dma_start3A_220 : memref<1x128x128xf32, #tpu.memory_space<vmem>> -> memref<128x128xf32, #tpu.memory_space<vmem>>
      %dma_start3A_222 = arith.constant 0 : i32
      %dma_start3A_223 = tpu.memref_slice %arg6[%add3A_10, %dma_start3A_222] : memref<10240x128xf32, #tpu.memory_space<vmem_shared>> -> memref<128x128xf32, #tpu.memory_space<vmem_shared>>
      %dma_start3A_224 = arith.constant 0 : i32
      %dma_start3A_225 = tpu.memref_slice %arg6[%add3A_10, %dma_start3A_224] : memref<10240x128xf32, #tpu.memory_space<vmem_shared>> -> memref<128x128xf32, #tpu.memory_space<vmem_shared>>
      %dma_start3A_226 = arith.constant 0 : i32
      %dma_start3A_227 = arith.constant 0 : i32
      %dma_start3A_228 = tpu.memref_slice %arg8[%run_scoped3A, %dma_start3A_226, %dma_start3A_227] : memref<2x128x128xf32, #tpu.memory_space<vmem>> -> memref<1x128x128xf32, #tpu.memory_space<vmem>>
      %dma_start3A_229 = tpu.memref_squeeze %dma_start3A_228 : memref<1x128x128xf32, #tpu.memory_space<vmem>> -> memref<128x128xf32, #tpu.memory_space<vmem>>
      tpu.enqueue_dma source(%dma_start3A_229 : memref<128x128xf32, #tpu.memory_space<vmem>>) target(%dma_start3A_225 : memref<128x128xf32, #tpu.memory_space<vmem_shared>>) target_semaphore(%run_scoped3A_217 : memref<!tpu.dma_semaphore, #tpu.memory_space<semaphore_mem>>)
      %dma_wait3A_230 = arith.constant 0 : i32
      %dma_wait3A_231 = arith.constant 0 : i32
      %dma_wait3A_232 = tpu.memref_slice %arg8[%run_scoped3A, %dma_wait3A_230, %dma_wait3A_231] : memref<2x128x128xf32, #tpu.memory_space<vmem>> -> memref<1x128x128xf32, #tpu.memory_space<vmem>>
      %dma_wait3A_233 = tpu.memref_squeeze %dma_wait3A_232 : memref<1x128x128xf32, #tpu.memory_space<vmem>> -> memref<128x128xf32, #tpu.memory_space<vmem>>
      %dma_wait3A_234 = arith.constant 0 : i32
      %dma_wait3A_235 = tpu.memref_slice %arg6[%add3A_10, %dma_wait3A_234] : memref<10240x128xf32, #tpu.memory_space<vmem_shared>> -> memref<128x128xf32, #tpu.memory_space<vmem_shared>>
      %dma_wait3A_236 = arith.constant 0 : i32
      %dma_wait3A_237 = tpu.memref_slice %arg6[%add3A_10, %dma_wait3A_236] : memref<10240x128xf32, #tpu.memory_space<vmem_shared>> -> memref<128x128xf32, #tpu.memory_space<vmem_shared>>
      %dma_wait3A_238 = arith.constant 0 : i32
      %dma_wait3A_239 = arith.constant 0 : i32
      %dma_wait3A_240 = tpu.memref_slice %arg8[%run_scoped3A, %dma_wait3A_238, %dma_wait3A_239] : memref<2x128x128xf32, #tpu.memory_space<vmem>> -> memref<1x128x128xf32, #tpu.memory_space<vmem>>
      %dma_wait3A_241 = tpu.memref_squeeze %dma_wait3A_240 : memref<1x128x128xf32, #tpu.memory_space<vmem>> -> memref<128x128xf32, #tpu.memory_space<vmem>>
      tpu.wait_dma2 semaphore(%run_scoped3A_217 : memref<!tpu.dma_semaphore, #tpu.memory_space<semaphore_mem>>) src(%dma_wait3A_241 : memref<128x128xf32, #tpu.memory_space<vmem>>) dst(%dma_wait3A_237 : memref<128x128xf32, #tpu.memory_space<vmem_shared>>)
      tpu.yield
    }) : () -> ()
    %add3A_11 = arith.constant 128 : i32
    %add3A_12 = arith.addi %multiple_of3A, %add3A_11 : i32
    %run_scoped3A_13 = arith.constant 0 : i32
    "tpu.region"() ({
      %run_scoped3A_217 = tpu.sem_alloc : memref<!tpu.dma_semaphore, #tpu.memory_space<semaphore_mem>>
      %dma_start3A_218 = arith.constant 0 : i32
      %dma_start3A_219 = arith.constant 0 : i32
      %dma_start3A_220 = tpu.memref_slice %arg8[%run_scoped3A_13, %dma_start3A_218, %dma_start3A_219] : memref<2x128x128xf32, #tpu.memory_space<vmem>> -> memref<1x128x128xf32, #tpu.memory_space<vmem>>
      %dma_start3A_221 = tpu.memref_squeeze %dma_start3A_220 : memref<1x128x128xf32, #tpu.memory_space<vmem>> -> memref<128x128xf32, #tpu.memory_space<vmem>>
      %dma_start3A_222 = arith.constant 0 : i32
      %dma_start3A_223 = tpu.memref_slice %arg6[%add3A_12, %dma_start3A_222] : memref<10240x128xf32, #tpu.memory_space<vmem_shared>> -> memref<128x128xf32, #tpu.memory_space<vmem_shared>>
      %dma_start3A_224 = arith.constant 0 : i32
      %dma_start3A_225 = tpu.memref_slice %arg6[%add3A_12, %dma_start3A_224] : memref<10240x128xf32, #tpu.memory_space<vmem_shared>> -> memref<128x128xf32, #tpu.memory_space<vmem_shared>>
      %dma_start3A_226 = arith.constant 0 : i32
      %dma_start3A_227 = arith.constant 0 : i32
      %dma_start3A_228 = tpu.memref_slice %arg8[%run_scoped3A_13, %dma_start3A_226, %dma_start3A_227] : memref<2x128x128xf32, #tpu.memory_space<vmem>> -> memref<1x128x128xf32, #tpu.memory_space<vmem>>
      %dma_start3A_229 = tpu.memref_squeeze %dma_start3A_228 : memref<1x128x128xf32, #tpu.memory_space<vmem>> -> memref<128x128xf32, #tpu.memory_space<vmem>>
      tpu.enqueue_dma source(%dma_start3A_229 : memref<128x128xf32, #tpu.memory_space<vmem>>) target(%dma_start3A_225 : memref<128x128xf32, #tpu.memory_space<vmem_shared>>) target_semaphore(%run_scoped3A_217 : memref<!tpu.dma_semaphore, #tpu.memory_space<semaphore_mem>>)
      %dma_wait3A_230 = arith.constant 0 : i32
      %dma_wait3A_231 = arith.constant 0 : i32
      %dma_wait3A_232 = tpu.memref_slice %arg8[%run_scoped3A_13, %dma_wait3A_230, %dma_wait3A_231] : memref<2x128x128xf32, #tpu.memory_space<vmem>> -> memref<1x128x128xf32, #tpu.memory_space<vmem>>
      %dma_wait3A_233 = tpu.memref_squeeze %dma_wait3A_232 : memref<1x128x128xf32, #tpu.memory_space<vmem>> -> memref<128x128xf32, #tpu.memory_space<vmem>>
      %dma_wait3A_234 = arith.constant 0 : i32
      %dma_wait3A_235 = tpu.memref_slice %arg6[%add3A_12, %dma_wait3A_234] : memref<10240x128xf32, #tpu.memory_space<vmem_shared>> -> memref<128x128xf32, #tpu.memory_space<vmem_shared>>
      %dma_wait3A_236 = arith.constant 0 : i32
      %dma_wait3A_237 = tpu.memref_slice %arg6[%add3A_12, %dma_wait3A_236] : memref<10240x128xf32, #tpu.memory_space<vmem_shared>> -> memref<128x128xf32, #tpu.memory_space<vmem_shared>>
      %dma_wait3A_238 = arith.constant 0 : i32
      %dma_wait3A_239 = arith.constant 0 : i32
      %dma_wait3A_240 = tpu.memref_slice %arg8[%run_scoped3A_13, %dma_wait3A_238, %dma_wait3A_239] : memref<2x128x128xf32, #tpu.memory_space<vmem>> -> memref<1x128x128xf32, #tpu.memory_space<vmem>>
      %dma_wait3A_241 = tpu.memref_squeeze %dma_wait3A_240 : memref<1x128x128xf32, #tpu.memory_space<vmem>> -> memref<128x128xf32, #tpu.memory_space<vmem>>
      tpu.wait_dma2 semaphore(%run_scoped3A_217 : memref<!tpu.dma_semaphore, #tpu.memory_space<semaphore_mem>>) src(%dma_wait3A_241 : memref<128x128xf32, #tpu.memory_space<vmem>>) dst(%dma_wait3A_237 : memref<128x128xf32, #tpu.memory_space<vmem_shared>>)
      tpu.yield
    }) : () -> ()
    %add3A_14 = arith.constant 256 : i32
    %add3A_15 = arith.addi %multiple_of3A, %add3A_14 : i32
    %run_scoped3A_16 = arith.constant 0 : i32
    "tpu.region"() ({
      %run_scoped3A_217 = tpu.sem_alloc : memref<!tpu.dma_semaphore, #tpu.memory_space<semaphore_mem>>
      %dma_start3A_218 = arith.constant 0 : i32
      %dma_start3A_219 = arith.constant 0 : i32
      %dma_start3A_220 = tpu.memref_slice %arg8[%run_scoped3A_16, %dma_start3A_218, %dma_start3A_219] : memref<2x128x128xf32, #tpu.memory_space<vmem>> -> memref<1x128x128xf32, #tpu.memory_space<vmem>>
      %dma_start3A_221 = tpu.memref_squeeze %dma_start3A_220 : memref<1x128x128xf32, #tpu.memory_space<vmem>> -> memref<128x128xf32, #tpu.memory_space<vmem>>
      %dma_start3A_222 = arith.constant 0 : i32
      %dma_start3A_223 = tpu.memref_slice %arg6[%add3A_15, %dma_start3A_222] : memref<10240x128xf32, #tpu.memory_space<vmem_shared>> -> memref<128x128xf32, #tpu.memory_space<vmem_shared>>
      %dma_start3A_224 = arith.constant 0 : i32
      %dma_start3A_225 = tpu.memref_slice %arg6[%add3A_15, %dma_start3A_224] : memref<10240x128xf32, #tpu.memory_space<vmem_shared>> -> memref<128x128xf32, #tpu.memory_space<vmem_shared>>
      %dma_start3A_226 = arith.constant 0 : i32
      %dma_start3A_227 = arith.constant 0 : i32
      %dma_start3A_228 = tpu.memref_slice %arg8[%run_scoped3A_16, %dma_start3A_226, %dma_start3A_227] : memref<2x128x128xf32, #tpu.memory_space<vmem>> -> memref<1x128x128xf32, #tpu.memory_space<vmem>>
      %dma_start3A_229 = tpu.memref_squeeze %dma_start3A_228 : memref<1x128x128xf32, #tpu.memory_space<vmem>> -> memref<128x128xf32, #tpu.memory_space<vmem>>
      tpu.enqueue_dma source(%dma_start3A_229 : memref<128x128xf32, #tpu.memory_space<vmem>>) target(%dma_start3A_225 : memref<128x128xf32, #tpu.memory_space<vmem_shared>>) target_semaphore(%run_scoped3A_217 : memref<!tpu.dma_semaphore, #tpu.memory_space<semaphore_mem>>)
      %dma_wait3A_230 = arith.constant 0 : i32
      %dma_wait3A_231 = arith.constant 0 : i32
      %dma_wait3A_232 = tpu.memref_slice %arg8[%run_scoped3A_16, %dma_wait3A_230, %dma_wait3A_231] : memref<2x128x128xf32, #tpu.memory_space<vmem>> -> memref<1x128x128xf32, #tpu.memory_space<vmem>>
      %dma_wait3A_233 = tpu.memref_squeeze %dma_wait3A_232 : memref<1x128x128xf32, #tpu.memory_space<vmem>> -> memref<128x128xf32, #tpu.memory_space<vmem>>
      %dma_wait3A_234 = arith.constant 0 : i32
      %dma_wait3A_235 = tpu.memref_slice %arg6[%add3A_15, %dma_wait3A_234] : memref<10240x128xf32, #tpu.memory_space<vmem_shared>> -> memref<128x128xf32, #tpu.memory_space<vmem_shared>>
      %dma_wait3A_236 = arith.constant 0 : i32
      %dma_wait3A_237 = tpu.memref_slice %arg6[%add3A_15, %dma_wait3A_236] : memref<10240x128xf32, #tpu.memory_space<vmem_shared>> -> memref<128x128xf32, #tpu.memory_space<vmem_shared>>
      %dma_wait3A_238 = arith.constant 0 : i32
      %dma_wait3A_239 = arith.constant 0 : i32
      %dma_wait3A_240 = tpu.memref_slice %arg8[%run_scoped3A_16, %dma_wait3A_238, %dma_wait3A_239] : memref<2x128x128xf32, #tpu.memory_space<vmem>> -> memref<1x128x128xf32, #tpu.memory_space<vmem>>
      %dma_wait3A_241 = tpu.memref_squeeze %dma_wait3A_240 : memref<1x128x128xf32, #tpu.memory_space<vmem>> -> memref<128x128xf32, #tpu.memory_space<vmem>>
      tpu.wait_dma2 semaphore(%run_scoped3A_217 : memref<!tpu.dma_semaphore, #tpu.memory_space<semaphore_mem>>) src(%dma_wait3A_241 : memref<128x128xf32, #tpu.memory_space<vmem>>) dst(%dma_wait3A_237 : memref<128x128xf32, #tpu.memory_space<vmem_shared>>)
      tpu.yield
    }) : () -> ()
    %add3A_17 = arith.constant 384 : i32
    %add3A_18 = arith.addi %multiple_of3A, %add3A_17 : i32
    %run_scoped3A_19 = arith.constant 0 : i32
    "tpu.region"() ({
      %run_scoped3A_217 = tpu.sem_alloc : memref<!tpu.dma_semaphore, #tpu.memory_space<semaphore_mem>>
      %dma_start3A_218 = arith.constant 0 : i32
      %dma_start3A_219 = arith.constant 0 : i32
      %dma_start3A_220 = tpu.memref_slice %arg8[%run_scoped3A_19, %dma_start3A_218, %dma_start3A_219] : memref<2x128x128xf32, #tpu.memory_space<vmem>> -> memref<1x128x128xf32, #tpu.memory_space<vmem>>
      %dma_start3A_221 = tpu.memref_squeeze %dma_start3A_220 : memref<1x128x128xf32, #tpu.memory_space<vmem>> -> memref<128x128xf32, #tpu.memory_space<vmem>>
      %dma_start3A_222 = arith.constant 0 : i32
      %dma_start3A_223 = tpu.memref_slice %arg6[%add3A_18, %dma_start3A_222] : memref<10240x128xf32, #tpu.memory_space<vmem_shared>> -> memref<128x128xf32, #tpu.memory_space<vmem_shared>>
      %dma_start3A_224 = arith.constant 0 : i32
      %dma_start3A_225 = tpu.memref_slice %arg6[%add3A_18, %dma_start3A_224] : memref<10240x128xf32, #tpu.memory_space<vmem_shared>> -> memref<128x128xf32, #tpu.memory_space<vmem_shared>>
      %dma_start3A_226 = arith.constant 0 : i32
      %dma_start3A_227 = arith.constant 0 : i32
      %dma_start3A_228 = tpu.memref_slice %arg8[%run_scoped3A_19, %dma_start3A_226, %dma_start3A_227] : memref<2x128x128xf32, #tpu.memory_space<vmem>> -> memref<1x128x128xf32, #tpu.memory_space<vmem>>
      %dma_start3A_229 = tpu.memref_squeeze %dma_start3A_228 : memref<1x128x128xf32, #tpu.memory_space<vmem>> -> memref<128x128xf32, #tpu.memory_space<vmem>>
      tpu.enqueue_dma source(%dma_start3A_229 : memref<128x128xf32, #tpu.memory_space<vmem>>) target(%dma_start3A_225 : memref<128x128xf32, #tpu.memory_space<vmem_shared>>) target_semaphore(%run_scoped3A_217 : memref<!tpu.dma_semaphore, #tpu.memory_space<semaphore_mem>>)
      %dma_wait3A_230 = arith.constant 0 : i32
      %dma_wait3A_231 = arith.constant 0 : i32
      %dma_wait3A_232 = tpu.memref_slice %arg8[%run_scoped3A_19, %dma_wait3A_230, %dma_wait3A_231] : memref<2x128x128xf32, #tpu.memory_space<vmem>> -> memref<1x128x128xf32, #tpu.memory_space<vmem>>
      %dma_wait3A_233 = tpu.memref_squeeze %dma_wait3A_232 : memref<1x128x128xf32, #tpu.memory_space<vmem>> -> memref<128x128xf32, #tpu.memory_space<vmem>>
      %dma_wait3A_234 = arith.constant 0 : i32
      %dma_wait3A_235 = tpu.memref_slice %arg6[%add3A_18, %dma_wait3A_234] : memref<10240x128xf32, #tpu.memory_space<vmem_shared>> -> memref<128x128xf32, #tpu.memory_space<vmem_shared>>
      %dma_wait3A_236 = arith.constant 0 : i32
      %dma_wait3A_237 = tpu.memref_slice %arg6[%add3A_18, %dma_wait3A_236] : memref<10240x128xf32, #tpu.memory_space<vmem_shared>> -> memref<128x128xf32, #tpu.memory_space<vmem_shared>>
      %dma_wait3A_238 = arith.constant 0 : i32
      %dma_wait3A_239 = arith.constant 0 : i32
      %dma_wait3A_240 = tpu.memref_slice %arg8[%run_scoped3A_19, %dma_wait3A_238, %dma_wait3A_239] : memref<2x128x128xf32, #tpu.memory_space<vmem>> -> memref<1x128x128xf32, #tpu.memory_space<vmem>>
      %dma_wait3A_241 = tpu.memref_squeeze %dma_wait3A_240 : memref<1x128x128xf32, #tpu.memory_space<vmem>> -> memref<128x128xf32, #tpu.memory_space<vmem>>
      tpu.wait_dma2 semaphore(%run_scoped3A_217 : memref<!tpu.dma_semaphore, #tpu.memory_space<semaphore_mem>>) src(%dma_wait3A_241 : memref<128x128xf32, #tpu.memory_space<vmem>>) dst(%dma_wait3A_237 : memref<128x128xf32, #tpu.memory_space<vmem_shared>>)
      tpu.yield
    }) : () -> ()
    %add3A_20 = arith.constant 512 : i32
    %add3A_21 = arith.addi %multiple_of3A, %add3A_20 : i32
    %run_scoped3A_22 = arith.constant 0 : i32
    "tpu.region"() ({
      %run_scoped3A_217 = tpu.sem_alloc : memref<!tpu.dma_semaphore, #tpu.memory_space<semaphore_mem>>
      %dma_start3A_218 = arith.constant 0 : i32
      %dma_start3A_219 = arith.constant 0 : i32
      %dma_start3A_220 = tpu.memref_slice %arg8[%run_scoped3A_22, %dma_start3A_218, %dma_start3A_219] : memref<2x128x128xf32, #tpu.memory_space<vmem>> -> memref<1x128x128xf32, #tpu.memory_space<vmem>>
      %dma_start3A_221 = tpu.memref_squeeze %dma_start3A_220 : memref<1x128x128xf32, #tpu.memory_space<vmem>> -> memref<128x128xf32, #tpu.memory_space<vmem>>
      %dma_start3A_222 = arith.constant 0 : i32
      %dma_start3A_223 = tpu.memref_slice %arg6[%add3A_21, %dma_start3A_222] : memref<10240x128xf32, #tpu.memory_space<vmem_shared>> -> memref<128x128xf32, #tpu.memory_space<vmem_shared>>
      %dma_start3A_224 = arith.constant 0 : i32
      %dma_start3A_225 = tpu.memref_slice %arg6[%add3A_21, %dma_start3A_224] : memref<10240x128xf32, #tpu.memory_space<vmem_shared>> -> memref<128x128xf32, #tpu.memory_space<vmem_shared>>
      %dma_start3A_226 = arith.constant 0 : i32
      %dma_start3A_227 = arith.constant 0 : i32
      %dma_start3A_228 = tpu.memref_slice %arg8[%run_scoped3A_22, %dma_start3A_226, %dma_start3A_227] : memref<2x128x128xf32, #tpu.memory_space<vmem>> -> memref<1x128x128xf32, #tpu.memory_space<vmem>>
      %dma_start3A_229 = tpu.memref_squeeze %dma_start3A_228 : memref<1x128x128xf32, #tpu.memory_space<vmem>> -> memref<128x128xf32, #tpu.memory_space<vmem>>
      tpu.enqueue_dma source(%dma_start3A_229 : memref<128x128xf32, #tpu.memory_space<vmem>>) target(%dma_start3A_225 : memref<128x128xf32, #tpu.memory_space<vmem_shared>>) target_semaphore(%run_scoped3A_217 : memref<!tpu.dma_semaphore, #tpu.memory_space<semaphore_mem>>)
      %dma_wait3A_230 = arith.constant 0 : i32
      %dma_wait3A_231 = arith.constant 0 : i32
      %dma_wait3A_232 = tpu.memref_slice %arg8[%run_scoped3A_22, %dma_wait3A_230, %dma_wait3A_231] : memref<2x128x128xf32, #tpu.memory_space<vmem>> -> memref<1x128x128xf32, #tpu.memory_space<vmem>>
      %dma_wait3A_233 = tpu.memref_squeeze %dma_wait3A_232 : memref<1x128x128xf32, #tpu.memory_space<vmem>> -> memref<128x128xf32, #tpu.memory_space<vmem>>
      %dma_wait3A_234 = arith.constant 0 : i32
      %dma_wait3A_235 = tpu.memref_slice %arg6[%add3A_21, %dma_wait3A_234] : memref<10240x128xf32, #tpu.memory_space<vmem_shared>> -> memref<128x128xf32, #tpu.memory_space<vmem_shared>>
      %dma_wait3A_236 = arith.constant 0 : i32
      %dma_wait3A_237 = tpu.memref_slice %arg6[%add3A_21, %dma_wait3A_236] : memref<10240x128xf32, #tpu.memory_space<vmem_shared>> -> memref<128x128xf32, #tpu.memory_space<vmem_shared>>
      %dma_wait3A_238 = arith.constant 0 : i32
      %dma_wait3A_239 = arith.constant 0 : i32
      %dma_wait3A_240 = tpu.memref_slice %arg8[%run_scoped3A_22, %dma_wait3A_238, %dma_wait3A_239] : memref<2x128x128xf32, #tpu.memory_space<vmem>> -> memref<1x128x128xf32, #tpu.memory_space<vmem>>
      %dma_wait3A_241 = tpu.memref_squeeze %dma_wait3A_240 : memref<1x128x128xf32, #tpu.memory_space<vmem>> -> memref<128x128xf32, #tpu.memory_space<vmem>>
      tpu.wait_dma2 semaphore(%run_scoped3A_217 : memref<!tpu.dma_semaphore, #tpu.memory_space<semaphore_mem>>) src(%dma_wait3A_241 : memref<128x128xf32, #tpu.memory_space<vmem>>) dst(%dma_wait3A_237 : memref<128x128xf32, #tpu.memory_space<vmem_shared>>)
      tpu.yield
    }) : () -> ()
    %barrier3A = arith.constant 0 : index
    tpu.barrier barrier_id(%barrier3A)
    %add3A_23 = arith.constant 0 : i32
    %add3A_24 = arith.addi %multiple_of3A_3, %add3A_23 : i32
    %multiple_of3A_25 = tpu.assume_multiple %add3A_24, 128 : i32
    %dma_start3A = arith.constant 0 : i32
    %dma_start3A_26 = arith.constant 0 : i32
    %dma_start3A_27 = arith.constant 0 : i32
    %dma_start3A_28 = arith.constant 0 : i32
    %dma_start3A_29 = tpu.memref_slice %arg8[%dma_start3A, %dma_start3A_27, %dma_start3A_28] : memref<2x128x128xf32, #tpu.memory_space<vmem>> -> memref<1x128x128xf32, #tpu.memory_space<vmem>>
    %dma_start3A_30 = tpu.memref_squeeze %dma_start3A_29 : memref<1x128x128xf32, #tpu.memory_space<vmem>> -> memref<128x128xf32, #tpu.memory_space<vmem>>
    %dma_start3A_31 = arith.constant 0 : i32
    %dma_start3A_32 = tpu.memref_slice %arg2[%multiple_of3A_25, %dma_start3A_31] : memref<81920x128xf32, #tpu.memory_space<hbm>> -> memref<128x128xf32, #tpu.memory_space<hbm>>
    %dma_start3A_33 = tpu.memref_slice %arg9[%dma_start3A_26] : memref<2x!tpu.dma_semaphore, #tpu.memory_space<semaphore_mem>> -> memref<1x!tpu.dma_semaphore, #tpu.memory_space<semaphore_mem>>
    %dma_start3A_34 = tpu.memref_squeeze %dma_start3A_33 : memref<1x!tpu.dma_semaphore, #tpu.memory_space<semaphore_mem>> -> memref<!tpu.dma_semaphore, #tpu.memory_space<semaphore_mem>>
    %dma_start3A_35 = arith.constant 0 : i32
    %dma_start3A_36 = arith.constant 0 : i32
    %dma_start3A_37 = tpu.memref_slice %arg8[%dma_start3A, %dma_start3A_35, %dma_start3A_36] : memref<2x128x128xf32, #tpu.memory_space<vmem>> -> memref<1x128x128xf32, #tpu.memory_space<vmem>>
    %dma_start3A_38 = tpu.memref_squeeze %dma_start3A_37 : memref<1x128x128xf32, #tpu.memory_space<vmem>> -> memref<128x128xf32, #tpu.memory_space<vmem>>
    %dma_start3A_39 = arith.constant 0 : i32
    %dma_start3A_40 = tpu.memref_slice %arg2[%multiple_of3A_25, %dma_start3A_39] : memref<81920x128xf32, #tpu.memory_space<hbm>> -> memref<128x128xf32, #tpu.memory_space<hbm>>
    tpu.enqueue_dma source(%dma_start3A_40 : memref<128x128xf32, #tpu.memory_space<hbm>>) target(%dma_start3A_38 : memref<128x128xf32, #tpu.memory_space<vmem>>) target_semaphore(%dma_start3A_34 : memref<!tpu.dma_semaphore, #tpu.memory_space<semaphore_mem>>)
    %scan3A_41 = arith.constant 0 : i32
    %scan3A_42 = arith.constant 0 : i32
    %scan3A_43 = arith.constant 40 : i32
    %scan3A_44 = arith.addi %scan3A_42, %scan3A_43 : i32
    %scan3A_45 = arith.constant 1 : i32
    scf.for %scan3A_217 = %scan3A_42 to %scan3A_44 step %scan3A_45  : i32 {
      %rem3A = arith.constant 2 : i32
      %rem3A_218 = arith.remsi %scan3A_217, %rem3A : i32
      %add3A_219 = arith.constant 1 : i32
      %add3A_220 = arith.addi %scan3A_217, %add3A_219 : i32
      %lt3A = arith.constant 40 : i32
      %lt3A_221 = arith.cmpi slt, %add3A_220, %lt3A : i32
      %convert_element_type3A = arith.extui %lt3A_221 : i1 to i32
      %cond3A = arith.constant 0 : i32
      %cond3A_222 = arith.cmpi ne, %convert_element_type3A, %cond3A : i32
      scf.if %cond3A_222 {
        %rem3A_253 = arith.constant 2 : i32
        %rem3A_254 = arith.remsi %add3A_220, %rem3A_253 : i32
        %ge3A = arith.constant 2 : i32
        %ge3A_255 = arith.cmpi sge, %add3A_220, %ge3A : i32
        %convert_element_type3A_256 = arith.extui %ge3A_255 : i1 to i32
        %cond3A_257 = arith.constant 0 : i32
        %cond3A_258 = arith.cmpi ne, %convert_element_type3A_256, %cond3A_257 : i32
        scf.if %cond3A_258 {
          %sub3A = arith.constant 2 : i32
          %sub3A_277 = arith.subi %add3A_220, %sub3A : i32
          %dma_wait3A_278 = arith.constant 0 : i32
          %dma_wait3A_279 = arith.constant 0 : i32
          %dma_wait3A_280 = tpu.memref_slice %arg8[%rem3A_254, %dma_wait3A_278, %dma_wait3A_279] : memref<2x128x128xf32, #tpu.memory_space<vmem>> -> memref<1x128x128xf32, #tpu.memory_space<vmem>>
          %dma_wait3A_281 = tpu.memref_squeeze %dma_wait3A_280 : memref<1x128x128xf32, #tpu.memory_space<vmem>> -> memref<128x128xf32, #tpu.memory_space<vmem>>
          %dma_wait3A_282 = arith.constant 0 : i32
          %dma_wait3A_283 = tpu.memref_slice %arg7[%sub3A_277, %dma_wait3A_282] : memref<40x128xi32, #tpu.memory_space<vmem>> -> memref<1x128xi32, #tpu.memory_space<vmem>>
          %dma_wait3A_284 = tpu.memref_squeeze %dma_wait3A_283 : memref<1x128xi32, #tpu.memory_space<vmem>> -> memref<128xi32, #tpu.memory_space<vmem>>
          %dma_wait3A_285 = arith.constant 0 : i32
          %dma_wait3A_286 = arith.constant 0 : i32
          %dma_wait3A_287 = tpu.memref_slice %arg6[%dma_wait3A_285, %dma_wait3A_286] : memref<10240x128xf32, #tpu.memory_space<vmem_shared>> -> memref<10240x128xf32, #tpu.memory_space<vmem_shared>>
          %dma_wait3A_288 = tpu.memref_slice %arg10[%rem3A_254] : memref<2x!tpu.dma_semaphore, #tpu.memory_space<semaphore_mem>> -> memref<1x!tpu.dma_semaphore, #tpu.memory_space<semaphore_mem>>
          %dma_wait3A_289 = tpu.memref_squeeze %dma_wait3A_288 : memref<1x!tpu.dma_semaphore, #tpu.memory_space<semaphore_mem>> -> memref<!tpu.dma_semaphore, #tpu.memory_space<semaphore_mem>>
          tpu.wait_indirect_dma semaphore(%dma_wait3A_289 : memref<!tpu.dma_semaphore, #tpu.memory_space<semaphore_mem>>) src(%dma_wait3A_281 : memref<128x128xf32, #tpu.memory_space<vmem>>) dst(%dma_wait3A_287 : memref<10240x128xf32, #tpu.memory_space<vmem_shared>>)
        } else {
        }
        %mul3A_259 = arith.constant 128 : i32
        %mul3A_260 = arith.muli %add3A_220, %mul3A_259 : i32
        %add3A_261 = arith.addi %multiple_of3A_3, %mul3A_260 : i32
        %multiple_of3A_262 = tpu.assume_multiple %add3A_261, 128 : i32
        %dma_start3A_263 = arith.constant 0 : i32
        %dma_start3A_264 = arith.constant 0 : i32
        %dma_start3A_265 = tpu.memref_slice %arg8[%rem3A_254, %dma_start3A_263, %dma_start3A_264] : memref<2x128x128xf32, #tpu.memory_space<vmem>> -> memref<1x128x128xf32, #tpu.memory_space<vmem>>
        %dma_start3A_266 = tpu.memref_squeeze %dma_start3A_265 : memref<1x128x128xf32, #tpu.memory_space<vmem>> -> memref<128x128xf32, #tpu.memory_space<vmem>>
        %dma_start3A_267 = arith.constant 0 : i32
        %dma_start3A_268 = tpu.memref_slice %arg2[%multiple_of3A_262, %dma_start3A_267] : memref<81920x128xf32, #tpu.memory_space<hbm>> -> memref<128x128xf32, #tpu.memory_space<hbm>>
        %dma_start3A_269 = tpu.memref_slice %arg9[%rem3A_254] : memref<2x!tpu.dma_semaphore, #tpu.memory_space<semaphore_mem>> -> memref<1x!tpu.dma_semaphore, #tpu.memory_space<semaphore_mem>>
        %dma_start3A_270 = tpu.memref_squeeze %dma_start3A_269 : memref<1x!tpu.dma_semaphore, #tpu.memory_space<semaphore_mem>> -> memref<!tpu.dma_semaphore, #tpu.memory_space<semaphore_mem>>
        %dma_start3A_271 = arith.constant 0 : i32
        %dma_start3A_272 = arith.constant 0 : i32
        %dma_start3A_273 = tpu.memref_slice %arg8[%rem3A_254, %dma_start3A_271, %dma_start3A_272] : memref<2x128x128xf32, #tpu.memory_space<vmem>> -> memref<1x128x128xf32, #tpu.memory_space<vmem>>
        %dma_start3A_274 = tpu.memref_squeeze %dma_start3A_273 : memref<1x128x128xf32, #tpu.memory_space<vmem>> -> memref<128x128xf32, #tpu.memory_space<vmem>>
        %dma_start3A_275 = arith.constant 0 : i32
        %dma_start3A_276 = tpu.memref_slice %arg2[%multiple_of3A_262, %dma_start3A_275] : memref<81920x128xf32, #tpu.memory_space<hbm>> -> memref<128x128xf32, #tpu.memory_space<hbm>>
        tpu.enqueue_dma source(%dma_start3A_276 : memref<128x128xf32, #tpu.memory_space<hbm>>) target(%dma_start3A_274 : memref<128x128xf32, #tpu.memory_space<vmem>>) target_semaphore(%dma_start3A_270 : memref<!tpu.dma_semaphore, #tpu.memory_space<semaphore_mem>>)
      } else {
      }
      %mul3A_223 = arith.constant 128 : i32
      %mul3A_224 = arith.muli %scan3A_217, %mul3A_223 : i32
      %add3A_225 = arith.addi %multiple_of3A_3, %mul3A_224 : i32
      %multiple_of3A_226 = tpu.assume_multiple %add3A_225, 128 : i32
      %dma_wait3A_227 = arith.constant 0 : i32
      %dma_wait3A_228 = arith.constant 0 : i32
      %dma_wait3A_229 = tpu.memref_slice %arg8[%rem3A_218, %dma_wait3A_227, %dma_wait3A_228] : memref<2x128x128xf32, #tpu.memory_space<vmem>> -> memref<1x128x128xf32, #tpu.memory_space<vmem>>
      %dma_wait3A_230 = tpu.memref_squeeze %dma_wait3A_229 : memref<1x128x128xf32, #tpu.memory_space<vmem>> -> memref<128x128xf32, #tpu.memory_space<vmem>>
      %dma_wait3A_231 = arith.constant 0 : i32
      %dma_wait3A_232 = tpu.memref_slice %arg2[%multiple_of3A_226, %dma_wait3A_231] : memref<81920x128xf32, #tpu.memory_space<hbm>> -> memref<128x128xf32, #tpu.memory_space<hbm>>
      %dma_wait3A_233 = tpu.memref_slice %arg9[%rem3A_218] : memref<2x!tpu.dma_semaphore, #tpu.memory_space<semaphore_mem>> -> memref<1x!tpu.dma_semaphore, #tpu.memory_space<semaphore_mem>>
      %dma_wait3A_234 = tpu.memref_squeeze %dma_wait3A_233 : memref<1x!tpu.dma_semaphore, #tpu.memory_space<semaphore_mem>> -> memref<!tpu.dma_semaphore, #tpu.memory_space<semaphore_mem>>
      %dma_wait3A_235 = arith.constant 0 : i32
      %dma_wait3A_236 = arith.constant 0 : i32
      %dma_wait3A_237 = tpu.memref_slice %arg8[%rem3A_218, %dma_wait3A_235, %dma_wait3A_236] : memref<2x128x128xf32, #tpu.memory_space<vmem>> -> memref<1x128x128xf32, #tpu.memory_space<vmem>>
      %dma_wait3A_238 = tpu.memref_squeeze %dma_wait3A_237 : memref<1x128x128xf32, #tpu.memory_space<vmem>> -> memref<128x128xf32, #tpu.memory_space<vmem>>
      %dma_wait3A_239 = arith.constant 0 : i32
      %dma_wait3A_240 = tpu.memref_slice %arg2[%multiple_of3A_226, %dma_wait3A_239] : memref<81920x128xf32, #tpu.memory_space<hbm>> -> memref<128x128xf32, #tpu.memory_space<hbm>>
      tpu.wait_dma2 semaphore(%dma_wait3A_234 : memref<!tpu.dma_semaphore, #tpu.memory_space<semaphore_mem>>) src(%dma_wait3A_240 : memref<128x128xf32, #tpu.memory_space<hbm>>) dst(%dma_wait3A_238 : memref<128x128xf32, #tpu.memory_space<vmem>>)
      %dma_start3A_241 = arith.constant 0 : i32
      %dma_start3A_242 = arith.constant 0 : i32
      %dma_start3A_243 = tpu.memref_slice %arg8[%rem3A_218, %dma_start3A_241, %dma_start3A_242] : memref<2x128x128xf32, #tpu.memory_space<vmem>> -> memref<1x128x128xf32, #tpu.memory_space<vmem>>
      %dma_start3A_244 = tpu.memref_squeeze %dma_start3A_243 : memref<1x128x128xf32, #tpu.memory_space<vmem>> -> memref<128x128xf32, #tpu.memory_space<vmem>>
      %dma_start3A_245 = arith.constant 0 : i32
      %dma_start3A_246 = tpu.memref_slice %arg7[%scan3A_217, %dma_start3A_245] : memref<40x128xi32, #tpu.memory_space<vmem>> -> memref<1x128xi32, #tpu.memory_space<vmem>>
      %dma_start3A_247 = tpu.memref_squeeze %dma_start3A_246 : memref<1x128xi32, #tpu.memory_space<vmem>> -> memref<128xi32, #tpu.memory_space<vmem>>
      %dma_start3A_248 = arith.constant 0 : i32
      %dma_start3A_249 = arith.constant 0 : i32
      %dma_start3A_250 = tpu.memref_slice %arg6[%dma_start3A_248, %dma_start3A_249] : memref<10240x128xf32, #tpu.memory_space<vmem_shared>> -> memref<10240x128xf32, #tpu.memory_space<vmem_shared>>
      %dma_start3A_251 = tpu.memref_slice %arg10[%rem3A_218] : memref<2x!tpu.dma_semaphore, #tpu.memory_space<semaphore_mem>> -> memref<1x!tpu.dma_semaphore, #tpu.memory_space<semaphore_mem>>
      %dma_start3A_252 = tpu.memref_squeeze %dma_start3A_251 : memref<1x!tpu.dma_semaphore, #tpu.memory_space<semaphore_mem>> -> memref<!tpu.dma_semaphore, #tpu.memory_space<semaphore_mem>>
      tpu.enqueue_indirect_dma source(%dma_start3A_244 : memref<128x128xf32, #tpu.memory_space<vmem>>) target(%dma_start3A_250 : memref<10240x128xf32, #tpu.memory_space<vmem_shared>>) offsets(%dma_start3A_247 : memref<128xi32, #tpu.memory_space<vmem>>) semaphore(%dma_start3A_252 : memref<!tpu.dma_semaphore, #tpu.memory_space<semaphore_mem>>) {add = true}
    }
    %scan3A_46 = arith.constant 40 : i32
    %dma_wait3A = arith.constant 0 : i32
    %dma_wait3A_47 = arith.constant 38 : i32
    %dma_wait3A_48 = arith.constant 0 : i32
    %dma_wait3A_49 = arith.constant 0 : i32
    %dma_wait3A_50 = arith.constant 0 : i32
    %dma_wait3A_51 = tpu.memref_slice %arg8[%dma_wait3A, %dma_wait3A_49, %dma_wait3A_50] : memref<2x128x128xf32, #tpu.memory_space<vmem>> -> memref<1x128x128xf32, #tpu.memory_space<vmem>>
    %dma_wait3A_52 = tpu.memref_squeeze %dma_wait3A_51 : memref<1x128x128xf32, #tpu.memory_space<vmem>> -> memref<128x128xf32, #tpu.memory_space<vmem>>
    %dma_wait3A_53 = arith.constant 0 : i32
    %dma_wait3A_54 = tpu.memref_slice %arg7[%dma_wait3A_47, %dma_wait3A_53] : memref<40x128xi32, #tpu.memory_space<vmem>> -> memref<1x128xi32, #tpu.memory_space<vmem>>
    %dma_wait3A_55 = tpu.memref_squeeze %dma_wait3A_54 : memref<1x128xi32, #tpu.memory_space<vmem>> -> memref<128xi32, #tpu.memory_space<vmem>>
    %dma_wait3A_56 = arith.constant 0 : i32
    %dma_wait3A_57 = arith.constant 0 : i32
    %dma_wait3A_58 = tpu.memref_slice %arg6[%dma_wait3A_56, %dma_wait3A_57] : memref<10240x128xf32, #tpu.memory_space<vmem_shared>> -> memref<10240x128xf32, #tpu.memory_space<vmem_shared>>
    %dma_wait3A_59 = tpu.memref_slice %arg10[%dma_wait3A_48] : memref<2x!tpu.dma_semaphore, #tpu.memory_space<semaphore_mem>> -> memref<1x!tpu.dma_semaphore, #tpu.memory_space<semaphore_mem>>
    %dma_wait3A_60 = tpu.memref_squeeze %dma_wait3A_59 : memref<1x!tpu.dma_semaphore, #tpu.memory_space<semaphore_mem>> -> memref<!tpu.dma_semaphore, #tpu.memory_space<semaphore_mem>>
    tpu.wait_indirect_dma semaphore(%dma_wait3A_60 : memref<!tpu.dma_semaphore, #tpu.memory_space<semaphore_mem>>) src(%dma_wait3A_52 : memref<128x128xf32, #tpu.memory_space<vmem>>) dst(%dma_wait3A_58 : memref<10240x128xf32, #tpu.memory_space<vmem_shared>>)
    %dma_wait3A_61 = arith.constant 1 : i32
    %dma_wait3A_62 = arith.constant 39 : i32
    %dma_wait3A_63 = arith.constant 1 : i32
    %dma_wait3A_64 = arith.constant 0 : i32
    %dma_wait3A_65 = arith.constant 0 : i32
    %dma_wait3A_66 = tpu.memref_slice %arg8[%dma_wait3A_61, %dma_wait3A_64, %dma_wait3A_65] : memref<2x128x128xf32, #tpu.memory_space<vmem>> -> memref<1x128x128xf32, #tpu.memory_space<vmem>>
    %dma_wait3A_67 = tpu.memref_squeeze %dma_wait3A_66 : memref<1x128x128xf32, #tpu.memory_space<vmem>> -> memref<128x128xf32, #tpu.memory_space<vmem>>
    %dma_wait3A_68 = arith.constant 0 : i32
    %dma_wait3A_69 = tpu.memref_slice %arg7[%dma_wait3A_62, %dma_wait3A_68] : memref<40x128xi32, #tpu.memory_space<vmem>> -> memref<1x128xi32, #tpu.memory_space<vmem>>
    %dma_wait3A_70 = tpu.memref_squeeze %dma_wait3A_69 : memref<1x128xi32, #tpu.memory_space<vmem>> -> memref<128xi32, #tpu.memory_space<vmem>>
    %dma_wait3A_71 = arith.constant 0 : i32
    %dma_wait3A_72 = arith.constant 0 : i32
    %dma_wait3A_73 = tpu.memref_slice %arg6[%dma_wait3A_71, %dma_wait3A_72] : memref<10240x128xf32, #tpu.memory_space<vmem_shared>> -> memref<10240x128xf32, #tpu.memory_space<vmem_shared>>
    %dma_wait3A_74 = tpu.memref_slice %arg10[%dma_wait3A_63] : memref<2x!tpu.dma_semaphore, #tpu.memory_space<semaphore_mem>> -> memref<1x!tpu.dma_semaphore, #tpu.memory_space<semaphore_mem>>
    %dma_wait3A_75 = tpu.memref_squeeze %dma_wait3A_74 : memref<1x!tpu.dma_semaphore, #tpu.memory_space<semaphore_mem>> -> memref<!tpu.dma_semaphore, #tpu.memory_space<semaphore_mem>>
    tpu.wait_indirect_dma semaphore(%dma_wait3A_75 : memref<!tpu.dma_semaphore, #tpu.memory_space<semaphore_mem>>) src(%dma_wait3A_67 : memref<128x128xf32, #tpu.memory_space<vmem>>) dst(%dma_wait3A_73 : memref<10240x128xf32, #tpu.memory_space<vmem_shared>>)
    %barrier3A_76 = arith.constant 0 : index
    tpu.barrier barrier_id(%barrier3A_76)
    %add3A_77 = arith.constant 0 : i32
    %add3A_78 = arith.addi %multiple_of3A, %add3A_77 : i32
    %multiple_of3A_79 = tpu.assume_multiple %add3A_78, 128 : i32
    %run_scoped3A_80 = arith.constant 0 : i32
    "tpu.region"() ({
      %run_scoped3A_217 = tpu.sem_alloc : memref<!tpu.dma_semaphore, #tpu.memory_space<semaphore_mem>>
      %dma_start3A_218 = arith.constant 0 : i32
      %dma_start3A_219 = arith.constant 0 : i32
      %dma_start3A_220 = tpu.memref_slice %arg8[%run_scoped3A_80, %dma_start3A_218, %dma_start3A_219] : memref<2x128x128xf32, #tpu.memory_space<vmem>> -> memref<1x128x128xf32, #tpu.memory_space<vmem>>
      %dma_start3A_221 = tpu.memref_squeeze %dma_start3A_220 : memref<1x128x128xf32, #tpu.memory_space<vmem>> -> memref<128x128xf32, #tpu.memory_space<vmem>>
      %dma_start3A_222 = arith.constant 0 : i32
      %dma_start3A_223 = tpu.memref_slice %arg6[%multiple_of3A_79, %dma_start3A_222] : memref<10240x128xf32, #tpu.memory_space<vmem_shared>> -> memref<128x128xf32, #tpu.memory_space<vmem_shared>>
      %dma_start3A_224 = arith.constant 0 : i32
      %dma_start3A_225 = arith.constant 0 : i32
      %dma_start3A_226 = tpu.memref_slice %arg8[%run_scoped3A_80, %dma_start3A_224, %dma_start3A_225] : memref<2x128x128xf32, #tpu.memory_space<vmem>> -> memref<1x128x128xf32, #tpu.memory_space<vmem>>
      %dma_start3A_227 = tpu.memref_squeeze %dma_start3A_226 : memref<1x128x128xf32, #tpu.memory_space<vmem>> -> memref<128x128xf32, #tpu.memory_space<vmem>>
      %dma_start3A_228 = arith.constant 0 : i32
      %dma_start3A_229 = tpu.memref_slice %arg6[%multiple_of3A_79, %dma_start3A_228] : memref<10240x128xf32, #tpu.memory_space<vmem_shared>> -> memref<128x128xf32, #tpu.memory_space<vmem_shared>>
      tpu.enqueue_dma source(%dma_start3A_229 : memref<128x128xf32, #tpu.memory_space<vmem_shared>>) target(%dma_start3A_227 : memref<128x128xf32, #tpu.memory_space<vmem>>) target_semaphore(%run_scoped3A_217 : memref<!tpu.dma_semaphore, #tpu.memory_space<semaphore_mem>>)
      %dma_wait3A_230 = arith.constant 0 : i32
      %dma_wait3A_231 = arith.constant 0 : i32
      %dma_wait3A_232 = tpu.memref_slice %arg8[%run_scoped3A_80, %dma_wait3A_230, %dma_wait3A_231] : memref<2x128x128xf32, #tpu.memory_space<vmem>> -> memref<1x128x128xf32, #tpu.memory_space<vmem>>
      %dma_wait3A_233 = tpu.memref_squeeze %dma_wait3A_232 : memref<1x128x128xf32, #tpu.memory_space<vmem>> -> memref<128x128xf32, #tpu.memory_space<vmem>>
      %dma_wait3A_234 = arith.constant 0 : i32
      %dma_wait3A_235 = tpu.memref_slice %arg6[%multiple_of3A_79, %dma_wait3A_234] : memref<10240x128xf32, #tpu.memory_space<vmem_shared>> -> memref<128x128xf32, #tpu.memory_space<vmem_shared>>
      %dma_wait3A_236 = arith.constant 0 : i32
      %dma_wait3A_237 = arith.constant 0 : i32
      %dma_wait3A_238 = tpu.memref_slice %arg8[%run_scoped3A_80, %dma_wait3A_236, %dma_wait3A_237] : memref<2x128x128xf32, #tpu.memory_space<vmem>> -> memref<1x128x128xf32, #tpu.memory_space<vmem>>
      %dma_wait3A_239 = tpu.memref_squeeze %dma_wait3A_238 : memref<1x128x128xf32, #tpu.memory_space<vmem>> -> memref<128x128xf32, #tpu.memory_space<vmem>>
      %dma_wait3A_240 = arith.constant 0 : i32
      %dma_wait3A_241 = tpu.memref_slice %arg6[%multiple_of3A_79, %dma_wait3A_240] : memref<10240x128xf32, #tpu.memory_space<vmem_shared>> -> memref<128x128xf32, #tpu.memory_space<vmem_shared>>
      tpu.wait_dma2 semaphore(%run_scoped3A_217 : memref<!tpu.dma_semaphore, #tpu.memory_space<semaphore_mem>>) src(%dma_wait3A_241 : memref<128x128xf32, #tpu.memory_space<vmem_shared>>) dst(%dma_wait3A_239 : memref<128x128xf32, #tpu.memory_space<vmem>>)
      tpu.yield
    }) : () -> ()
    %run_scoped3A_81 = arith.constant 0 : i32
    %run_scoped3A_82 = arith.constant 0 : i32
    "tpu.region"() ({
      %run_scoped3A_217 = tpu.sem_alloc : memref<!tpu.dma_semaphore, #tpu.memory_space<semaphore_mem>>
      %dma_start3A_218 = arith.constant 0 : i32
      %dma_start3A_219 = arith.constant 0 : i32
      %dma_start3A_220 = tpu.memref_slice %arg8[%run_scoped3A_81, %dma_start3A_218, %dma_start3A_219] : memref<2x128x128xf32, #tpu.memory_space<vmem>> -> memref<1x128x128xf32, #tpu.memory_space<vmem>>
      %dma_start3A_221 = tpu.memref_squeeze %dma_start3A_220 : memref<1x128x128xf32, #tpu.memory_space<vmem>> -> memref<128x128xf32, #tpu.memory_space<vmem>>
      %dma_start3A_222 = arith.constant 0 : i32
      %dma_start3A_223 = tpu.memref_slice %arg5[%arg0, %multiple_of3A_79, %run_scoped3A_82, %dma_start3A_222] : memref<2x10240x2x128xf32, #tpu.memory_space<hbm>> -> memref<1x128x1x128xf32, #tpu.memory_space<hbm>>
      %dma_start3A_224 = tpu.memref_squeeze %dma_start3A_223 : memref<1x128x1x128xf32, #tpu.memory_space<hbm>> -> memref<128x128xf32, #tpu.memory_space<hbm>>
      %dma_start3A_225 = arith.constant 0 : i32
      %dma_start3A_226 = tpu.memref_slice %arg5[%arg0, %multiple_of3A_79, %run_scoped3A_82, %dma_start3A_225] : memref<2x10240x2x128xf32, #tpu.memory_space<hbm>> -> memref<1x128x1x128xf32, #tpu.memory_space<hbm>>
      %dma_start3A_227 = tpu.memref_squeeze %dma_start3A_226 : memref<1x128x1x128xf32, #tpu.memory_space<hbm>> -> memref<128x128xf32, #tpu.memory_space<hbm>>
      %dma_start3A_228 = arith.constant 0 : i32
      %dma_start3A_229 = arith.constant 0 : i32
      %dma_start3A_230 = tpu.memref_slice %arg8[%run_scoped3A_81, %dma_start3A_228, %dma_start3A_229] : memref<2x128x128xf32, #tpu.memory_space<vmem>> -> memref<1x128x128xf32, #tpu.memory_space<vmem>>
      %dma_start3A_231 = tpu.memref_squeeze %dma_start3A_230 : memref<1x128x128xf32, #tpu.memory_space<vmem>> -> memref<128x128xf32, #tpu.memory_space<vmem>>
      tpu.enqueue_dma source(%dma_start3A_231 : memref<128x128xf32, #tpu.memory_space<vmem>>) target(%dma_start3A_227 : memref<128x128xf32, #tpu.memory_space<hbm>>) target_semaphore(%run_scoped3A_217 : memref<!tpu.dma_semaphore, #tpu.memory_space<semaphore_mem>>)
      %dma_wait3A_232 = arith.constant 0 : i32
      %dma_wait3A_233 = arith.constant 0 : i32
      %dma_wait3A_234 = tpu.memref_slice %arg8[%run_scoped3A_81, %dma_wait3A_232, %dma_wait3A_233] : memref<2x128x128xf32, #tpu.memory_space<vmem>> -> memref<1x128x128xf32, #tpu.memory_space<vmem>>
      %dma_wait3A_235 = tpu.memref_squeeze %dma_wait3A_234 : memref<1x128x128xf32, #tpu.memory_space<vmem>> -> memref<128x128xf32, #tpu.memory_space<vmem>>
      %dma_wait3A_236 = arith.constant 0 : i32
      %dma_wait3A_237 = tpu.memref_slice %arg5[%arg0, %multiple_of3A_79, %run_scoped3A_82, %dma_wait3A_236] : memref<2x10240x2x128xf32, #tpu.memory_space<hbm>> -> memref<1x128x1x128xf32, #tpu.memory_space<hbm>>
      %dma_wait3A_238 = tpu.memref_squeeze %dma_wait3A_237 : memref<1x128x1x128xf32, #tpu.memory_space<hbm>> -> memref<128x128xf32, #tpu.memory_space<hbm>>
      %dma_wait3A_239 = arith.constant 0 : i32
      %dma_wait3A_240 = tpu.memref_slice %arg5[%arg0, %multiple_of3A_79, %run_scoped3A_82, %dma_wait3A_239] : memref<2x10240x2x128xf32, #tpu.memory_space<hbm>> -> memref<1x128x1x128xf32, #tpu.memory_space<hbm>>
      %dma_wait3A_241 = tpu.memref_squeeze %dma_wait3A_240 : memref<1x128x1x128xf32, #tpu.memory_space<hbm>> -> memref<128x128xf32, #tpu.memory_space<hbm>>
      %dma_wait3A_242 = arith.constant 0 : i32
      %dma_wait3A_243 = arith.constant 0 : i32
      %dma_wait3A_244 = tpu.memref_slice %arg8[%run_scoped3A_81, %dma_wait3A_242, %dma_wait3A_243] : memref<2x128x128xf32, #tpu.memory_space<vmem>> -> memref<1x128x128xf32, #tpu.memory_space<vmem>>
      %dma_wait3A_245 = tpu.memref_squeeze %dma_wait3A_244 : memref<1x128x128xf32, #tpu.memory_space<vmem>> -> memref<128x128xf32, #tpu.memory_space<vmem>>
      tpu.wait_dma2 semaphore(%run_scoped3A_217 : memref<!tpu.dma_semaphore, #tpu.memory_space<semaphore_mem>>) src(%dma_wait3A_245 : memref<128x128xf32, #tpu.memory_space<vmem>>) dst(%dma_wait3A_241 : memref<128x128xf32, #tpu.memory_space<hbm>>)
      tpu.yield
    }) : () -> ()
    %add3A_83 = arith.constant 128 : i32
    %add3A_84 = arith.addi %multiple_of3A, %add3A_83 : i32
    %multiple_of3A_85 = tpu.assume_multiple %add3A_84, 128 : i32
    %run_scoped3A_86 = arith.constant 0 : i32
    "tpu.region"() ({
      %run_scoped3A_217 = tpu.sem_alloc : memref<!tpu.dma_semaphore, #tpu.memory_space<semaphore_mem>>
      %dma_start3A_218 = arith.constant 0 : i32
      %dma_start3A_219 = arith.constant 0 : i32
      %dma_start3A_220 = tpu.memref_slice %arg8[%run_scoped3A_86, %dma_start3A_218, %dma_start3A_219] : memref<2x128x128xf32, #tpu.memory_space<vmem>> -> memref<1x128x128xf32, #tpu.memory_space<vmem>>
      %dma_start3A_221 = tpu.memref_squeeze %dma_start3A_220 : memref<1x128x128xf32, #tpu.memory_space<vmem>> -> memref<128x128xf32, #tpu.memory_space<vmem>>
      %dma_start3A_222 = arith.constant 0 : i32
      %dma_start3A_223 = tpu.memref_slice %arg6[%multiple_of3A_85, %dma_start3A_222] : memref<10240x128xf32, #tpu.memory_space<vmem_shared>> -> memref<128x128xf32, #tpu.memory_space<vmem_shared>>
      %dma_start3A_224 = arith.constant 0 : i32
      %dma_start3A_225 = arith.constant 0 : i32
      %dma_start3A_226 = tpu.memref_slice %arg8[%run_scoped3A_86, %dma_start3A_224, %dma_start3A_225] : memref<2x128x128xf32, #tpu.memory_space<vmem>> -> memref<1x128x128xf32, #tpu.memory_space<vmem>>
      %dma_start3A_227 = tpu.memref_squeeze %dma_start3A_226 : memref<1x128x128xf32, #tpu.memory_space<vmem>> -> memref<128x128xf32, #tpu.memory_space<vmem>>
      %dma_start3A_228 = arith.constant 0 : i32
      %dma_start3A_229 = tpu.memref_slice %arg6[%multiple_of3A_85, %dma_start3A_228] : memref<10240x128xf32, #tpu.memory_space<vmem_shared>> -> memref<128x128xf32, #tpu.memory_space<vmem_shared>>
      tpu.enqueue_dma source(%dma_start3A_229 : memref<128x128xf32, #tpu.memory_space<vmem_shared>>) target(%dma_start3A_227 : memref<128x128xf32, #tpu.memory_space<vmem>>) target_semaphore(%run_scoped3A_217 : memref<!tpu.dma_semaphore, #tpu.memory_space<semaphore_mem>>)
      %dma_wait3A_230 = arith.constant 0 : i32
      %dma_wait3A_231 = arith.constant 0 : i32
      %dma_wait3A_232 = tpu.memref_slice %arg8[%run_scoped3A_86, %dma_wait3A_230, %dma_wait3A_231] : memref<2x128x128xf32, #tpu.memory_space<vmem>> -> memref<1x128x128xf32, #tpu.memory_space<vmem>>
      %dma_wait3A_233 = tpu.memref_squeeze %dma_wait3A_232 : memref<1x128x128xf32, #tpu.memory_space<vmem>> -> memref<128x128xf32, #tpu.memory_space<vmem>>
      %dma_wait3A_234 = arith.constant 0 : i32
      %dma_wait3A_235 = tpu.memref_slice %arg6[%multiple_of3A_85, %dma_wait3A_234] : memref<10240x128xf32, #tpu.memory_space<vmem_shared>> -> memref<128x128xf32, #tpu.memory_space<vmem_shared>>
      %dma_wait3A_236 = arith.constant 0 : i32
      %dma_wait3A_237 = arith.constant 0 : i32
      %dma_wait3A_238 = tpu.memref_slice %arg8[%run_scoped3A_86, %dma_wait3A_236, %dma_wait3A_237] : memref<2x128x128xf32, #tpu.memory_space<vmem>> -> memref<1x128x128xf32, #tpu.memory_space<vmem>>
      %dma_wait3A_239 = tpu.memref_squeeze %dma_wait3A_238 : memref<1x128x128xf32, #tpu.memory_space<vmem>> -> memref<128x128xf32, #tpu.memory_space<vmem>>
      %dma_wait3A_240 = arith.constant 0 : i32
      %dma_wait3A_241 = tpu.memref_slice %arg6[%multiple_of3A_85, %dma_wait3A_240] : memref<10240x128xf32, #tpu.memory_space<vmem_shared>> -> memref<128x128xf32, #tpu.memory_space<vmem_shared>>
      tpu.wait_dma2 semaphore(%run_scoped3A_217 : memref<!tpu.dma_semaphore, #tpu.memory_space<semaphore_mem>>) src(%dma_wait3A_241 : memref<128x128xf32, #tpu.memory_space<vmem_shared>>) dst(%dma_wait3A_239 : memref<128x128xf32, #tpu.memory_space<vmem>>)
      tpu.yield
    }) : () -> ()
    %run_scoped3A_87 = arith.constant 0 : i32
    %run_scoped3A_88 = arith.constant 0 : i32
    "tpu.region"() ({
      %run_scoped3A_217 = tpu.sem_alloc : memref<!tpu.dma_semaphore, #tpu.memory_space<semaphore_mem>>
      %dma_start3A_218 = arith.constant 0 : i32
      %dma_start3A_219 = arith.constant 0 : i32
      %dma_start3A_220 = tpu.memref_slice %arg8[%run_scoped3A_87, %dma_start3A_218, %dma_start3A_219] : memref<2x128x128xf32, #tpu.memory_space<vmem>> -> memref<1x128x128xf32, #tpu.memory_space<vmem>>
      %dma_start3A_221 = tpu.memref_squeeze %dma_start3A_220 : memref<1x128x128xf32, #tpu.memory_space<vmem>> -> memref<128x128xf32, #tpu.memory_space<vmem>>
      %dma_start3A_222 = arith.constant 0 : i32
      %dma_start3A_223 = tpu.memref_slice %arg5[%arg0, %multiple_of3A_85, %run_scoped3A_88, %dma_start3A_222] : memref<2x10240x2x128xf32, #tpu.memory_space<hbm>> -> memref<1x128x1x128xf32, #tpu.memory_space<hbm>>
      %dma_start3A_224 = tpu.memref_squeeze %dma_start3A_223 : memref<1x128x1x128xf32, #tpu.memory_space<hbm>> -> memref<128x128xf32, #tpu.memory_space<hbm>>
      %dma_start3A_225 = arith.constant 0 : i32
      %dma_start3A_226 = tpu.memref_slice %arg5[%arg0, %multiple_of3A_85, %run_scoped3A_88, %dma_start3A_225] : memref<2x10240x2x128xf32, #tpu.memory_space<hbm>> -> memref<1x128x1x128xf32, #tpu.memory_space<hbm>>
      %dma_start3A_227 = tpu.memref_squeeze %dma_start3A_226 : memref<1x128x1x128xf32, #tpu.memory_space<hbm>> -> memref<128x128xf32, #tpu.memory_space<hbm>>
      %dma_start3A_228 = arith.constant 0 : i32
      %dma_start3A_229 = arith.constant 0 : i32
      %dma_start3A_230 = tpu.memref_slice %arg8[%run_scoped3A_87, %dma_start3A_228, %dma_start3A_229] : memref<2x128x128xf32, #tpu.memory_space<vmem>> -> memref<1x128x128xf32, #tpu.memory_space<vmem>>
      %dma_start3A_231 = tpu.memref_squeeze %dma_start3A_230 : memref<1x128x128xf32, #tpu.memory_space<vmem>> -> memref<128x128xf32, #tpu.memory_space<vmem>>
      tpu.enqueue_dma source(%dma_start3A_231 : memref<128x128xf32, #tpu.memory_space<vmem>>) target(%dma_start3A_227 : memref<128x128xf32, #tpu.memory_space<hbm>>) target_semaphore(%run_scoped3A_217 : memref<!tpu.dma_semaphore, #tpu.memory_space<semaphore_mem>>)
      %dma_wait3A_232 = arith.constant 0 : i32
      %dma_wait3A_233 = arith.constant 0 : i32
      %dma_wait3A_234 = tpu.memref_slice %arg8[%run_scoped3A_87, %dma_wait3A_232, %dma_wait3A_233] : memref<2x128x128xf32, #tpu.memory_space<vmem>> -> memref<1x128x128xf32, #tpu.memory_space<vmem>>
      %dma_wait3A_235 = tpu.memref_squeeze %dma_wait3A_234 : memref<1x128x128xf32, #tpu.memory_space<vmem>> -> memref<128x128xf32, #tpu.memory_space<vmem>>
      %dma_wait3A_236 = arith.constant 0 : i32
      %dma_wait3A_237 = tpu.memref_slice %arg5[%arg0, %multiple_of3A_85, %run_scoped3A_88, %dma_wait3A_236] : memref<2x10240x2x128xf32, #tpu.memory_space<hbm>> -> memref<1x128x1x128xf32, #tpu.memory_space<hbm>>
      %dma_wait3A_238 = tpu.memref_squeeze %dma_wait3A_237 : memref<1x128x1x128xf32, #tpu.memory_space<hbm>> -> memref<128x128xf32, #tpu.memory_space<hbm>>
      %dma_wait3A_239 = arith.constant 0 : i32
      %dma_wait3A_240 = tpu.memref_slice %arg5[%arg0, %multiple_of3A_85, %run_scoped3A_88, %dma_wait3A_239] : memref<2x10240x2x128xf32, #tpu.memory_space<hbm>> -> memref<1x128x1x128xf32, #tpu.memory_space<hbm>>
      %dma_wait3A_241 = tpu.memref_squeeze %dma_wait3A_240 : memref<1x128x1x128xf32, #tpu.memory_space<hbm>> -> memref<128x128xf32, #tpu.memory_space<hbm>>
      %dma_wait3A_242 = arith.constant 0 : i32
      %dma_wait3A_243 = arith.constant 0 : i32
      %dma_wait3A_244 = tpu.memref_slice %arg8[%run_scoped3A_87, %dma_wait3A_242, %dma_wait3A_243] : memref<2x128x128xf32, #tpu.memory_space<vmem>> -> memref<1x128x128xf32, #tpu.memory_space<vmem>>
      %dma_wait3A_245 = tpu.memref_squeeze %dma_wait3A_244 : memref<1x128x128xf32, #tpu.memory_space<vmem>> -> memref<128x128xf32, #tpu.memory_space<vmem>>
      tpu.wait_dma2 semaphore(%run_scoped3A_217 : memref<!tpu.dma_semaphore, #tpu.memory_space<semaphore_mem>>) src(%dma_wait3A_245 : memref<128x128xf32, #tpu.memory_space<vmem>>) dst(%dma_wait3A_241 : memref<128x128xf32, #tpu.memory_space<hbm>>)
      tpu.yield
    }) : () -> ()
    %add3A_89 = arith.constant 256 : i32
    %add3A_90 = arith.addi %multiple_of3A, %add3A_89 : i32
    %multiple_of3A_91 = tpu.assume_multiple %add3A_90, 128 : i32
    %run_scoped3A_92 = arith.constant 0 : i32
    "tpu.region"() ({
      %run_scoped3A_217 = tpu.sem_alloc : memref<!tpu.dma_semaphore, #tpu.memory_space<semaphore_mem>>
      %dma_start3A_218 = arith.constant 0 : i32
      %dma_start3A_219 = arith.constant 0 : i32
      %dma_start3A_220 = tpu.memref_slice %arg8[%run_scoped3A_92, %dma_start3A_218, %dma_start3A_219] : memref<2x128x128xf32, #tpu.memory_space<vmem>> -> memref<1x128x128xf32, #tpu.memory_space<vmem>>
      %dma_start3A_221 = tpu.memref_squeeze %dma_start3A_220 : memref<1x128x128xf32, #tpu.memory_space<vmem>> -> memref<128x128xf32, #tpu.memory_space<vmem>>
      %dma_start3A_222 = arith.constant 0 : i32
      %dma_start3A_223 = tpu.memref_slice %arg6[%multiple_of3A_91, %dma_start3A_222] : memref<10240x128xf32, #tpu.memory_space<vmem_shared>> -> memref<128x128xf32, #tpu.memory_space<vmem_shared>>
      %dma_start3A_224 = arith.constant 0 : i32
      %dma_start3A_225 = arith.constant 0 : i32
      %dma_start3A_226 = tpu.memref_slice %arg8[%run_scoped3A_92, %dma_start3A_224, %dma_start3A_225] : memref<2x128x128xf32, #tpu.memory_space<vmem>> -> memref<1x128x128xf32, #tpu.memory_space<vmem>>
      %dma_start3A_227 = tpu.memref_squeeze %dma_start3A_226 : memref<1x128x128xf32, #tpu.memory_space<vmem>> -> memref<128x128xf32, #tpu.memory_space<vmem>>
      %dma_start3A_228 = arith.constant 0 : i32
      %dma_start3A_229 = tpu.memref_slice %arg6[%multiple_of3A_91, %dma_start3A_228] : memref<10240x128xf32, #tpu.memory_space<vmem_shared>> -> memref<128x128xf32, #tpu.memory_space<vmem_shared>>
      tpu.enqueue_dma source(%dma_start3A_229 : memref<128x128xf32, #tpu.memory_space<vmem_shared>>) target(%dma_start3A_227 : memref<128x128xf32, #tpu.memory_space<vmem>>) target_semaphore(%run_scoped3A_217 : memref<!tpu.dma_semaphore, #tpu.memory_space<semaphore_mem>>)
      %dma_wait3A_230 = arith.constant 0 : i32
      %dma_wait3A_231 = arith.constant 0 : i32
      %dma_wait3A_232 = tpu.memref_slice %arg8[%run_scoped3A_92, %dma_wait3A_230, %dma_wait3A_231] : memref<2x128x128xf32, #tpu.memory_space<vmem>> -> memref<1x128x128xf32, #tpu.memory_space<vmem>>
      %dma_wait3A_233 = tpu.memref_squeeze %dma_wait3A_232 : memref<1x128x128xf32, #tpu.memory_space<vmem>> -> memref<128x128xf32, #tpu.memory_space<vmem>>
      %dma_wait3A_234 = arith.constant 0 : i32
      %dma_wait3A_235 = tpu.memref_slice %arg6[%multiple_of3A_91, %dma_wait3A_234] : memref<10240x128xf32, #tpu.memory_space<vmem_shared>> -> memref<128x128xf32, #tpu.memory_space<vmem_shared>>
      %dma_wait3A_236 = arith.constant 0 : i32
      %dma_wait3A_237 = arith.constant 0 : i32
      %dma_wait3A_238 = tpu.memref_slice %arg8[%run_scoped3A_92, %dma_wait3A_236, %dma_wait3A_237] : memref<2x128x128xf32, #tpu.memory_space<vmem>> -> memref<1x128x128xf32, #tpu.memory_space<vmem>>
      %dma_wait3A_239 = tpu.memref_squeeze %dma_wait3A_238 : memref<1x128x128xf32, #tpu.memory_space<vmem>> -> memref<128x128xf32, #tpu.memory_space<vmem>>
      %dma_wait3A_240 = arith.constant 0 : i32
      %dma_wait3A_241 = tpu.memref_slice %arg6[%multiple_of3A_91, %dma_wait3A_240] : memref<10240x128xf32, #tpu.memory_space<vmem_shared>> -> memref<128x128xf32, #tpu.memory_space<vmem_shared>>
      tpu.wait_dma2 semaphore(%run_scoped3A_217 : memref<!tpu.dma_semaphore, #tpu.memory_space<semaphore_mem>>) src(%dma_wait3A_241 : memref<128x128xf32, #tpu.memory_space<vmem_shared>>) dst(%dma_wait3A_239 : memref<128x128xf32, #tpu.memory_space<vmem>>)
      tpu.yield
    }) : () -> ()
    %run_scoped3A_93 = arith.constant 0 : i32
    %run_scoped3A_94 = arith.constant 0 : i32
    "tpu.region"() ({
      %run_scoped3A_217 = tpu.sem_alloc : memref<!tpu.dma_semaphore, #tpu.memory_space<semaphore_mem>>
      %dma_start3A_218 = arith.constant 0 : i32
      %dma_start3A_219 = arith.constant 0 : i32
      %dma_start3A_220 = tpu.memref_slice %arg8[%run_scoped3A_93, %dma_start3A_218, %dma_start3A_219] : memref<2x128x128xf32, #tpu.memory_space<vmem>> -> memref<1x128x128xf32, #tpu.memory_space<vmem>>
      %dma_start3A_221 = tpu.memref_squeeze %dma_start3A_220 : memref<1x128x128xf32, #tpu.memory_space<vmem>> -> memref<128x128xf32, #tpu.memory_space<vmem>>
      %dma_start3A_222 = arith.constant 0 : i32
      %dma_start3A_223 = tpu.memref_slice %arg5[%arg0, %multiple_of3A_91, %run_scoped3A_94, %dma_start3A_222] : memref<2x10240x2x128xf32, #tpu.memory_space<hbm>> -> memref<1x128x1x128xf32, #tpu.memory_space<hbm>>
      %dma_start3A_224 = tpu.memref_squeeze %dma_start3A_223 : memref<1x128x1x128xf32, #tpu.memory_space<hbm>> -> memref<128x128xf32, #tpu.memory_space<hbm>>
      %dma_start3A_225 = arith.constant 0 : i32
      %dma_start3A_226 = tpu.memref_slice %arg5[%arg0, %multiple_of3A_91, %run_scoped3A_94, %dma_start3A_225] : memref<2x10240x2x128xf32, #tpu.memory_space<hbm>> -> memref<1x128x1x128xf32, #tpu.memory_space<hbm>>
      %dma_start3A_227 = tpu.memref_squeeze %dma_start3A_226 : memref<1x128x1x128xf32, #tpu.memory_space<hbm>> -> memref<128x128xf32, #tpu.memory_space<hbm>>
      %dma_start3A_228 = arith.constant 0 : i32
      %dma_start3A_229 = arith.constant 0 : i32
      %dma_start3A_230 = tpu.memref_slice %arg8[%run_scoped3A_93, %dma_start3A_228, %dma_start3A_229] : memref<2x128x128xf32, #tpu.memory_space<vmem>> -> memref<1x128x128xf32, #tpu.memory_space<vmem>>
      %dma_start3A_231 = tpu.memref_squeeze %dma_start3A_230 : memref<1x128x128xf32, #tpu.memory_space<vmem>> -> memref<128x128xf32, #tpu.memory_space<vmem>>
      tpu.enqueue_dma source(%dma_start3A_231 : memref<128x128xf32, #tpu.memory_space<vmem>>) target(%dma_start3A_227 : memref<128x128xf32, #tpu.memory_space<hbm>>) target_semaphore(%run_scoped3A_217 : memref<!tpu.dma_semaphore, #tpu.memory_space<semaphore_mem>>)
      %dma_wait3A_232 = arith.constant 0 : i32
      %dma_wait3A_233 = arith.constant 0 : i32
      %dma_wait3A_234 = tpu.memref_slice %arg8[%run_scoped3A_93, %dma_wait3A_232, %dma_wait3A_233] : memref<2x128x128xf32, #tpu.memory_space<vmem>> -> memref<1x128x128xf32, #tpu.memory_space<vmem>>
      %dma_wait3A_235 = tpu.memref_squeeze %dma_wait3A_234 : memref<1x128x128xf32, #tpu.memory_space<vmem>> -> memref<128x128xf32, #tpu.memory_space<vmem>>
      %dma_wait3A_236 = arith.constant 0 : i32
      %dma_wait3A_237 = tpu.memref_slice %arg5[%arg0, %multiple_of3A_91, %run_scoped3A_94, %dma_wait3A_236] : memref<2x10240x2x128xf32, #tpu.memory_space<hbm>> -> memref<1x128x1x128xf32, #tpu.memory_space<hbm>>
      %dma_wait3A_238 = tpu.memref_squeeze %dma_wait3A_237 : memref<1x128x1x128xf32, #tpu.memory_space<hbm>> -> memref<128x128xf32, #tpu.memory_space<hbm>>
      %dma_wait3A_239 = arith.constant 0 : i32
      %dma_wait3A_240 = tpu.memref_slice %arg5[%arg0, %multiple_of3A_91, %run_scoped3A_94, %dma_wait3A_239] : memref<2x10240x2x128xf32, #tpu.memory_space<hbm>> -> memref<1x128x1x128xf32, #tpu.memory_space<hbm>>
      %dma_wait3A_241 = tpu.memref_squeeze %dma_wait3A_240 : memref<1x128x1x128xf32, #tpu.memory_space<hbm>> -> memref<128x128xf32, #tpu.memory_space<hbm>>
      %dma_wait3A_242 = arith.constant 0 : i32
      %dma_wait3A_243 = arith.constant 0 : i32
      %dma_wait3A_244 = tpu.memref_slice %arg8[%run_scoped3A_93, %dma_wait3A_242, %dma_wait3A_243] : memref<2x128x128xf32, #tpu.memory_space<vmem>> -> memref<1x128x128xf32, #tpu.memory_space<vmem>>
      %dma_wait3A_245 = tpu.memref_squeeze %dma_wait3A_244 : memref<1x128x128xf32, #tpu.memory_space<vmem>> -> memref<128x128xf32, #tpu.memory_space<vmem>>
      tpu.wait_dma2 semaphore(%run_scoped3A_217 : memref<!tpu.dma_semaphore, #tpu.memory_space<semaphore_mem>>) src(%dma_wait3A_245 : memref<128x128xf32, #tpu.memory_space<vmem>>) dst(%dma_wait3A_241 : memref<128x128xf32, #tpu.memory_space<hbm>>)
      tpu.yield
    }) : () -> ()
    %add3A_95 = arith.constant 384 : i32
    %add3A_96 = arith.addi %multiple_of3A, %add3A_95 : i32
    %multiple_of3A_97 = tpu.assume_multiple %add3A_96, 128 : i32
    %run_scoped3A_98 = arith.constant 0 : i32
    "tpu.region"() ({
      %run_scoped3A_217 = tpu.sem_alloc : memref<!tpu.dma_semaphore, #tpu.memory_space<semaphore_mem>>
      %dma_start3A_218 = arith.constant 0 : i32
      %dma_start3A_219 = arith.constant 0 : i32
      %dma_start3A_220 = tpu.memref_slice %arg8[%run_scoped3A_98, %dma_start3A_218, %dma_start3A_219] : memref<2x128x128xf32, #tpu.memory_space<vmem>> -> memref<1x128x128xf32, #tpu.memory_space<vmem>>
      %dma_start3A_221 = tpu.memref_squeeze %dma_start3A_220 : memref<1x128x128xf32, #tpu.memory_space<vmem>> -> memref<128x128xf32, #tpu.memory_space<vmem>>
      %dma_start3A_222 = arith.constant 0 : i32
      %dma_start3A_223 = tpu.memref_slice %arg6[%multiple_of3A_97, %dma_start3A_222] : memref<10240x128xf32, #tpu.memory_space<vmem_shared>> -> memref<128x128xf32, #tpu.memory_space<vmem_shared>>
      %dma_start3A_224 = arith.constant 0 : i32
      %dma_start3A_225 = arith.constant 0 : i32
      %dma_start3A_226 = tpu.memref_slice %arg8[%run_scoped3A_98, %dma_start3A_224, %dma_start3A_225] : memref<2x128x128xf32, #tpu.memory_space<vmem>> -> memref<1x128x128xf32, #tpu.memory_space<vmem>>
      %dma_start3A_227 = tpu.memref_squeeze %dma_start3A_226 : memref<1x128x128xf32, #tpu.memory_space<vmem>> -> memref<128x128xf32, #tpu.memory_space<vmem>>
      %dma_start3A_228 = arith.constant 0 : i32
      %dma_start3A_229 = tpu.memref_slice %arg6[%multiple_of3A_97, %dma_start3A_228] : memref<10240x128xf32, #tpu.memory_space<vmem_shared>> -> memref<128x128xf32, #tpu.memory_space<vmem_shared>>
      tpu.enqueue_dma source(%dma_start3A_229 : memref<128x128xf32, #tpu.memory_space<vmem_shared>>) target(%dma_start3A_227 : memref<128x128xf32, #tpu.memory_space<vmem>>) target_semaphore(%run_scoped3A_217 : memref<!tpu.dma_semaphore, #tpu.memory_space<semaphore_mem>>)
      %dma_wait3A_230 = arith.constant 0 : i32
      %dma_wait3A_231 = arith.constant 0 : i32
      %dma_wait3A_232 = tpu.memref_slice %arg8[%run_scoped3A_98, %dma_wait3A_230, %dma_wait3A_231] : memref<2x128x128xf32, #tpu.memory_space<vmem>> -> memref<1x128x128xf32, #tpu.memory_space<vmem>>
      %dma_wait3A_233 = tpu.memref_squeeze %dma_wait3A_232 : memref<1x128x128xf32, #tpu.memory_space<vmem>> -> memref<128x128xf32, #tpu.memory_space<vmem>>
      %dma_wait3A_234 = arith.constant 0 : i32
      %dma_wait3A_235 = tpu.memref_slice %arg6[%multiple_of3A_97, %dma_wait3A_234] : memref<10240x128xf32, #tpu.memory_space<vmem_shared>> -> memref<128x128xf32, #tpu.memory_space<vmem_shared>>
      %dma_wait3A_236 = arith.constant 0 : i32
      %dma_wait3A_237 = arith.constant 0 : i32
      %dma_wait3A_238 = tpu.memref_slice %arg8[%run_scoped3A_98, %dma_wait3A_236, %dma_wait3A_237] : memref<2x128x128xf32, #tpu.memory_space<vmem>> -> memref<1x128x128xf32, #tpu.memory_space<vmem>>
      %dma_wait3A_239 = tpu.memref_squeeze %dma_wait3A_238 : memref<1x128x128xf32, #tpu.memory_space<vmem>> -> memref<128x128xf32, #tpu.memory_space<vmem>>
      %dma_wait3A_240 = arith.constant 0 : i32
      %dma_wait3A_241 = tpu.memref_slice %arg6[%multiple_of3A_97, %dma_wait3A_240] : memref<10240x128xf32, #tpu.memory_space<vmem_shared>> -> memref<128x128xf32, #tpu.memory_space<vmem_shared>>
      tpu.wait_dma2 semaphore(%run_scoped3A_217 : memref<!tpu.dma_semaphore, #tpu.memory_space<semaphore_mem>>) src(%dma_wait3A_241 : memref<128x128xf32, #tpu.memory_space<vmem_shared>>) dst(%dma_wait3A_239 : memref<128x128xf32, #tpu.memory_space<vmem>>)
      tpu.yield
    }) : () -> ()
    %run_scoped3A_99 = arith.constant 0 : i32
    %run_scoped3A_100 = arith.constant 0 : i32
    "tpu.region"() ({
      %run_scoped3A_217 = tpu.sem_alloc : memref<!tpu.dma_semaphore, #tpu.memory_space<semaphore_mem>>
      %dma_start3A_218 = arith.constant 0 : i32
      %dma_start3A_219 = arith.constant 0 : i32
      %dma_start3A_220 = tpu.memref_slice %arg8[%run_scoped3A_99, %dma_start3A_218, %dma_start3A_219] : memref<2x128x128xf32, #tpu.memory_space<vmem>> -> memref<1x128x128xf32, #tpu.memory_space<vmem>>
      %dma_start3A_221 = tpu.memref_squeeze %dma_start3A_220 : memref<1x128x128xf32, #tpu.memory_space<vmem>> -> memref<128x128xf32, #tpu.memory_space<vmem>>
      %dma_start3A_222 = arith.constant 0 : i32
      %dma_start3A_223 = tpu.memref_slice %arg5[%arg0, %multiple_of3A_97, %run_scoped3A_100, %dma_start3A_222] : memref<2x10240x2x128xf32, #tpu.memory_space<hbm>> -> memref<1x128x1x128xf32, #tpu.memory_space<hbm>>
      %dma_start3A_224 = tpu.memref_squeeze %dma_start3A_223 : memref<1x128x1x128xf32, #tpu.memory_space<hbm>> -> memref<128x128xf32, #tpu.memory_space<hbm>>
      %dma_start3A_225 = arith.constant 0 : i32
      %dma_start3A_226 = tpu.memref_slice %arg5[%arg0, %multiple_of3A_97, %run_scoped3A_100, %dma_start3A_225] : memref<2x10240x2x128xf32, #tpu.memory_space<hbm>> -> memref<1x128x1x128xf32, #tpu.memory_space<hbm>>
      %dma_start3A_227 = tpu.memref_squeeze %dma_start3A_226 : memref<1x128x1x128xf32, #tpu.memory_space<hbm>> -> memref<128x128xf32, #tpu.memory_space<hbm>>
      %dma_start3A_228 = arith.constant 0 : i32
      %dma_start3A_229 = arith.constant 0 : i32
      %dma_start3A_230 = tpu.memref_slice %arg8[%run_scoped3A_99, %dma_start3A_228, %dma_start3A_229] : memref<2x128x128xf32, #tpu.memory_space<vmem>> -> memref<1x128x128xf32, #tpu.memory_space<vmem>>
      %dma_start3A_231 = tpu.memref_squeeze %dma_start3A_230 : memref<1x128x128xf32, #tpu.memory_space<vmem>> -> memref<128x128xf32, #tpu.memory_space<vmem>>
      tpu.enqueue_dma source(%dma_start3A_231 : memref<128x128xf32, #tpu.memory_space<vmem>>) target(%dma_start3A_227 : memref<128x128xf32, #tpu.memory_space<hbm>>) target_semaphore(%run_scoped3A_217 : memref<!tpu.dma_semaphore, #tpu.memory_space<semaphore_mem>>)
      %dma_wait3A_232 = arith.constant 0 : i32
      %dma_wait3A_233 = arith.constant 0 : i32
      %dma_wait3A_234 = tpu.memref_slice %arg8[%run_scoped3A_99, %dma_wait3A_232, %dma_wait3A_233] : memref<2x128x128xf32, #tpu.memory_space<vmem>> -> memref<1x128x128xf32, #tpu.memory_space<vmem>>
      %dma_wait3A_235 = tpu.memref_squeeze %dma_wait3A_234 : memref<1x128x128xf32, #tpu.memory_space<vmem>> -> memref<128x128xf32, #tpu.memory_space<vmem>>
      %dma_wait3A_236 = arith.constant 0 : i32
      %dma_wait3A_237 = tpu.memref_slice %arg5[%arg0, %multiple_of3A_97, %run_scoped3A_100, %dma_wait3A_236] : memref<2x10240x2x128xf32, #tpu.memory_space<hbm>> -> memref<1x128x1x128xf32, #tpu.memory_space<hbm>>
      %dma_wait3A_238 = tpu.memref_squeeze %dma_wait3A_237 : memref<1x128x1x128xf32, #tpu.memory_space<hbm>> -> memref<128x128xf32, #tpu.memory_space<hbm>>
      %dma_wait3A_239 = arith.constant 0 : i32
      %dma_wait3A_240 = tpu.memref_slice %arg5[%arg0, %multiple_of3A_97, %run_scoped3A_100, %dma_wait3A_239] : memref<2x10240x2x128xf32, #tpu.memory_space<hbm>> -> memref<1x128x1x128xf32, #tpu.memory_space<hbm>>
      %dma_wait3A_241 = tpu.memref_squeeze %dma_wait3A_240 : memref<1x128x1x128xf32, #tpu.memory_space<hbm>> -> memref<128x128xf32, #tpu.memory_space<hbm>>
      %dma_wait3A_242 = arith.constant 0 : i32
      %dma_wait3A_243 = arith.constant 0 : i32
      %dma_wait3A_244 = tpu.memref_slice %arg8[%run_scoped3A_99, %dma_wait3A_242, %dma_wait3A_243] : memref<2x128x128xf32, #tpu.memory_space<vmem>> -> memref<1x128x128xf32, #tpu.memory_space<vmem>>
      %dma_wait3A_245 = tpu.memref_squeeze %dma_wait3A_244 : memref<1x128x128xf32, #tpu.memory_space<vmem>> -> memref<128x128xf32, #tpu.memory_space<vmem>>
      tpu.wait_dma2 semaphore(%run_scoped3A_217 : memref<!tpu.dma_semaphore, #tpu.memory_space<semaphore_mem>>) src(%dma_wait3A_245 : memref<128x128xf32, #tpu.memory_space<vmem>>) dst(%dma_wait3A_241 : memref<128x128xf32, #tpu.memory_space<hbm>>)
      tpu.yield
    }) : () -> ()
    %add3A_101 = arith.constant 512 : i32
    %add3A_102 = arith.addi %multiple_of3A, %add3A_101 : i32
    %multiple_of3A_103 = tpu.assume_multiple %add3A_102, 128 : i32
    %run_scoped3A_104 = arith.constant 0 : i32
    "tpu.region"() ({
      %run_scoped3A_217 = tpu.sem_alloc : memref<!tpu.dma_semaphore, #tpu.memory_space<semaphore_mem>>
      %dma_start3A_218 = arith.constant 0 : i32
      %dma_start3A_219 = arith.constant 0 : i32
      %dma_start3A_220 = tpu.memref_slice %arg8[%run_scoped3A_104, %dma_start3A_218, %dma_start3A_219] : memref<2x128x128xf32, #tpu.memory_space<vmem>> -> memref<1x128x128xf32, #tpu.memory_space<vmem>>
      %dma_start3A_221 = tpu.memref_squeeze %dma_start3A_220 : memref<1x128x128xf32, #tpu.memory_space<vmem>> -> memref<128x128xf32, #tpu.memory_space<vmem>>
      %dma_start3A_222 = arith.constant 0 : i32
      %dma_start3A_223 = tpu.memref_slice %arg6[%multiple_of3A_103, %dma_start3A_222] : memref<10240x128xf32, #tpu.memory_space<vmem_shared>> -> memref<128x128xf32, #tpu.memory_space<vmem_shared>>
      %dma_start3A_224 = arith.constant 0 : i32
      %dma_start3A_225 = arith.constant 0 : i32
      %dma_start3A_226 = tpu.memref_slice %arg8[%run_scoped3A_104, %dma_start3A_224, %dma_start3A_225] : memref<2x128x128xf32, #tpu.memory_space<vmem>> -> memref<1x128x128xf32, #tpu.memory_space<vmem>>
      %dma_start3A_227 = tpu.memref_squeeze %dma_start3A_226 : memref<1x128x128xf32, #tpu.memory_space<vmem>> -> memref<128x128xf32, #tpu.memory_space<vmem>>
      %dma_start3A_228 = arith.constant 0 : i32
      %dma_start3A_229 = tpu.memref_slice %arg6[%multiple_of3A_103, %dma_start3A_228] : memref<10240x128xf32, #tpu.memory_space<vmem_shared>> -> memref<128x128xf32, #tpu.memory_space<vmem_shared>>
      tpu.enqueue_dma source(%dma_start3A_229 : memref<128x128xf32, #tpu.memory_space<vmem_shared>>) target(%dma_start3A_227 : memref<128x128xf32, #tpu.memory_space<vmem>>) target_semaphore(%run_scoped3A_217 : memref<!tpu.dma_semaphore, #tpu.memory_space<semaphore_mem>>)
      %dma_wait3A_230 = arith.constant 0 : i32
      %dma_wait3A_231 = arith.constant 0 : i32
      %dma_wait3A_232 = tpu.memref_slice %arg8[%run_scoped3A_104, %dma_wait3A_230, %dma_wait3A_231] : memref<2x128x128xf32, #tpu.memory_space<vmem>> -> memref<1x128x128xf32, #tpu.memory_space<vmem>>
      %dma_wait3A_233 = tpu.memref_squeeze %dma_wait3A_232 : memref<1x128x128xf32, #tpu.memory_space<vmem>> -> memref<128x128xf32, #tpu.memory_space<vmem>>
      %dma_wait3A_234 = arith.constant 0 : i32
      %dma_wait3A_235 = tpu.memref_slice %arg6[%multiple_of3A_103, %dma_wait3A_234] : memref<10240x128xf32, #tpu.memory_space<vmem_shared>> -> memref<128x128xf32, #tpu.memory_space<vmem_shared>>
      %dma_wait3A_236 = arith.constant 0 : i32
      %dma_wait3A_237 = arith.constant 0 : i32
      %dma_wait3A_238 = tpu.memref_slice %arg8[%run_scoped3A_104, %dma_wait3A_236, %dma_wait3A_237] : memref<2x128x128xf32, #tpu.memory_space<vmem>> -> memref<1x128x128xf32, #tpu.memory_space<vmem>>
      %dma_wait3A_239 = tpu.memref_squeeze %dma_wait3A_238 : memref<1x128x128xf32, #tpu.memory_space<vmem>> -> memref<128x128xf32, #tpu.memory_space<vmem>>
      %dma_wait3A_240 = arith.constant 0 : i32
      %dma_wait3A_241 = tpu.memref_slice %arg6[%multiple_of3A_103, %dma_wait3A_240] : memref<10240x128xf32, #tpu.memory_space<vmem_shared>> -> memref<128x128xf32, #tpu.memory_space<vmem_shared>>
      tpu.wait_dma2 semaphore(%run_scoped3A_217 : memref<!tpu.dma_semaphore, #tpu.memory_space<semaphore_mem>>) src(%dma_wait3A_241 : memref<128x128xf32, #tpu.memory_space<vmem_shared>>) dst(%dma_wait3A_239 : memref<128x128xf32, #tpu.memory_space<vmem>>)
      tpu.yield
    }) : () -> ()
    %run_scoped3A_105 = arith.constant 0 : i32
    %run_scoped3A_106 = arith.constant 0 : i32
    "tpu.region"() ({
      %run_scoped3A_217 = tpu.sem_alloc : memref<!tpu.dma_semaphore, #tpu.memory_space<semaphore_mem>>
      %dma_start3A_218 = arith.constant 0 : i32
      %dma_start3A_219 = arith.constant 0 : i32
      %dma_start3A_220 = tpu.memref_slice %arg8[%run_scoped3A_105, %dma_start3A_218, %dma_start3A_219] : memref<2x128x128xf32, #tpu.memory_space<vmem>> -> memref<1x128x128xf32, #tpu.memory_space<vmem>>
      %dma_start3A_221 = tpu.memref_squeeze %dma_start3A_220 : memref<1x128x128xf32, #tpu.memory_space<vmem>> -> memref<128x128xf32, #tpu.memory_space<vmem>>
      %dma_start3A_222 = arith.constant 0 : i32
      %dma_start3A_223 = tpu.memref_slice %arg5[%arg0, %multiple_of3A_103, %run_scoped3A_106, %dma_start3A_222] : memref<2x10240x2x128xf32, #tpu.memory_space<hbm>> -> memref<1x128x1x128xf32, #tpu.memory_space<hbm>>
      %dma_start3A_224 = tpu.memref_squeeze %dma_start3A_223 : memref<1x128x1x128xf32, #tpu.memory_space<hbm>> -> memref<128x128xf32, #tpu.memory_space<hbm>>
      %dma_start3A_225 = arith.constant 0 : i32
      %dma_start3A_226 = tpu.memref_slice %arg5[%arg0, %multiple_of3A_103, %run_scoped3A_106, %dma_start3A_225] : memref<2x10240x2x128xf32, #tpu.memory_space<hbm>> -> memref<1x128x1x128xf32, #tpu.memory_space<hbm>>
      %dma_start3A_227 = tpu.memref_squeeze %dma_start3A_226 : memref<1x128x1x128xf32, #tpu.memory_space<hbm>> -> memref<128x128xf32, #tpu.memory_space<hbm>>
      %dma_start3A_228 = arith.constant 0 : i32
      %dma_start3A_229 = arith.constant 0 : i32
      %dma_start3A_230 = tpu.memref_slice %arg8[%run_scoped3A_105, %dma_start3A_228, %dma_start3A_229] : memref<2x128x128xf32, #tpu.memory_space<vmem>> -> memref<1x128x128xf32, #tpu.memory_space<vmem>>
      %dma_start3A_231 = tpu.memref_squeeze %dma_start3A_230 : memref<1x128x128xf32, #tpu.memory_space<vmem>> -> memref<128x128xf32, #tpu.memory_space<vmem>>
      tpu.enqueue_dma source(%dma_start3A_231 : memref<128x128xf32, #tpu.memory_space<vmem>>) target(%dma_start3A_227 : memref<128x128xf32, #tpu.memory_space<hbm>>) target_semaphore(%run_scoped3A_217 : memref<!tpu.dma_semaphore, #tpu.memory_space<semaphore_mem>>)
      %dma_wait3A_232 = arith.constant 0 : i32
      %dma_wait3A_233 = arith.constant 0 : i32
      %dma_wait3A_234 = tpu.memref_slice %arg8[%run_scoped3A_105, %dma_wait3A_232, %dma_wait3A_233] : memref<2x128x128xf32, #tpu.memory_space<vmem>> -> memref<1x128x128xf32, #tpu.memory_space<vmem>>
      %dma_wait3A_235 = tpu.memref_squeeze %dma_wait3A_234 : memref<1x128x128xf32, #tpu.memory_space<vmem>> -> memref<128x128xf32, #tpu.memory_space<vmem>>
      %dma_wait3A_236 = arith.constant 0 : i32
      %dma_wait3A_237 = tpu.memref_slice %arg5[%arg0, %multiple_of3A_103, %run_scoped3A_106, %dma_wait3A_236] : memref<2x10240x2x128xf32, #tpu.memory_space<hbm>> -> memref<1x128x1x128xf32, #tpu.memory_space<hbm>>
      %dma_wait3A_238 = tpu.memref_squeeze %dma_wait3A_237 : memref<1x128x1x128xf32, #tpu.memory_space<hbm>> -> memref<128x128xf32, #tpu.memory_space<hbm>>
      %dma_wait3A_239 = arith.constant 0 : i32
      %dma_wait3A_240 = tpu.memref_slice %arg5[%arg0, %multiple_of3A_103, %run_scoped3A_106, %dma_wait3A_239] : memref<2x10240x2x128xf32, #tpu.memory_space<hbm>> -> memref<1x128x1x128xf32, #tpu.memory_space<hbm>>
      %dma_wait3A_241 = tpu.memref_squeeze %dma_wait3A_240 : memref<1x128x1x128xf32, #tpu.memory_space<hbm>> -> memref<128x128xf32, #tpu.memory_space<hbm>>
      %dma_wait3A_242 = arith.constant 0 : i32
      %dma_wait3A_243 = arith.constant 0 : i32
      %dma_wait3A_244 = tpu.memref_slice %arg8[%run_scoped3A_105, %dma_wait3A_242, %dma_wait3A_243] : memref<2x128x128xf32, #tpu.memory_space<vmem>> -> memref<1x128x128xf32, #tpu.memory_space<vmem>>
      %dma_wait3A_245 = tpu.memref_squeeze %dma_wait3A_244 : memref<1x128x128xf32, #tpu.memory_space<vmem>> -> memref<128x128xf32, #tpu.memory_space<vmem>>
      tpu.wait_dma2 semaphore(%run_scoped3A_217 : memref<!tpu.dma_semaphore, #tpu.memory_space<semaphore_mem>>) src(%dma_wait3A_245 : memref<128x128xf32, #tpu.memory_space<vmem>>) dst(%dma_wait3A_241 : memref<128x128xf32, #tpu.memory_space<hbm>>)
      tpu.yield
    }) : () -> ()
    %barrier3A_107 = arith.constant 0 : index
    tpu.barrier barrier_id(%barrier3A_107)
    %scan3A_108 = arith.constant 0 : i32
    %scan3A_109 = arith.constant 0 : i32
    %scan3A_110 = arith.constant 128 : i32
    %scan3A_111 = arith.addi %scan3A_109, %scan3A_110 : i32
    %scan3A_112 = arith.constant 1 : i32
    scf.for %scan3A_217 = %scan3A_109 to %scan3A_111 step %scan3A_112  : i32 {
      %swap3A = arith.constant 0 : i32
      %swap3A_218 = arith.index_cast %swap3A : i32 to index
      %swap3A_219 = arith.index_cast %scan3A_217 : i32 to index
      %swap3A_220 = arith.constant 0 : index
      %swap3A_221 = tpu.vector_load %arg8[%swap3A_218, %swap3A_219, %swap3A_220] {strides = array<i32>} : memref<2x128x128xf32, #tpu.memory_space<vmem>>, vector<1x1x16xf32>,
      %swap3A_222 = vector.shape_cast %swap3A_221 : vector<1x1x16xf32> to vector<16xf32>
      %swap3A_223 = vector.shape_cast %broadcast_in_dim3A_4 : vector<16xf32> to vector<1x1x16xf32>
      tpu.vector_store %arg8[%swap3A_218, %swap3A_219, %swap3A_220], %swap3A_223 {strides = array<i32>} : memref<2x128x128xf32, #tpu.memory_space<vmem>>, vector<1x1x16xf32>,
      %swap3A_224 = arith.constant 0 : i32
      %swap3A_225 = arith.index_cast %swap3A_224 : i32 to index
      %swap3A_226 = arith.index_cast %scan3A_217 : i32 to index
      %swap3A_227 = arith.constant 16 : index
      %swap3A_228 = tpu.vector_load %arg8[%swap3A_225, %swap3A_226, %swap3A_227] {strides = array<i32>} : memref<2x128x128xf32, #tpu.memory_space<vmem>>, vector<1x1x16xf32>,
      %swap3A_229 = vector.shape_cast %swap3A_228 : vector<1x1x16xf32> to vector<16xf32>
      %swap3A_230 = vector.shape_cast %broadcast_in_dim3A_4 : vector<16xf32> to vector<1x1x16xf32>
      tpu.vector_store %arg8[%swap3A_225, %swap3A_226, %swap3A_227], %swap3A_230 {strides = array<i32>} : memref<2x128x128xf32, #tpu.memory_space<vmem>>, vector<1x1x16xf32>,
      %swap3A_231 = arith.constant 0 : i32
      %swap3A_232 = arith.index_cast %swap3A_231 : i32 to index
      %swap3A_233 = arith.index_cast %scan3A_217 : i32 to index
      %swap3A_234 = arith.constant 32 : index
      %swap3A_235 = tpu.vector_load %arg8[%swap3A_232, %swap3A_233, %swap3A_234] {strides = array<i32>} : memref<2x128x128xf32, #tpu.memory_space<vmem>>, vector<1x1x16xf32>,
      %swap3A_236 = vector.shape_cast %swap3A_235 : vector<1x1x16xf32> to vector<16xf32>
      %swap3A_237 = vector.shape_cast %broadcast_in_dim3A_4 : vector<16xf32> to vector<1x1x16xf32>
      tpu.vector_store %arg8[%swap3A_232, %swap3A_233, %swap3A_234], %swap3A_237 {strides = array<i32>} : memref<2x128x128xf32, #tpu.memory_space<vmem>>, vector<1x1x16xf32>,
      %swap3A_238 = arith.constant 0 : i32
      %swap3A_239 = arith.index_cast %swap3A_238 : i32 to index
      %swap3A_240 = arith.index_cast %scan3A_217 : i32 to index
      %swap3A_241 = arith.constant 48 : index
      %swap3A_242 = tpu.vector_load %arg8[%swap3A_239, %swap3A_240, %swap3A_241] {strides = array<i32>} : memref<2x128x128xf32, #tpu.memory_space<vmem>>, vector<1x1x16xf32>,
      %swap3A_243 = vector.shape_cast %swap3A_242 : vector<1x1x16xf32> to vector<16xf32>
      %swap3A_244 = vector.shape_cast %broadcast_in_dim3A_4 : vector<16xf32> to vector<1x1x16xf32>
      tpu.vector_store %arg8[%swap3A_239, %swap3A_240, %swap3A_241], %swap3A_244 {strides = array<i32>} : memref<2x128x128xf32, #tpu.memory_space<vmem>>, vector<1x1x16xf32>,
      %swap3A_245 = arith.constant 0 : i32
      %swap3A_246 = arith.index_cast %swap3A_245 : i32 to index
      %swap3A_247 = arith.index_cast %scan3A_217 : i32 to index
      %swap3A_248 = arith.constant 64 : index
      %swap3A_249 = tpu.vector_load %arg8[%swap3A_246, %swap3A_247, %swap3A_248] {strides = array<i32>} : memref<2x128x128xf32, #tpu.memory_space<vmem>>, vector<1x1x16xf32>,
      %swap3A_250 = vector.shape_cast %swap3A_249 : vector<1x1x16xf32> to vector<16xf32>
      %swap3A_251 = vector.shape_cast %broadcast_in_dim3A_4 : vector<16xf32> to vector<1x1x16xf32>
      tpu.vector_store %arg8[%swap3A_246, %swap3A_247, %swap3A_248], %swap3A_251 {strides = array<i32>} : memref<2x128x128xf32, #tpu.memory_space<vmem>>, vector<1x1x16xf32>,
      %swap3A_252 = arith.constant 0 : i32
      %swap3A_253 = arith.index_cast %swap3A_252 : i32 to index
      %swap3A_254 = arith.index_cast %scan3A_217 : i32 to index
      %swap3A_255 = arith.constant 80 : index
      %swap3A_256 = tpu.vector_load %arg8[%swap3A_253, %swap3A_254, %swap3A_255] {strides = array<i32>} : memref<2x128x128xf32, #tpu.memory_space<vmem>>, vector<1x1x16xf32>,
      %swap3A_257 = vector.shape_cast %swap3A_256 : vector<1x1x16xf32> to vector<16xf32>
      %swap3A_258 = vector.shape_cast %broadcast_in_dim3A_4 : vector<16xf32> to vector<1x1x16xf32>
      tpu.vector_store %arg8[%swap3A_253, %swap3A_254, %swap3A_255], %swap3A_258 {strides = array<i32>} : memref<2x128x128xf32, #tpu.memory_space<vmem>>, vector<1x1x16xf32>,
      %swap3A_259 = arith.constant 0 : i32
      %swap3A_260 = arith.index_cast %swap3A_259 : i32 to index
      %swap3A_261 = arith.index_cast %scan3A_217 : i32 to index
      %swap3A_262 = arith.constant 96 : index
      %swap3A_263 = tpu.vector_load %arg8[%swap3A_260, %swap3A_261, %swap3A_262] {strides = array<i32>} : memref<2x128x128xf32, #tpu.memory_space<vmem>>, vector<1x1x16xf32>,
      %swap3A_264 = vector.shape_cast %swap3A_263 : vector<1x1x16xf32> to vector<16xf32>
      %swap3A_265 = vector.shape_cast %broadcast_in_dim3A_4 : vector<16xf32> to vector<1x1x16xf32>
      tpu.vector_store %arg8[%swap3A_260, %swap3A_261, %swap3A_262], %swap3A_265 {strides = array<i32>} : memref<2x128x128xf32, #tpu.memory_space<vmem>>, vector<1x1x16xf32>,
      %swap3A_266 = arith.constant 0 : i32
      %swap3A_267 = arith.index_cast %swap3A_266 : i32 to index
      %swap3A_268 = arith.index_cast %scan3A_217 : i32 to index
      %swap3A_269 = arith.constant 112 : index
      %swap3A_270 = tpu.vector_load %arg8[%swap3A_267, %swap3A_268, %swap3A_269] {strides = array<i32>} : memref<2x128x128xf32, #tpu.memory_space<vmem>>, vector<1x1x16xf32>,
      %swap3A_271 = vector.shape_cast %swap3A_270 : vector<1x1x16xf32> to vector<16xf32>
      %swap3A_272 = vector.shape_cast %broadcast_in_dim3A_4 : vector<16xf32> to vector<1x1x16xf32>
      tpu.vector_store %arg8[%swap3A_267, %swap3A_268, %swap3A_269], %swap3A_272 {strides = array<i32>} : memref<2x128x128xf32, #tpu.memory_space<vmem>>, vector<1x1x16xf32>,
    }
    %scan3A_113 = arith.constant 128 : i32
    %add3A_114 = arith.constant 0 : i32
    %add3A_115 = arith.addi %multiple_of3A, %add3A_114 : i32
    %run_scoped3A_116 = arith.constant 0 : i32
    "tpu.region"() ({
      %run_scoped3A_217 = tpu.sem_alloc : memref<!tpu.dma_semaphore, #tpu.memory_space<semaphore_mem>>
      %dma_start3A_218 = arith.constant 0 : i32
      %dma_start3A_219 = arith.constant 0 : i32
      %dma_start3A_220 = tpu.memref_slice %arg8[%run_scoped3A_116, %dma_start3A_218, %dma_start3A_219] : memref<2x128x128xf32, #tpu.memory_space<vmem>> -> memref<1x128x128xf32, #tpu.memory_space<vmem>>
      %dma_start3A_221 = tpu.memref_squeeze %dma_start3A_220 : memref<1x128x128xf32, #tpu.memory_space<vmem>> -> memref<128x128xf32, #tpu.memory_space<vmem>>
      %dma_start3A_222 = arith.constant 0 : i32
      %dma_start3A_223 = tpu.memref_slice %arg6[%add3A_115, %dma_start3A_222] : memref<10240x128xf32, #tpu.memory_space<vmem_shared>> -> memref<128x128xf32, #tpu.memory_space<vmem_shared>>
      %dma_start3A_224 = arith.constant 0 : i32
      %dma_start3A_225 = tpu.memref_slice %arg6[%add3A_115, %dma_start3A_224] : memref<10240x128xf32, #tpu.memory_space<vmem_shared>> -> memref<128x128xf32, #tpu.memory_space<vmem_shared>>
      %dma_start3A_226 = arith.constant 0 : i32
      %dma_start3A_227 = arith.constant 0 : i32
      %dma_start3A_228 = tpu.memref_slice %arg8[%run_scoped3A_116, %dma_start3A_226, %dma_start3A_227] : memref<2x128x128xf32, #tpu.memory_space<vmem>> -> memref<1x128x128xf32, #tpu.memory_space<vmem>>
      %dma_start3A_229 = tpu.memref_squeeze %dma_start3A_228 : memref<1x128x128xf32, #tpu.memory_space<vmem>> -> memref<128x128xf32, #tpu.memory_space<vmem>>
      tpu.enqueue_dma source(%dma_start3A_229 : memref<128x128xf32, #tpu.memory_space<vmem>>) target(%dma_start3A_225 : memref<128x128xf32, #tpu.memory_space<vmem_shared>>) target_semaphore(%run_scoped3A_217 : memref<!tpu.dma_semaphore, #tpu.memory_space<semaphore_mem>>)
      %dma_wait3A_230 = arith.constant 0 : i32
      %dma_wait3A_231 = arith.constant 0 : i32
      %dma_wait3A_232 = tpu.memref_slice %arg8[%run_scoped3A_116, %dma_wait3A_230, %dma_wait3A_231] : memref<2x128x128xf32, #tpu.memory_space<vmem>> -> memref<1x128x128xf32, #tpu.memory_space<vmem>>
      %dma_wait3A_233 = tpu.memref_squeeze %dma_wait3A_232 : memref<1x128x128xf32, #tpu.memory_space<vmem>> -> memref<128x128xf32, #tpu.memory_space<vmem>>
      %dma_wait3A_234 = arith.constant 0 : i32
      %dma_wait3A_235 = tpu.memref_slice %arg6[%add3A_115, %dma_wait3A_234] : memref<10240x128xf32, #tpu.memory_space<vmem_shared>> -> memref<128x128xf32, #tpu.memory_space<vmem_shared>>
      %dma_wait3A_236 = arith.constant 0 : i32
      %dma_wait3A_237 = tpu.memref_slice %arg6[%add3A_115, %dma_wait3A_236] : memref<10240x128xf32, #tpu.memory_space<vmem_shared>> -> memref<128x128xf32, #tpu.memory_space<vmem_shared>>
      %dma_wait3A_238 = arith.constant 0 : i32
      %dma_wait3A_239 = arith.constant 0 : i32
      %dma_wait3A_240 = tpu.memref_slice %arg8[%run_scoped3A_116, %dma_wait3A_238, %dma_wait3A_239] : memref<2x128x128xf32, #tpu.memory_space<vmem>> -> memref<1x128x128xf32, #tpu.memory_space<vmem>>
      %dma_wait3A_241 = tpu.memref_squeeze %dma_wait3A_240 : memref<1x128x128xf32, #tpu.memory_space<vmem>> -> memref<128x128xf32, #tpu.memory_space<vmem>>
      tpu.wait_dma2 semaphore(%run_scoped3A_217 : memref<!tpu.dma_semaphore, #tpu.memory_space<semaphore_mem>>) src(%dma_wait3A_241 : memref<128x128xf32, #tpu.memory_space<vmem>>) dst(%dma_wait3A_237 : memref<128x128xf32, #tpu.memory_space<vmem_shared>>)
      tpu.yield
    }) : () -> ()
    %add3A_117 = arith.constant 128 : i32
    %add3A_118 = arith.addi %multiple_of3A, %add3A_117 : i32
    %run_scoped3A_119 = arith.constant 0 : i32
    "tpu.region"() ({
      %run_scoped3A_217 = tpu.sem_alloc : memref<!tpu.dma_semaphore, #tpu.memory_space<semaphore_mem>>
      %dma_start3A_218 = arith.constant 0 : i32
      %dma_start3A_219 = arith.constant 0 : i32
      %dma_start3A_220 = tpu.memref_slice %arg8[%run_scoped3A_119, %dma_start3A_218, %dma_start3A_219] : memref<2x128x128xf32, #tpu.memory_space<vmem>> -> memref<1x128x128xf32, #tpu.memory_space<vmem>>
      %dma_start3A_221 = tpu.memref_squeeze %dma_start3A_220 : memref<1x128x128xf32, #tpu.memory_space<vmem>> -> memref<128x128xf32, #tpu.memory_space<vmem>>
      %dma_start3A_222 = arith.constant 0 : i32
      %dma_start3A_223 = tpu.memref_slice %arg6[%add3A_118, %dma_start3A_222] : memref<10240x128xf32, #tpu.memory_space<vmem_shared>> -> memref<128x128xf32, #tpu.memory_space<vmem_shared>>
      %dma_start3A_224 = arith.constant 0 : i32
      %dma_start3A_225 = tpu.memref_slice %arg6[%add3A_118, %dma_start3A_224] : memref<10240x128xf32, #tpu.memory_space<vmem_shared>> -> memref<128x128xf32, #tpu.memory_space<vmem_shared>>
      %dma_start3A_226 = arith.constant 0 : i32
      %dma_start3A_227 = arith.constant 0 : i32
      %dma_start3A_228 = tpu.memref_slice %arg8[%run_scoped3A_119, %dma_start3A_226, %dma_start3A_227] : memref<2x128x128xf32, #tpu.memory_space<vmem>> -> memref<1x128x128xf32, #tpu.memory_space<vmem>>
      %dma_start3A_229 = tpu.memref_squeeze %dma_start3A_228 : memref<1x128x128xf32, #tpu.memory_space<vmem>> -> memref<128x128xf32, #tpu.memory_space<vmem>>
      tpu.enqueue_dma source(%dma_start3A_229 : memref<128x128xf32, #tpu.memory_space<vmem>>) target(%dma_start3A_225 : memref<128x128xf32, #tpu.memory_space<vmem_shared>>) target_semaphore(%run_scoped3A_217 : memref<!tpu.dma_semaphore, #tpu.memory_space<semaphore_mem>>)
      %dma_wait3A_230 = arith.constant 0 : i32
      %dma_wait3A_231 = arith.constant 0 : i32
      %dma_wait3A_232 = tpu.memref_slice %arg8[%run_scoped3A_119, %dma_wait3A_230, %dma_wait3A_231] : memref<2x128x128xf32, #tpu.memory_space<vmem>> -> memref<1x128x128xf32, #tpu.memory_space<vmem>>
      %dma_wait3A_233 = tpu.memref_squeeze %dma_wait3A_232 : memref<1x128x128xf32, #tpu.memory_space<vmem>> -> memref<128x128xf32, #tpu.memory_space<vmem>>
      %dma_wait3A_234 = arith.constant 0 : i32
      %dma_wait3A_235 = tpu.memref_slice %arg6[%add3A_118, %dma_wait3A_234] : memref<10240x128xf32, #tpu.memory_space<vmem_shared>> -> memref<128x128xf32, #tpu.memory_space<vmem_shared>>
      %dma_wait3A_236 = arith.constant 0 : i32
      %dma_wait3A_237 = tpu.memref_slice %arg6[%add3A_118, %dma_wait3A_236] : memref<10240x128xf32, #tpu.memory_space<vmem_shared>> -> memref<128x128xf32, #tpu.memory_space<vmem_shared>>
      %dma_wait3A_238 = arith.constant 0 : i32
      %dma_wait3A_239 = arith.constant 0 : i32
      %dma_wait3A_240 = tpu.memref_slice %arg8[%run_scoped3A_119, %dma_wait3A_238, %dma_wait3A_239] : memref<2x128x128xf32, #tpu.memory_space<vmem>> -> memref<1x128x128xf32, #tpu.memory_space<vmem>>
      %dma_wait3A_241 = tpu.memref_squeeze %dma_wait3A_240 : memref<1x128x128xf32, #tpu.memory_space<vmem>> -> memref<128x128xf32, #tpu.memory_space<vmem>>
      tpu.wait_dma2 semaphore(%run_scoped3A_217 : memref<!tpu.dma_semaphore, #tpu.memory_space<semaphore_mem>>) src(%dma_wait3A_241 : memref<128x128xf32, #tpu.memory_space<vmem>>) dst(%dma_wait3A_237 : memref<128x128xf32, #tpu.memory_space<vmem_shared>>)
      tpu.yield
    }) : () -> ()
    %add3A_120 = arith.constant 256 : i32
    %add3A_121 = arith.addi %multiple_of3A, %add3A_120 : i32
    %run_scoped3A_122 = arith.constant 0 : i32
    "tpu.region"() ({
      %run_scoped3A_217 = tpu.sem_alloc : memref<!tpu.dma_semaphore, #tpu.memory_space<semaphore_mem>>
      %dma_start3A_218 = arith.constant 0 : i32
      %dma_start3A_219 = arith.constant 0 : i32
      %dma_start3A_220 = tpu.memref_slice %arg8[%run_scoped3A_122, %dma_start3A_218, %dma_start3A_219] : memref<2x128x128xf32, #tpu.memory_space<vmem>> -> memref<1x128x128xf32, #tpu.memory_space<vmem>>
      %dma_start3A_221 = tpu.memref_squeeze %dma_start3A_220 : memref<1x128x128xf32, #tpu.memory_space<vmem>> -> memref<128x128xf32, #tpu.memory_space<vmem>>
      %dma_start3A_222 = arith.constant 0 : i32
      %dma_start3A_223 = tpu.memref_slice %arg6[%add3A_121, %dma_start3A_222] : memref<10240x128xf32, #tpu.memory_space<vmem_shared>> -> memref<128x128xf32, #tpu.memory_space<vmem_shared>>
      %dma_start3A_224 = arith.constant 0 : i32
      %dma_start3A_225 = tpu.memref_slice %arg6[%add3A_121, %dma_start3A_224] : memref<10240x128xf32, #tpu.memory_space<vmem_shared>> -> memref<128x128xf32, #tpu.memory_space<vmem_shared>>
      %dma_start3A_226 = arith.constant 0 : i32
      %dma_start3A_227 = arith.constant 0 : i32
      %dma_start3A_228 = tpu.memref_slice %arg8[%run_scoped3A_122, %dma_start3A_226, %dma_start3A_227] : memref<2x128x128xf32, #tpu.memory_space<vmem>> -> memref<1x128x128xf32, #tpu.memory_space<vmem>>
      %dma_start3A_229 = tpu.memref_squeeze %dma_start3A_228 : memref<1x128x128xf32, #tpu.memory_space<vmem>> -> memref<128x128xf32, #tpu.memory_space<vmem>>
      tpu.enqueue_dma source(%dma_start3A_229 : memref<128x128xf32, #tpu.memory_space<vmem>>) target(%dma_start3A_225 : memref<128x128xf32, #tpu.memory_space<vmem_shared>>) target_semaphore(%run_scoped3A_217 : memref<!tpu.dma_semaphore, #tpu.memory_space<semaphore_mem>>)
      %dma_wait3A_230 = arith.constant 0 : i32
      %dma_wait3A_231 = arith.constant 0 : i32
      %dma_wait3A_232 = tpu.memref_slice %arg8[%run_scoped3A_122, %dma_wait3A_230, %dma_wait3A_231] : memref<2x128x128xf32, #tpu.memory_space<vmem>> -> memref<1x128x128xf32, #tpu.memory_space<vmem>>
      %dma_wait3A_233 = tpu.memref_squeeze %dma_wait3A_232 : memref<1x128x128xf32, #tpu.memory_space<vmem>> -> memref<128x128xf32, #tpu.memory_space<vmem>>
      %dma_wait3A_234 = arith.constant 0 : i32
      %dma_wait3A_235 = tpu.memref_slice %arg6[%add3A_121, %dma_wait3A_234] : memref<10240x128xf32, #tpu.memory_space<vmem_shared>> -> memref<128x128xf32, #tpu.memory_space<vmem_shared>>
      %dma_wait3A_236 = arith.constant 0 : i32
      %dma_wait3A_237 = tpu.memref_slice %arg6[%add3A_121, %dma_wait3A_236] : memref<10240x128xf32, #tpu.memory_space<vmem_shared>> -> memref<128x128xf32, #tpu.memory_space<vmem_shared>>
      %dma_wait3A_238 = arith.constant 0 : i32
      %dma_wait3A_239 = arith.constant 0 : i32
      %dma_wait3A_240 = tpu.memref_slice %arg8[%run_scoped3A_122, %dma_wait3A_238, %dma_wait3A_239] : memref<2x128x128xf32, #tpu.memory_space<vmem>> -> memref<1x128x128xf32, #tpu.memory_space<vmem>>
      %dma_wait3A_241 = tpu.memref_squeeze %dma_wait3A_240 : memref<1x128x128xf32, #tpu.memory_space<vmem>> -> memref<128x128xf32, #tpu.memory_space<vmem>>
      tpu.wait_dma2 semaphore(%run_scoped3A_217 : memref<!tpu.dma_semaphore, #tpu.memory_space<semaphore_mem>>) src(%dma_wait3A_241 : memref<128x128xf32, #tpu.memory_space<vmem>>) dst(%dma_wait3A_237 : memref<128x128xf32, #tpu.memory_space<vmem_shared>>)
      tpu.yield
    }) : () -> ()
    %add3A_123 = arith.constant 384 : i32
    %add3A_124 = arith.addi %multiple_of3A, %add3A_123 : i32
    %run_scoped3A_125 = arith.constant 0 : i32
    "tpu.region"() ({
      %run_scoped3A_217 = tpu.sem_alloc : memref<!tpu.dma_semaphore, #tpu.memory_space<semaphore_mem>>
      %dma_start3A_218 = arith.constant 0 : i32
      %dma_start3A_219 = arith.constant 0 : i32
      %dma_start3A_220 = tpu.memref_slice %arg8[%run_scoped3A_125, %dma_start3A_218, %dma_start3A_219] : memref<2x128x128xf32, #tpu.memory_space<vmem>> -> memref<1x128x128xf32, #tpu.memory_space<vmem>>
      %dma_start3A_221 = tpu.memref_squeeze %dma_start3A_220 : memref<1x128x128xf32, #tpu.memory_space<vmem>> -> memref<128x128xf32, #tpu.memory_space<vmem>>
      %dma_start3A_222 = arith.constant 0 : i32
      %dma_start3A_223 = tpu.memref_slice %arg6[%add3A_124, %dma_start3A_222] : memref<10240x128xf32, #tpu.memory_space<vmem_shared>> -> memref<128x128xf32, #tpu.memory_space<vmem_shared>>
      %dma_start3A_224 = arith.constant 0 : i32
      %dma_start3A_225 = tpu.memref_slice %arg6[%add3A_124, %dma_start3A_224] : memref<10240x128xf32, #tpu.memory_space<vmem_shared>> -> memref<128x128xf32, #tpu.memory_space<vmem_shared>>
      %dma_start3A_226 = arith.constant 0 : i32
      %dma_start3A_227 = arith.constant 0 : i32
      %dma_start3A_228 = tpu.memref_slice %arg8[%run_scoped3A_125, %dma_start3A_226, %dma_start3A_227] : memref<2x128x128xf32, #tpu.memory_space<vmem>> -> memref<1x128x128xf32, #tpu.memory_space<vmem>>
      %dma_start3A_229 = tpu.memref_squeeze %dma_start3A_228 : memref<1x128x128xf32, #tpu.memory_space<vmem>> -> memref<128x128xf32, #tpu.memory_space<vmem>>
      tpu.enqueue_dma source(%dma_start3A_229 : memref<128x128xf32, #tpu.memory_space<vmem>>) target(%dma_start3A_225 : memref<128x128xf32, #tpu.memory_space<vmem_shared>>) target_semaphore(%run_scoped3A_217 : memref<!tpu.dma_semaphore, #tpu.memory_space<semaphore_mem>>)
      %dma_wait3A_230 = arith.constant 0 : i32
      %dma_wait3A_231 = arith.constant 0 : i32
      %dma_wait3A_232 = tpu.memref_slice %arg8[%run_scoped3A_125, %dma_wait3A_230, %dma_wait3A_231] : memref<2x128x128xf32, #tpu.memory_space<vmem>> -> memref<1x128x128xf32, #tpu.memory_space<vmem>>
      %dma_wait3A_233 = tpu.memref_squeeze %dma_wait3A_232 : memref<1x128x128xf32, #tpu.memory_space<vmem>> -> memref<128x128xf32, #tpu.memory_space<vmem>>
      %dma_wait3A_234 = arith.constant 0 : i32
      %dma_wait3A_235 = tpu.memref_slice %arg6[%add3A_124, %dma_wait3A_234] : memref<10240x128xf32, #tpu.memory_space<vmem_shared>> -> memref<128x128xf32, #tpu.memory_space<vmem_shared>>
      %dma_wait3A_236 = arith.constant 0 : i32
      %dma_wait3A_237 = tpu.memref_slice %arg6[%add3A_124, %dma_wait3A_236] : memref<10240x128xf32, #tpu.memory_space<vmem_shared>> -> memref<128x128xf32, #tpu.memory_space<vmem_shared>>
      %dma_wait3A_238 = arith.constant 0 : i32
      %dma_wait3A_239 = arith.constant 0 : i32
      %dma_wait3A_240 = tpu.memref_slice %arg8[%run_scoped3A_125, %dma_wait3A_238, %dma_wait3A_239] : memref<2x128x128xf32, #tpu.memory_space<vmem>> -> memref<1x128x128xf32, #tpu.memory_space<vmem>>
      %dma_wait3A_241 = tpu.memref_squeeze %dma_wait3A_240 : memref<1x128x128xf32, #tpu.memory_space<vmem>> -> memref<128x128xf32, #tpu.memory_space<vmem>>
      tpu.wait_dma2 semaphore(%run_scoped3A_217 : memref<!tpu.dma_semaphore, #tpu.memory_space<semaphore_mem>>) src(%dma_wait3A_241 : memref<128x128xf32, #tpu.memory_space<vmem>>) dst(%dma_wait3A_237 : memref<128x128xf32, #tpu.memory_space<vmem_shared>>)
      tpu.yield
    }) : () -> ()
    %add3A_126 = arith.constant 512 : i32
    %add3A_127 = arith.addi %multiple_of3A, %add3A_126 : i32
    %run_scoped3A_128 = arith.constant 0 : i32
    "tpu.region"() ({
      %run_scoped3A_217 = tpu.sem_alloc : memref<!tpu.dma_semaphore, #tpu.memory_space<semaphore_mem>>
      %dma_start3A_218 = arith.constant 0 : i32
      %dma_start3A_219 = arith.constant 0 : i32
      %dma_start3A_220 = tpu.memref_slice %arg8[%run_scoped3A_128, %dma_start3A_218, %dma_start3A_219] : memref<2x128x128xf32, #tpu.memory_space<vmem>> -> memref<1x128x128xf32, #tpu.memory_space<vmem>>
      %dma_start3A_221 = tpu.memref_squeeze %dma_start3A_220 : memref<1x128x128xf32, #tpu.memory_space<vmem>> -> memref<128x128xf32, #tpu.memory_space<vmem>>
      %dma_start3A_222 = arith.constant 0 : i32
      %dma_start3A_223 = tpu.memref_slice %arg6[%add3A_127, %dma_start3A_222] : memref<10240x128xf32, #tpu.memory_space<vmem_shared>> -> memref<128x128xf32, #tpu.memory_space<vmem_shared>>
      %dma_start3A_224 = arith.constant 0 : i32
      %dma_start3A_225 = tpu.memref_slice %arg6[%add3A_127, %dma_start3A_224] : memref<10240x128xf32, #tpu.memory_space<vmem_shared>> -> memref<128x128xf32, #tpu.memory_space<vmem_shared>>
      %dma_start3A_226 = arith.constant 0 : i32
      %dma_start3A_227 = arith.constant 0 : i32
      %dma_start3A_228 = tpu.memref_slice %arg8[%run_scoped3A_128, %dma_start3A_226, %dma_start3A_227] : memref<2x128x128xf32, #tpu.memory_space<vmem>> -> memref<1x128x128xf32, #tpu.memory_space<vmem>>
      %dma_start3A_229 = tpu.memref_squeeze %dma_start3A_228 : memref<1x128x128xf32, #tpu.memory_space<vmem>> -> memref<128x128xf32, #tpu.memory_space<vmem>>
      tpu.enqueue_dma source(%dma_start3A_229 : memref<128x128xf32, #tpu.memory_space<vmem>>) target(%dma_start3A_225 : memref<128x128xf32, #tpu.memory_space<vmem_shared>>) target_semaphore(%run_scoped3A_217 : memref<!tpu.dma_semaphore, #tpu.memory_space<semaphore_mem>>)
      %dma_wait3A_230 = arith.constant 0 : i32
      %dma_wait3A_231 = arith.constant 0 : i32
      %dma_wait3A_232 = tpu.memref_slice %arg8[%run_scoped3A_128, %dma_wait3A_230, %dma_wait3A_231] : memref<2x128x128xf32, #tpu.memory_space<vmem>> -> memref<1x128x128xf32, #tpu.memory_space<vmem>>
      %dma_wait3A_233 = tpu.memref_squeeze %dma_wait3A_232 : memref<1x128x128xf32, #tpu.memory_space<vmem>> -> memref<128x128xf32, #tpu.memory_space<vmem>>
      %dma_wait3A_234 = arith.constant 0 : i32
      %dma_wait3A_235 = tpu.memref_slice %arg6[%add3A_127, %dma_wait3A_234] : memref<10240x128xf32, #tpu.memory_space<vmem_shared>> -> memref<128x128xf32, #tpu.memory_space<vmem_shared>>
      %dma_wait3A_236 = arith.constant 0 : i32
      %dma_wait3A_237 = tpu.memref_slice %arg6[%add3A_127, %dma_wait3A_236] : memref<10240x128xf32, #tpu.memory_space<vmem_shared>> -> memref<128x128xf32, #tpu.memory_space<vmem_shared>>
      %dma_wait3A_238 = arith.constant 0 : i32
      %dma_wait3A_239 = arith.constant 0 : i32
      %dma_wait3A_240 = tpu.memref_slice %arg8[%run_scoped3A_128, %dma_wait3A_238, %dma_wait3A_239] : memref<2x128x128xf32, #tpu.memory_space<vmem>> -> memref<1x128x128xf32, #tpu.memory_space<vmem>>
      %dma_wait3A_241 = tpu.memref_squeeze %dma_wait3A_240 : memref<1x128x128xf32, #tpu.memory_space<vmem>> -> memref<128x128xf32, #tpu.memory_space<vmem>>
      tpu.wait_dma2 semaphore(%run_scoped3A_217 : memref<!tpu.dma_semaphore, #tpu.memory_space<semaphore_mem>>) src(%dma_wait3A_241 : memref<128x128xf32, #tpu.memory_space<vmem>>) dst(%dma_wait3A_237 : memref<128x128xf32, #tpu.memory_space<vmem_shared>>)
      tpu.yield
    }) : () -> ()
    %barrier3A_129 = arith.constant 0 : index
    tpu.barrier barrier_id(%barrier3A_129)
    %add3A_130 = arith.constant 0 : i32
    %add3A_131 = arith.addi %multiple_of3A_3, %add3A_130 : i32
    %multiple_of3A_132 = tpu.assume_multiple %add3A_131, 128 : i32
    %dma_start3A_133 = arith.constant 0 : i32
    %dma_start3A_134 = arith.constant 0 : i32
    %dma_start3A_135 = arith.constant 0 : i32
    %dma_start3A_136 = arith.constant 0 : i32
    %dma_start3A_137 = tpu.memref_slice %arg8[%dma_start3A_133, %dma_start3A_135, %dma_start3A_136] : memref<2x128x128xf32, #tpu.memory_space<vmem>> -> memref<1x128x128xf32, #tpu.memory_space<vmem>>
    %dma_start3A_138 = tpu.memref_squeeze %dma_start3A_137 : memref<1x128x128xf32, #tpu.memory_space<vmem>> -> memref<128x128xf32, #tpu.memory_space<vmem>>
    %dma_start3A_139 = arith.constant 0 : i32
    %dma_start3A_140 = tpu.memref_slice %arg3[%multiple_of3A_132, %dma_start3A_139] : memref<81920x128xf32, #tpu.memory_space<hbm>> -> memref<128x128xf32, #tpu.memory_space<hbm>>
    %dma_start3A_141 = tpu.memref_slice %arg9[%dma_start3A_134] : memref<2x!tpu.dma_semaphore, #tpu.memory_space<semaphore_mem>> -> memref<1x!tpu.dma_semaphore, #tpu.memory_space<semaphore_mem>>
    %dma_start3A_142 = tpu.memref_squeeze %dma_start3A_141 : memref<1x!tpu.dma_semaphore, #tpu.memory_space<semaphore_mem>> -> memref<!tpu.dma_semaphore, #tpu.memory_space<semaphore_mem>>
    %dma_start3A_143 = arith.constant 0 : i32
    %dma_start3A_144 = arith.constant 0 : i32
    %dma_start3A_145 = tpu.memref_slice %arg8[%dma_start3A_133, %dma_start3A_143, %dma_start3A_144] : memref<2x128x128xf32, #tpu.memory_space<vmem>> -> memref<1x128x128xf32, #tpu.memory_space<vmem>>
    %dma_start3A_146 = tpu.memref_squeeze %dma_start3A_145 : memref<1x128x128xf32, #tpu.memory_space<vmem>> -> memref<128x128xf32, #tpu.memory_space<vmem>>
    %dma_start3A_147 = arith.constant 0 : i32
    %dma_start3A_148 = tpu.memref_slice %arg3[%multiple_of3A_132, %dma_start3A_147] : memref<81920x128xf32, #tpu.memory_space<hbm>> -> memref<128x128xf32, #tpu.memory_space<hbm>>
    tpu.enqueue_dma source(%dma_start3A_148 : memref<128x128xf32, #tpu.memory_space<hbm>>) target(%dma_start3A_146 : memref<128x128xf32, #tpu.memory_space<vmem>>) target_semaphore(%dma_start3A_142 : memref<!tpu.dma_semaphore, #tpu.memory_space<semaphore_mem>>)
    %scan3A_149 = arith.constant 0 : i32
    %scan3A_150 = arith.constant 0 : i32
    %scan3A_151 = arith.constant 40 : i32
    %scan3A_152 = arith.addi %scan3A_150, %scan3A_151 : i32
    %scan3A_153 = arith.constant 1 : i32
    scf.for %scan3A_217 = %scan3A_150 to %scan3A_152 step %scan3A_153  : i32 {
      %rem3A = arith.constant 2 : i32
      %rem3A_218 = arith.remsi %scan3A_217, %rem3A : i32
      %add3A_219 = arith.constant 1 : i32
      %add3A_220 = arith.addi %scan3A_217, %add3A_219 : i32
      %lt3A = arith.constant 40 : i32
      %lt3A_221 = arith.cmpi slt, %add3A_220, %lt3A : i32
      %convert_element_type3A = arith.extui %lt3A_221 : i1 to i32
      %cond3A = arith.constant 0 : i32
      %cond3A_222 = arith.cmpi ne, %convert_element_type3A, %cond3A : i32
      scf.if %cond3A_222 {
        %rem3A_253 = arith.constant 2 : i32
        %rem3A_254 = arith.remsi %add3A_220, %rem3A_253 : i32
        %ge3A = arith.constant 2 : i32
        %ge3A_255 = arith.cmpi sge, %add3A_220, %ge3A : i32
        %convert_element_type3A_256 = arith.extui %ge3A_255 : i1 to i32
        %cond3A_257 = arith.constant 0 : i32
        %cond3A_258 = arith.cmpi ne, %convert_element_type3A_256, %cond3A_257 : i32
        scf.if %cond3A_258 {
          %sub3A = arith.constant 2 : i32
          %sub3A_277 = arith.subi %add3A_220, %sub3A : i32
          %dma_wait3A_278 = arith.constant 0 : i32
          %dma_wait3A_279 = arith.constant 0 : i32
          %dma_wait3A_280 = tpu.memref_slice %arg8[%rem3A_254, %dma_wait3A_278, %dma_wait3A_279] : memref<2x128x128xf32, #tpu.memory_space<vmem>> -> memref<1x128x128xf32, #tpu.memory_space<vmem>>
          %dma_wait3A_281 = tpu.memref_squeeze %dma_wait3A_280 : memref<1x128x128xf32, #tpu.memory_space<vmem>> -> memref<128x128xf32, #tpu.memory_space<vmem>>
          %dma_wait3A_282 = arith.constant 0 : i32
          %dma_wait3A_283 = tpu.memref_slice %arg7[%sub3A_277, %dma_wait3A_282] : memref<40x128xi32, #tpu.memory_space<vmem>> -> memref<1x128xi32, #tpu.memory_space<vmem>>
          %dma_wait3A_284 = tpu.memref_squeeze %dma_wait3A_283 : memref<1x128xi32, #tpu.memory_space<vmem>> -> memref<128xi32, #tpu.memory_space<vmem>>
          %dma_wait3A_285 = arith.constant 0 : i32
          %dma_wait3A_286 = arith.constant 0 : i32
          %dma_wait3A_287 = tpu.memref_slice %arg6[%dma_wait3A_285, %dma_wait3A_286] : memref<10240x128xf32, #tpu.memory_space<vmem_shared>> -> memref<10240x128xf32, #tpu.memory_space<vmem_shared>>
          %dma_wait3A_288 = tpu.memref_slice %arg10[%rem3A_254] : memref<2x!tpu.dma_semaphore, #tpu.memory_space<semaphore_mem>> -> memref<1x!tpu.dma_semaphore, #tpu.memory_space<semaphore_mem>>
          %dma_wait3A_289 = tpu.memref_squeeze %dma_wait3A_288 : memref<1x!tpu.dma_semaphore, #tpu.memory_space<semaphore_mem>> -> memref<!tpu.dma_semaphore, #tpu.memory_space<semaphore_mem>>
          tpu.wait_indirect_dma semaphore(%dma_wait3A_289 : memref<!tpu.dma_semaphore, #tpu.memory_space<semaphore_mem>>) src(%dma_wait3A_281 : memref<128x128xf32, #tpu.memory_space<vmem>>) dst(%dma_wait3A_287 : memref<10240x128xf32, #tpu.memory_space<vmem_shared>>)
        } else {
        }
        %mul3A_259 = arith.constant 128 : i32
        %mul3A_260 = arith.muli %add3A_220, %mul3A_259 : i32
        %add3A_261 = arith.addi %multiple_of3A_3, %mul3A_260 : i32
        %multiple_of3A_262 = tpu.assume_multiple %add3A_261, 128 : i32
        %dma_start3A_263 = arith.constant 0 : i32
        %dma_start3A_264 = arith.constant 0 : i32
        %dma_start3A_265 = tpu.memref_slice %arg8[%rem3A_254, %dma_start3A_263, %dma_start3A_264] : memref<2x128x128xf32, #tpu.memory_space<vmem>> -> memref<1x128x128xf32, #tpu.memory_space<vmem>>
        %dma_start3A_266 = tpu.memref_squeeze %dma_start3A_265 : memref<1x128x128xf32, #tpu.memory_space<vmem>> -> memref<128x128xf32, #tpu.memory_space<vmem>>
        %dma_start3A_267 = arith.constant 0 : i32
        %dma_start3A_268 = tpu.memref_slice %arg3[%multiple_of3A_262, %dma_start3A_267] : memref<81920x128xf32, #tpu.memory_space<hbm>> -> memref<128x128xf32, #tpu.memory_space<hbm>>
        %dma_start3A_269 = tpu.memref_slice %arg9[%rem3A_254] : memref<2x!tpu.dma_semaphore, #tpu.memory_space<semaphore_mem>> -> memref<1x!tpu.dma_semaphore, #tpu.memory_space<semaphore_mem>>
        %dma_start3A_270 = tpu.memref_squeeze %dma_start3A_269 : memref<1x!tpu.dma_semaphore, #tpu.memory_space<semaphore_mem>> -> memref<!tpu.dma_semaphore, #tpu.memory_space<semaphore_mem>>
        %dma_start3A_271 = arith.constant 0 : i32
        %dma_start3A_272 = arith.constant 0 : i32
        %dma_start3A_273 = tpu.memref_slice %arg8[%rem3A_254, %dma_start3A_271, %dma_start3A_272] : memref<2x128x128xf32, #tpu.memory_space<vmem>> -> memref<1x128x128xf32, #tpu.memory_space<vmem>>
        %dma_start3A_274 = tpu.memref_squeeze %dma_start3A_273 : memref<1x128x128xf32, #tpu.memory_space<vmem>> -> memref<128x128xf32, #tpu.memory_space<vmem>>
        %dma_start3A_275 = arith.constant 0 : i32
        %dma_start3A_276 = tpu.memref_slice %arg3[%multiple_of3A_262, %dma_start3A_275] : memref<81920x128xf32, #tpu.memory_space<hbm>> -> memref<128x128xf32, #tpu.memory_space<hbm>>
        tpu.enqueue_dma source(%dma_start3A_276 : memref<128x128xf32, #tpu.memory_space<hbm>>) target(%dma_start3A_274 : memref<128x128xf32, #tpu.memory_space<vmem>>) target_semaphore(%dma_start3A_270 : memref<!tpu.dma_semaphore, #tpu.memory_space<semaphore_mem>>)
      } else {
      }
      %mul3A_223 = arith.constant 128 : i32
      %mul3A_224 = arith.muli %scan3A_217, %mul3A_223 : i32
      %add3A_225 = arith.addi %multiple_of3A_3, %mul3A_224 : i32
      %multiple_of3A_226 = tpu.assume_multiple %add3A_225, 128 : i32
      %dma_wait3A_227 = arith.constant 0 : i32
      %dma_wait3A_228 = arith.constant 0 : i32
      %dma_wait3A_229 = tpu.memref_slice %arg8[%rem3A_218, %dma_wait3A_227, %dma_wait3A_228] : memref<2x128x128xf32, #tpu.memory_space<vmem>> -> memref<1x128x128xf32, #tpu.memory_space<vmem>>
      %dma_wait3A_230 = tpu.memref_squeeze %dma_wait3A_229 : memref<1x128x128xf32, #tpu.memory_space<vmem>> -> memref<128x128xf32, #tpu.memory_space<vmem>>
      %dma_wait3A_231 = arith.constant 0 : i32
      %dma_wait3A_232 = tpu.memref_slice %arg3[%multiple_of3A_226, %dma_wait3A_231] : memref<81920x128xf32, #tpu.memory_space<hbm>> -> memref<128x128xf32, #tpu.memory_space<hbm>>
      %dma_wait3A_233 = tpu.memref_slice %arg9[%rem3A_218] : memref<2x!tpu.dma_semaphore, #tpu.memory_space<semaphore_mem>> -> memref<1x!tpu.dma_semaphore, #tpu.memory_space<semaphore_mem>>
      %dma_wait3A_234 = tpu.memref_squeeze %dma_wait3A_233 : memref<1x!tpu.dma_semaphore, #tpu.memory_space<semaphore_mem>> -> memref<!tpu.dma_semaphore, #tpu.memory_space<semaphore_mem>>
      %dma_wait3A_235 = arith.constant 0 : i32
      %dma_wait3A_236 = arith.constant 0 : i32
      %dma_wait3A_237 = tpu.memref_slice %arg8[%rem3A_218, %dma_wait3A_235, %dma_wait3A_236] : memref<2x128x128xf32, #tpu.memory_space<vmem>> -> memref<1x128x128xf32, #tpu.memory_space<vmem>>
      %dma_wait3A_238 = tpu.memref_squeeze %dma_wait3A_237 : memref<1x128x128xf32, #tpu.memory_space<vmem>> -> memref<128x128xf32, #tpu.memory_space<vmem>>
      %dma_wait3A_239 = arith.constant 0 : i32
      %dma_wait3A_240 = tpu.memref_slice %arg3[%multiple_of3A_226, %dma_wait3A_239] : memref<81920x128xf32, #tpu.memory_space<hbm>> -> memref<128x128xf32, #tpu.memory_space<hbm>>
      tpu.wait_dma2 semaphore(%dma_wait3A_234 : memref<!tpu.dma_semaphore, #tpu.memory_space<semaphore_mem>>) src(%dma_wait3A_240 : memref<128x128xf32, #tpu.memory_space<hbm>>) dst(%dma_wait3A_238 : memref<128x128xf32, #tpu.memory_space<vmem>>)
      %dma_start3A_241 = arith.constant 0 : i32
      %dma_start3A_242 = arith.constant 0 : i32
      %dma_start3A_243 = tpu.memref_slice %arg8[%rem3A_218, %dma_start3A_241, %dma_start3A_242] : memref<2x128x128xf32, #tpu.memory_space<vmem>> -> memref<1x128x128xf32, #tpu.memory_space<vmem>>
      %dma_start3A_244 = tpu.memref_squeeze %dma_start3A_243 : memref<1x128x128xf32, #tpu.memory_space<vmem>> -> memref<128x128xf32, #tpu.memory_space<vmem>>
      %dma_start3A_245 = arith.constant 0 : i32
      %dma_start3A_246 = tpu.memref_slice %arg7[%scan3A_217, %dma_start3A_245] : memref<40x128xi32, #tpu.memory_space<vmem>> -> memref<1x128xi32, #tpu.memory_space<vmem>>
      %dma_start3A_247 = tpu.memref_squeeze %dma_start3A_246 : memref<1x128xi32, #tpu.memory_space<vmem>> -> memref<128xi32, #tpu.memory_space<vmem>>
      %dma_start3A_248 = arith.constant 0 : i32
      %dma_start3A_249 = arith.constant 0 : i32
      %dma_start3A_250 = tpu.memref_slice %arg6[%dma_start3A_248, %dma_start3A_249] : memref<10240x128xf32, #tpu.memory_space<vmem_shared>> -> memref<10240x128xf32, #tpu.memory_space<vmem_shared>>
      %dma_start3A_251 = tpu.memref_slice %arg10[%rem3A_218] : memref<2x!tpu.dma_semaphore, #tpu.memory_space<semaphore_mem>> -> memref<1x!tpu.dma_semaphore, #tpu.memory_space<semaphore_mem>>
      %dma_start3A_252 = tpu.memref_squeeze %dma_start3A_251 : memref<1x!tpu.dma_semaphore, #tpu.memory_space<semaphore_mem>> -> memref<!tpu.dma_semaphore, #tpu.memory_space<semaphore_mem>>
      tpu.enqueue_indirect_dma source(%dma_start3A_244 : memref<128x128xf32, #tpu.memory_space<vmem>>) target(%dma_start3A_250 : memref<10240x128xf32, #tpu.memory_space<vmem_shared>>) offsets(%dma_start3A_247 : memref<128xi32, #tpu.memory_space<vmem>>) semaphore(%dma_start3A_252 : memref<!tpu.dma_semaphore, #tpu.memory_space<semaphore_mem>>) {add = true}
    }
    %scan3A_154 = arith.constant 40 : i32
    %dma_wait3A_155 = arith.constant 0 : i32
    %dma_wait3A_156 = arith.constant 38 : i32
    %dma_wait3A_157 = arith.constant 0 : i32
    %dma_wait3A_158 = arith.constant 0 : i32
    %dma_wait3A_159 = arith.constant 0 : i32
    %dma_wait3A_160 = tpu.memref_slice %arg8[%dma_wait3A_155, %dma_wait3A_158, %dma_wait3A_159] : memref<2x128x128xf32, #tpu.memory_space<vmem>> -> memref<1x128x128xf32, #tpu.memory_space<vmem>>
    %dma_wait3A_161 = tpu.memref_squeeze %dma_wait3A_160 : memref<1x128x128xf32, #tpu.memory_space<vmem>> -> memref<128x128xf32, #tpu.memory_space<vmem>>
    %dma_wait3A_162 = arith.constant 0 : i32
    %dma_wait3A_163 = tpu.memref_slice %arg7[%dma_wait3A_156, %dma_wait3A_162] : memref<40x128xi32, #tpu.memory_space<vmem>> -> memref<1x128xi32, #tpu.memory_space<vmem>>
    %dma_wait3A_164 = tpu.memref_squeeze %dma_wait3A_163 : memref<1x128xi32, #tpu.memory_space<vmem>> -> memref<128xi32, #tpu.memory_space<vmem>>
    %dma_wait3A_165 = arith.constant 0 : i32
    %dma_wait3A_166 = arith.constant 0 : i32
    %dma_wait3A_167 = tpu.memref_slice %arg6[%dma_wait3A_165, %dma_wait3A_166] : memref<10240x128xf32, #tpu.memory_space<vmem_shared>> -> memref<10240x128xf32, #tpu.memory_space<vmem_shared>>
    %dma_wait3A_168 = tpu.memref_slice %arg10[%dma_wait3A_157] : memref<2x!tpu.dma_semaphore, #tpu.memory_space<semaphore_mem>> -> memref<1x!tpu.dma_semaphore, #tpu.memory_space<semaphore_mem>>
    %dma_wait3A_169 = tpu.memref_squeeze %dma_wait3A_168 : memref<1x!tpu.dma_semaphore, #tpu.memory_space<semaphore_mem>> -> memref<!tpu.dma_semaphore, #tpu.memory_space<semaphore_mem>>
    tpu.wait_indirect_dma semaphore(%dma_wait3A_169 : memref<!tpu.dma_semaphore, #tpu.memory_space<semaphore_mem>>) src(%dma_wait3A_161 : memref<128x128xf32, #tpu.memory_space<vmem>>) dst(%dma_wait3A_167 : memref<10240x128xf32, #tpu.memory_space<vmem_shared>>)
    %dma_wait3A_170 = arith.constant 1 : i32
    %dma_wait3A_171 = arith.constant 39 : i32
    %dma_wait3A_172 = arith.constant 1 : i32
    %dma_wait3A_173 = arith.constant 0 : i32
    %dma_wait3A_174 = arith.constant 0 : i32
    %dma_wait3A_175 = tpu.memref_slice %arg8[%dma_wait3A_170, %dma_wait3A_173, %dma_wait3A_174] : memref<2x128x128xf32, #tpu.memory_space<vmem>> -> memref<1x128x128xf32, #tpu.memory_space<vmem>>
    %dma_wait3A_176 = tpu.memref_squeeze %dma_wait3A_175 : memref<1x128x128xf32, #tpu.memory_space<vmem>> -> memref<128x128xf32, #tpu.memory_space<vmem>>
    %dma_wait3A_177 = arith.constant 0 : i32
    %dma_wait3A_178 = tpu.memref_slice %arg7[%dma_wait3A_171, %dma_wait3A_177] : memref<40x128xi32, #tpu.memory_space<vmem>> -> memref<1x128xi32, #tpu.memory_space<vmem>>
    %dma_wait3A_179 = tpu.memref_squeeze %dma_wait3A_178 : memref<1x128xi32, #tpu.memory_space<vmem>> -> memref<128xi32, #tpu.memory_space<vmem>>
    %dma_wait3A_180 = arith.constant 0 : i32
    %dma_wait3A_181 = arith.constant 0 : i32
    %dma_wait3A_182 = tpu.memref_slice %arg6[%dma_wait3A_180, %dma_wait3A_181] : memref<10240x128xf32, #tpu.memory_space<vmem_shared>> -> memref<10240x128xf32, #tpu.memory_space<vmem_shared>>
    %dma_wait3A_183 = tpu.memref_slice %arg10[%dma_wait3A_172] : memref<2x!tpu.dma_semaphore, #tpu.memory_space<semaphore_mem>> -> memref<1x!tpu.dma_semaphore, #tpu.memory_space<semaphore_mem>>
    %dma_wait3A_184 = tpu.memref_squeeze %dma_wait3A_183 : memref<1x!tpu.dma_semaphore, #tpu.memory_space<semaphore_mem>> -> memref<!tpu.dma_semaphore, #tpu.memory_space<semaphore_mem>>
    tpu.wait_indirect_dma semaphore(%dma_wait3A_184 : memref<!tpu.dma_semaphore, #tpu.memory_space<semaphore_mem>>) src(%dma_wait3A_176 : memref<128x128xf32, #tpu.memory_space<vmem>>) dst(%dma_wait3A_182 : memref<10240x128xf32, #tpu.memory_space<vmem_shared>>)
    %barrier3A_185 = arith.constant 0 : index
    tpu.barrier barrier_id(%barrier3A_185)
    %add3A_186 = arith.constant 0 : i32
    %add3A_187 = arith.addi %multiple_of3A, %add3A_186 : i32
    %multiple_of3A_188 = tpu.assume_multiple %add3A_187, 128 : i32
    %run_scoped3A_189 = arith.constant 0 : i32
    "tpu.region"() ({
      %run_scoped3A_217 = tpu.sem_alloc : memref<!tpu.dma_semaphore, #tpu.memory_space<semaphore_mem>>
      %dma_start3A_218 = arith.constant 0 : i32
      %dma_start3A_219 = arith.constant 0 : i32
      %dma_start3A_220 = tpu.memref_slice %arg8[%run_scoped3A_189, %dma_start3A_218, %dma_start3A_219] : memref<2x128x128xf32, #tpu.memory_space<vmem>> -> memref<1x128x128xf32, #tpu.memory_space<vmem>>
      %dma_start3A_221 = tpu.memref_squeeze %dma_start3A_220 : memref<1x128x128xf32, #tpu.memory_space<vmem>> -> memref<128x128xf32, #tpu.memory_space<vmem>>
      %dma_start3A_222 = arith.constant 0 : i32
      %dma_start3A_223 = tpu.memref_slice %arg6[%multiple_of3A_188, %dma_start3A_222] : memref<10240x128xf32, #tpu.memory_space<vmem_shared>> -> memref<128x128xf32, #tpu.memory_space<vmem_shared>>
      %dma_start3A_224 = arith.constant 0 : i32
      %dma_start3A_225 = arith.constant 0 : i32
      %dma_start3A_226 = tpu.memref_slice %arg8[%run_scoped3A_189, %dma_start3A_224, %dma_start3A_225] : memref<2x128x128xf32, #tpu.memory_space<vmem>> -> memref<1x128x128xf32, #tpu.memory_space<vmem>>
      %dma_start3A_227 = tpu.memref_squeeze %dma_start3A_226 : memref<1x128x128xf32, #tpu.memory_space<vmem>> -> memref<128x128xf32, #tpu.memory_space<vmem>>
      %dma_start3A_228 = arith.constant 0 : i32
      %dma_start3A_229 = tpu.memref_slice %arg6[%multiple_of3A_188, %dma_start3A_228] : memref<10240x128xf32, #tpu.memory_space<vmem_shared>> -> memref<128x128xf32, #tpu.memory_space<vmem_shared>>
      tpu.enqueue_dma source(%dma_start3A_229 : memref<128x128xf32, #tpu.memory_space<vmem_shared>>) target(%dma_start3A_227 : memref<128x128xf32, #tpu.memory_space<vmem>>) target_semaphore(%run_scoped3A_217 : memref<!tpu.dma_semaphore, #tpu.memory_space<semaphore_mem>>)
      %dma_wait3A_230 = arith.constant 0 : i32
      %dma_wait3A_231 = arith.constant 0 : i32
      %dma_wait3A_232 = tpu.memref_slice %arg8[%run_scoped3A_189, %dma_wait3A_230, %dma_wait3A_231] : memref<2x128x128xf32, #tpu.memory_space<vmem>> -> memref<1x128x128xf32, #tpu.memory_space<vmem>>
      %dma_wait3A_233 = tpu.memref_squeeze %dma_wait3A_232 : memref<1x128x128xf32, #tpu.memory_space<vmem>> -> memref<128x128xf32, #tpu.memory_space<vmem>>
      %dma_wait3A_234 = arith.constant 0 : i32
      %dma_wait3A_235 = tpu.memref_slice %arg6[%multiple_of3A_188, %dma_wait3A_234] : memref<10240x128xf32, #tpu.memory_space<vmem_shared>> -> memref<128x128xf32, #tpu.memory_space<vmem_shared>>
      %dma_wait3A_236 = arith.constant 0 : i32
      %dma_wait3A_237 = arith.constant 0 : i32
      %dma_wait3A_238 = tpu.memref_slice %arg8[%run_scoped3A_189, %dma_wait3A_236, %dma_wait3A_237] : memref<2x128x128xf32, #tpu.memory_space<vmem>> -> memref<1x128x128xf32, #tpu.memory_space<vmem>>
      %dma_wait3A_239 = tpu.memref_squeeze %dma_wait3A_238 : memref<1x128x128xf32, #tpu.memory_space<vmem>> -> memref<128x128xf32, #tpu.memory_space<vmem>>
      %dma_wait3A_240 = arith.constant 0 : i32
      %dma_wait3A_241 = tpu.memref_slice %arg6[%multiple_of3A_188, %dma_wait3A_240] : memref<10240x128xf32, #tpu.memory_space<vmem_shared>> -> memref<128x128xf32, #tpu.memory_space<vmem_shared>>
      tpu.wait_dma2 semaphore(%run_scoped3A_217 : memref<!tpu.dma_semaphore, #tpu.memory_space<semaphore_mem>>) src(%dma_wait3A_241 : memref<128x128xf32, #tpu.memory_space<vmem_shared>>) dst(%dma_wait3A_239 : memref<128x128xf32, #tpu.memory_space<vmem>>)
      tpu.yield
    }) : () -> ()
    %run_scoped3A_190 = arith.constant 0 : i32
    %run_scoped3A_191 = arith.constant 1 : i32
    "tpu.region"() ({
      %run_scoped3A_217 = tpu.sem_alloc : memref<!tpu.dma_semaphore, #tpu.memory_space<semaphore_mem>>
      %dma_start3A_218 = arith.constant 0 : i32
      %dma_start3A_219 = arith.constant 0 : i32
      %dma_start3A_220 = tpu.memref_slice %arg8[%run_scoped3A_190, %dma_start3A_218, %dma_start3A_219] : memref<2x128x128xf32, #tpu.memory_space<vmem>> -> memref<1x128x128xf32, #tpu.memory_space<vmem>>
      %dma_start3A_221 = tpu.memref_squeeze %dma_start3A_220 : memref<1x128x128xf32, #tpu.memory_space<vmem>> -> memref<128x128xf32, #tpu.memory_space<vmem>>
      %dma_start3A_222 = arith.constant 0 : i32
      %dma_start3A_223 = tpu.memref_slice %arg5[%arg0, %multiple_of3A_188, %run_scoped3A_191, %dma_start3A_222] : memref<2x10240x2x128xf32, #tpu.memory_space<hbm>> -> memref<1x128x1x128xf32, #tpu.memory_space<hbm>>
      %dma_start3A_224 = tpu.memref_squeeze %dma_start3A_223 : memref<1x128x1x128xf32, #tpu.memory_space<hbm>> -> memref<128x128xf32, #tpu.memory_space<hbm>>
      %dma_start3A_225 = arith.constant 0 : i32
      %dma_start3A_226 = tpu.memref_slice %arg5[%arg0, %multiple_of3A_188, %run_scoped3A_191, %dma_start3A_225] : memref<2x10240x2x128xf32, #tpu.memory_space<hbm>> -> memref<1x128x1x128xf32, #tpu.memory_space<hbm>>
      %dma_start3A_227 = tpu.memref_squeeze %dma_start3A_226 : memref<1x128x1x128xf32, #tpu.memory_space<hbm>> -> memref<128x128xf32, #tpu.memory_space<hbm>>
      %dma_start3A_228 = arith.constant 0 : i32
      %dma_start3A_229 = arith.constant 0 : i32
      %dma_start3A_230 = tpu.memref_slice %arg8[%run_scoped3A_190, %dma_start3A_228, %dma_start3A_229] : memref<2x128x128xf32, #tpu.memory_space<vmem>> -> memref<1x128x128xf32, #tpu.memory_space<vmem>>
      %dma_start3A_231 = tpu.memref_squeeze %dma_start3A_230 : memref<1x128x128xf32, #tpu.memory_space<vmem>> -> memref<128x128xf32, #tpu.memory_space<vmem>>
      tpu.enqueue_dma source(%dma_start3A_231 : memref<128x128xf32, #tpu.memory_space<vmem>>) target(%dma_start3A_227 : memref<128x128xf32, #tpu.memory_space<hbm>>) target_semaphore(%run_scoped3A_217 : memref<!tpu.dma_semaphore, #tpu.memory_space<semaphore_mem>>)
      %dma_wait3A_232 = arith.constant 0 : i32
      %dma_wait3A_233 = arith.constant 0 : i32
      %dma_wait3A_234 = tpu.memref_slice %arg8[%run_scoped3A_190, %dma_wait3A_232, %dma_wait3A_233] : memref<2x128x128xf32, #tpu.memory_space<vmem>> -> memref<1x128x128xf32, #tpu.memory_space<vmem>>
      %dma_wait3A_235 = tpu.memref_squeeze %dma_wait3A_234 : memref<1x128x128xf32, #tpu.memory_space<vmem>> -> memref<128x128xf32, #tpu.memory_space<vmem>>
      %dma_wait3A_236 = arith.constant 0 : i32
      %dma_wait3A_237 = tpu.memref_slice %arg5[%arg0, %multiple_of3A_188, %run_scoped3A_191, %dma_wait3A_236] : memref<2x10240x2x128xf32, #tpu.memory_space<hbm>> -> memref<1x128x1x128xf32, #tpu.memory_space<hbm>>
      %dma_wait3A_238 = tpu.memref_squeeze %dma_wait3A_237 : memref<1x128x1x128xf32, #tpu.memory_space<hbm>> -> memref<128x128xf32, #tpu.memory_space<hbm>>
      %dma_wait3A_239 = arith.constant 0 : i32
      %dma_wait3A_240 = tpu.memref_slice %arg5[%arg0, %multiple_of3A_188, %run_scoped3A_191, %dma_wait3A_239] : memref<2x10240x2x128xf32, #tpu.memory_space<hbm>> -> memref<1x128x1x128xf32, #tpu.memory_space<hbm>>
      %dma_wait3A_241 = tpu.memref_squeeze %dma_wait3A_240 : memref<1x128x1x128xf32, #tpu.memory_space<hbm>> -> memref<128x128xf32, #tpu.memory_space<hbm>>
      %dma_wait3A_242 = arith.constant 0 : i32
      %dma_wait3A_243 = arith.constant 0 : i32
      %dma_wait3A_244 = tpu.memref_slice %arg8[%run_scoped3A_190, %dma_wait3A_242, %dma_wait3A_243] : memref<2x128x128xf32, #tpu.memory_space<vmem>> -> memref<1x128x128xf32, #tpu.memory_space<vmem>>
      %dma_wait3A_245 = tpu.memref_squeeze %dma_wait3A_244 : memref<1x128x128xf32, #tpu.memory_space<vmem>> -> memref<128x128xf32, #tpu.memory_space<vmem>>
      tpu.wait_dma2 semaphore(%run_scoped3A_217 : memref<!tpu.dma_semaphore, #tpu.memory_space<semaphore_mem>>) src(%dma_wait3A_245 : memref<128x128xf32, #tpu.memory_space<vmem>>) dst(%dma_wait3A_241 : memref<128x128xf32, #tpu.memory_space<hbm>>)
      tpu.yield
    }) : () -> ()
    %add3A_192 = arith.constant 128 : i32
    %add3A_193 = arith.addi %multiple_of3A, %add3A_192 : i32
    %multiple_of3A_194 = tpu.assume_multiple %add3A_193, 128 : i32
    %run_scoped3A_195 = arith.constant 0 : i32
    "tpu.region"() ({
      %run_scoped3A_217 = tpu.sem_alloc : memref<!tpu.dma_semaphore, #tpu.memory_space<semaphore_mem>>
      %dma_start3A_218 = arith.constant 0 : i32
      %dma_start3A_219 = arith.constant 0 : i32
      %dma_start3A_220 = tpu.memref_slice %arg8[%run_scoped3A_195, %dma_start3A_218, %dma_start3A_219] : memref<2x128x128xf32, #tpu.memory_space<vmem>> -> memref<1x128x128xf32, #tpu.memory_space<vmem>>
      %dma_start3A_221 = tpu.memref_squeeze %dma_start3A_220 : memref<1x128x128xf32, #tpu.memory_space<vmem>> -> memref<128x128xf32, #tpu.memory_space<vmem>>
      %dma_start3A_222 = arith.constant 0 : i32
      %dma_start3A_223 = tpu.memref_slice %arg6[%multiple_of3A_194, %dma_start3A_222] : memref<10240x128xf32, #tpu.memory_space<vmem_shared>> -> memref<128x128xf32, #tpu.memory_space<vmem_shared>>
      %dma_start3A_224 = arith.constant 0 : i32
      %dma_start3A_225 = arith.constant 0 : i32
      %dma_start3A_226 = tpu.memref_slice %arg8[%run_scoped3A_195, %dma_start3A_224, %dma_start3A_225] : memref<2x128x128xf32, #tpu.memory_space<vmem>> -> memref<1x128x128xf32, #tpu.memory_space<vmem>>
      %dma_start3A_227 = tpu.memref_squeeze %dma_start3A_226 : memref<1x128x128xf32, #tpu.memory_space<vmem>> -> memref<128x128xf32, #tpu.memory_space<vmem>>
      %dma_start3A_228 = arith.constant 0 : i32
      %dma_start3A_229 = tpu.memref_slice %arg6[%multiple_of3A_194, %dma_start3A_228] : memref<10240x128xf32, #tpu.memory_space<vmem_shared>> -> memref<128x128xf32, #tpu.memory_space<vmem_shared>>
      tpu.enqueue_dma source(%dma_start3A_229 : memref<128x128xf32, #tpu.memory_space<vmem_shared>>) target(%dma_start3A_227 : memref<128x128xf32, #tpu.memory_space<vmem>>) target_semaphore(%run_scoped3A_217 : memref<!tpu.dma_semaphore, #tpu.memory_space<semaphore_mem>>)
      %dma_wait3A_230 = arith.constant 0 : i32
      %dma_wait3A_231 = arith.constant 0 : i32
      %dma_wait3A_232 = tpu.memref_slice %arg8[%run_scoped3A_195, %dma_wait3A_230, %dma_wait3A_231] : memref<2x128x128xf32, #tpu.memory_space<vmem>> -> memref<1x128x128xf32, #tpu.memory_space<vmem>>
      %dma_wait3A_233 = tpu.memref_squeeze %dma_wait3A_232 : memref<1x128x128xf32, #tpu.memory_space<vmem>> -> memref<128x128xf32, #tpu.memory_space<vmem>>
      %dma_wait3A_234 = arith.constant 0 : i32
      %dma_wait3A_235 = tpu.memref_slice %arg6[%multiple_of3A_194, %dma_wait3A_234] : memref<10240x128xf32, #tpu.memory_space<vmem_shared>> -> memref<128x128xf32, #tpu.memory_space<vmem_shared>>
      %dma_wait3A_236 = arith.constant 0 : i32
      %dma_wait3A_237 = arith.constant 0 : i32
      %dma_wait3A_238 = tpu.memref_slice %arg8[%run_scoped3A_195, %dma_wait3A_236, %dma_wait3A_237] : memref<2x128x128xf32, #tpu.memory_space<vmem>> -> memref<1x128x128xf32, #tpu.memory_space<vmem>>
      %dma_wait3A_239 = tpu.memref_squeeze %dma_wait3A_238 : memref<1x128x128xf32, #tpu.memory_space<vmem>> -> memref<128x128xf32, #tpu.memory_space<vmem>>
      %dma_wait3A_240 = arith.constant 0 : i32
      %dma_wait3A_241 = tpu.memref_slice %arg6[%multiple_of3A_194, %dma_wait3A_240] : memref<10240x128xf32, #tpu.memory_space<vmem_shared>> -> memref<128x128xf32, #tpu.memory_space<vmem_shared>>
      tpu.wait_dma2 semaphore(%run_scoped3A_217 : memref<!tpu.dma_semaphore, #tpu.memory_space<semaphore_mem>>) src(%dma_wait3A_241 : memref<128x128xf32, #tpu.memory_space<vmem_shared>>) dst(%dma_wait3A_239 : memref<128x128xf32, #tpu.memory_space<vmem>>)
      tpu.yield
    }) : () -> ()
    %run_scoped3A_196 = arith.constant 0 : i32
    %run_scoped3A_197 = arith.constant 1 : i32
    "tpu.region"() ({
      %run_scoped3A_217 = tpu.sem_alloc : memref<!tpu.dma_semaphore, #tpu.memory_space<semaphore_mem>>
      %dma_start3A_218 = arith.constant 0 : i32
      %dma_start3A_219 = arith.constant 0 : i32
      %dma_start3A_220 = tpu.memref_slice %arg8[%run_scoped3A_196, %dma_start3A_218, %dma_start3A_219] : memref<2x128x128xf32, #tpu.memory_space<vmem>> -> memref<1x128x128xf32, #tpu.memory_space<vmem>>
      %dma_start3A_221 = tpu.memref_squeeze %dma_start3A_220 : memref<1x128x128xf32, #tpu.memory_space<vmem>> -> memref<128x128xf32, #tpu.memory_space<vmem>>
      %dma_start3A_222 = arith.constant 0 : i32
      %dma_start3A_223 = tpu.memref_slice %arg5[%arg0, %multiple_of3A_194, %run_scoped3A_197, %dma_start3A_222] : memref<2x10240x2x128xf32, #tpu.memory_space<hbm>> -> memref<1x128x1x128xf32, #tpu.memory_space<hbm>>
      %dma_start3A_224 = tpu.memref_squeeze %dma_start3A_223 : memref<1x128x1x128xf32, #tpu.memory_space<hbm>> -> memref<128x128xf32, #tpu.memory_space<hbm>>
      %dma_start3A_225 = arith.constant 0 : i32
      %dma_start3A_226 = tpu.memref_slice %arg5[%arg0, %multiple_of3A_194, %run_scoped3A_197, %dma_start3A_225] : memref<2x10240x2x128xf32, #tpu.memory_space<hbm>> -> memref<1x128x1x128xf32, #tpu.memory_space<hbm>>
      %dma_start3A_227 = tpu.memref_squeeze %dma_start3A_226 : memref<1x128x1x128xf32, #tpu.memory_space<hbm>> -> memref<128x128xf32, #tpu.memory_space<hbm>>
      %dma_start3A_228 = arith.constant 0 : i32
      %dma_start3A_229 = arith.constant 0 : i32
      %dma_start3A_230 = tpu.memref_slice %arg8[%run_scoped3A_196, %dma_start3A_228, %dma_start3A_229] : memref<2x128x128xf32, #tpu.memory_space<vmem>> -> memref<1x128x128xf32, #tpu.memory_space<vmem>>
      %dma_start3A_231 = tpu.memref_squeeze %dma_start3A_230 : memref<1x128x128xf32, #tpu.memory_space<vmem>> -> memref<128x128xf32, #tpu.memory_space<vmem>>
      tpu.enqueue_dma source(%dma_start3A_231 : memref<128x128xf32, #tpu.memory_space<vmem>>) target(%dma_start3A_227 : memref<128x128xf32, #tpu.memory_space<hbm>>) target_semaphore(%run_scoped3A_217 : memref<!tpu.dma_semaphore, #tpu.memory_space<semaphore_mem>>)
      %dma_wait3A_232 = arith.constant 0 : i32
      %dma_wait3A_233 = arith.constant 0 : i32
      %dma_wait3A_234 = tpu.memref_slice %arg8[%run_scoped3A_196, %dma_wait3A_232, %dma_wait3A_233] : memref<2x128x128xf32, #tpu.memory_space<vmem>> -> memref<1x128x128xf32, #tpu.memory_space<vmem>>
      %dma_wait3A_235 = tpu.memref_squeeze %dma_wait3A_234 : memref<1x128x128xf32, #tpu.memory_space<vmem>> -> memref<128x128xf32, #tpu.memory_space<vmem>>
      %dma_wait3A_236 = arith.constant 0 : i32
      %dma_wait3A_237 = tpu.memref_slice %arg5[%arg0, %multiple_of3A_194, %run_scoped3A_197, %dma_wait3A_236] : memref<2x10240x2x128xf32, #tpu.memory_space<hbm>> -> memref<1x128x1x128xf32, #tpu.memory_space<hbm>>
      %dma_wait3A_238 = tpu.memref_squeeze %dma_wait3A_237 : memref<1x128x1x128xf32, #tpu.memory_space<hbm>> -> memref<128x128xf32, #tpu.memory_space<hbm>>
      %dma_wait3A_239 = arith.constant 0 : i32
      %dma_wait3A_240 = tpu.memref_slice %arg5[%arg0, %multiple_of3A_194, %run_scoped3A_197, %dma_wait3A_239] : memref<2x10240x2x128xf32, #tpu.memory_space<hbm>> -> memref<1x128x1x128xf32, #tpu.memory_space<hbm>>
      %dma_wait3A_241 = tpu.memref_squeeze %dma_wait3A_240 : memref<1x128x1x128xf32, #tpu.memory_space<hbm>> -> memref<128x128xf32, #tpu.memory_space<hbm>>
      %dma_wait3A_242 = arith.constant 0 : i32
      %dma_wait3A_243 = arith.constant 0 : i32
      %dma_wait3A_244 = tpu.memref_slice %arg8[%run_scoped3A_196, %dma_wait3A_242, %dma_wait3A_243] : memref<2x128x128xf32, #tpu.memory_space<vmem>> -> memref<1x128x128xf32, #tpu.memory_space<vmem>>
      %dma_wait3A_245 = tpu.memref_squeeze %dma_wait3A_244 : memref<1x128x128xf32, #tpu.memory_space<vmem>> -> memref<128x128xf32, #tpu.memory_space<vmem>>
      tpu.wait_dma2 semaphore(%run_scoped3A_217 : memref<!tpu.dma_semaphore, #tpu.memory_space<semaphore_mem>>) src(%dma_wait3A_245 : memref<128x128xf32, #tpu.memory_space<vmem>>) dst(%dma_wait3A_241 : memref<128x128xf32, #tpu.memory_space<hbm>>)
      tpu.yield
    }) : () -> ()
    %add3A_198 = arith.constant 256 : i32
    %add3A_199 = arith.addi %multiple_of3A, %add3A_198 : i32
    %multiple_of3A_200 = tpu.assume_multiple %add3A_199, 128 : i32
    %run_scoped3A_201 = arith.constant 0 : i32
    "tpu.region"() ({
      %run_scoped3A_217 = tpu.sem_alloc : memref<!tpu.dma_semaphore, #tpu.memory_space<semaphore_mem>>
      %dma_start3A_218 = arith.constant 0 : i32
      %dma_start3A_219 = arith.constant 0 : i32
      %dma_start3A_220 = tpu.memref_slice %arg8[%run_scoped3A_201, %dma_start3A_218, %dma_start3A_219] : memref<2x128x128xf32, #tpu.memory_space<vmem>> -> memref<1x128x128xf32, #tpu.memory_space<vmem>>
      %dma_start3A_221 = tpu.memref_squeeze %dma_start3A_220 : memref<1x128x128xf32, #tpu.memory_space<vmem>> -> memref<128x128xf32, #tpu.memory_space<vmem>>
      %dma_start3A_222 = arith.constant 0 : i32
      %dma_start3A_223 = tpu.memref_slice %arg6[%multiple_of3A_200, %dma_start3A_222] : memref<10240x128xf32, #tpu.memory_space<vmem_shared>> -> memref<128x128xf32, #tpu.memory_space<vmem_shared>>
      %dma_start3A_224 = arith.constant 0 : i32
      %dma_start3A_225 = arith.constant 0 : i32
      %dma_start3A_226 = tpu.memref_slice %arg8[%run_scoped3A_201, %dma_start3A_224, %dma_start3A_225] : memref<2x128x128xf32, #tpu.memory_space<vmem>> -> memref<1x128x128xf32, #tpu.memory_space<vmem>>
      %dma_start3A_227 = tpu.memref_squeeze %dma_start3A_226 : memref<1x128x128xf32, #tpu.memory_space<vmem>> -> memref<128x128xf32, #tpu.memory_space<vmem>>
      %dma_start3A_228 = arith.constant 0 : i32
      %dma_start3A_229 = tpu.memref_slice %arg6[%multiple_of3A_200, %dma_start3A_228] : memref<10240x128xf32, #tpu.memory_space<vmem_shared>> -> memref<128x128xf32, #tpu.memory_space<vmem_shared>>
      tpu.enqueue_dma source(%dma_start3A_229 : memref<128x128xf32, #tpu.memory_space<vmem_shared>>) target(%dma_start3A_227 : memref<128x128xf32, #tpu.memory_space<vmem>>) target_semaphore(%run_scoped3A_217 : memref<!tpu.dma_semaphore, #tpu.memory_space<semaphore_mem>>)
      %dma_wait3A_230 = arith.constant 0 : i32
      %dma_wait3A_231 = arith.constant 0 : i32
      %dma_wait3A_232 = tpu.memref_slice %arg8[%run_scoped3A_201, %dma_wait3A_230, %dma_wait3A_231] : memref<2x128x128xf32, #tpu.memory_space<vmem>> -> memref<1x128x128xf32, #tpu.memory_space<vmem>>
      %dma_wait3A_233 = tpu.memref_squeeze %dma_wait3A_232 : memref<1x128x128xf32, #tpu.memory_space<vmem>> -> memref<128x128xf32, #tpu.memory_space<vmem>>
      %dma_wait3A_234 = arith.constant 0 : i32
      %dma_wait3A_235 = tpu.memref_slice %arg6[%multiple_of3A_200, %dma_wait3A_234] : memref<10240x128xf32, #tpu.memory_space<vmem_shared>> -> memref<128x128xf32, #tpu.memory_space<vmem_shared>>
      %dma_wait3A_236 = arith.constant 0 : i32
      %dma_wait3A_237 = arith.constant 0 : i32
      %dma_wait3A_238 = tpu.memref_slice %arg8[%run_scoped3A_201, %dma_wait3A_236, %dma_wait3A_237] : memref<2x128x128xf32, #tpu.memory_space<vmem>> -> memref<1x128x128xf32, #tpu.memory_space<vmem>>
      %dma_wait3A_239 = tpu.memref_squeeze %dma_wait3A_238 : memref<1x128x128xf32, #tpu.memory_space<vmem>> -> memref<128x128xf32, #tpu.memory_space<vmem>>
      %dma_wait3A_240 = arith.constant 0 : i32
      %dma_wait3A_241 = tpu.memref_slice %arg6[%multiple_of3A_200, %dma_wait3A_240] : memref<10240x128xf32, #tpu.memory_space<vmem_shared>> -> memref<128x128xf32, #tpu.memory_space<vmem_shared>>
      tpu.wait_dma2 semaphore(%run_scoped3A_217 : memref<!tpu.dma_semaphore, #tpu.memory_space<semaphore_mem>>) src(%dma_wait3A_241 : memref<128x128xf32, #tpu.memory_space<vmem_shared>>) dst(%dma_wait3A_239 : memref<128x128xf32, #tpu.memory_space<vmem>>)
      tpu.yield
    }) : () -> ()
    %run_scoped3A_202 = arith.constant 0 : i32
    %run_scoped3A_203 = arith.constant 1 : i32
    "tpu.region"() ({
      %run_scoped3A_217 = tpu.sem_alloc : memref<!tpu.dma_semaphore, #tpu.memory_space<semaphore_mem>>
      %dma_start3A_218 = arith.constant 0 : i32
      %dma_start3A_219 = arith.constant 0 : i32
      %dma_start3A_220 = tpu.memref_slice %arg8[%run_scoped3A_202, %dma_start3A_218, %dma_start3A_219] : memref<2x128x128xf32, #tpu.memory_space<vmem>> -> memref<1x128x128xf32, #tpu.memory_space<vmem>>
      %dma_start3A_221 = tpu.memref_squeeze %dma_start3A_220 : memref<1x128x128xf32, #tpu.memory_space<vmem>> -> memref<128x128xf32, #tpu.memory_space<vmem>>
      %dma_start3A_222 = arith.constant 0 : i32
      %dma_start3A_223 = tpu.memref_slice %arg5[%arg0, %multiple_of3A_200, %run_scoped3A_203, %dma_start3A_222] : memref<2x10240x2x128xf32, #tpu.memory_space<hbm>> -> memref<1x128x1x128xf32, #tpu.memory_space<hbm>>
      %dma_start3A_224 = tpu.memref_squeeze %dma_start3A_223 : memref<1x128x1x128xf32, #tpu.memory_space<hbm>> -> memref<128x128xf32, #tpu.memory_space<hbm>>
      %dma_start3A_225 = arith.constant 0 : i32
      %dma_start3A_226 = tpu.memref_slice %arg5[%arg0, %multiple_of3A_200, %run_scoped3A_203, %dma_start3A_225] : memref<2x10240x2x128xf32, #tpu.memory_space<hbm>> -> memref<1x128x1x128xf32, #tpu.memory_space<hbm>>
      %dma_start3A_227 = tpu.memref_squeeze %dma_start3A_226 : memref<1x128x1x128xf32, #tpu.memory_space<hbm>> -> memref<128x128xf32, #tpu.memory_space<hbm>>
      %dma_start3A_228 = arith.constant 0 : i32
      %dma_start3A_229 = arith.constant 0 : i32
      %dma_start3A_230 = tpu.memref_slice %arg8[%run_scoped3A_202, %dma_start3A_228, %dma_start3A_229] : memref<2x128x128xf32, #tpu.memory_space<vmem>> -> memref<1x128x128xf32, #tpu.memory_space<vmem>>
      %dma_start3A_231 = tpu.memref_squeeze %dma_start3A_230 : memref<1x128x128xf32, #tpu.memory_space<vmem>> -> memref<128x128xf32, #tpu.memory_space<vmem>>
      tpu.enqueue_dma source(%dma_start3A_231 : memref<128x128xf32, #tpu.memory_space<vmem>>) target(%dma_start3A_227 : memref<128x128xf32, #tpu.memory_space<hbm>>) target_semaphore(%run_scoped3A_217 : memref<!tpu.dma_semaphore, #tpu.memory_space<semaphore_mem>>)
      %dma_wait3A_232 = arith.constant 0 : i32
      %dma_wait3A_233 = arith.constant 0 : i32
      %dma_wait3A_234 = tpu.memref_slice %arg8[%run_scoped3A_202, %dma_wait3A_232, %dma_wait3A_233] : memref<2x128x128xf32, #tpu.memory_space<vmem>> -> memref<1x128x128xf32, #tpu.memory_space<vmem>>
      %dma_wait3A_235 = tpu.memref_squeeze %dma_wait3A_234 : memref<1x128x128xf32, #tpu.memory_space<vmem>> -> memref<128x128xf32, #tpu.memory_space<vmem>>
      %dma_wait3A_236 = arith.constant 0 : i32
      %dma_wait3A_237 = tpu.memref_slice %arg5[%arg0, %multiple_of3A_200, %run_scoped3A_203, %dma_wait3A_236] : memref<2x10240x2x128xf32, #tpu.memory_space<hbm>> -> memref<1x128x1x128xf32, #tpu.memory_space<hbm>>
      %dma_wait3A_238 = tpu.memref_squeeze %dma_wait3A_237 : memref<1x128x1x128xf32, #tpu.memory_space<hbm>> -> memref<128x128xf32, #tpu.memory_space<hbm>>
      %dma_wait3A_239 = arith.constant 0 : i32
      %dma_wait3A_240 = tpu.memref_slice %arg5[%arg0, %multiple_of3A_200, %run_scoped3A_203, %dma_wait3A_239] : memref<2x10240x2x128xf32, #tpu.memory_space<hbm>> -> memref<1x128x1x128xf32, #tpu.memory_space<hbm>>
      %dma_wait3A_241 = tpu.memref_squeeze %dma_wait3A_240 : memref<1x128x1x128xf32, #tpu.memory_space<hbm>> -> memref<128x128xf32, #tpu.memory_space<hbm>>
      %dma_wait3A_242 = arith.constant 0 : i32
      %dma_wait3A_243 = arith.constant 0 : i32
      %dma_wait3A_244 = tpu.memref_slice %arg8[%run_scoped3A_202, %dma_wait3A_242, %dma_wait3A_243] : memref<2x128x128xf32, #tpu.memory_space<vmem>> -> memref<1x128x128xf32, #tpu.memory_space<vmem>>
      %dma_wait3A_245 = tpu.memref_squeeze %dma_wait3A_244 : memref<1x128x128xf32, #tpu.memory_space<vmem>> -> memref<128x128xf32, #tpu.memory_space<vmem>>
      tpu.wait_dma2 semaphore(%run_scoped3A_217 : memref<!tpu.dma_semaphore, #tpu.memory_space<semaphore_mem>>) src(%dma_wait3A_245 : memref<128x128xf32, #tpu.memory_space<vmem>>) dst(%dma_wait3A_241 : memref<128x128xf32, #tpu.memory_space<hbm>>)
      tpu.yield
    }) : () -> ()
    %add3A_204 = arith.constant 384 : i32
    %add3A_205 = arith.addi %multiple_of3A, %add3A_204 : i32
    %multiple_of3A_206 = tpu.assume_multiple %add3A_205, 128 : i32
    %run_scoped3A_207 = arith.constant 0 : i32
    "tpu.region"() ({
      %run_scoped3A_217 = tpu.sem_alloc : memref<!tpu.dma_semaphore, #tpu.memory_space<semaphore_mem>>
      %dma_start3A_218 = arith.constant 0 : i32
      %dma_start3A_219 = arith.constant 0 : i32
      %dma_start3A_220 = tpu.memref_slice %arg8[%run_scoped3A_207, %dma_start3A_218, %dma_start3A_219] : memref<2x128x128xf32, #tpu.memory_space<vmem>> -> memref<1x128x128xf32, #tpu.memory_space<vmem>>
      %dma_start3A_221 = tpu.memref_squeeze %dma_start3A_220 : memref<1x128x128xf32, #tpu.memory_space<vmem>> -> memref<128x128xf32, #tpu.memory_space<vmem>>
      %dma_start3A_222 = arith.constant 0 : i32
      %dma_start3A_223 = tpu.memref_slice %arg6[%multiple_of3A_206, %dma_start3A_222] : memref<10240x128xf32, #tpu.memory_space<vmem_shared>> -> memref<128x128xf32, #tpu.memory_space<vmem_shared>>
      %dma_start3A_224 = arith.constant 0 : i32
      %dma_start3A_225 = arith.constant 0 : i32
      %dma_start3A_226 = tpu.memref_slice %arg8[%run_scoped3A_207, %dma_start3A_224, %dma_start3A_225] : memref<2x128x128xf32, #tpu.memory_space<vmem>> -> memref<1x128x128xf32, #tpu.memory_space<vmem>>
      %dma_start3A_227 = tpu.memref_squeeze %dma_start3A_226 : memref<1x128x128xf32, #tpu.memory_space<vmem>> -> memref<128x128xf32, #tpu.memory_space<vmem>>
      %dma_start3A_228 = arith.constant 0 : i32
      %dma_start3A_229 = tpu.memref_slice %arg6[%multiple_of3A_206, %dma_start3A_228] : memref<10240x128xf32, #tpu.memory_space<vmem_shared>> -> memref<128x128xf32, #tpu.memory_space<vmem_shared>>
      tpu.enqueue_dma source(%dma_start3A_229 : memref<128x128xf32, #tpu.memory_space<vmem_shared>>) target(%dma_start3A_227 : memref<128x128xf32, #tpu.memory_space<vmem>>) target_semaphore(%run_scoped3A_217 : memref<!tpu.dma_semaphore, #tpu.memory_space<semaphore_mem>>)
      %dma_wait3A_230 = arith.constant 0 : i32
      %dma_wait3A_231 = arith.constant 0 : i32
      %dma_wait3A_232 = tpu.memref_slice %arg8[%run_scoped3A_207, %dma_wait3A_230, %dma_wait3A_231] : memref<2x128x128xf32, #tpu.memory_space<vmem>> -> memref<1x128x128xf32, #tpu.memory_space<vmem>>
      %dma_wait3A_233 = tpu.memref_squeeze %dma_wait3A_232 : memref<1x128x128xf32, #tpu.memory_space<vmem>> -> memref<128x128xf32, #tpu.memory_space<vmem>>
      %dma_wait3A_234 = arith.constant 0 : i32
      %dma_wait3A_235 = tpu.memref_slice %arg6[%multiple_of3A_206, %dma_wait3A_234] : memref<10240x128xf32, #tpu.memory_space<vmem_shared>> -> memref<128x128xf32, #tpu.memory_space<vmem_shared>>
      %dma_wait3A_236 = arith.constant 0 : i32
      %dma_wait3A_237 = arith.constant 0 : i32
      %dma_wait3A_238 = tpu.memref_slice %arg8[%run_scoped3A_207, %dma_wait3A_236, %dma_wait3A_237] : memref<2x128x128xf32, #tpu.memory_space<vmem>> -> memref<1x128x128xf32, #tpu.memory_space<vmem>>
      %dma_wait3A_239 = tpu.memref_squeeze %dma_wait3A_238 : memref<1x128x128xf32, #tpu.memory_space<vmem>> -> memref<128x128xf32, #tpu.memory_space<vmem>>
      %dma_wait3A_240 = arith.constant 0 : i32
      %dma_wait3A_241 = tpu.memref_slice %arg6[%multiple_of3A_206, %dma_wait3A_240] : memref<10240x128xf32, #tpu.memory_space<vmem_shared>> -> memref<128x128xf32, #tpu.memory_space<vmem_shared>>
      tpu.wait_dma2 semaphore(%run_scoped3A_217 : memref<!tpu.dma_semaphore, #tpu.memory_space<semaphore_mem>>) src(%dma_wait3A_241 : memref<128x128xf32, #tpu.memory_space<vmem_shared>>) dst(%dma_wait3A_239 : memref<128x128xf32, #tpu.memory_space<vmem>>)
      tpu.yield
    }) : () -> ()
    %run_scoped3A_208 = arith.constant 0 : i32
    %run_scoped3A_209 = arith.constant 1 : i32
    "tpu.region"() ({
      %run_scoped3A_217 = tpu.sem_alloc : memref<!tpu.dma_semaphore, #tpu.memory_space<semaphore_mem>>
      %dma_start3A_218 = arith.constant 0 : i32
      %dma_start3A_219 = arith.constant 0 : i32
      %dma_start3A_220 = tpu.memref_slice %arg8[%run_scoped3A_208, %dma_start3A_218, %dma_start3A_219] : memref<2x128x128xf32, #tpu.memory_space<vmem>> -> memref<1x128x128xf32, #tpu.memory_space<vmem>>
      %dma_start3A_221 = tpu.memref_squeeze %dma_start3A_220 : memref<1x128x128xf32, #tpu.memory_space<vmem>> -> memref<128x128xf32, #tpu.memory_space<vmem>>
      %dma_start3A_222 = arith.constant 0 : i32
      %dma_start3A_223 = tpu.memref_slice %arg5[%arg0, %multiple_of3A_206, %run_scoped3A_209, %dma_start3A_222] : memref<2x10240x2x128xf32, #tpu.memory_space<hbm>> -> memref<1x128x1x128xf32, #tpu.memory_space<hbm>>
      %dma_start3A_224 = tpu.memref_squeeze %dma_start3A_223 : memref<1x128x1x128xf32, #tpu.memory_space<hbm>> -> memref<128x128xf32, #tpu.memory_space<hbm>>
      %dma_start3A_225 = arith.constant 0 : i32
      %dma_start3A_226 = tpu.memref_slice %arg5[%arg0, %multiple_of3A_206, %run_scoped3A_209, %dma_start3A_225] : memref<2x10240x2x128xf32, #tpu.memory_space<hbm>> -> memref<1x128x1x128xf32, #tpu.memory_space<hbm>>
      %dma_start3A_227 = tpu.memref_squeeze %dma_start3A_226 : memref<1x128x1x128xf32, #tpu.memory_space<hbm>> -> memref<128x128xf32, #tpu.memory_space<hbm>>
      %dma_start3A_228 = arith.constant 0 : i32
      %dma_start3A_229 = arith.constant 0 : i32
      %dma_start3A_230 = tpu.memref_slice %arg8[%run_scoped3A_208, %dma_start3A_228, %dma_start3A_229] : memref<2x128x128xf32, #tpu.memory_space<vmem>> -> memref<1x128x128xf32, #tpu.memory_space<vmem>>
      %dma_start3A_231 = tpu.memref_squeeze %dma_start3A_230 : memref<1x128x128xf32, #tpu.memory_space<vmem>> -> memref<128x128xf32, #tpu.memory_space<vmem>>
      tpu.enqueue_dma source(%dma_start3A_231 : memref<128x128xf32, #tpu.memory_space<vmem>>) target(%dma_start3A_227 : memref<128x128xf32, #tpu.memory_space<hbm>>) target_semaphore(%run_scoped3A_217 : memref<!tpu.dma_semaphore, #tpu.memory_space<semaphore_mem>>)
      %dma_wait3A_232 = arith.constant 0 : i32
      %dma_wait3A_233 = arith.constant 0 : i32
      %dma_wait3A_234 = tpu.memref_slice %arg8[%run_scoped3A_208, %dma_wait3A_232, %dma_wait3A_233] : memref<2x128x128xf32, #tpu.memory_space<vmem>> -> memref<1x128x128xf32, #tpu.memory_space<vmem>>
      %dma_wait3A_235 = tpu.memref_squeeze %dma_wait3A_234 : memref<1x128x128xf32, #tpu.memory_space<vmem>> -> memref<128x128xf32, #tpu.memory_space<vmem>>
      %dma_wait3A_236 = arith.constant 0 : i32
      %dma_wait3A_237 = tpu.memref_slice %arg5[%arg0, %multiple_of3A_206, %run_scoped3A_209, %dma_wait3A_236] : memref<2x10240x2x128xf32, #tpu.memory_space<hbm>> -> memref<1x128x1x128xf32, #tpu.memory_space<hbm>>
      %dma_wait3A_238 = tpu.memref_squeeze %dma_wait3A_237 : memref<1x128x1x128xf32, #tpu.memory_space<hbm>> -> memref<128x128xf32, #tpu.memory_space<hbm>>
      %dma_wait3A_239 = arith.constant 0 : i32
      %dma_wait3A_240 = tpu.memref_slice %arg5[%arg0, %multiple_of3A_206, %run_scoped3A_209, %dma_wait3A_239] : memref<2x10240x2x128xf32, #tpu.memory_space<hbm>> -> memref<1x128x1x128xf32, #tpu.memory_space<hbm>>
      %dma_wait3A_241 = tpu.memref_squeeze %dma_wait3A_240 : memref<1x128x1x128xf32, #tpu.memory_space<hbm>> -> memref<128x128xf32, #tpu.memory_space<hbm>>
      %dma_wait3A_242 = arith.constant 0 : i32
      %dma_wait3A_243 = arith.constant 0 : i32
      %dma_wait3A_244 = tpu.memref_slice %arg8[%run_scoped3A_208, %dma_wait3A_242, %dma_wait3A_243] : memref<2x128x128xf32, #tpu.memory_space<vmem>> -> memref<1x128x128xf32, #tpu.memory_space<vmem>>
      %dma_wait3A_245 = tpu.memref_squeeze %dma_wait3A_244 : memref<1x128x128xf32, #tpu.memory_space<vmem>> -> memref<128x128xf32, #tpu.memory_space<vmem>>
      tpu.wait_dma2 semaphore(%run_scoped3A_217 : memref<!tpu.dma_semaphore, #tpu.memory_space<semaphore_mem>>) src(%dma_wait3A_245 : memref<128x128xf32, #tpu.memory_space<vmem>>) dst(%dma_wait3A_241 : memref<128x128xf32, #tpu.memory_space<hbm>>)
      tpu.yield
    }) : () -> ()
    %add3A_210 = arith.constant 512 : i32
    %add3A_211 = arith.addi %multiple_of3A, %add3A_210 : i32
    %multiple_of3A_212 = tpu.assume_multiple %add3A_211, 128 : i32
    %run_scoped3A_213 = arith.constant 0 : i32
    "tpu.region"() ({
      %run_scoped3A_217 = tpu.sem_alloc : memref<!tpu.dma_semaphore, #tpu.memory_space<semaphore_mem>>
      %dma_start3A_218 = arith.constant 0 : i32
      %dma_start3A_219 = arith.constant 0 : i32
      %dma_start3A_220 = tpu.memref_slice %arg8[%run_scoped3A_213, %dma_start3A_218, %dma_start3A_219] : memref<2x128x128xf32, #tpu.memory_space<vmem>> -> memref<1x128x128xf32, #tpu.memory_space<vmem>>
      %dma_start3A_221 = tpu.memref_squeeze %dma_start3A_220 : memref<1x128x128xf32, #tpu.memory_space<vmem>> -> memref<128x128xf32, #tpu.memory_space<vmem>>
      %dma_start3A_222 = arith.constant 0 : i32
      %dma_start3A_223 = tpu.memref_slice %arg6[%multiple_of3A_212, %dma_start3A_222] : memref<10240x128xf32, #tpu.memory_space<vmem_shared>> -> memref<128x128xf32, #tpu.memory_space<vmem_shared>>
      %dma_start3A_224 = arith.constant 0 : i32
      %dma_start3A_225 = arith.constant 0 : i32
      %dma_start3A_226 = tpu.memref_slice %arg8[%run_scoped3A_213, %dma_start3A_224, %dma_start3A_225] : memref<2x128x128xf32, #tpu.memory_space<vmem>> -> memref<1x128x128xf32, #tpu.memory_space<vmem>>
      %dma_start3A_227 = tpu.memref_squeeze %dma_start3A_226 : memref<1x128x128xf32, #tpu.memory_space<vmem>> -> memref<128x128xf32, #tpu.memory_space<vmem>>
      %dma_start3A_228 = arith.constant 0 : i32
      %dma_start3A_229 = tpu.memref_slice %arg6[%multiple_of3A_212, %dma_start3A_228] : memref<10240x128xf32, #tpu.memory_space<vmem_shared>> -> memref<128x128xf32, #tpu.memory_space<vmem_shared>>
      tpu.enqueue_dma source(%dma_start3A_229 : memref<128x128xf32, #tpu.memory_space<vmem_shared>>) target(%dma_start3A_227 : memref<128x128xf32, #tpu.memory_space<vmem>>) target_semaphore(%run_scoped3A_217 : memref<!tpu.dma_semaphore, #tpu.memory_space<semaphore_mem>>)
      %dma_wait3A_230 = arith.constant 0 : i32
      %dma_wait3A_231 = arith.constant 0 : i32
      %dma_wait3A_232 = tpu.memref_slice %arg8[%run_scoped3A_213, %dma_wait3A_230, %dma_wait3A_231] : memref<2x128x128xf32, #tpu.memory_space<vmem>> -> memref<1x128x128xf32, #tpu.memory_space<vmem>>
      %dma_wait3A_233 = tpu.memref_squeeze %dma_wait3A_232 : memref<1x128x128xf32, #tpu.memory_space<vmem>> -> memref<128x128xf32, #tpu.memory_space<vmem>>
      %dma_wait3A_234 = arith.constant 0 : i32
      %dma_wait3A_235 = tpu.memref_slice %arg6[%multiple_of3A_212, %dma_wait3A_234] : memref<10240x128xf32, #tpu.memory_space<vmem_shared>> -> memref<128x128xf32, #tpu.memory_space<vmem_shared>>
      %dma_wait3A_236 = arith.constant 0 : i32
      %dma_wait3A_237 = arith.constant 0 : i32
      %dma_wait3A_238 = tpu.memref_slice %arg8[%run_scoped3A_213, %dma_wait3A_236, %dma_wait3A_237] : memref<2x128x128xf32, #tpu.memory_space<vmem>> -> memref<1x128x128xf32, #tpu.memory_space<vmem>>
      %dma_wait3A_239 = tpu.memref_squeeze %dma_wait3A_238 : memref<1x128x128xf32, #tpu.memory_space<vmem>> -> memref<128x128xf32, #tpu.memory_space<vmem>>
      %dma_wait3A_240 = arith.constant 0 : i32
      %dma_wait3A_241 = tpu.memref_slice %arg6[%multiple_of3A_212, %dma_wait3A_240] : memref<10240x128xf32, #tpu.memory_space<vmem_shared>> -> memref<128x128xf32, #tpu.memory_space<vmem_shared>>
      tpu.wait_dma2 semaphore(%run_scoped3A_217 : memref<!tpu.dma_semaphore, #tpu.memory_space<semaphore_mem>>) src(%dma_wait3A_241 : memref<128x128xf32, #tpu.memory_space<vmem_shared>>) dst(%dma_wait3A_239 : memref<128x128xf32, #tpu.memory_space<vmem>>)
      tpu.yield
    }) : () -> ()
    %run_scoped3A_214 = arith.constant 0 : i32
    %run_scoped3A_215 = arith.constant 1 : i32
    "tpu.region"() ({
      %run_scoped3A_217 = tpu.sem_alloc : memref<!tpu.dma_semaphore, #tpu.memory_space<semaphore_mem>>
      %dma_start3A_218 = arith.constant 0 : i32
      %dma_start3A_219 = arith.constant 0 : i32
      %dma_start3A_220 = tpu.memref_slice %arg8[%run_scoped3A_214, %dma_start3A_218, %dma_start3A_219] : memref<2x128x128xf32, #tpu.memory_space<vmem>> -> memref<1x128x128xf32, #tpu.memory_space<vmem>>
      %dma_start3A_221 = tpu.memref_squeeze %dma_start3A_220 : memref<1x128x128xf32, #tpu.memory_space<vmem>> -> memref<128x128xf32, #tpu.memory_space<vmem>>
      %dma_start3A_222 = arith.constant 0 : i32
      %dma_start3A_223 = tpu.memref_slice %arg5[%arg0, %multiple_of3A_212, %run_scoped3A_215, %dma_start3A_222] : memref<2x10240x2x128xf32, #tpu.memory_space<hbm>> -> memref<1x128x1x128xf32, #tpu.memory_space<hbm>>
      %dma_start3A_224 = tpu.memref_squeeze %dma_start3A_223 : memref<1x128x1x128xf32, #tpu.memory_space<hbm>> -> memref<128x128xf32, #tpu.memory_space<hbm>>
      %dma_start3A_225 = arith.constant 0 : i32
      %dma_start3A_226 = tpu.memref_slice %arg5[%arg0, %multiple_of3A_212, %run_scoped3A_215, %dma_start3A_225] : memref<2x10240x2x128xf32, #tpu.memory_space<hbm>> -> memref<1x128x1x128xf32, #tpu.memory_space<hbm>>
      %dma_start3A_227 = tpu.memref_squeeze %dma_start3A_226 : memref<1x128x1x128xf32, #tpu.memory_space<hbm>> -> memref<128x128xf32, #tpu.memory_space<hbm>>
      %dma_start3A_228 = arith.constant 0 : i32
      %dma_start3A_229 = arith.constant 0 : i32
      %dma_start3A_230 = tpu.memref_slice %arg8[%run_scoped3A_214, %dma_start3A_228, %dma_start3A_229] : memref<2x128x128xf32, #tpu.memory_space<vmem>> -> memref<1x128x128xf32, #tpu.memory_space<vmem>>
      %dma_start3A_231 = tpu.memref_squeeze %dma_start3A_230 : memref<1x128x128xf32, #tpu.memory_space<vmem>> -> memref<128x128xf32, #tpu.memory_space<vmem>>
      tpu.enqueue_dma source(%dma_start3A_231 : memref<128x128xf32, #tpu.memory_space<vmem>>) target(%dma_start3A_227 : memref<128x128xf32, #tpu.memory_space<hbm>>) target_semaphore(%run_scoped3A_217 : memref<!tpu.dma_semaphore, #tpu.memory_space<semaphore_mem>>)
      %dma_wait3A_232 = arith.constant 0 : i32
      %dma_wait3A_233 = arith.constant 0 : i32
      %dma_wait3A_234 = tpu.memref_slice %arg8[%run_scoped3A_214, %dma_wait3A_232, %dma_wait3A_233] : memref<2x128x128xf32, #tpu.memory_space<vmem>> -> memref<1x128x128xf32, #tpu.memory_space<vmem>>
      %dma_wait3A_235 = tpu.memref_squeeze %dma_wait3A_234 : memref<1x128x128xf32, #tpu.memory_space<vmem>> -> memref<128x128xf32, #tpu.memory_space<vmem>>
      %dma_wait3A_236 = arith.constant 0 : i32
      %dma_wait3A_237 = tpu.memref_slice %arg5[%arg0, %multiple_of3A_212, %run_scoped3A_215, %dma_wait3A_236] : memref<2x10240x2x128xf32, #tpu.memory_space<hbm>> -> memref<1x128x1x128xf32, #tpu.memory_space<hbm>>
      %dma_wait3A_238 = tpu.memref_squeeze %dma_wait3A_237 : memref<1x128x1x128xf32, #tpu.memory_space<hbm>> -> memref<128x128xf32, #tpu.memory_space<hbm>>
      %dma_wait3A_239 = arith.constant 0 : i32
      %dma_wait3A_240 = tpu.memref_slice %arg5[%arg0, %multiple_of3A_212, %run_scoped3A_215, %dma_wait3A_239] : memref<2x10240x2x128xf32, #tpu.memory_space<hbm>> -> memref<1x128x1x128xf32, #tpu.memory_space<hbm>>
      %dma_wait3A_241 = tpu.memref_squeeze %dma_wait3A_240 : memref<1x128x1x128xf32, #tpu.memory_space<hbm>> -> memref<128x128xf32, #tpu.memory_space<hbm>>
      %dma_wait3A_242 = arith.constant 0 : i32
      %dma_wait3A_243 = arith.constant 0 : i32
      %dma_wait3A_244 = tpu.memref_slice %arg8[%run_scoped3A_214, %dma_wait3A_242, %dma_wait3A_243] : memref<2x128x128xf32, #tpu.memory_space<vmem>> -> memref<1x128x128xf32, #tpu.memory_space<vmem>>
      %dma_wait3A_245 = tpu.memref_squeeze %dma_wait3A_244 : memref<1x128x128xf32, #tpu.memory_space<vmem>> -> memref<128x128xf32, #tpu.memory_space<vmem>>
      tpu.wait_dma2 semaphore(%run_scoped3A_217 : memref<!tpu.dma_semaphore, #tpu.memory_space<semaphore_mem>>) src(%dma_wait3A_245 : memref<128x128xf32, #tpu.memory_space<vmem>>) dst(%dma_wait3A_241 : memref<128x128xf32, #tpu.memory_space<hbm>>)
      tpu.yield
    }) : () -> ()
    %barrier3A_216 = arith.constant 0 : index
    tpu.barrier barrier_id(%barrier3A_216)
    return
  }
}

#map = affine_map<(d0, d1) -> (0, 0)>
#map1 = affine_map<(d0, d1) -> (0, 0, 0, 0)>
module attributes {stable_mosaic.version = 14 : i64} {
  func.func @_sc_scatter(%arg0: i32, %arg1: i32, %arg2: memref<81920x128xf32, #tpu.memory_space<hbm>>, %arg3: memref<81920x128xf32, #tpu.memory_space<hbm>>, %arg4: memref<2x16x40x128xi32, #tpu.memory_space<hbm>>, %arg5: memref<2x10240x2x128xf32, #tpu.memory_space<hbm>>, %arg6: memref<10240x128xf32, #tpu.memory_space<vmem_shared>>, %arg7: memref<40x128xi32, #tpu.memory_space<vmem>>, %arg8: memref<2x128x128xf32, #tpu.memory_space<vmem>>, %arg9: memref<2x!tpu.dma_semaphore, #tpu.memory_space<semaphore_mem>>, %arg10: memref<2x!tpu.dma_semaphore, #tpu.memory_space<semaphore_mem>>) attributes {dimension_semantics = [#tpu.dimension_semantics<core_parallel>, #tpu.dimension_semantics<subcore_parallel>], iteration_bounds = array<i64: 2, 16>, scalar_prefetch = 0 : i64, scratch_operands = 5 : i64, tpu.core_type = #tpu.core_type<sc_vector_subcore>, window_params = [{transform_indices = #map}, {transform_indices = #map}, {transform_indices = #map1}, {transform_indices = #map1}]} {
    %mul3A = arith.constant 640 : i32
    %mul3A_0 = arith.muli %arg1, %mul3A : i32
    %multiple_of3A = tpu.assume_multiple %mul3A_0, 128 : i32
    %mul3A_1 = arith.constant 5120 : i32
    %mul3A_2 = arith.muli %arg1, %mul3A_1 : i32
    %multiple_of3A_3 = tpu.assume_multiple %mul3A_2, 128 : i32
    %broadcast_in_dim3A = arith.constant 0.000000e+00 : f32
    %broadcast_in_dim3A_4 = vector.broadcast %broadcast_in_dim3A : f32 to vector<16xf32>
    "tpu.region"() ({
      %run_scoped3A_217 = tpu.sem_alloc : memref<!tpu.dma_semaphore, #tpu.memory_space<semaphore_mem>>
      %dma_start3A_218 = arith.constant 0 : i32
      %dma_start3A_219 = arith.constant 0 : i32
      %dma_start3A_220 = tpu.memref_slice %arg4[%arg0, %arg1, %dma_start3A_218, %dma_start3A_219] : memref<2x16x40x128xi32, #tpu.memory_space<hbm>> -> memref<1x1x40x128xi32, #tpu.memory_space<hbm>>
      %dma_start3A_221 = tpu.memref_squeeze %dma_start3A_220 : memref<1x1x40x128xi32, #tpu.memory_space<hbm>> -> memref<40x128xi32, #tpu.memory_space<hbm>>
      %dma_start3A_222 = arith.constant 0 : i32
      %dma_start3A_223 = arith.constant 0 : i32
      %dma_start3A_224 = tpu.memref_slice %arg4[%arg0, %arg1, %dma_start3A_222, %dma_start3A_223] : memref<2x16x40x128xi32, #tpu.memory_space<hbm>> -> memref<1x1x40x128xi32, #tpu.memory_space<hbm>>
      %dma_start3A_225 = tpu.memref_squeeze %dma_start3A_224 : memref<1x1x40x128xi32, #tpu.memory_space<hbm>> -> memref<40x128xi32, #tpu.memory_space<hbm>>
      tpu.enqueue_dma source(%dma_start3A_225 : memref<40x128xi32, #tpu.memory_space<hbm>>) target(%arg7 : memref<40x128xi32, #tpu.memory_space<vmem>>) target_semaphore(%run_scoped3A_217 : memref<!tpu.dma_semaphore, #tpu.memory_space<semaphore_mem>>)
      %dma_wait3A_226 = arith.constant 0 : i32
      %dma_wait3A_227 = arith.constant 0 : i32
      %dma_wait3A_228 = tpu.memref_slice %arg4[%arg0, %arg1, %dma_wait3A_226, %dma_wait3A_227] : memref<2x16x40x128xi32, #tpu.memory_space<hbm>> -> memref<1x1x40x128xi32, #tpu.memory_space<hbm>>
      %dma_wait3A_229 = tpu.memref_squeeze %dma_wait3A_228 : memref<1x1x40x128xi32, #tpu.memory_space<hbm>> -> memref<40x128xi32, #tpu.memory_space<hbm>>
      %dma_wait3A_230 = arith.constant 0 : i32
      %dma_wait3A_231 = arith.constant 0 : i32
      %dma_wait3A_232 = tpu.memref_slice %arg4[%arg0, %arg1, %dma_wait3A_230, %dma_wait3A_231] : memref<2x16x40x128xi32, #tpu.memory_space<hbm>> -> memref<1x1x40x128xi32, #tpu.memory_space<hbm>>
      %dma_wait3A_233 = tpu.memref_squeeze %dma_wait3A_232 : memref<1x1x40x128xi32, #tpu.memory_space<hbm>> -> memref<40x128xi32, #tpu.memory_space<hbm>>
      tpu.wait_dma2 semaphore(%run_scoped3A_217 : memref<!tpu.dma_semaphore, #tpu.memory_space<semaphore_mem>>) src(%dma_wait3A_233 : memref<40x128xi32, #tpu.memory_space<hbm>>) dst(%arg7 : memref<40x128xi32, #tpu.memory_space<vmem>>)
      tpu.yield
    }) : () -> ()
    %scan3A = arith.constant 0 : i32
    %scan3A_5 = arith.constant 0 : i32
    %scan3A_6 = arith.constant 128 : i32
    %scan3A_7 = arith.addi %scan3A_5, %scan3A_6 : i32
    %scan3A_8 = arith.constant 1 : i32
    scf.for %scan3A_217 = %scan3A_5 to %scan3A_7 step %scan3A_8  : i32 {
      %swap3A = arith.constant 0 : i32
      %swap3A_218 = arith.index_cast %swap3A : i32 to index
      %swap3A_219 = arith.index_cast %scan3A_217 : i32 to index
      %swap3A_220 = arith.constant 0 : index
      %swap3A_221 = tpu.vector_load %arg8[%swap3A_218, %swap3A_219, %swap3A_220] {strides = array<i32>} : memref<2x128x128xf32, #tpu.memory_space<vmem>>, vector<1x1x16xf32>,
      %swap3A_222 = vector.shape_cast %swap3A_221 : vector<1x1x16xf32> to vector<16xf32>
      %swap3A_223 = vector.shape_cast %broadcast_in_dim3A_4 : vector<16xf32> to vector<1x1x16xf32>
      tpu.vector_store %arg8[%swap3A_218, %swap3A_219, %swap3A_220], %swap3A_223 {strides = array<i32>} : memref<2x128x128xf32, #tpu.memory_space<vmem>>, vector<1x1x16xf32>,
      %swap3A_224 = arith.constant 0 : i32
      %swap3A_225 = arith.index_cast %swap3A_224 : i32 to index
      %swap3A_226 = arith.index_cast %scan3A_217 : i32 to index
      %swap3A_227 = arith.constant 16 : index
      %swap3A_228 = tpu.vector_load %arg8[%swap3A_225, %swap3A_226, %swap3A_227] {strides = array<i32>} : memref<2x128x128xf32, #tpu.memory_space<vmem>>, vector<1x1x16xf32>,
      %swap3A_229 = vector.shape_cast %swap3A_228 : vector<1x1x16xf32> to vector<16xf32>
      %swap3A_230 = vector.shape_cast %broadcast_in_dim3A_4 : vector<16xf32> to vector<1x1x16xf32>
      tpu.vector_store %arg8[%swap3A_225, %swap3A_226, %swap3A_227], %swap3A_230 {strides = array<i32>} : memref<2x128x128xf32, #tpu.memory_space<vmem>>, vector<1x1x16xf32>,
      %swap3A_231 = arith.constant 0 : i32
      %swap3A_232 = arith.index_cast %swap3A_231 : i32 to index
      %swap3A_233 = arith.index_cast %scan3A_217 : i32 to index
      %swap3A_234 = arith.constant 32 : index
      %swap3A_235 = tpu.vector_load %arg8[%swap3A_232, %swap3A_233, %swap3A_234] {strides = array<i32>} : memref<2x128x128xf32, #tpu.memory_space<vmem>>, vector<1x1x16xf32>,
      %swap3A_236 = vector.shape_cast %swap3A_235 : vector<1x1x16xf32> to vector<16xf32>
      %swap3A_237 = vector.shape_cast %broadcast_in_dim3A_4 : vector<16xf32> to vector<1x1x16xf32>
      tpu.vector_store %arg8[%swap3A_232, %swap3A_233, %swap3A_234], %swap3A_237 {strides = array<i32>} : memref<2x128x128xf32, #tpu.memory_space<vmem>>, vector<1x1x16xf32>,
      %swap3A_238 = arith.constant 0 : i32
      %swap3A_239 = arith.index_cast %swap3A_238 : i32 to index
      %swap3A_240 = arith.index_cast %scan3A_217 : i32 to index
      %swap3A_241 = arith.constant 48 : index
      %swap3A_242 = tpu.vector_load %arg8[%swap3A_239, %swap3A_240, %swap3A_241] {strides = array<i32>} : memref<2x128x128xf32, #tpu.memory_space<vmem>>, vector<1x1x16xf32>,
      %swap3A_243 = vector.shape_cast %swap3A_242 : vector<1x1x16xf32> to vector<16xf32>
      %swap3A_244 = vector.shape_cast %broadcast_in_dim3A_4 : vector<16xf32> to vector<1x1x16xf32>
      tpu.vector_store %arg8[%swap3A_239, %swap3A_240, %swap3A_241], %swap3A_244 {strides = array<i32>} : memref<2x128x128xf32, #tpu.memory_space<vmem>>, vector<1x1x16xf32>,
      %swap3A_245 = arith.constant 0 : i32
      %swap3A_246 = arith.index_cast %swap3A_245 : i32 to index
      %swap3A_247 = arith.index_cast %scan3A_217 : i32 to index
      %swap3A_248 = arith.constant 64 : index
      %swap3A_249 = tpu.vector_load %arg8[%swap3A_246, %swap3A_247, %swap3A_248] {strides = array<i32>} : memref<2x128x128xf32, #tpu.memory_space<vmem>>, vector<1x1x16xf32>,
      %swap3A_250 = vector.shape_cast %swap3A_249 : vector<1x1x16xf32> to vector<16xf32>
      %swap3A_251 = vector.shape_cast %broadcast_in_dim3A_4 : vector<16xf32> to vector<1x1x16xf32>
      tpu.vector_store %arg8[%swap3A_246, %swap3A_247, %swap3A_248], %swap3A_251 {strides = array<i32>} : memref<2x128x128xf32, #tpu.memory_space<vmem>>, vector<1x1x16xf32>,
      %swap3A_252 = arith.constant 0 : i32
      %swap3A_253 = arith.index_cast %swap3A_252 : i32 to index
      %swap3A_254 = arith.index_cast %scan3A_217 : i32 to index
      %swap3A_255 = arith.constant 80 : index
      %swap3A_256 = tpu.vector_load %arg8[%swap3A_253, %swap3A_254, %swap3A_255] {strides = array<i32>} : memref<2x128x128xf32, #tpu.memory_space<vmem>>, vector<1x1x16xf32>,
      %swap3A_257 = vector.shape_cast %swap3A_256 : vector<1x1x16xf32> to vector<16xf32>
      %swap3A_258 = vector.shape_cast %broadcast_in_dim3A_4 : vector<16xf32> to vector<1x1x16xf32>
      tpu.vector_store %arg8[%swap3A_253, %swap3A_254, %swap3A_255], %swap3A_258 {strides = array<i32>} : memref<2x128x128xf32, #tpu.memory_space<vmem>>, vector<1x1x16xf32>,
      %swap3A_259 = arith.constant 0 : i32
      %swap3A_260 = arith.index_cast %swap3A_259 : i32 to index
      %swap3A_261 = arith.index_cast %scan3A_217 : i32 to index
      %swap3A_262 = arith.constant 96 : index
      %swap3A_263 = tpu.vector_load %arg8[%swap3A_260, %swap3A_261, %swap3A_262] {strides = array<i32>} : memref<2x128x128xf32, #tpu.memory_space<vmem>>, vector<1x1x16xf32>,
      %swap3A_264 = vector.shape_cast %swap3A_263 : vector<1x1x16xf32> to vector<16xf32>
      %swap3A_265 = vector.shape_cast %broadcast_in_dim3A_4 : vector<16xf32> to vector<1x1x16xf32>
      tpu.vector_store %arg8[%swap3A_260, %swap3A_261, %swap3A_262], %swap3A_265 {strides = array<i32>} : memref<2x128x128xf32, #tpu.memory_space<vmem>>, vector<1x1x16xf32>,
      %swap3A_266 = arith.constant 0 : i32
      %swap3A_267 = arith.index_cast %swap3A_266 : i32 to index
      %swap3A_268 = arith.index_cast %scan3A_217 : i32 to index
      %swap3A_269 = arith.constant 112 : index
      %swap3A_270 = tpu.vector_load %arg8[%swap3A_267, %swap3A_268, %swap3A_269] {strides = array<i32>} : memref<2x128x128xf32, #tpu.memory_space<vmem>>, vector<1x1x16xf32>,
      %swap3A_271 = vector.shape_cast %swap3A_270 : vector<1x1x16xf32> to vector<16xf32>
      %swap3A_272 = vector.shape_cast %broadcast_in_dim3A_4 : vector<16xf32> to vector<1x1x16xf32>
      tpu.vector_store %arg8[%swap3A_267, %swap3A_268, %swap3A_269], %swap3A_272 {strides = array<i32>} : memref<2x128x128xf32, #tpu.memory_space<vmem>>, vector<1x1x16xf32>,
    }
    %scan3A_9 = arith.constant 128 : i32
    %add3A = arith.constant 0 : i32
    %add3A_10 = arith.addi %multiple_of3A, %add3A : i32
    %run_scoped3A = arith.constant 0 : i32
    "tpu.region"() ({
      %run_scoped3A_217 = tpu.sem_alloc : memref<!tpu.dma_semaphore, #tpu.memory_space<semaphore_mem>>
      %dma_start3A_218 = arith.constant 0 : i32
      %dma_start3A_219 = arith.constant 0 : i32
      %dma_start3A_220 = tpu.memref_slice %arg8[%run_scoped3A, %dma_start3A_218, %dma_start3A_219] : memref<2x128x128xf32, #tpu.memory_space<vmem>> -> memref<1x128x128xf32, #tpu.memory_space<vmem>>
      %dma_start3A_221 = tpu.memref_squeeze %dma_start3A_220 : memref<1x128x128xf32, #tpu.memory_space<vmem>> -> memref<128x128xf32, #tpu.memory_space<vmem>>
      %dma_start3A_222 = arith.constant 0 : i32
      %dma_start3A_223 = tpu.memref_slice %arg6[%add3A_10, %dma_start3A_222] : memref<10240x128xf32, #tpu.memory_space<vmem_shared>> -> memref<128x128xf32, #tpu.memory_space<vmem_shared>>
      %dma_start3A_224 = arith.constant 0 : i32
      %dma_start3A_225 = tpu.memref_slice %arg6[%add3A_10, %dma_start3A_224] : memref<10240x128xf32, #tpu.memory_space<vmem_shared>> -> memref<128x128xf32, #tpu.memory_space<vmem_shared>>
      %dma_start3A_226 = arith.constant 0 : i32
      %dma_start3A_227 = arith.constant 0 : i32
      %dma_start3A_228 = tpu.memref_slice %arg8[%run_scoped3A, %dma_start3A_226, %dma_start3A_227] : memref<2x128x128xf32, #tpu.memory_space<vmem>> -> memref<1x128x128xf32, #tpu.memory_space<vmem>>
      %dma_start3A_229 = tpu.memref_squeeze %dma_start3A_228 : memref<1x128x128xf32, #tpu.memory_space<vmem>> -> memref<128x128xf32, #tpu.memory_space<vmem>>
      tpu.enqueue_dma source(%dma_start3A_229 : memref<128x128xf32, #tpu.memory_space<vmem>>) target(%dma_start3A_225 : memref<128x128xf32, #tpu.memory_space<vmem_shared>>) target_semaphore(%run_scoped3A_217 : memref<!tpu.dma_semaphore, #tpu.memory_space<semaphore_mem>>)
      %dma_wait3A_230 = arith.constant 0 : i32
      %dma_wait3A_231 = arith.constant 0 : i32
      %dma_wait3A_232 = tpu.memref_slice %arg8[%run_scoped3A, %dma_wait3A_230, %dma_wait3A_231] : memref<2x128x128xf32, #tpu.memory_space<vmem>> -> memref<1x128x128xf32, #tpu.memory_space<vmem>>
      %dma_wait3A_233 = tpu.memref_squeeze %dma_wait3A_232 : memref<1x128x128xf32, #tpu.memory_space<vmem>> -> memref<128x128xf32, #tpu.memory_space<vmem>>
      %dma_wait3A_234 = arith.constant 0 : i32
      %dma_wait3A_235 = tpu.memref_slice %arg6[%add3A_10, %dma_wait3A_234] : memref<10240x128xf32, #tpu.memory_space<vmem_shared>> -> memref<128x128xf32, #tpu.memory_space<vmem_shared>>
      %dma_wait3A_236 = arith.constant 0 : i32
      %dma_wait3A_237 = tpu.memref_slice %arg6[%add3A_10, %dma_wait3A_236] : memref<10240x128xf32, #tpu.memory_space<vmem_shared>> -> memref<128x128xf32, #tpu.memory_space<vmem_shared>>
      %dma_wait3A_238 = arith.constant 0 : i32
      %dma_wait3A_239 = arith.constant 0 : i32
      %dma_wait3A_240 = tpu.memref_slice %arg8[%run_scoped3A, %dma_wait3A_238, %dma_wait3A_239] : memref<2x128x128xf32, #tpu.memory_space<vmem>> -> memref<1x128x128xf32, #tpu.memory_space<vmem>>
      %dma_wait3A_241 = tpu.memref_squeeze %dma_wait3A_240 : memref<1x128x128xf32, #tpu.memory_space<vmem>> -> memref<128x128xf32, #tpu.memory_space<vmem>>
      tpu.wait_dma2 semaphore(%run_scoped3A_217 : memref<!tpu.dma_semaphore, #tpu.memory_space<semaphore_mem>>) src(%dma_wait3A_241 : memref<128x128xf32, #tpu.memory_space<vmem>>) dst(%dma_wait3A_237 : memref<128x128xf32, #tpu.memory_space<vmem_shared>>)
      tpu.yield
    }) : () -> ()
    %add3A_11 = arith.constant 128 : i32
    %add3A_12 = arith.addi %multiple_of3A, %add3A_11 : i32
    %run_scoped3A_13 = arith.constant 0 : i32
    "tpu.region"() ({
      %run_scoped3A_217 = tpu.sem_alloc : memref<!tpu.dma_semaphore, #tpu.memory_space<semaphore_mem>>
      %dma_start3A_218 = arith.constant 0 : i32
      %dma_start3A_219 = arith.constant 0 : i32
      %dma_start3A_220 = tpu.memref_slice %arg8[%run_scoped3A_13, %dma_start3A_218, %dma_start3A_219] : memref<2x128x128xf32, #tpu.memory_space<vmem>> -> memref<1x128x128xf32, #tpu.memory_space<vmem>>
      %dma_start3A_221 = tpu.memref_squeeze %dma_start3A_220 : memref<1x128x128xf32, #tpu.memory_space<vmem>> -> memref<128x128xf32, #tpu.memory_space<vmem>>
      %dma_start3A_222 = arith.constant 0 : i32
      %dma_start3A_223 = tpu.memref_slice %arg6[%add3A_12, %dma_start3A_222] : memref<10240x128xf32, #tpu.memory_space<vmem_shared>> -> memref<128x128xf32, #tpu.memory_space<vmem_shared>>
      %dma_start3A_224 = arith.constant 0 : i32
      %dma_start3A_225 = tpu.memref_slice %arg6[%add3A_12, %dma_start3A_224] : memref<10240x128xf32, #tpu.memory_space<vmem_shared>> -> memref<128x128xf32, #tpu.memory_space<vmem_shared>>
      %dma_start3A_226 = arith.constant 0 : i32
      %dma_start3A_227 = arith.constant 0 : i32
      %dma_start3A_228 = tpu.memref_slice %arg8[%run_scoped3A_13, %dma_start3A_226, %dma_start3A_227] : memref<2x128x128xf32, #tpu.memory_space<vmem>> -> memref<1x128x128xf32, #tpu.memory_space<vmem>>
      %dma_start3A_229 = tpu.memref_squeeze %dma_start3A_228 : memref<1x128x128xf32, #tpu.memory_space<vmem>> -> memref<128x128xf32, #tpu.memory_space<vmem>>
      tpu.enqueue_dma source(%dma_start3A_229 : memref<128x128xf32, #tpu.memory_space<vmem>>) target(%dma_start3A_225 : memref<128x128xf32, #tpu.memory_space<vmem_shared>>) target_semaphore(%run_scoped3A_217 : memref<!tpu.dma_semaphore, #tpu.memory_space<semaphore_mem>>)
      %dma_wait3A_230 = arith.constant 0 : i32
      %dma_wait3A_231 = arith.constant 0 : i32
      %dma_wait3A_232 = tpu.memref_slice %arg8[%run_scoped3A_13, %dma_wait3A_230, %dma_wait3A_231] : memref<2x128x128xf32, #tpu.memory_space<vmem>> -> memref<1x128x128xf32, #tpu.memory_space<vmem>>
      %dma_wait3A_233 = tpu.memref_squeeze %dma_wait3A_232 : memref<1x128x128xf32, #tpu.memory_space<vmem>> -> memref<128x128xf32, #tpu.memory_space<vmem>>
      %dma_wait3A_234 = arith.constant 0 : i32
      %dma_wait3A_235 = tpu.memref_slice %arg6[%add3A_12, %dma_wait3A_234] : memref<10240x128xf32, #tpu.memory_space<vmem_shared>> -> memref<128x128xf32, #tpu.memory_space<vmem_shared>>
      %dma_wait3A_236 = arith.constant 0 : i32
      %dma_wait3A_237 = tpu.memref_slice %arg6[%add3A_12, %dma_wait3A_236] : memref<10240x128xf32, #tpu.memory_space<vmem_shared>> -> memref<128x128xf32, #tpu.memory_space<vmem_shared>>
      %dma_wait3A_238 = arith.constant 0 : i32
      %dma_wait3A_239 = arith.constant 0 : i32
      %dma_wait3A_240 = tpu.memref_slice %arg8[%run_scoped3A_13, %dma_wait3A_238, %dma_wait3A_239] : memref<2x128x128xf32, #tpu.memory_space<vmem>> -> memref<1x128x128xf32, #tpu.memory_space<vmem>>
      %dma_wait3A_241 = tpu.memref_squeeze %dma_wait3A_240 : memref<1x128x128xf32, #tpu.memory_space<vmem>> -> memref<128x128xf32, #tpu.memory_space<vmem>>
      tpu.wait_dma2 semaphore(%run_scoped3A_217 : memref<!tpu.dma_semaphore, #tpu.memory_space<semaphore_mem>>) src(%dma_wait3A_241 : memref<128x128xf32, #tpu.memory_space<vmem>>) dst(%dma_wait3A_237 : memref<128x128xf32, #tpu.memory_space<vmem_shared>>)
      tpu.yield
    }) : () -> ()
    %add3A_14 = arith.constant 256 : i32
    %add3A_15 = arith.addi %multiple_of3A, %add3A_14 : i32
    %run_scoped3A_16 = arith.constant 0 : i32
    "tpu.region"() ({
      %run_scoped3A_217 = tpu.sem_alloc : memref<!tpu.dma_semaphore, #tpu.memory_space<semaphore_mem>>
      %dma_start3A_218 = arith.constant 0 : i32
      %dma_start3A_219 = arith.constant 0 : i32
      %dma_start3A_220 = tpu.memref_slice %arg8[%run_scoped3A_16, %dma_start3A_218, %dma_start3A_219] : memref<2x128x128xf32, #tpu.memory_space<vmem>> -> memref<1x128x128xf32, #tpu.memory_space<vmem>>
      %dma_start3A_221 = tpu.memref_squeeze %dma_start3A_220 : memref<1x128x128xf32, #tpu.memory_space<vmem>> -> memref<128x128xf32, #tpu.memory_space<vmem>>
      %dma_start3A_222 = arith.constant 0 : i32
      %dma_start3A_223 = tpu.memref_slice %arg6[%add3A_15, %dma_start3A_222] : memref<10240x128xf32, #tpu.memory_space<vmem_shared>> -> memref<128x128xf32, #tpu.memory_space<vmem_shared>>
      %dma_start3A_224 = arith.constant 0 : i32
      %dma_start3A_225 = tpu.memref_slice %arg6[%add3A_15, %dma_start3A_224] : memref<10240x128xf32, #tpu.memory_space<vmem_shared>> -> memref<128x128xf32, #tpu.memory_space<vmem_shared>>
      %dma_start3A_226 = arith.constant 0 : i32
      %dma_start3A_227 = arith.constant 0 : i32
      %dma_start3A_228 = tpu.memref_slice %arg8[%run_scoped3A_16, %dma_start3A_226, %dma_start3A_227] : memref<2x128x128xf32, #tpu.memory_space<vmem>> -> memref<1x128x128xf32, #tpu.memory_space<vmem>>
      %dma_start3A_229 = tpu.memref_squeeze %dma_start3A_228 : memref<1x128x128xf32, #tpu.memory_space<vmem>> -> memref<128x128xf32, #tpu.memory_space<vmem>>
      tpu.enqueue_dma source(%dma_start3A_229 : memref<128x128xf32, #tpu.memory_space<vmem>>) target(%dma_start3A_225 : memref<128x128xf32, #tpu.memory_space<vmem_shared>>) target_semaphore(%run_scoped3A_217 : memref<!tpu.dma_semaphore, #tpu.memory_space<semaphore_mem>>)
      %dma_wait3A_230 = arith.constant 0 : i32
      %dma_wait3A_231 = arith.constant 0 : i32
      %dma_wait3A_232 = tpu.memref_slice %arg8[%run_scoped3A_16, %dma_wait3A_230, %dma_wait3A_231] : memref<2x128x128xf32, #tpu.memory_space<vmem>> -> memref<1x128x128xf32, #tpu.memory_space<vmem>>
      %dma_wait3A_233 = tpu.memref_squeeze %dma_wait3A_232 : memref<1x128x128xf32, #tpu.memory_space<vmem>> -> memref<128x128xf32, #tpu.memory_space<vmem>>
      %dma_wait3A_234 = arith.constant 0 : i32
      %dma_wait3A_235 = tpu.memref_slice %arg6[%add3A_15, %dma_wait3A_234] : memref<10240x128xf32, #tpu.memory_space<vmem_shared>> -> memref<128x128xf32, #tpu.memory_space<vmem_shared>>
      %dma_wait3A_236 = arith.constant 0 : i32
      %dma_wait3A_237 = tpu.memref_slice %arg6[%add3A_15, %dma_wait3A_236] : memref<10240x128xf32, #tpu.memory_space<vmem_shared>> -> memref<128x128xf32, #tpu.memory_space<vmem_shared>>
      %dma_wait3A_238 = arith.constant 0 : i32
      %dma_wait3A_239 = arith.constant 0 : i32
      %dma_wait3A_240 = tpu.memref_slice %arg8[%run_scoped3A_16, %dma_wait3A_238, %dma_wait3A_239] : memref<2x128x128xf32, #tpu.memory_space<vmem>> -> memref<1x128x128xf32, #tpu.memory_space<vmem>>
      %dma_wait3A_241 = tpu.memref_squeeze %dma_wait3A_240 : memref<1x128x128xf32, #tpu.memory_space<vmem>> -> memref<128x128xf32, #tpu.memory_space<vmem>>
      tpu.wait_dma2 semaphore(%run_scoped3A_217 : memref<!tpu.dma_semaphore, #tpu.memory_space<semaphore_mem>>) src(%dma_wait3A_241 : memref<128x128xf32, #tpu.memory_space<vmem>>) dst(%dma_wait3A_237 : memref<128x128xf32, #tpu.memory_space<vmem_shared>>)
      tpu.yield
    }) : () -> ()
    %add3A_17 = arith.constant 384 : i32
    %add3A_18 = arith.addi %multiple_of3A, %add3A_17 : i32
    %run_scoped3A_19 = arith.constant 0 : i32
    "tpu.region"() ({
      %run_scoped3A_217 = tpu.sem_alloc : memref<!tpu.dma_semaphore, #tpu.memory_space<semaphore_mem>>
      %dma_start3A_218 = arith.constant 0 : i32
      %dma_start3A_219 = arith.constant 0 : i32
      %dma_start3A_220 = tpu.memref_slice %arg8[%run_scoped3A_19, %dma_start3A_218, %dma_start3A_219] : memref<2x128x128xf32, #tpu.memory_space<vmem>> -> memref<1x128x128xf32, #tpu.memory_space<vmem>>
      %dma_start3A_221 = tpu.memref_squeeze %dma_start3A_220 : memref<1x128x128xf32, #tpu.memory_space<vmem>> -> memref<128x128xf32, #tpu.memory_space<vmem>>
      %dma_start3A_222 = arith.constant 0 : i32
      %dma_start3A_223 = tpu.memref_slice %arg6[%add3A_18, %dma_start3A_222] : memref<10240x128xf32, #tpu.memory_space<vmem_shared>> -> memref<128x128xf32, #tpu.memory_space<vmem_shared>>
      %dma_start3A_224 = arith.constant 0 : i32
      %dma_start3A_225 = tpu.memref_slice %arg6[%add3A_18, %dma_start3A_224] : memref<10240x128xf32, #tpu.memory_space<vmem_shared>> -> memref<128x128xf32, #tpu.memory_space<vmem_shared>>
      %dma_start3A_226 = arith.constant 0 : i32
      %dma_start3A_227 = arith.constant 0 : i32
      %dma_start3A_228 = tpu.memref_slice %arg8[%run_scoped3A_19, %dma_start3A_226, %dma_start3A_227] : memref<2x128x128xf32, #tpu.memory_space<vmem>> -> memref<1x128x128xf32, #tpu.memory_space<vmem>>
      %dma_start3A_229 = tpu.memref_squeeze %dma_start3A_228 : memref<1x128x128xf32, #tpu.memory_space<vmem>> -> memref<128x128xf32, #tpu.memory_space<vmem>>
      tpu.enqueue_dma source(%dma_start3A_229 : memref<128x128xf32, #tpu.memory_space<vmem>>) target(%dma_start3A_225 : memref<128x128xf32, #tpu.memory_space<vmem_shared>>) target_semaphore(%run_scoped3A_217 : memref<!tpu.dma_semaphore, #tpu.memory_space<semaphore_mem>>)
      %dma_wait3A_230 = arith.constant 0 : i32
      %dma_wait3A_231 = arith.constant 0 : i32
      %dma_wait3A_232 = tpu.memref_slice %arg8[%run_scoped3A_19, %dma_wait3A_230, %dma_wait3A_231] : memref<2x128x128xf32, #tpu.memory_space<vmem>> -> memref<1x128x128xf32, #tpu.memory_space<vmem>>
      %dma_wait3A_233 = tpu.memref_squeeze %dma_wait3A_232 : memref<1x128x128xf32, #tpu.memory_space<vmem>> -> memref<128x128xf32, #tpu.memory_space<vmem>>
      %dma_wait3A_234 = arith.constant 0 : i32
      %dma_wait3A_235 = tpu.memref_slice %arg6[%add3A_18, %dma_wait3A_234] : memref<10240x128xf32, #tpu.memory_space<vmem_shared>> -> memref<128x128xf32, #tpu.memory_space<vmem_shared>>
      %dma_wait3A_236 = arith.constant 0 : i32
      %dma_wait3A_237 = tpu.memref_slice %arg6[%add3A_18, %dma_wait3A_236] : memref<10240x128xf32, #tpu.memory_space<vmem_shared>> -> memref<128x128xf32, #tpu.memory_space<vmem_shared>>
      %dma_wait3A_238 = arith.constant 0 : i32
      %dma_wait3A_239 = arith.constant 0 : i32
      %dma_wait3A_240 = tpu.memref_slice %arg8[%run_scoped3A_19, %dma_wait3A_238, %dma_wait3A_239] : memref<2x128x128xf32, #tpu.memory_space<vmem>> -> memref<1x128x128xf32, #tpu.memory_space<vmem>>
      %dma_wait3A_241 = tpu.memref_squeeze %dma_wait3A_240 : memref<1x128x128xf32, #tpu.memory_space<vmem>> -> memref<128x128xf32, #tpu.memory_space<vmem>>
      tpu.wait_dma2 semaphore(%run_scoped3A_217 : memref<!tpu.dma_semaphore, #tpu.memory_space<semaphore_mem>>) src(%dma_wait3A_241 : memref<128x128xf32, #tpu.memory_space<vmem>>) dst(%dma_wait3A_237 : memref<128x128xf32, #tpu.memory_space<vmem_shared>>)
      tpu.yield
    }) : () -> ()
    %add3A_20 = arith.constant 512 : i32
    %add3A_21 = arith.addi %multiple_of3A, %add3A_20 : i32
    %run_scoped3A_22 = arith.constant 0 : i32
    "tpu.region"() ({
      %run_scoped3A_217 = tpu.sem_alloc : memref<!tpu.dma_semaphore, #tpu.memory_space<semaphore_mem>>
      %dma_start3A_218 = arith.constant 0 : i32
      %dma_start3A_219 = arith.constant 0 : i32
      %dma_start3A_220 = tpu.memref_slice %arg8[%run_scoped3A_22, %dma_start3A_218, %dma_start3A_219] : memref<2x128x128xf32, #tpu.memory_space<vmem>> -> memref<1x128x128xf32, #tpu.memory_space<vmem>>
      %dma_start3A_221 = tpu.memref_squeeze %dma_start3A_220 : memref<1x128x128xf32, #tpu.memory_space<vmem>> -> memref<128x128xf32, #tpu.memory_space<vmem>>
      %dma_start3A_222 = arith.constant 0 : i32
      %dma_start3A_223 = tpu.memref_slice %arg6[%add3A_21, %dma_start3A_222] : memref<10240x128xf32, #tpu.memory_space<vmem_shared>> -> memref<128x128xf32, #tpu.memory_space<vmem_shared>>
      %dma_start3A_224 = arith.constant 0 : i32
      %dma_start3A_225 = tpu.memref_slice %arg6[%add3A_21, %dma_start3A_224] : memref<10240x128xf32, #tpu.memory_space<vmem_shared>> -> memref<128x128xf32, #tpu.memory_space<vmem_shared>>
      %dma_start3A_226 = arith.constant 0 : i32
      %dma_start3A_227 = arith.constant 0 : i32
      %dma_start3A_228 = tpu.memref_slice %arg8[%run_scoped3A_22, %dma_start3A_226, %dma_start3A_227] : memref<2x128x128xf32, #tpu.memory_space<vmem>> -> memref<1x128x128xf32, #tpu.memory_space<vmem>>
      %dma_start3A_229 = tpu.memref_squeeze %dma_start3A_228 : memref<1x128x128xf32, #tpu.memory_space<vmem>> -> memref<128x128xf32, #tpu.memory_space<vmem>>
      tpu.enqueue_dma source(%dma_start3A_229 : memref<128x128xf32, #tpu.memory_space<vmem>>) target(%dma_start3A_225 : memref<128x128xf32, #tpu.memory_space<vmem_shared>>) target_semaphore(%run_scoped3A_217 : memref<!tpu.dma_semaphore, #tpu.memory_space<semaphore_mem>>)
      %dma_wait3A_230 = arith.constant 0 : i32
      %dma_wait3A_231 = arith.constant 0 : i32
      %dma_wait3A_232 = tpu.memref_slice %arg8[%run_scoped3A_22, %dma_wait3A_230, %dma_wait3A_231] : memref<2x128x128xf32, #tpu.memory_space<vmem>> -> memref<1x128x128xf32, #tpu.memory_space<vmem>>
      %dma_wait3A_233 = tpu.memref_squeeze %dma_wait3A_232 : memref<1x128x128xf32, #tpu.memory_space<vmem>> -> memref<128x128xf32, #tpu.memory_space<vmem>>
      %dma_wait3A_234 = arith.constant 0 : i32
      %dma_wait3A_235 = tpu.memref_slice %arg6[%add3A_21, %dma_wait3A_234] : memref<10240x128xf32, #tpu.memory_space<vmem_shared>> -> memref<128x128xf32, #tpu.memory_space<vmem_shared>>
      %dma_wait3A_236 = arith.constant 0 : i32
      %dma_wait3A_237 = tpu.memref_slice %arg6[%add3A_21, %dma_wait3A_236] : memref<10240x128xf32, #tpu.memory_space<vmem_shared>> -> memref<128x128xf32, #tpu.memory_space<vmem_shared>>
      %dma_wait3A_238 = arith.constant 0 : i32
      %dma_wait3A_239 = arith.constant 0 : i32
      %dma_wait3A_240 = tpu.memref_slice %arg8[%run_scoped3A_22, %dma_wait3A_238, %dma_wait3A_239] : memref<2x128x128xf32, #tpu.memory_space<vmem>> -> memref<1x128x128xf32, #tpu.memory_space<vmem>>
      %dma_wait3A_241 = tpu.memref_squeeze %dma_wait3A_240 : memref<1x128x128xf32, #tpu.memory_space<vmem>> -> memref<128x128xf32, #tpu.memory_space<vmem>>
      tpu.wait_dma2 semaphore(%run_scoped3A_217 : memref<!tpu.dma_semaphore, #tpu.memory_space<semaphore_mem>>) src(%dma_wait3A_241 : memref<128x128xf32, #tpu.memory_space<vmem>>) dst(%dma_wait3A_237 : memref<128x128xf32, #tpu.memory_space<vmem_shared>>)
      tpu.yield
    }) : () -> ()
    %barrier3A = arith.constant 0 : index
    tpu.barrier barrier_id(%barrier3A)
    %add3A_23 = arith.constant 0 : i32
    %add3A_24 = arith.addi %multiple_of3A_3, %add3A_23 : i32
    %multiple_of3A_25 = tpu.assume_multiple %add3A_24, 128 : i32
    %dma_start3A = arith.constant 0 : i32
    %dma_start3A_26 = arith.constant 0 : i32
    %dma_start3A_27 = arith.constant 0 : i32
    %dma_start3A_28 = arith.constant 0 : i32
    %dma_start3A_29 = tpu.memref_slice %arg8[%dma_start3A, %dma_start3A_27, %dma_start3A_28] : memref<2x128x128xf32, #tpu.memory_space<vmem>> -> memref<1x128x128xf32, #tpu.memory_space<vmem>>
    %dma_start3A_30 = tpu.memref_squeeze %dma_start3A_29 : memref<1x128x128xf32, #tpu.memory_space<vmem>> -> memref<128x128xf32, #tpu.memory_space<vmem>>
    %dma_start3A_31 = arith.constant 0 : i32
    %dma_start3A_32 = tpu.memref_slice %arg2[%multiple_of3A_25, %dma_start3A_31] : memref<81920x128xf32, #tpu.memory_space<hbm>> -> memref<128x128xf32, #tpu.memory_space<hbm>>
    %dma_start3A_33 = tpu.memref_slice %arg9[%dma_start3A_26] : memref<2x!tpu.dma_semaphore, #tpu.memory_space<semaphore_mem>> -> memref<1x!tpu.dma_semaphore, #tpu.memory_space<semaphore_mem>>
    %dma_start3A_34 = tpu.memref_squeeze %dma_start3A_33 : memref<1x!tpu.dma_semaphore, #tpu.memory_space<semaphore_mem>> -> memref<!tpu.dma_semaphore, #tpu.memory_space<semaphore_mem>>
    %dma_start3A_35 = arith.constant 0 : i32
    %dma_start3A_36 = arith.constant 0 : i32
    %dma_start3A_37 = tpu.memref_slice %arg8[%dma_start3A, %dma_start3A_35, %dma_start3A_36] : memref<2x128x128xf32, #tpu.memory_space<vmem>> -> memref<1x128x128xf32, #tpu.memory_space<vmem>>
    %dma_start3A_38 = tpu.memref_squeeze %dma_start3A_37 : memref<1x128x128xf32, #tpu.memory_space<vmem>> -> memref<128x128xf32, #tpu.memory_space<vmem>>
    %dma_start3A_39 = arith.constant 0 : i32
    %dma_start3A_40 = tpu.memref_slice %arg2[%multiple_of3A_25, %dma_start3A_39] : memref<81920x128xf32, #tpu.memory_space<hbm>> -> memref<128x128xf32, #tpu.memory_space<hbm>>
    tpu.enqueue_dma source(%dma_start3A_40 : memref<128x128xf32, #tpu.memory_space<hbm>>) target(%dma_start3A_38 : memref<128x128xf32, #tpu.memory_space<vmem>>) target_semaphore(%dma_start3A_34 : memref<!tpu.dma_semaphore, #tpu.memory_space<semaphore_mem>>)
    %scan3A_41 = arith.constant 0 : i32
    %scan3A_42 = arith.constant 0 : i32
    %scan3A_43 = arith.constant 40 : i32
    %scan3A_44 = arith.addi %scan3A_42, %scan3A_43 : i32
    %scan3A_45 = arith.constant 1 : i32
    scf.for %scan3A_217 = %scan3A_42 to %scan3A_44 step %scan3A_45  : i32 {
      %rem3A = arith.constant 2 : i32
      %rem3A_218 = arith.remsi %scan3A_217, %rem3A : i32
      %add3A_219 = arith.constant 1 : i32
      %add3A_220 = arith.addi %scan3A_217, %add3A_219 : i32
      %lt3A = arith.constant 40 : i32
      %lt3A_221 = arith.cmpi slt, %add3A_220, %lt3A : i32
      %convert_element_type3A = arith.extui %lt3A_221 : i1 to i32
      %cond3A = arith.constant 0 : i32
      %cond3A_222 = arith.cmpi ne, %convert_element_type3A, %cond3A : i32
      scf.if %cond3A_222 {
        %rem3A_253 = arith.constant 2 : i32
        %rem3A_254 = arith.remsi %add3A_220, %rem3A_253 : i32
        %ge3A = arith.constant 2 : i32
        %ge3A_255 = arith.cmpi sge, %add3A_220, %ge3A : i32
        %convert_element_type3A_256 = arith.extui %ge3A_255 : i1 to i32
        %cond3A_257 = arith.constant 0 : i32
        %cond3A_258 = arith.cmpi ne, %convert_element_type3A_256, %cond3A_257 : i32
        scf.if %cond3A_258 {
          %sub3A = arith.constant 2 : i32
          %sub3A_277 = arith.subi %add3A_220, %sub3A : i32
          %dma_wait3A_278 = arith.constant 0 : i32
          %dma_wait3A_279 = arith.constant 0 : i32
          %dma_wait3A_280 = tpu.memref_slice %arg8[%rem3A_254, %dma_wait3A_278, %dma_wait3A_279] : memref<2x128x128xf32, #tpu.memory_space<vmem>> -> memref<1x128x128xf32, #tpu.memory_space<vmem>>
          %dma_wait3A_281 = tpu.memref_squeeze %dma_wait3A_280 : memref<1x128x128xf32, #tpu.memory_space<vmem>> -> memref<128x128xf32, #tpu.memory_space<vmem>>
          %dma_wait3A_282 = arith.constant 0 : i32
          %dma_wait3A_283 = tpu.memref_slice %arg7[%sub3A_277, %dma_wait3A_282] : memref<40x128xi32, #tpu.memory_space<vmem>> -> memref<1x128xi32, #tpu.memory_space<vmem>>
          %dma_wait3A_284 = tpu.memref_squeeze %dma_wait3A_283 : memref<1x128xi32, #tpu.memory_space<vmem>> -> memref<128xi32, #tpu.memory_space<vmem>>
          %dma_wait3A_285 = arith.constant 0 : i32
          %dma_wait3A_286 = arith.constant 0 : i32
          %dma_wait3A_287 = tpu.memref_slice %arg6[%dma_wait3A_285, %dma_wait3A_286] : memref<10240x128xf32, #tpu.memory_space<vmem_shared>> -> memref<10240x128xf32, #tpu.memory_space<vmem_shared>>
          %dma_wait3A_288 = tpu.memref_slice %arg10[%rem3A_254] : memref<2x!tpu.dma_semaphore, #tpu.memory_space<semaphore_mem>> -> memref<1x!tpu.dma_semaphore, #tpu.memory_space<semaphore_mem>>
          %dma_wait3A_289 = tpu.memref_squeeze %dma_wait3A_288 : memref<1x!tpu.dma_semaphore, #tpu.memory_space<semaphore_mem>> -> memref<!tpu.dma_semaphore, #tpu.memory_space<semaphore_mem>>
          tpu.wait_indirect_dma semaphore(%dma_wait3A_289 : memref<!tpu.dma_semaphore, #tpu.memory_space<semaphore_mem>>) src(%dma_wait3A_281 : memref<128x128xf32, #tpu.memory_space<vmem>>) dst(%dma_wait3A_287 : memref<10240x128xf32, #tpu.memory_space<vmem_shared>>)
        } else {
        }
        %mul3A_259 = arith.constant 128 : i32
        %mul3A_260 = arith.muli %add3A_220, %mul3A_259 : i32
        %add3A_261 = arith.addi %multiple_of3A_3, %mul3A_260 : i32
        %multiple_of3A_262 = tpu.assume_multiple %add3A_261, 128 : i32
        %dma_start3A_263 = arith.constant 0 : i32
        %dma_start3A_264 = arith.constant 0 : i32
        %dma_start3A_265 = tpu.memref_slice %arg8[%rem3A_254, %dma_start3A_263, %dma_start3A_264] : memref<2x128x128xf32, #tpu.memory_space<vmem>> -> memref<1x128x128xf32, #tpu.memory_space<vmem>>
        %dma_start3A_266 = tpu.memref_squeeze %dma_start3A_265 : memref<1x128x128xf32, #tpu.memory_space<vmem>> -> memref<128x128xf32, #tpu.memory_space<vmem>>
        %dma_start3A_267 = arith.constant 0 : i32
        %dma_start3A_268 = tpu.memref_slice %arg2[%multiple_of3A_262, %dma_start3A_267] : memref<81920x128xf32, #tpu.memory_space<hbm>> -> memref<128x128xf32, #tpu.memory_space<hbm>>
        %dma_start3A_269 = tpu.memref_slice %arg9[%rem3A_254] : memref<2x!tpu.dma_semaphore, #tpu.memory_space<semaphore_mem>> -> memref<1x!tpu.dma_semaphore, #tpu.memory_space<semaphore_mem>>
        %dma_start3A_270 = tpu.memref_squeeze %dma_start3A_269 : memref<1x!tpu.dma_semaphore, #tpu.memory_space<semaphore_mem>> -> memref<!tpu.dma_semaphore, #tpu.memory_space<semaphore_mem>>
        %dma_start3A_271 = arith.constant 0 : i32
        %dma_start3A_272 = arith.constant 0 : i32
        %dma_start3A_273 = tpu.memref_slice %arg8[%rem3A_254, %dma_start3A_271, %dma_start3A_272] : memref<2x128x128xf32, #tpu.memory_space<vmem>> -> memref<1x128x128xf32, #tpu.memory_space<vmem>>
        %dma_start3A_274 = tpu.memref_squeeze %dma_start3A_273 : memref<1x128x128xf32, #tpu.memory_space<vmem>> -> memref<128x128xf32, #tpu.memory_space<vmem>>
        %dma_start3A_275 = arith.constant 0 : i32
        %dma_start3A_276 = tpu.memref_slice %arg2[%multiple_of3A_262, %dma_start3A_275] : memref<81920x128xf32, #tpu.memory_space<hbm>> -> memref<128x128xf32, #tpu.memory_space<hbm>>
        tpu.enqueue_dma source(%dma_start3A_276 : memref<128x128xf32, #tpu.memory_space<hbm>>) target(%dma_start3A_274 : memref<128x128xf32, #tpu.memory_space<vmem>>) target_semaphore(%dma_start3A_270 : memref<!tpu.dma_semaphore, #tpu.memory_space<semaphore_mem>>)
      } else {
      }
      %mul3A_223 = arith.constant 128 : i32
      %mul3A_224 = arith.muli %scan3A_217, %mul3A_223 : i32
      %add3A_225 = arith.addi %multiple_of3A_3, %mul3A_224 : i32
      %multiple_of3A_226 = tpu.assume_multiple %add3A_225, 128 : i32
      %dma_wait3A_227 = arith.constant 0 : i32
      %dma_wait3A_228 = arith.constant 0 : i32
      %dma_wait3A_229 = tpu.memref_slice %arg8[%rem3A_218, %dma_wait3A_227, %dma_wait3A_228] : memref<2x128x128xf32, #tpu.memory_space<vmem>> -> memref<1x128x128xf32, #tpu.memory_space<vmem>>
      %dma_wait3A_230 = tpu.memref_squeeze %dma_wait3A_229 : memref<1x128x128xf32, #tpu.memory_space<vmem>> -> memref<128x128xf32, #tpu.memory_space<vmem>>
      %dma_wait3A_231 = arith.constant 0 : i32
      %dma_wait3A_232 = tpu.memref_slice %arg2[%multiple_of3A_226, %dma_wait3A_231] : memref<81920x128xf32, #tpu.memory_space<hbm>> -> memref<128x128xf32, #tpu.memory_space<hbm>>
      %dma_wait3A_233 = tpu.memref_slice %arg9[%rem3A_218] : memref<2x!tpu.dma_semaphore, #tpu.memory_space<semaphore_mem>> -> memref<1x!tpu.dma_semaphore, #tpu.memory_space<semaphore_mem>>
      %dma_wait3A_234 = tpu.memref_squeeze %dma_wait3A_233 : memref<1x!tpu.dma_semaphore, #tpu.memory_space<semaphore_mem>> -> memref<!tpu.dma_semaphore, #tpu.memory_space<semaphore_mem>>
      %dma_wait3A_235 = arith.constant 0 : i32
      %dma_wait3A_236 = arith.constant 0 : i32
      %dma_wait3A_237 = tpu.memref_slice %arg8[%rem3A_218, %dma_wait3A_235, %dma_wait3A_236] : memref<2x128x128xf32, #tpu.memory_space<vmem>> -> memref<1x128x128xf32, #tpu.memory_space<vmem>>
      %dma_wait3A_238 = tpu.memref_squeeze %dma_wait3A_237 : memref<1x128x128xf32, #tpu.memory_space<vmem>> -> memref<128x128xf32, #tpu.memory_space<vmem>>
      %dma_wait3A_239 = arith.constant 0 : i32
      %dma_wait3A_240 = tpu.memref_slice %arg2[%multiple_of3A_226, %dma_wait3A_239] : memref<81920x128xf32, #tpu.memory_space<hbm>> -> memref<128x128xf32, #tpu.memory_space<hbm>>
      tpu.wait_dma2 semaphore(%dma_wait3A_234 : memref<!tpu.dma_semaphore, #tpu.memory_space<semaphore_mem>>) src(%dma_wait3A_240 : memref<128x128xf32, #tpu.memory_space<hbm>>) dst(%dma_wait3A_238 : memref<128x128xf32, #tpu.memory_space<vmem>>)
      %dma_start3A_241 = arith.constant 0 : i32
      %dma_start3A_242 = arith.constant 0 : i32
      %dma_start3A_243 = tpu.memref_slice %arg8[%rem3A_218, %dma_start3A_241, %dma_start3A_242] : memref<2x128x128xf32, #tpu.memory_space<vmem>> -> memref<1x128x128xf32, #tpu.memory_space<vmem>>
      %dma_start3A_244 = tpu.memref_squeeze %dma_start3A_243 : memref<1x128x128xf32, #tpu.memory_space<vmem>> -> memref<128x128xf32, #tpu.memory_space<vmem>>
      %dma_start3A_245 = arith.constant 0 : i32
      %dma_start3A_246 = tpu.memref_slice %arg7[%scan3A_217, %dma_start3A_245] : memref<40x128xi32, #tpu.memory_space<vmem>> -> memref<1x128xi32, #tpu.memory_space<vmem>>
      %dma_start3A_247 = tpu.memref_squeeze %dma_start3A_246 : memref<1x128xi32, #tpu.memory_space<vmem>> -> memref<128xi32, #tpu.memory_space<vmem>>
      %dma_start3A_248 = arith.constant 0 : i32
      %dma_start3A_249 = arith.constant 0 : i32
      %dma_start3A_250 = tpu.memref_slice %arg6[%dma_start3A_248, %dma_start3A_249] : memref<10240x128xf32, #tpu.memory_space<vmem_shared>> -> memref<10240x128xf32, #tpu.memory_space<vmem_shared>>
      %dma_start3A_251 = tpu.memref_slice %arg10[%rem3A_218] : memref<2x!tpu.dma_semaphore, #tpu.memory_space<semaphore_mem>> -> memref<1x!tpu.dma_semaphore, #tpu.memory_space<semaphore_mem>>
      %dma_start3A_252 = tpu.memref_squeeze %dma_start3A_251 : memref<1x!tpu.dma_semaphore, #tpu.memory_space<semaphore_mem>> -> memref<!tpu.dma_semaphore, #tpu.memory_space<semaphore_mem>>
      tpu.enqueue_indirect_dma source(%dma_start3A_244 : memref<128x128xf32, #tpu.memory_space<vmem>>) target(%dma_start3A_250 : memref<10240x128xf32, #tpu.memory_space<vmem_shared>>) offsets(%dma_start3A_247 : memref<128xi32, #tpu.memory_space<vmem>>) semaphore(%dma_start3A_252 : memref<!tpu.dma_semaphore, #tpu.memory_space<semaphore_mem>>) {add = true}
    }
    %scan3A_46 = arith.constant 40 : i32
    %dma_wait3A = arith.constant 0 : i32
    %dma_wait3A_47 = arith.constant 38 : i32
    %dma_wait3A_48 = arith.constant 0 : i32
    %dma_wait3A_49 = arith.constant 0 : i32
    %dma_wait3A_50 = arith.constant 0 : i32
    %dma_wait3A_51 = tpu.memref_slice %arg8[%dma_wait3A, %dma_wait3A_49, %dma_wait3A_50] : memref<2x128x128xf32, #tpu.memory_space<vmem>> -> memref<1x128x128xf32, #tpu.memory_space<vmem>>
    %dma_wait3A_52 = tpu.memref_squeeze %dma_wait3A_51 : memref<1x128x128xf32, #tpu.memory_space<vmem>> -> memref<128x128xf32, #tpu.memory_space<vmem>>
    %dma_wait3A_53 = arith.constant 0 : i32
    %dma_wait3A_54 = tpu.memref_slice %arg7[%dma_wait3A_47, %dma_wait3A_53] : memref<40x128xi32, #tpu.memory_space<vmem>> -> memref<1x128xi32, #tpu.memory_space<vmem>>
    %dma_wait3A_55 = tpu.memref_squeeze %dma_wait3A_54 : memref<1x128xi32, #tpu.memory_space<vmem>> -> memref<128xi32, #tpu.memory_space<vmem>>
    %dma_wait3A_56 = arith.constant 0 : i32
    %dma_wait3A_57 = arith.constant 0 : i32
    %dma_wait3A_58 = tpu.memref_slice %arg6[%dma_wait3A_56, %dma_wait3A_57] : memref<10240x128xf32, #tpu.memory_space<vmem_shared>> -> memref<10240x128xf32, #tpu.memory_space<vmem_shared>>
    %dma_wait3A_59 = tpu.memref_slice %arg10[%dma_wait3A_48] : memref<2x!tpu.dma_semaphore, #tpu.memory_space<semaphore_mem>> -> memref<1x!tpu.dma_semaphore, #tpu.memory_space<semaphore_mem>>
    %dma_wait3A_60 = tpu.memref_squeeze %dma_wait3A_59 : memref<1x!tpu.dma_semaphore, #tpu.memory_space<semaphore_mem>> -> memref<!tpu.dma_semaphore, #tpu.memory_space<semaphore_mem>>
    tpu.wait_indirect_dma semaphore(%dma_wait3A_60 : memref<!tpu.dma_semaphore, #tpu.memory_space<semaphore_mem>>) src(%dma_wait3A_52 : memref<128x128xf32, #tpu.memory_space<vmem>>) dst(%dma_wait3A_58 : memref<10240x128xf32, #tpu.memory_space<vmem_shared>>)
    %dma_wait3A_61 = arith.constant 1 : i32
    %dma_wait3A_62 = arith.constant 39 : i32
    %dma_wait3A_63 = arith.constant 1 : i32
    %dma_wait3A_64 = arith.constant 0 : i32
    %dma_wait3A_65 = arith.constant 0 : i32
    %dma_wait3A_66 = tpu.memref_slice %arg8[%dma_wait3A_61, %dma_wait3A_64, %dma_wait3A_65] : memref<2x128x128xf32, #tpu.memory_space<vmem>> -> memref<1x128x128xf32, #tpu.memory_space<vmem>>
    %dma_wait3A_67 = tpu.memref_squeeze %dma_wait3A_66 : memref<1x128x128xf32, #tpu.memory_space<vmem>> -> memref<128x128xf32, #tpu.memory_space<vmem>>
    %dma_wait3A_68 = arith.constant 0 : i32
    %dma_wait3A_69 = tpu.memref_slice %arg7[%dma_wait3A_62, %dma_wait3A_68] : memref<40x128xi32, #tpu.memory_space<vmem>> -> memref<1x128xi32, #tpu.memory_space<vmem>>
    %dma_wait3A_70 = tpu.memref_squeeze %dma_wait3A_69 : memref<1x128xi32, #tpu.memory_space<vmem>> -> memref<128xi32, #tpu.memory_space<vmem>>
    %dma_wait3A_71 = arith.constant 0 : i32
    %dma_wait3A_72 = arith.constant 0 : i32
    %dma_wait3A_73 = tpu.memref_slice %arg6[%dma_wait3A_71, %dma_wait3A_72] : memref<10240x128xf32, #tpu.memory_space<vmem_shared>> -> memref<10240x128xf32, #tpu.memory_space<vmem_shared>>
    %dma_wait3A_74 = tpu.memref_slice %arg10[%dma_wait3A_63] : memref<2x!tpu.dma_semaphore, #tpu.memory_space<semaphore_mem>> -> memref<1x!tpu.dma_semaphore, #tpu.memory_space<semaphore_mem>>
    %dma_wait3A_75 = tpu.memref_squeeze %dma_wait3A_74 : memref<1x!tpu.dma_semaphore, #tpu.memory_space<semaphore_mem>> -> memref<!tpu.dma_semaphore, #tpu.memory_space<semaphore_mem>>
    tpu.wait_indirect_dma semaphore(%dma_wait3A_75 : memref<!tpu.dma_semaphore, #tpu.memory_space<semaphore_mem>>) src(%dma_wait3A_67 : memref<128x128xf32, #tpu.memory_space<vmem>>) dst(%dma_wait3A_73 : memref<10240x128xf32, #tpu.memory_space<vmem_shared>>)
    %barrier3A_76 = arith.constant 0 : index
    tpu.barrier barrier_id(%barrier3A_76)
    %add3A_77 = arith.constant 0 : i32
    %add3A_78 = arith.addi %multiple_of3A, %add3A_77 : i32
    %multiple_of3A_79 = tpu.assume_multiple %add3A_78, 128 : i32
    %run_scoped3A_80 = arith.constant 0 : i32
    "tpu.region"() ({
      %run_scoped3A_217 = tpu.sem_alloc : memref<!tpu.dma_semaphore, #tpu.memory_space<semaphore_mem>>
      %dma_start3A_218 = arith.constant 0 : i32
      %dma_start3A_219 = arith.constant 0 : i32
      %dma_start3A_220 = tpu.memref_slice %arg8[%run_scoped3A_80, %dma_start3A_218, %dma_start3A_219] : memref<2x128x128xf32, #tpu.memory_space<vmem>> -> memref<1x128x128xf32, #tpu.memory_space<vmem>>
      %dma_start3A_221 = tpu.memref_squeeze %dma_start3A_220 : memref<1x128x128xf32, #tpu.memory_space<vmem>> -> memref<128x128xf32, #tpu.memory_space<vmem>>
      %dma_start3A_222 = arith.constant 0 : i32
      %dma_start3A_223 = tpu.memref_slice %arg6[%multiple_of3A_79, %dma_start3A_222] : memref<10240x128xf32, #tpu.memory_space<vmem_shared>> -> memref<128x128xf32, #tpu.memory_space<vmem_shared>>
      %dma_start3A_224 = arith.constant 0 : i32
      %dma_start3A_225 = arith.constant 0 : i32
      %dma_start3A_226 = tpu.memref_slice %arg8[%run_scoped3A_80, %dma_start3A_224, %dma_start3A_225] : memref<2x128x128xf32, #tpu.memory_space<vmem>> -> memref<1x128x128xf32, #tpu.memory_space<vmem>>
      %dma_start3A_227 = tpu.memref_squeeze %dma_start3A_226 : memref<1x128x128xf32, #tpu.memory_space<vmem>> -> memref<128x128xf32, #tpu.memory_space<vmem>>
      %dma_start3A_228 = arith.constant 0 : i32
      %dma_start3A_229 = tpu.memref_slice %arg6[%multiple_of3A_79, %dma_start3A_228] : memref<10240x128xf32, #tpu.memory_space<vmem_shared>> -> memref<128x128xf32, #tpu.memory_space<vmem_shared>>
      tpu.enqueue_dma source(%dma_start3A_229 : memref<128x128xf32, #tpu.memory_space<vmem_shared>>) target(%dma_start3A_227 : memref<128x128xf32, #tpu.memory_space<vmem>>) target_semaphore(%run_scoped3A_217 : memref<!tpu.dma_semaphore, #tpu.memory_space<semaphore_mem>>)
      %dma_wait3A_230 = arith.constant 0 : i32
      %dma_wait3A_231 = arith.constant 0 : i32
      %dma_wait3A_232 = tpu.memref_slice %arg8[%run_scoped3A_80, %dma_wait3A_230, %dma_wait3A_231] : memref<2x128x128xf32, #tpu.memory_space<vmem>> -> memref<1x128x128xf32, #tpu.memory_space<vmem>>
      %dma_wait3A_233 = tpu.memref_squeeze %dma_wait3A_232 : memref<1x128x128xf32, #tpu.memory_space<vmem>> -> memref<128x128xf32, #tpu.memory_space<vmem>>
      %dma_wait3A_234 = arith.constant 0 : i32
      %dma_wait3A_235 = tpu.memref_slice %arg6[%multiple_of3A_79, %dma_wait3A_234] : memref<10240x128xf32, #tpu.memory_space<vmem_shared>> -> memref<128x128xf32, #tpu.memory_space<vmem_shared>>
      %dma_wait3A_236 = arith.constant 0 : i32
      %dma_wait3A_237 = arith.constant 0 : i32
      %dma_wait3A_238 = tpu.memref_slice %arg8[%run_scoped3A_80, %dma_wait3A_236, %dma_wait3A_237] : memref<2x128x128xf32, #tpu.memory_space<vmem>> -> memref<1x128x128xf32, #tpu.memory_space<vmem>>
      %dma_wait3A_239 = tpu.memref_squeeze %dma_wait3A_238 : memref<1x128x128xf32, #tpu.memory_space<vmem>> -> memref<128x128xf32, #tpu.memory_space<vmem>>
      %dma_wait3A_240 = arith.constant 0 : i32
      %dma_wait3A_241 = tpu.memref_slice %arg6[%multiple_of3A_79, %dma_wait3A_240] : memref<10240x128xf32, #tpu.memory_space<vmem_shared>> -> memref<128x128xf32, #tpu.memory_space<vmem_shared>>
      tpu.wait_dma2 semaphore(%run_scoped3A_217 : memref<!tpu.dma_semaphore, #tpu.memory_space<semaphore_mem>>) src(%dma_wait3A_241 : memref<128x128xf32, #tpu.memory_space<vmem_shared>>) dst(%dma_wait3A_239 : memref<128x128xf32, #tpu.memory_space<vmem>>)
      tpu.yield
    }) : () -> ()
    %run_scoped3A_81 = arith.constant 0 : i32
    %run_scoped3A_82 = arith.constant 0 : i32
    "tpu.region"() ({
      %run_scoped3A_217 = tpu.sem_alloc : memref<!tpu.dma_semaphore, #tpu.memory_space<semaphore_mem>>
      %dma_start3A_218 = arith.constant 0 : i32
      %dma_start3A_219 = arith.constant 0 : i32
      %dma_start3A_220 = tpu.memref_slice %arg8[%run_scoped3A_81, %dma_start3A_218, %dma_start3A_219] : memref<2x128x128xf32, #tpu.memory_space<vmem>> -> memref<1x128x128xf32, #tpu.memory_space<vmem>>
      %dma_start3A_221 = tpu.memref_squeeze %dma_start3A_220 : memref<1x128x128xf32, #tpu.memory_space<vmem>> -> memref<128x128xf32, #tpu.memory_space<vmem>>
      %dma_start3A_222 = arith.constant 0 : i32
      %dma_start3A_223 = tpu.memref_slice %arg5[%arg0, %multiple_of3A_79, %run_scoped3A_82, %dma_start3A_222] : memref<2x10240x2x128xf32, #tpu.memory_space<hbm>> -> memref<1x128x1x128xf32, #tpu.memory_space<hbm>>
      %dma_start3A_224 = tpu.memref_squeeze %dma_start3A_223 : memref<1x128x1x128xf32, #tpu.memory_space<hbm>> -> memref<128x128xf32, #tpu.memory_space<hbm>>
      %dma_start3A_225 = arith.constant 0 : i32
      %dma_start3A_226 = tpu.memref_slice %arg5[%arg0, %multiple_of3A_79, %run_scoped3A_82, %dma_start3A_225] : memref<2x10240x2x128xf32, #tpu.memory_space<hbm>> -> memref<1x128x1x128xf32, #tpu.memory_space<hbm>>
      %dma_start3A_227 = tpu.memref_squeeze %dma_start3A_226 : memref<1x128x1x128xf32, #tpu.memory_space<hbm>> -> memref<128x128xf32, #tpu.memory_space<hbm>>
      %dma_start3A_228 = arith.constant 0 : i32
      %dma_start3A_229 = arith.constant 0 : i32
      %dma_start3A_230 = tpu.memref_slice %arg8[%run_scoped3A_81, %dma_start3A_228, %dma_start3A_229] : memref<2x128x128xf32, #tpu.memory_space<vmem>> -> memref<1x128x128xf32, #tpu.memory_space<vmem>>
      %dma_start3A_231 = tpu.memref_squeeze %dma_start3A_230 : memref<1x128x128xf32, #tpu.memory_space<vmem>> -> memref<128x128xf32, #tpu.memory_space<vmem>>
      tpu.enqueue_dma source(%dma_start3A_231 : memref<128x128xf32, #tpu.memory_space<vmem>>) target(%dma_start3A_227 : memref<128x128xf32, #tpu.memory_space<hbm>>) target_semaphore(%run_scoped3A_217 : memref<!tpu.dma_semaphore, #tpu.memory_space<semaphore_mem>>)
      %dma_wait3A_232 = arith.constant 0 : i32
      %dma_wait3A_233 = arith.constant 0 : i32
      %dma_wait3A_234 = tpu.memref_slice %arg8[%run_scoped3A_81, %dma_wait3A_232, %dma_wait3A_233] : memref<2x128x128xf32, #tpu.memory_space<vmem>> -> memref<1x128x128xf32, #tpu.memory_space<vmem>>
      %dma_wait3A_235 = tpu.memref_squeeze %dma_wait3A_234 : memref<1x128x128xf32, #tpu.memory_space<vmem>> -> memref<128x128xf32, #tpu.memory_space<vmem>>
      %dma_wait3A_236 = arith.constant 0 : i32
      %dma_wait3A_237 = tpu.memref_slice %arg5[%arg0, %multiple_of3A_79, %run_scoped3A_82, %dma_wait3A_236] : memref<2x10240x2x128xf32, #tpu.memory_space<hbm>> -> memref<1x128x1x128xf32, #tpu.memory_space<hbm>>
      %dma_wait3A_238 = tpu.memref_squeeze %dma_wait3A_237 : memref<1x128x1x128xf32, #tpu.memory_space<hbm>> -> memref<128x128xf32, #tpu.memory_space<hbm>>
      %dma_wait3A_239 = arith.constant 0 : i32
      %dma_wait3A_240 = tpu.memref_slice %arg5[%arg0, %multiple_of3A_79, %run_scoped3A_82, %dma_wait3A_239] : memref<2x10240x2x128xf32, #tpu.memory_space<hbm>> -> memref<1x128x1x128xf32, #tpu.memory_space<hbm>>
      %dma_wait3A_241 = tpu.memref_squeeze %dma_wait3A_240 : memref<1x128x1x128xf32, #tpu.memory_space<hbm>> -> memref<128x128xf32, #tpu.memory_space<hbm>>
      %dma_wait3A_242 = arith.constant 0 : i32
      %dma_wait3A_243 = arith.constant 0 : i32
      %dma_wait3A_244 = tpu.memref_slice %arg8[%run_scoped3A_81, %dma_wait3A_242, %dma_wait3A_243] : memref<2x128x128xf32, #tpu.memory_space<vmem>> -> memref<1x128x128xf32, #tpu.memory_space<vmem>>
      %dma_wait3A_245 = tpu.memref_squeeze %dma_wait3A_244 : memref<1x128x128xf32, #tpu.memory_space<vmem>> -> memref<128x128xf32, #tpu.memory_space<vmem>>
      tpu.wait_dma2 semaphore(%run_scoped3A_217 : memref<!tpu.dma_semaphore, #tpu.memory_space<semaphore_mem>>) src(%dma_wait3A_245 : memref<128x128xf32, #tpu.memory_space<vmem>>) dst(%dma_wait3A_241 : memref<128x128xf32, #tpu.memory_space<hbm>>)
      tpu.yield
    }) : () -> ()
    %add3A_83 = arith.constant 128 : i32
    %add3A_84 = arith.addi %multiple_of3A, %add3A_83 : i32
    %multiple_of3A_85 = tpu.assume_multiple %add3A_84, 128 : i32
    %run_scoped3A_86 = arith.constant 0 : i32
    "tpu.region"() ({
      %run_scoped3A_217 = tpu.sem_alloc : memref<!tpu.dma_semaphore, #tpu.memory_space<semaphore_mem>>
      %dma_start3A_218 = arith.constant 0 : i32
      %dma_start3A_219 = arith.constant 0 : i32
      %dma_start3A_220 = tpu.memref_slice %arg8[%run_scoped3A_86, %dma_start3A_218, %dma_start3A_219] : memref<2x128x128xf32, #tpu.memory_space<vmem>> -> memref<1x128x128xf32, #tpu.memory_space<vmem>>
      %dma_start3A_221 = tpu.memref_squeeze %dma_start3A_220 : memref<1x128x128xf32, #tpu.memory_space<vmem>> -> memref<128x128xf32, #tpu.memory_space<vmem>>
      %dma_start3A_222 = arith.constant 0 : i32
      %dma_start3A_223 = tpu.memref_slice %arg6[%multiple_of3A_85, %dma_start3A_222] : memref<10240x128xf32, #tpu.memory_space<vmem_shared>> -> memref<128x128xf32, #tpu.memory_space<vmem_shared>>
      %dma_start3A_224 = arith.constant 0 : i32
      %dma_start3A_225 = arith.constant 0 : i32
      %dma_start3A_226 = tpu.memref_slice %arg8[%run_scoped3A_86, %dma_start3A_224, %dma_start3A_225] : memref<2x128x128xf32, #tpu.memory_space<vmem>> -> memref<1x128x128xf32, #tpu.memory_space<vmem>>
      %dma_start3A_227 = tpu.memref_squeeze %dma_start3A_226 : memref<1x128x128xf32, #tpu.memory_space<vmem>> -> memref<128x128xf32, #tpu.memory_space<vmem>>
      %dma_start3A_228 = arith.constant 0 : i32
      %dma_start3A_229 = tpu.memref_slice %arg6[%multiple_of3A_85, %dma_start3A_228] : memref<10240x128xf32, #tpu.memory_space<vmem_shared>> -> memref<128x128xf32, #tpu.memory_space<vmem_shared>>
      tpu.enqueue_dma source(%dma_start3A_229 : memref<128x128xf32, #tpu.memory_space<vmem_shared>>) target(%dma_start3A_227 : memref<128x128xf32, #tpu.memory_space<vmem>>) target_semaphore(%run_scoped3A_217 : memref<!tpu.dma_semaphore, #tpu.memory_space<semaphore_mem>>)
      %dma_wait3A_230 = arith.constant 0 : i32
      %dma_wait3A_231 = arith.constant 0 : i32
      %dma_wait3A_232 = tpu.memref_slice %arg8[%run_scoped3A_86, %dma_wait3A_230, %dma_wait3A_231] : memref<2x128x128xf32, #tpu.memory_space<vmem>> -> memref<1x128x128xf32, #tpu.memory_space<vmem>>
      %dma_wait3A_233 = tpu.memref_squeeze %dma_wait3A_232 : memref<1x128x128xf32, #tpu.memory_space<vmem>> -> memref<128x128xf32, #tpu.memory_space<vmem>>
      %dma_wait3A_234 = arith.constant 0 : i32
      %dma_wait3A_235 = tpu.memref_slice %arg6[%multiple_of3A_85, %dma_wait3A_234] : memref<10240x128xf32, #tpu.memory_space<vmem_shared>> -> memref<128x128xf32, #tpu.memory_space<vmem_shared>>
      %dma_wait3A_236 = arith.constant 0 : i32
      %dma_wait3A_237 = arith.constant 0 : i32
      %dma_wait3A_238 = tpu.memref_slice %arg8[%run_scoped3A_86, %dma_wait3A_236, %dma_wait3A_237] : memref<2x128x128xf32, #tpu.memory_space<vmem>> -> memref<1x128x128xf32, #tpu.memory_space<vmem>>
      %dma_wait3A_239 = tpu.memref_squeeze %dma_wait3A_238 : memref<1x128x128xf32, #tpu.memory_space<vmem>> -> memref<128x128xf32, #tpu.memory_space<vmem>>
      %dma_wait3A_240 = arith.constant 0 : i32
      %dma_wait3A_241 = tpu.memref_slice %arg6[%multiple_of3A_85, %dma_wait3A_240] : memref<10240x128xf32, #tpu.memory_space<vmem_shared>> -> memref<128x128xf32, #tpu.memory_space<vmem_shared>>
      tpu.wait_dma2 semaphore(%run_scoped3A_217 : memref<!tpu.dma_semaphore, #tpu.memory_space<semaphore_mem>>) src(%dma_wait3A_241 : memref<128x128xf32, #tpu.memory_space<vmem_shared>>) dst(%dma_wait3A_239 : memref<128x128xf32, #tpu.memory_space<vmem>>)
      tpu.yield
    }) : () -> ()
    %run_scoped3A_87 = arith.constant 0 : i32
    %run_scoped3A_88 = arith.constant 0 : i32
    "tpu.region"() ({
      %run_scoped3A_217 = tpu.sem_alloc : memref<!tpu.dma_semaphore, #tpu.memory_space<semaphore_mem>>
      %dma_start3A_218 = arith.constant 0 : i32
      %dma_start3A_219 = arith.constant 0 : i32
      %dma_start3A_220 = tpu.memref_slice %arg8[%run_scoped3A_87, %dma_start3A_218, %dma_start3A_219] : memref<2x128x128xf32, #tpu.memory_space<vmem>> -> memref<1x128x128xf32, #tpu.memory_space<vmem>>
      %dma_start3A_221 = tpu.memref_squeeze %dma_start3A_220 : memref<1x128x128xf32, #tpu.memory_space<vmem>> -> memref<128x128xf32, #tpu.memory_space<vmem>>
      %dma_start3A_222 = arith.constant 0 : i32
      %dma_start3A_223 = tpu.memref_slice %arg5[%arg0, %multiple_of3A_85, %run_scoped3A_88, %dma_start3A_222] : memref<2x10240x2x128xf32, #tpu.memory_space<hbm>> -> memref<1x128x1x128xf32, #tpu.memory_space<hbm>>
      %dma_start3A_224 = tpu.memref_squeeze %dma_start3A_223 : memref<1x128x1x128xf32, #tpu.memory_space<hbm>> -> memref<128x128xf32, #tpu.memory_space<hbm>>
      %dma_start3A_225 = arith.constant 0 : i32
      %dma_start3A_226 = tpu.memref_slice %arg5[%arg0, %multiple_of3A_85, %run_scoped3A_88, %dma_start3A_225] : memref<2x10240x2x128xf32, #tpu.memory_space<hbm>> -> memref<1x128x1x128xf32, #tpu.memory_space<hbm>>
      %dma_start3A_227 = tpu.memref_squeeze %dma_start3A_226 : memref<1x128x1x128xf32, #tpu.memory_space<hbm>> -> memref<128x128xf32, #tpu.memory_space<hbm>>
      %dma_start3A_228 = arith.constant 0 : i32
      %dma_start3A_229 = arith.constant 0 : i32
      %dma_start3A_230 = tpu.memref_slice %arg8[%run_scoped3A_87, %dma_start3A_228, %dma_start3A_229] : memref<2x128x128xf32, #tpu.memory_space<vmem>> -> memref<1x128x128xf32, #tpu.memory_space<vmem>>
      %dma_start3A_231 = tpu.memref_squeeze %dma_start3A_230 : memref<1x128x128xf32, #tpu.memory_space<vmem>> -> memref<128x128xf32, #tpu.memory_space<vmem>>
      tpu.enqueue_dma source(%dma_start3A_231 : memref<128x128xf32, #tpu.memory_space<vmem>>) target(%dma_start3A_227 : memref<128x128xf32, #tpu.memory_space<hbm>>) target_semaphore(%run_scoped3A_217 : memref<!tpu.dma_semaphore, #tpu.memory_space<semaphore_mem>>)
      %dma_wait3A_232 = arith.constant 0 : i32
      %dma_wait3A_233 = arith.constant 0 : i32
      %dma_wait3A_234 = tpu.memref_slice %arg8[%run_scoped3A_87, %dma_wait3A_232, %dma_wait3A_233] : memref<2x128x128xf32, #tpu.memory_space<vmem>> -> memref<1x128x128xf32, #tpu.memory_space<vmem>>
      %dma_wait3A_235 = tpu.memref_squeeze %dma_wait3A_234 : memref<1x128x128xf32, #tpu.memory_space<vmem>> -> memref<128x128xf32, #tpu.memory_space<vmem>>
      %dma_wait3A_236 = arith.constant 0 : i32
      %dma_wait3A_237 = tpu.memref_slice %arg5[%arg0, %multiple_of3A_85, %run_scoped3A_88, %dma_wait3A_236] : memref<2x10240x2x128xf32, #tpu.memory_space<hbm>> -> memref<1x128x1x128xf32, #tpu.memory_space<hbm>>
      %dma_wait3A_238 = tpu.memref_squeeze %dma_wait3A_237 : memref<1x128x1x128xf32, #tpu.memory_space<hbm>> -> memref<128x128xf32, #tpu.memory_space<hbm>>
      %dma_wait3A_239 = arith.constant 0 : i32
      %dma_wait3A_240 = tpu.memref_slice %arg5[%arg0, %multiple_of3A_85, %run_scoped3A_88, %dma_wait3A_239] : memref<2x10240x2x128xf32, #tpu.memory_space<hbm>> -> memref<1x128x1x128xf32, #tpu.memory_space<hbm>>
      %dma_wait3A_241 = tpu.memref_squeeze %dma_wait3A_240 : memref<1x128x1x128xf32, #tpu.memory_space<hbm>> -> memref<128x128xf32, #tpu.memory_space<hbm>>
      %dma_wait3A_242 = arith.constant 0 : i32
      %dma_wait3A_243 = arith.constant 0 : i32
      %dma_wait3A_244 = tpu.memref_slice %arg8[%run_scoped3A_87, %dma_wait3A_242, %dma_wait3A_243] : memref<2x128x128xf32, #tpu.memory_space<vmem>> -> memref<1x128x128xf32, #tpu.memory_space<vmem>>
      %dma_wait3A_245 = tpu.memref_squeeze %dma_wait3A_244 : memref<1x128x128xf32, #tpu.memory_space<vmem>> -> memref<128x128xf32, #tpu.memory_space<vmem>>
      tpu.wait_dma2 semaphore(%run_scoped3A_217 : memref<!tpu.dma_semaphore, #tpu.memory_space<semaphore_mem>>) src(%dma_wait3A_245 : memref<128x128xf32, #tpu.memory_space<vmem>>) dst(%dma_wait3A_241 : memref<128x128xf32, #tpu.memory_space<hbm>>)
      tpu.yield
    }) : () -> ()
    %add3A_89 = arith.constant 256 : i32
    %add3A_90 = arith.addi %multiple_of3A, %add3A_89 : i32
    %multiple_of3A_91 = tpu.assume_multiple %add3A_90, 128 : i32
    %run_scoped3A_92 = arith.constant 0 : i32
    "tpu.region"() ({
      %run_scoped3A_217 = tpu.sem_alloc : memref<!tpu.dma_semaphore, #tpu.memory_space<semaphore_mem>>
      %dma_start3A_218 = arith.constant 0 : i32
      %dma_start3A_219 = arith.constant 0 : i32
      %dma_start3A_220 = tpu.memref_slice %arg8[%run_scoped3A_92, %dma_start3A_218, %dma_start3A_219] : memref<2x128x128xf32, #tpu.memory_space<vmem>> -> memref<1x128x128xf32, #tpu.memory_space<vmem>>
      %dma_start3A_221 = tpu.memref_squeeze %dma_start3A_220 : memref<1x128x128xf32, #tpu.memory_space<vmem>> -> memref<128x128xf32, #tpu.memory_space<vmem>>
      %dma_start3A_222 = arith.constant 0 : i32
      %dma_start3A_223 = tpu.memref_slice %arg6[%multiple_of3A_91, %dma_start3A_222] : memref<10240x128xf32, #tpu.memory_space<vmem_shared>> -> memref<128x128xf32, #tpu.memory_space<vmem_shared>>
      %dma_start3A_224 = arith.constant 0 : i32
      %dma_start3A_225 = arith.constant 0 : i32
      %dma_start3A_226 = tpu.memref_slice %arg8[%run_scoped3A_92, %dma_start3A_224, %dma_start3A_225] : memref<2x128x128xf32, #tpu.memory_space<vmem>> -> memref<1x128x128xf32, #tpu.memory_space<vmem>>
      %dma_start3A_227 = tpu.memref_squeeze %dma_start3A_226 : memref<1x128x128xf32, #tpu.memory_space<vmem>> -> memref<128x128xf32, #tpu.memory_space<vmem>>
      %dma_start3A_228 = arith.constant 0 : i32
      %dma_start3A_229 = tpu.memref_slice %arg6[%multiple_of3A_91, %dma_start3A_228] : memref<10240x128xf32, #tpu.memory_space<vmem_shared>> -> memref<128x128xf32, #tpu.memory_space<vmem_shared>>
      tpu.enqueue_dma source(%dma_start3A_229 : memref<128x128xf32, #tpu.memory_space<vmem_shared>>) target(%dma_start3A_227 : memref<128x128xf32, #tpu.memory_space<vmem>>) target_semaphore(%run_scoped3A_217 : memref<!tpu.dma_semaphore, #tpu.memory_space<semaphore_mem>>)
      %dma_wait3A_230 = arith.constant 0 : i32
      %dma_wait3A_231 = arith.constant 0 : i32
      %dma_wait3A_232 = tpu.memref_slice %arg8[%run_scoped3A_92, %dma_wait3A_230, %dma_wait3A_231] : memref<2x128x128xf32, #tpu.memory_space<vmem>> -> memref<1x128x128xf32, #tpu.memory_space<vmem>>
      %dma_wait3A_233 = tpu.memref_squeeze %dma_wait3A_232 : memref<1x128x128xf32, #tpu.memory_space<vmem>> -> memref<128x128xf32, #tpu.memory_space<vmem>>
      %dma_wait3A_234 = arith.constant 0 : i32
      %dma_wait3A_235 = tpu.memref_slice %arg6[%multiple_of3A_91, %dma_wait3A_234] : memref<10240x128xf32, #tpu.memory_space<vmem_shared>> -> memref<128x128xf32, #tpu.memory_space<vmem_shared>>
      %dma_wait3A_236 = arith.constant 0 : i32
      %dma_wait3A_237 = arith.constant 0 : i32
      %dma_wait3A_238 = tpu.memref_slice %arg8[%run_scoped3A_92, %dma_wait3A_236, %dma_wait3A_237] : memref<2x128x128xf32, #tpu.memory_space<vmem>> -> memref<1x128x128xf32, #tpu.memory_space<vmem>>
      %dma_wait3A_239 = tpu.memref_squeeze %dma_wait3A_238 : memref<1x128x128xf32, #tpu.memory_space<vmem>> -> memref<128x128xf32, #tpu.memory_space<vmem>>
      %dma_wait3A_240 = arith.constant 0 : i32
      %dma_wait3A_241 = tpu.memref_slice %arg6[%multiple_of3A_91, %dma_wait3A_240] : memref<10240x128xf32, #tpu.memory_space<vmem_shared>> -> memref<128x128xf32, #tpu.memory_space<vmem_shared>>
      tpu.wait_dma2 semaphore(%run_scoped3A_217 : memref<!tpu.dma_semaphore, #tpu.memory_space<semaphore_mem>>) src(%dma_wait3A_241 : memref<128x128xf32, #tpu.memory_space<vmem_shared>>) dst(%dma_wait3A_239 : memref<128x128xf32, #tpu.memory_space<vmem>>)
      tpu.yield
    }) : () -> ()
    %run_scoped3A_93 = arith.constant 0 : i32
    %run_scoped3A_94 = arith.constant 0 : i32
    "tpu.region"() ({
      %run_scoped3A_217 = tpu.sem_alloc : memref<!tpu.dma_semaphore, #tpu.memory_space<semaphore_mem>>
      %dma_start3A_218 = arith.constant 0 : i32
      %dma_start3A_219 = arith.constant 0 : i32
      %dma_start3A_220 = tpu.memref_slice %arg8[%run_scoped3A_93, %dma_start3A_218, %dma_start3A_219] : memref<2x128x128xf32, #tpu.memory_space<vmem>> -> memref<1x128x128xf32, #tpu.memory_space<vmem>>
      %dma_start3A_221 = tpu.memref_squeeze %dma_start3A_220 : memref<1x128x128xf32, #tpu.memory_space<vmem>> -> memref<128x128xf32, #tpu.memory_space<vmem>>
      %dma_start3A_222 = arith.constant 0 : i32
      %dma_start3A_223 = tpu.memref_slice %arg5[%arg0, %multiple_of3A_91, %run_scoped3A_94, %dma_start3A_222] : memref<2x10240x2x128xf32, #tpu.memory_space<hbm>> -> memref<1x128x1x128xf32, #tpu.memory_space<hbm>>
      %dma_start3A_224 = tpu.memref_squeeze %dma_start3A_223 : memref<1x128x1x128xf32, #tpu.memory_space<hbm>> -> memref<128x128xf32, #tpu.memory_space<hbm>>
      %dma_start3A_225 = arith.constant 0 : i32
      %dma_start3A_226 = tpu.memref_slice %arg5[%arg0, %multiple_of3A_91, %run_scoped3A_94, %dma_start3A_225] : memref<2x10240x2x128xf32, #tpu.memory_space<hbm>> -> memref<1x128x1x128xf32, #tpu.memory_space<hbm>>
      %dma_start3A_227 = tpu.memref_squeeze %dma_start3A_226 : memref<1x128x1x128xf32, #tpu.memory_space<hbm>> -> memref<128x128xf32, #tpu.memory_space<hbm>>
      %dma_start3A_228 = arith.constant 0 : i32
      %dma_start3A_229 = arith.constant 0 : i32
      %dma_start3A_230 = tpu.memref_slice %arg8[%run_scoped3A_93, %dma_start3A_228, %dma_start3A_229] : memref<2x128x128xf32, #tpu.memory_space<vmem>> -> memref<1x128x128xf32, #tpu.memory_space<vmem>>
      %dma_start3A_231 = tpu.memref_squeeze %dma_start3A_230 : memref<1x128x128xf32, #tpu.memory_space<vmem>> -> memref<128x128xf32, #tpu.memory_space<vmem>>
      tpu.enqueue_dma source(%dma_start3A_231 : memref<128x128xf32, #tpu.memory_space<vmem>>) target(%dma_start3A_227 : memref<128x128xf32, #tpu.memory_space<hbm>>) target_semaphore(%run_scoped3A_217 : memref<!tpu.dma_semaphore, #tpu.memory_space<semaphore_mem>>)
      %dma_wait3A_232 = arith.constant 0 : i32
      %dma_wait3A_233 = arith.constant 0 : i32
      %dma_wait3A_234 = tpu.memref_slice %arg8[%run_scoped3A_93, %dma_wait3A_232, %dma_wait3A_233] : memref<2x128x128xf32, #tpu.memory_space<vmem>> -> memref<1x128x128xf32, #tpu.memory_space<vmem>>
      %dma_wait3A_235 = tpu.memref_squeeze %dma_wait3A_234 : memref<1x128x128xf32, #tpu.memory_space<vmem>> -> memref<128x128xf32, #tpu.memory_space<vmem>>
      %dma_wait3A_236 = arith.constant 0 : i32
      %dma_wait3A_237 = tpu.memref_slice %arg5[%arg0, %multiple_of3A_91, %run_scoped3A_94, %dma_wait3A_236] : memref<2x10240x2x128xf32, #tpu.memory_space<hbm>> -> memref<1x128x1x128xf32, #tpu.memory_space<hbm>>
      %dma_wait3A_238 = tpu.memref_squeeze %dma_wait3A_237 : memref<1x128x1x128xf32, #tpu.memory_space<hbm>> -> memref<128x128xf32, #tpu.memory_space<hbm>>
      %dma_wait3A_239 = arith.constant 0 : i32
      %dma_wait3A_240 = tpu.memref_slice %arg5[%arg0, %multiple_of3A_91, %run_scoped3A_94, %dma_wait3A_239] : memref<2x10240x2x128xf32, #tpu.memory_space<hbm>> -> memref<1x128x1x128xf32, #tpu.memory_space<hbm>>
      %dma_wait3A_241 = tpu.memref_squeeze %dma_wait3A_240 : memref<1x128x1x128xf32, #tpu.memory_space<hbm>> -> memref<128x128xf32, #tpu.memory_space<hbm>>
      %dma_wait3A_242 = arith.constant 0 : i32
      %dma_wait3A_243 = arith.constant 0 : i32
      %dma_wait3A_244 = tpu.memref_slice %arg8[%run_scoped3A_93, %dma_wait3A_242, %dma_wait3A_243] : memref<2x128x128xf32, #tpu.memory_space<vmem>> -> memref<1x128x128xf32, #tpu.memory_space<vmem>>
      %dma_wait3A_245 = tpu.memref_squeeze %dma_wait3A_244 : memref<1x128x128xf32, #tpu.memory_space<vmem>> -> memref<128x128xf32, #tpu.memory_space<vmem>>
      tpu.wait_dma2 semaphore(%run_scoped3A_217 : memref<!tpu.dma_semaphore, #tpu.memory_space<semaphore_mem>>) src(%dma_wait3A_245 : memref<128x128xf32, #tpu.memory_space<vmem>>) dst(%dma_wait3A_241 : memref<128x128xf32, #tpu.memory_space<hbm>>)
      tpu.yield
    }) : () -> ()
    %add3A_95 = arith.constant 384 : i32
    %add3A_96 = arith.addi %multiple_of3A, %add3A_95 : i32
    %multiple_of3A_97 = tpu.assume_multiple %add3A_96, 128 : i32
    %run_scoped3A_98 = arith.constant 0 : i32
    "tpu.region"() ({
      %run_scoped3A_217 = tpu.sem_alloc : memref<!tpu.dma_semaphore, #tpu.memory_space<semaphore_mem>>
      %dma_start3A_218 = arith.constant 0 : i32
      %dma_start3A_219 = arith.constant 0 : i32
      %dma_start3A_220 = tpu.memref_slice %arg8[%run_scoped3A_98, %dma_start3A_218, %dma_start3A_219] : memref<2x128x128xf32, #tpu.memory_space<vmem>> -> memref<1x128x128xf32, #tpu.memory_space<vmem>>
      %dma_start3A_221 = tpu.memref_squeeze %dma_start3A_220 : memref<1x128x128xf32, #tpu.memory_space<vmem>> -> memref<128x128xf32, #tpu.memory_space<vmem>>
      %dma_start3A_222 = arith.constant 0 : i32
      %dma_start3A_223 = tpu.memref_slice %arg6[%multiple_of3A_97, %dma_start3A_222] : memref<10240x128xf32, #tpu.memory_space<vmem_shared>> -> memref<128x128xf32, #tpu.memory_space<vmem_shared>>
      %dma_start3A_224 = arith.constant 0 : i32
      %dma_start3A_225 = arith.constant 0 : i32
      %dma_start3A_226 = tpu.memref_slice %arg8[%run_scoped3A_98, %dma_start3A_224, %dma_start3A_225] : memref<2x128x128xf32, #tpu.memory_space<vmem>> -> memref<1x128x128xf32, #tpu.memory_space<vmem>>
      %dma_start3A_227 = tpu.memref_squeeze %dma_start3A_226 : memref<1x128x128xf32, #tpu.memory_space<vmem>> -> memref<128x128xf32, #tpu.memory_space<vmem>>
      %dma_start3A_228 = arith.constant 0 : i32
      %dma_start3A_229 = tpu.memref_slice %arg6[%multiple_of3A_97, %dma_start3A_228] : memref<10240x128xf32, #tpu.memory_space<vmem_shared>> -> memref<128x128xf32, #tpu.memory_space<vmem_shared>>
      tpu.enqueue_dma source(%dma_start3A_229 : memref<128x128xf32, #tpu.memory_space<vmem_shared>>) target(%dma_start3A_227 : memref<128x128xf32, #tpu.memory_space<vmem>>) target_semaphore(%run_scoped3A_217 : memref<!tpu.dma_semaphore, #tpu.memory_space<semaphore_mem>>)
      %dma_wait3A_230 = arith.constant 0 : i32
      %dma_wait3A_231 = arith.constant 0 : i32
      %dma_wait3A_232 = tpu.memref_slice %arg8[%run_scoped3A_98, %dma_wait3A_230, %dma_wait3A_231] : memref<2x128x128xf32, #tpu.memory_space<vmem>> -> memref<1x128x128xf32, #tpu.memory_space<vmem>>
      %dma_wait3A_233 = tpu.memref_squeeze %dma_wait3A_232 : memref<1x128x128xf32, #tpu.memory_space<vmem>> -> memref<128x128xf32, #tpu.memory_space<vmem>>
      %dma_wait3A_234 = arith.constant 0 : i32
      %dma_wait3A_235 = tpu.memref_slice %arg6[%multiple_of3A_97, %dma_wait3A_234] : memref<10240x128xf32, #tpu.memory_space<vmem_shared>> -> memref<128x128xf32, #tpu.memory_space<vmem_shared>>
      %dma_wait3A_236 = arith.constant 0 : i32
      %dma_wait3A_237 = arith.constant 0 : i32
      %dma_wait3A_238 = tpu.memref_slice %arg8[%run_scoped3A_98, %dma_wait3A_236, %dma_wait3A_237] : memref<2x128x128xf32, #tpu.memory_space<vmem>> -> memref<1x128x128xf32, #tpu.memory_space<vmem>>
      %dma_wait3A_239 = tpu.memref_squeeze %dma_wait3A_238 : memref<1x128x128xf32, #tpu.memory_space<vmem>> -> memref<128x128xf32, #tpu.memory_space<vmem>>
      %dma_wait3A_240 = arith.constant 0 : i32
      %dma_wait3A_241 = tpu.memref_slice %arg6[%multiple_of3A_97, %dma_wait3A_240] : memref<10240x128xf32, #tpu.memory_space<vmem_shared>> -> memref<128x128xf32, #tpu.memory_space<vmem_shared>>
      tpu.wait_dma2 semaphore(%run_scoped3A_217 : memref<!tpu.dma_semaphore, #tpu.memory_space<semaphore_mem>>) src(%dma_wait3A_241 : memref<128x128xf32, #tpu.memory_space<vmem_shared>>) dst(%dma_wait3A_239 : memref<128x128xf32, #tpu.memory_space<vmem>>)
      tpu.yield
    }) : () -> ()
    %run_scoped3A_99 = arith.constant 0 : i32
    %run_scoped3A_100 = arith.constant 0 : i32
    "tpu.region"() ({
      %run_scoped3A_217 = tpu.sem_alloc : memref<!tpu.dma_semaphore, #tpu.memory_space<semaphore_mem>>
      %dma_start3A_218 = arith.constant 0 : i32
      %dma_start3A_219 = arith.constant 0 : i32
      %dma_start3A_220 = tpu.memref_slice %arg8[%run_scoped3A_99, %dma_start3A_218, %dma_start3A_219] : memref<2x128x128xf32, #tpu.memory_space<vmem>> -> memref<1x128x128xf32, #tpu.memory_space<vmem>>
      %dma_start3A_221 = tpu.memref_squeeze %dma_start3A_220 : memref<1x128x128xf32, #tpu.memory_space<vmem>> -> memref<128x128xf32, #tpu.memory_space<vmem>>
      %dma_start3A_222 = arith.constant 0 : i32
      %dma_start3A_223 = tpu.memref_slice %arg5[%arg0, %multiple_of3A_97, %run_scoped3A_100, %dma_start3A_222] : memref<2x10240x2x128xf32, #tpu.memory_space<hbm>> -> memref<1x128x1x128xf32, #tpu.memory_space<hbm>>
      %dma_start3A_224 = tpu.memref_squeeze %dma_start3A_223 : memref<1x128x1x128xf32, #tpu.memory_space<hbm>> -> memref<128x128xf32, #tpu.memory_space<hbm>>
      %dma_start3A_225 = arith.constant 0 : i32
      %dma_start3A_226 = tpu.memref_slice %arg5[%arg0, %multiple_of3A_97, %run_scoped3A_100, %dma_start3A_225] : memref<2x10240x2x128xf32, #tpu.memory_space<hbm>> -> memref<1x128x1x128xf32, #tpu.memory_space<hbm>>
      %dma_start3A_227 = tpu.memref_squeeze %dma_start3A_226 : memref<1x128x1x128xf32, #tpu.memory_space<hbm>> -> memref<128x128xf32, #tpu.memory_space<hbm>>
      %dma_start3A_228 = arith.constant 0 : i32
      %dma_start3A_229 = arith.constant 0 : i32
      %dma_start3A_230 = tpu.memref_slice %arg8[%run_scoped3A_99, %dma_start3A_228, %dma_start3A_229] : memref<2x128x128xf32, #tpu.memory_space<vmem>> -> memref<1x128x128xf32, #tpu.memory_space<vmem>>
      %dma_start3A_231 = tpu.memref_squeeze %dma_start3A_230 : memref<1x128x128xf32, #tpu.memory_space<vmem>> -> memref<128x128xf32, #tpu.memory_space<vmem>>
      tpu.enqueue_dma source(%dma_start3A_231 : memref<128x128xf32, #tpu.memory_space<vmem>>) target(%dma_start3A_227 : memref<128x128xf32, #tpu.memory_space<hbm>>) target_semaphore(%run_scoped3A_217 : memref<!tpu.dma_semaphore, #tpu.memory_space<semaphore_mem>>)
      %dma_wait3A_232 = arith.constant 0 : i32
      %dma_wait3A_233 = arith.constant 0 : i32
      %dma_wait3A_234 = tpu.memref_slice %arg8[%run_scoped3A_99, %dma_wait3A_232, %dma_wait3A_233] : memref<2x128x128xf32, #tpu.memory_space<vmem>> -> memref<1x128x128xf32, #tpu.memory_space<vmem>>
      %dma_wait3A_235 = tpu.memref_squeeze %dma_wait3A_234 : memref<1x128x128xf32, #tpu.memory_space<vmem>> -> memref<128x128xf32, #tpu.memory_space<vmem>>
      %dma_wait3A_236 = arith.constant 0 : i32
      %dma_wait3A_237 = tpu.memref_slice %arg5[%arg0, %multiple_of3A_97, %run_scoped3A_100, %dma_wait3A_236] : memref<2x10240x2x128xf32, #tpu.memory_space<hbm>> -> memref<1x128x1x128xf32, #tpu.memory_space<hbm>>
      %dma_wait3A_238 = tpu.memref_squeeze %dma_wait3A_237 : memref<1x128x1x128xf32, #tpu.memory_space<hbm>> -> memref<128x128xf32, #tpu.memory_space<hbm>>
      %dma_wait3A_239 = arith.constant 0 : i32
      %dma_wait3A_240 = tpu.memref_slice %arg5[%arg0, %multiple_of3A_97, %run_scoped3A_100, %dma_wait3A_239] : memref<2x10240x2x128xf32, #tpu.memory_space<hbm>> -> memref<1x128x1x128xf32, #tpu.memory_space<hbm>>
      %dma_wait3A_241 = tpu.memref_squeeze %dma_wait3A_240 : memref<1x128x1x128xf32, #tpu.memory_space<hbm>> -> memref<128x128xf32, #tpu.memory_space<hbm>>
      %dma_wait3A_242 = arith.constant 0 : i32
      %dma_wait3A_243 = arith.constant 0 : i32
      %dma_wait3A_244 = tpu.memref_slice %arg8[%run_scoped3A_99, %dma_wait3A_242, %dma_wait3A_243] : memref<2x128x128xf32, #tpu.memory_space<vmem>> -> memref<1x128x128xf32, #tpu.memory_space<vmem>>
      %dma_wait3A_245 = tpu.memref_squeeze %dma_wait3A_244 : memref<1x128x128xf32, #tpu.memory_space<vmem>> -> memref<128x128xf32, #tpu.memory_space<vmem>>
      tpu.wait_dma2 semaphore(%run_scoped3A_217 : memref<!tpu.dma_semaphore, #tpu.memory_space<semaphore_mem>>) src(%dma_wait3A_245 : memref<128x128xf32, #tpu.memory_space<vmem>>) dst(%dma_wait3A_241 : memref<128x128xf32, #tpu.memory_space<hbm>>)
      tpu.yield
    }) : () -> ()
    %add3A_101 = arith.constant 512 : i32
    %add3A_102 = arith.addi %multiple_of3A, %add3A_101 : i32
    %multiple_of3A_103 = tpu.assume_multiple %add3A_102, 128 : i32
    %run_scoped3A_104 = arith.constant 0 : i32
    "tpu.region"() ({
      %run_scoped3A_217 = tpu.sem_alloc : memref<!tpu.dma_semaphore, #tpu.memory_space<semaphore_mem>>
      %dma_start3A_218 = arith.constant 0 : i32
      %dma_start3A_219 = arith.constant 0 : i32
      %dma_start3A_220 = tpu.memref_slice %arg8[%run_scoped3A_104, %dma_start3A_218, %dma_start3A_219] : memref<2x128x128xf32, #tpu.memory_space<vmem>> -> memref<1x128x128xf32, #tpu.memory_space<vmem>>
      %dma_start3A_221 = tpu.memref_squeeze %dma_start3A_220 : memref<1x128x128xf32, #tpu.memory_space<vmem>> -> memref<128x128xf32, #tpu.memory_space<vmem>>
      %dma_start3A_222 = arith.constant 0 : i32
      %dma_start3A_223 = tpu.memref_slice %arg6[%multiple_of3A_103, %dma_start3A_222] : memref<10240x128xf32, #tpu.memory_space<vmem_shared>> -> memref<128x128xf32, #tpu.memory_space<vmem_shared>>
      %dma_start3A_224 = arith.constant 0 : i32
      %dma_start3A_225 = arith.constant 0 : i32
      %dma_start3A_226 = tpu.memref_slice %arg8[%run_scoped3A_104, %dma_start3A_224, %dma_start3A_225] : memref<2x128x128xf32, #tpu.memory_space<vmem>> -> memref<1x128x128xf32, #tpu.memory_space<vmem>>
      %dma_start3A_227 = tpu.memref_squeeze %dma_start3A_226 : memref<1x128x128xf32, #tpu.memory_space<vmem>> -> memref<128x128xf32, #tpu.memory_space<vmem>>
      %dma_start3A_228 = arith.constant 0 : i32
      %dma_start3A_229 = tpu.memref_slice %arg6[%multiple_of3A_103, %dma_start3A_228] : memref<10240x128xf32, #tpu.memory_space<vmem_shared>> -> memref<128x128xf32, #tpu.memory_space<vmem_shared>>
      tpu.enqueue_dma source(%dma_start3A_229 : memref<128x128xf32, #tpu.memory_space<vmem_shared>>) target(%dma_start3A_227 : memref<128x128xf32, #tpu.memory_space<vmem>>) target_semaphore(%run_scoped3A_217 : memref<!tpu.dma_semaphore, #tpu.memory_space<semaphore_mem>>)
      %dma_wait3A_230 = arith.constant 0 : i32
      %dma_wait3A_231 = arith.constant 0 : i32
      %dma_wait3A_232 = tpu.memref_slice %arg8[%run_scoped3A_104, %dma_wait3A_230, %dma_wait3A_231] : memref<2x128x128xf32, #tpu.memory_space<vmem>> -> memref<1x128x128xf32, #tpu.memory_space<vmem>>
      %dma_wait3A_233 = tpu.memref_squeeze %dma_wait3A_232 : memref<1x128x128xf32, #tpu.memory_space<vmem>> -> memref<128x128xf32, #tpu.memory_space<vmem>>
      %dma_wait3A_234 = arith.constant 0 : i32
      %dma_wait3A_235 = tpu.memref_slice %arg6[%multiple_of3A_103, %dma_wait3A_234] : memref<10240x128xf32, #tpu.memory_space<vmem_shared>> -> memref<128x128xf32, #tpu.memory_space<vmem_shared>>
      %dma_wait3A_236 = arith.constant 0 : i32
      %dma_wait3A_237 = arith.constant 0 : i32
      %dma_wait3A_238 = tpu.memref_slice %arg8[%run_scoped3A_104, %dma_wait3A_236, %dma_wait3A_237] : memref<2x128x128xf32, #tpu.memory_space<vmem>> -> memref<1x128x128xf32, #tpu.memory_space<vmem>>
      %dma_wait3A_239 = tpu.memref_squeeze %dma_wait3A_238 : memref<1x128x128xf32, #tpu.memory_space<vmem>> -> memref<128x128xf32, #tpu.memory_space<vmem>>
      %dma_wait3A_240 = arith.constant 0 : i32
      %dma_wait3A_241 = tpu.memref_slice %arg6[%multiple_of3A_103, %dma_wait3A_240] : memref<10240x128xf32, #tpu.memory_space<vmem_shared>> -> memref<128x128xf32, #tpu.memory_space<vmem_shared>>
      tpu.wait_dma2 semaphore(%run_scoped3A_217 : memref<!tpu.dma_semaphore, #tpu.memory_space<semaphore_mem>>) src(%dma_wait3A_241 : memref<128x128xf32, #tpu.memory_space<vmem_shared>>) dst(%dma_wait3A_239 : memref<128x128xf32, #tpu.memory_space<vmem>>)
      tpu.yield
    }) : () -> ()
    %run_scoped3A_105 = arith.constant 0 : i32
    %run_scoped3A_106 = arith.constant 0 : i32
    "tpu.region"() ({
      %run_scoped3A_217 = tpu.sem_alloc : memref<!tpu.dma_semaphore, #tpu.memory_space<semaphore_mem>>
      %dma_start3A_218 = arith.constant 0 : i32
      %dma_start3A_219 = arith.constant 0 : i32
      %dma_start3A_220 = tpu.memref_slice %arg8[%run_scoped3A_105, %dma_start3A_218, %dma_start3A_219] : memref<2x128x128xf32, #tpu.memory_space<vmem>> -> memref<1x128x128xf32, #tpu.memory_space<vmem>>
      %dma_start3A_221 = tpu.memref_squeeze %dma_start3A_220 : memref<1x128x128xf32, #tpu.memory_space<vmem>> -> memref<128x128xf32, #tpu.memory_space<vmem>>
      %dma_start3A_222 = arith.constant 0 : i32
      %dma_start3A_223 = tpu.memref_slice %arg5[%arg0, %multiple_of3A_103, %run_scoped3A_106, %dma_start3A_222] : memref<2x10240x2x128xf32, #tpu.memory_space<hbm>> -> memref<1x128x1x128xf32, #tpu.memory_space<hbm>>
      %dma_start3A_224 = tpu.memref_squeeze %dma_start3A_223 : memref<1x128x1x128xf32, #tpu.memory_space<hbm>> -> memref<128x128xf32, #tpu.memory_space<hbm>>
      %dma_start3A_225 = arith.constant 0 : i32
      %dma_start3A_226 = tpu.memref_slice %arg5[%arg0, %multiple_of3A_103, %run_scoped3A_106, %dma_start3A_225] : memref<2x10240x2x128xf32, #tpu.memory_space<hbm>> -> memref<1x128x1x128xf32, #tpu.memory_space<hbm>>
      %dma_start3A_227 = tpu.memref_squeeze %dma_start3A_226 : memref<1x128x1x128xf32, #tpu.memory_space<hbm>> -> memref<128x128xf32, #tpu.memory_space<hbm>>
      %dma_start3A_228 = arith.constant 0 : i32
      %dma_start3A_229 = arith.constant 0 : i32
      %dma_start3A_230 = tpu.memref_slice %arg8[%run_scoped3A_105, %dma_start3A_228, %dma_start3A_229] : memref<2x128x128xf32, #tpu.memory_space<vmem>> -> memref<1x128x128xf32, #tpu.memory_space<vmem>>
      %dma_start3A_231 = tpu.memref_squeeze %dma_start3A_230 : memref<1x128x128xf32, #tpu.memory_space<vmem>> -> memref<128x128xf32, #tpu.memory_space<vmem>>
      tpu.enqueue_dma source(%dma_start3A_231 : memref<128x128xf32, #tpu.memory_space<vmem>>) target(%dma_start3A_227 : memref<128x128xf32, #tpu.memory_space<hbm>>) target_semaphore(%run_scoped3A_217 : memref<!tpu.dma_semaphore, #tpu.memory_space<semaphore_mem>>)
      %dma_wait3A_232 = arith.constant 0 : i32
      %dma_wait3A_233 = arith.constant 0 : i32
      %dma_wait3A_234 = tpu.memref_slice %arg8[%run_scoped3A_105, %dma_wait3A_232, %dma_wait3A_233] : memref<2x128x128xf32, #tpu.memory_space<vmem>> -> memref<1x128x128xf32, #tpu.memory_space<vmem>>
      %dma_wait3A_235 = tpu.memref_squeeze %dma_wait3A_234 : memref<1x128x128xf32, #tpu.memory_space<vmem>> -> memref<128x128xf32, #tpu.memory_space<vmem>>
      %dma_wait3A_236 = arith.constant 0 : i32
      %dma_wait3A_237 = tpu.memref_slice %arg5[%arg0, %multiple_of3A_103, %run_scoped3A_106, %dma_wait3A_236] : memref<2x10240x2x128xf32, #tpu.memory_space<hbm>> -> memref<1x128x1x128xf32, #tpu.memory_space<hbm>>
      %dma_wait3A_238 = tpu.memref_squeeze %dma_wait3A_237 : memref<1x128x1x128xf32, #tpu.memory_space<hbm>> -> memref<128x128xf32, #tpu.memory_space<hbm>>
      %dma_wait3A_239 = arith.constant 0 : i32
      %dma_wait3A_240 = tpu.memref_slice %arg5[%arg0, %multiple_of3A_103, %run_scoped3A_106, %dma_wait3A_239] : memref<2x10240x2x128xf32, #tpu.memory_space<hbm>> -> memref<1x128x1x128xf32, #tpu.memory_space<hbm>>
      %dma_wait3A_241 = tpu.memref_squeeze %dma_wait3A_240 : memref<1x128x1x128xf32, #tpu.memory_space<hbm>> -> memref<128x128xf32, #tpu.memory_space<hbm>>
      %dma_wait3A_242 = arith.constant 0 : i32
      %dma_wait3A_243 = arith.constant 0 : i32
      %dma_wait3A_244 = tpu.memref_slice %arg8[%run_scoped3A_105, %dma_wait3A_242, %dma_wait3A_243] : memref<2x128x128xf32, #tpu.memory_space<vmem>> -> memref<1x128x128xf32, #tpu.memory_space<vmem>>
      %dma_wait3A_245 = tpu.memref_squeeze %dma_wait3A_244 : memref<1x128x128xf32, #tpu.memory_space<vmem>> -> memref<128x128xf32, #tpu.memory_space<vmem>>
      tpu.wait_dma2 semaphore(%run_scoped3A_217 : memref<!tpu.dma_semaphore, #tpu.memory_space<semaphore_mem>>) src(%dma_wait3A_245 : memref<128x128xf32, #tpu.memory_space<vmem>>) dst(%dma_wait3A_241 : memref<128x128xf32, #tpu.memory_space<hbm>>)
      tpu.yield
    }) : () -> ()
    %barrier3A_107 = arith.constant 0 : index
    tpu.barrier barrier_id(%barrier3A_107)
    %scan3A_108 = arith.constant 0 : i32
    %scan3A_109 = arith.constant 0 : i32
    %scan3A_110 = arith.constant 128 : i32
    %scan3A_111 = arith.addi %scan3A_109, %scan3A_110 : i32
    %scan3A_112 = arith.constant 1 : i32
    scf.for %scan3A_217 = %scan3A_109 to %scan3A_111 step %scan3A_112  : i32 {
      %swap3A = arith.constant 0 : i32
      %swap3A_218 = arith.index_cast %swap3A : i32 to index
      %swap3A_219 = arith.index_cast %scan3A_217 : i32 to index
      %swap3A_220 = arith.constant 0 : index
      %swap3A_221 = tpu.vector_load %arg8[%swap3A_218, %swap3A_219, %swap3A_220] {strides = array<i32>} : memref<2x128x128xf32, #tpu.memory_space<vmem>>, vector<1x1x16xf32>,
      %swap3A_222 = vector.shape_cast %swap3A_221 : vector<1x1x16xf32> to vector<16xf32>
      %swap3A_223 = vector.shape_cast %broadcast_in_dim3A_4 : vector<16xf32> to vector<1x1x16xf32>
      tpu.vector_store %arg8[%swap3A_218, %swap3A_219, %swap3A_220], %swap3A_223 {strides = array<i32>} : memref<2x128x128xf32, #tpu.memory_space<vmem>>, vector<1x1x16xf32>,
      %swap3A_224 = arith.constant 0 : i32
      %swap3A_225 = arith.index_cast %swap3A_224 : i32 to index
      %swap3A_226 = arith.index_cast %scan3A_217 : i32 to index
      %swap3A_227 = arith.constant 16 : index
      %swap3A_228 = tpu.vector_load %arg8[%swap3A_225, %swap3A_226, %swap3A_227] {strides = array<i32>} : memref<2x128x128xf32, #tpu.memory_space<vmem>>, vector<1x1x16xf32>,
      %swap3A_229 = vector.shape_cast %swap3A_228 : vector<1x1x16xf32> to vector<16xf32>
      %swap3A_230 = vector.shape_cast %broadcast_in_dim3A_4 : vector<16xf32> to vector<1x1x16xf32>
      tpu.vector_store %arg8[%swap3A_225, %swap3A_226, %swap3A_227], %swap3A_230 {strides = array<i32>} : memref<2x128x128xf32, #tpu.memory_space<vmem>>, vector<1x1x16xf32>,
      %swap3A_231 = arith.constant 0 : i32
      %swap3A_232 = arith.index_cast %swap3A_231 : i32 to index
      %swap3A_233 = arith.index_cast %scan3A_217 : i32 to index
      %swap3A_234 = arith.constant 32 : index
      %swap3A_235 = tpu.vector_load %arg8[%swap3A_232, %swap3A_233, %swap3A_234] {strides = array<i32>} : memref<2x128x128xf32, #tpu.memory_space<vmem>>, vector<1x1x16xf32>,
      %swap3A_236 = vector.shape_cast %swap3A_235 : vector<1x1x16xf32> to vector<16xf32>
      %swap3A_237 = vector.shape_cast %broadcast_in_dim3A_4 : vector<16xf32> to vector<1x1x16xf32>
      tpu.vector_store %arg8[%swap3A_232, %swap3A_233, %swap3A_234], %swap3A_237 {strides = array<i32>} : memref<2x128x128xf32, #tpu.memory_space<vmem>>, vector<1x1x16xf32>,
      %swap3A_238 = arith.constant 0 : i32
      %swap3A_239 = arith.index_cast %swap3A_238 : i32 to index
      %swap3A_240 = arith.index_cast %scan3A_217 : i32 to index
      %swap3A_241 = arith.constant 48 : index
      %swap3A_242 = tpu.vector_load %arg8[%swap3A_239, %swap3A_240, %swap3A_241] {strides = array<i32>} : memref<2x128x128xf32, #tpu.memory_space<vmem>>, vector<1x1x16xf32>,
      %swap3A_243 = vector.shape_cast %swap3A_242 : vector<1x1x16xf32> to vector<16xf32>
      %swap3A_244 = vector.shape_cast %broadcast_in_dim3A_4 : vector<16xf32> to vector<1x1x16xf32>
      tpu.vector_store %arg8[%swap3A_239, %swap3A_240, %swap3A_241], %swap3A_244 {strides = array<i32>} : memref<2x128x128xf32, #tpu.memory_space<vmem>>, vector<1x1x16xf32>,
      %swap3A_245 = arith.constant 0 : i32
      %swap3A_246 = arith.index_cast %swap3A_245 : i32 to index
      %swap3A_247 = arith.index_cast %scan3A_217 : i32 to index
      %swap3A_248 = arith.constant 64 : index
      %swap3A_249 = tpu.vector_load %arg8[%swap3A_246, %swap3A_247, %swap3A_248] {strides = array<i32>} : memref<2x128x128xf32, #tpu.memory_space<vmem>>, vector<1x1x16xf32>,
      %swap3A_250 = vector.shape_cast %swap3A_249 : vector<1x1x16xf32> to vector<16xf32>
      %swap3A_251 = vector.shape_cast %broadcast_in_dim3A_4 : vector<16xf32> to vector<1x1x16xf32>
      tpu.vector_store %arg8[%swap3A_246, %swap3A_247, %swap3A_248], %swap3A_251 {strides = array<i32>} : memref<2x128x128xf32, #tpu.memory_space<vmem>>, vector<1x1x16xf32>,
      %swap3A_252 = arith.constant 0 : i32
      %swap3A_253 = arith.index_cast %swap3A_252 : i32 to index
      %swap3A_254 = arith.index_cast %scan3A_217 : i32 to index
      %swap3A_255 = arith.constant 80 : index
      %swap3A_256 = tpu.vector_load %arg8[%swap3A_253, %swap3A_254, %swap3A_255] {strides = array<i32>} : memref<2x128x128xf32, #tpu.memory_space<vmem>>, vector<1x1x16xf32>,
      %swap3A_257 = vector.shape_cast %swap3A_256 : vector<1x1x16xf32> to vector<16xf32>
      %swap3A_258 = vector.shape_cast %broadcast_in_dim3A_4 : vector<16xf32> to vector<1x1x16xf32>
      tpu.vector_store %arg8[%swap3A_253, %swap3A_254, %swap3A_255], %swap3A_258 {strides = array<i32>} : memref<2x128x128xf32, #tpu.memory_space<vmem>>, vector<1x1x16xf32>,
      %swap3A_259 = arith.constant 0 : i32
      %swap3A_260 = arith.index_cast %swap3A_259 : i32 to index
      %swap3A_261 = arith.index_cast %scan3A_217 : i32 to index
      %swap3A_262 = arith.constant 96 : index
      %swap3A_263 = tpu.vector_load %arg8[%swap3A_260, %swap3A_261, %swap3A_262] {strides = array<i32>} : memref<2x128x128xf32, #tpu.memory_space<vmem>>, vector<1x1x16xf32>,
      %swap3A_264 = vector.shape_cast %swap3A_263 : vector<1x1x16xf32> to vector<16xf32>
      %swap3A_265 = vector.shape_cast %broadcast_in_dim3A_4 : vector<16xf32> to vector<1x1x16xf32>
      tpu.vector_store %arg8[%swap3A_260, %swap3A_261, %swap3A_262], %swap3A_265 {strides = array<i32>} : memref<2x128x128xf32, #tpu.memory_space<vmem>>, vector<1x1x16xf32>,
      %swap3A_266 = arith.constant 0 : i32
      %swap3A_267 = arith.index_cast %swap3A_266 : i32 to index
      %swap3A_268 = arith.index_cast %scan3A_217 : i32 to index
      %swap3A_269 = arith.constant 112 : index
      %swap3A_270 = tpu.vector_load %arg8[%swap3A_267, %swap3A_268, %swap3A_269] {strides = array<i32>} : memref<2x128x128xf32, #tpu.memory_space<vmem>>, vector<1x1x16xf32>,
      %swap3A_271 = vector.shape_cast %swap3A_270 : vector<1x1x16xf32> to vector<16xf32>
      %swap3A_272 = vector.shape_cast %broadcast_in_dim3A_4 : vector<16xf32> to vector<1x1x16xf32>
      tpu.vector_store %arg8[%swap3A_267, %swap3A_268, %swap3A_269], %swap3A_272 {strides = array<i32>} : memref<2x128x128xf32, #tpu.memory_space<vmem>>, vector<1x1x16xf32>,
    }
    %scan3A_113 = arith.constant 128 : i32
    %add3A_114 = arith.constant 0 : i32
    %add3A_115 = arith.addi %multiple_of3A, %add3A_114 : i32
    %run_scoped3A_116 = arith.constant 0 : i32
    "tpu.region"() ({
      %run_scoped3A_217 = tpu.sem_alloc : memref<!tpu.dma_semaphore, #tpu.memory_space<semaphore_mem>>
      %dma_start3A_218 = arith.constant 0 : i32
      %dma_start3A_219 = arith.constant 0 : i32
      %dma_start3A_220 = tpu.memref_slice %arg8[%run_scoped3A_116, %dma_start3A_218, %dma_start3A_219] : memref<2x128x128xf32, #tpu.memory_space<vmem>> -> memref<1x128x128xf32, #tpu.memory_space<vmem>>
      %dma_start3A_221 = tpu.memref_squeeze %dma_start3A_220 : memref<1x128x128xf32, #tpu.memory_space<vmem>> -> memref<128x128xf32, #tpu.memory_space<vmem>>
      %dma_start3A_222 = arith.constant 0 : i32
      %dma_start3A_223 = tpu.memref_slice %arg6[%add3A_115, %dma_start3A_222] : memref<10240x128xf32, #tpu.memory_space<vmem_shared>> -> memref<128x128xf32, #tpu.memory_space<vmem_shared>>
      %dma_start3A_224 = arith.constant 0 : i32
      %dma_start3A_225 = tpu.memref_slice %arg6[%add3A_115, %dma_start3A_224] : memref<10240x128xf32, #tpu.memory_space<vmem_shared>> -> memref<128x128xf32, #tpu.memory_space<vmem_shared>>
      %dma_start3A_226 = arith.constant 0 : i32
      %dma_start3A_227 = arith.constant 0 : i32
      %dma_start3A_228 = tpu.memref_slice %arg8[%run_scoped3A_116, %dma_start3A_226, %dma_start3A_227] : memref<2x128x128xf32, #tpu.memory_space<vmem>> -> memref<1x128x128xf32, #tpu.memory_space<vmem>>
      %dma_start3A_229 = tpu.memref_squeeze %dma_start3A_228 : memref<1x128x128xf32, #tpu.memory_space<vmem>> -> memref<128x128xf32, #tpu.memory_space<vmem>>
      tpu.enqueue_dma source(%dma_start3A_229 : memref<128x128xf32, #tpu.memory_space<vmem>>) target(%dma_start3A_225 : memref<128x128xf32, #tpu.memory_space<vmem_shared>>) target_semaphore(%run_scoped3A_217 : memref<!tpu.dma_semaphore, #tpu.memory_space<semaphore_mem>>)
      %dma_wait3A_230 = arith.constant 0 : i32
      %dma_wait3A_231 = arith.constant 0 : i32
      %dma_wait3A_232 = tpu.memref_slice %arg8[%run_scoped3A_116, %dma_wait3A_230, %dma_wait3A_231] : memref<2x128x128xf32, #tpu.memory_space<vmem>> -> memref<1x128x128xf32, #tpu.memory_space<vmem>>
      %dma_wait3A_233 = tpu.memref_squeeze %dma_wait3A_232 : memref<1x128x128xf32, #tpu.memory_space<vmem>> -> memref<128x128xf32, #tpu.memory_space<vmem>>
      %dma_wait3A_234 = arith.constant 0 : i32
      %dma_wait3A_235 = tpu.memref_slice %arg6[%add3A_115, %dma_wait3A_234] : memref<10240x128xf32, #tpu.memory_space<vmem_shared>> -> memref<128x128xf32, #tpu.memory_space<vmem_shared>>
      %dma_wait3A_236 = arith.constant 0 : i32
      %dma_wait3A_237 = tpu.memref_slice %arg6[%add3A_115, %dma_wait3A_236] : memref<10240x128xf32, #tpu.memory_space<vmem_shared>> -> memref<128x128xf32, #tpu.memory_space<vmem_shared>>
      %dma_wait3A_238 = arith.constant 0 : i32
      %dma_wait3A_239 = arith.constant 0 : i32
      %dma_wait3A_240 = tpu.memref_slice %arg8[%run_scoped3A_116, %dma_wait3A_238, %dma_wait3A_239] : memref<2x128x128xf32, #tpu.memory_space<vmem>> -> memref<1x128x128xf32, #tpu.memory_space<vmem>>
      %dma_wait3A_241 = tpu.memref_squeeze %dma_wait3A_240 : memref<1x128x128xf32, #tpu.memory_space<vmem>> -> memref<128x128xf32, #tpu.memory_space<vmem>>
      tpu.wait_dma2 semaphore(%run_scoped3A_217 : memref<!tpu.dma_semaphore, #tpu.memory_space<semaphore_mem>>) src(%dma_wait3A_241 : memref<128x128xf32, #tpu.memory_space<vmem>>) dst(%dma_wait3A_237 : memref<128x128xf32, #tpu.memory_space<vmem_shared>>)
      tpu.yield
    }) : () -> ()
    %add3A_117 = arith.constant 128 : i32
    %add3A_118 = arith.addi %multiple_of3A, %add3A_117 : i32
    %run_scoped3A_119 = arith.constant 0 : i32
    "tpu.region"() ({
      %run_scoped3A_217 = tpu.sem_alloc : memref<!tpu.dma_semaphore, #tpu.memory_space<semaphore_mem>>
      %dma_start3A_218 = arith.constant 0 : i32
      %dma_start3A_219 = arith.constant 0 : i32
      %dma_start3A_220 = tpu.memref_slice %arg8[%run_scoped3A_119, %dma_start3A_218, %dma_start3A_219] : memref<2x128x128xf32, #tpu.memory_space<vmem>> -> memref<1x128x128xf32, #tpu.memory_space<vmem>>
      %dma_start3A_221 = tpu.memref_squeeze %dma_start3A_220 : memref<1x128x128xf32, #tpu.memory_space<vmem>> -> memref<128x128xf32, #tpu.memory_space<vmem>>
      %dma_start3A_222 = arith.constant 0 : i32
      %dma_start3A_223 = tpu.memref_slice %arg6[%add3A_118, %dma_start3A_222] : memref<10240x128xf32, #tpu.memory_space<vmem_shared>> -> memref<128x128xf32, #tpu.memory_space<vmem_shared>>
      %dma_start3A_224 = arith.constant 0 : i32
      %dma_start3A_225 = tpu.memref_slice %arg6[%add3A_118, %dma_start3A_224] : memref<10240x128xf32, #tpu.memory_space<vmem_shared>> -> memref<128x128xf32, #tpu.memory_space<vmem_shared>>
      %dma_start3A_226 = arith.constant 0 : i32
      %dma_start3A_227 = arith.constant 0 : i32
      %dma_start3A_228 = tpu.memref_slice %arg8[%run_scoped3A_119, %dma_start3A_226, %dma_start3A_227] : memref<2x128x128xf32, #tpu.memory_space<vmem>> -> memref<1x128x128xf32, #tpu.memory_space<vmem>>
      %dma_start3A_229 = tpu.memref_squeeze %dma_start3A_228 : memref<1x128x128xf32, #tpu.memory_space<vmem>> -> memref<128x128xf32, #tpu.memory_space<vmem>>
      tpu.enqueue_dma source(%dma_start3A_229 : memref<128x128xf32, #tpu.memory_space<vmem>>) target(%dma_start3A_225 : memref<128x128xf32, #tpu.memory_space<vmem_shared>>) target_semaphore(%run_scoped3A_217 : memref<!tpu.dma_semaphore, #tpu.memory_space<semaphore_mem>>)
      %dma_wait3A_230 = arith.constant 0 : i32
      %dma_wait3A_231 = arith.constant 0 : i32
      %dma_wait3A_232 = tpu.memref_slice %arg8[%run_scoped3A_119, %dma_wait3A_230, %dma_wait3A_231] : memref<2x128x128xf32, #tpu.memory_space<vmem>> -> memref<1x128x128xf32, #tpu.memory_space<vmem>>
      %dma_wait3A_233 = tpu.memref_squeeze %dma_wait3A_232 : memref<1x128x128xf32, #tpu.memory_space<vmem>> -> memref<128x128xf32, #tpu.memory_space<vmem>>
      %dma_wait3A_234 = arith.constant 0 : i32
      %dma_wait3A_235 = tpu.memref_slice %arg6[%add3A_118, %dma_wait3A_234] : memref<10240x128xf32, #tpu.memory_space<vmem_shared>> -> memref<128x128xf32, #tpu.memory_space<vmem_shared>>
      %dma_wait3A_236 = arith.constant 0 : i32
      %dma_wait3A_237 = tpu.memref_slice %arg6[%add3A_118, %dma_wait3A_236] : memref<10240x128xf32, #tpu.memory_space<vmem_shared>> -> memref<128x128xf32, #tpu.memory_space<vmem_shared>>
      %dma_wait3A_238 = arith.constant 0 : i32
      %dma_wait3A_239 = arith.constant 0 : i32
      %dma_wait3A_240 = tpu.memref_slice %arg8[%run_scoped3A_119, %dma_wait3A_238, %dma_wait3A_239] : memref<2x128x128xf32, #tpu.memory_space<vmem>> -> memref<1x128x128xf32, #tpu.memory_space<vmem>>
      %dma_wait3A_241 = tpu.memref_squeeze %dma_wait3A_240 : memref<1x128x128xf32, #tpu.memory_space<vmem>> -> memref<128x128xf32, #tpu.memory_space<vmem>>
      tpu.wait_dma2 semaphore(%run_scoped3A_217 : memref<!tpu.dma_semaphore, #tpu.memory_space<semaphore_mem>>) src(%dma_wait3A_241 : memref<128x128xf32, #tpu.memory_space<vmem>>) dst(%dma_wait3A_237 : memref<128x128xf32, #tpu.memory_space<vmem_shared>>)
      tpu.yield
    }) : () -> ()
    %add3A_120 = arith.constant 256 : i32
    %add3A_121 = arith.addi %multiple_of3A, %add3A_120 : i32
    %run_scoped3A_122 = arith.constant 0 : i32
    "tpu.region"() ({
      %run_scoped3A_217 = tpu.sem_alloc : memref<!tpu.dma_semaphore, #tpu.memory_space<semaphore_mem>>
      %dma_start3A_218 = arith.constant 0 : i32
      %dma_start3A_219 = arith.constant 0 : i32
      %dma_start3A_220 = tpu.memref_slice %arg8[%run_scoped3A_122, %dma_start3A_218, %dma_start3A_219] : memref<2x128x128xf32, #tpu.memory_space<vmem>> -> memref<1x128x128xf32, #tpu.memory_space<vmem>>
      %dma_start3A_221 = tpu.memref_squeeze %dma_start3A_220 : memref<1x128x128xf32, #tpu.memory_space<vmem>> -> memref<128x128xf32, #tpu.memory_space<vmem>>
      %dma_start3A_222 = arith.constant 0 : i32
      %dma_start3A_223 = tpu.memref_slice %arg6[%add3A_121, %dma_start3A_222] : memref<10240x128xf32, #tpu.memory_space<vmem_shared>> -> memref<128x128xf32, #tpu.memory_space<vmem_shared>>
      %dma_start3A_224 = arith.constant 0 : i32
      %dma_start3A_225 = tpu.memref_slice %arg6[%add3A_121, %dma_start3A_224] : memref<10240x128xf32, #tpu.memory_space<vmem_shared>> -> memref<128x128xf32, #tpu.memory_space<vmem_shared>>
      %dma_start3A_226 = arith.constant 0 : i32
      %dma_start3A_227 = arith.constant 0 : i32
      %dma_start3A_228 = tpu.memref_slice %arg8[%run_scoped3A_122, %dma_start3A_226, %dma_start3A_227] : memref<2x128x128xf32, #tpu.memory_space<vmem>> -> memref<1x128x128xf32, #tpu.memory_space<vmem>>
      %dma_start3A_229 = tpu.memref_squeeze %dma_start3A_228 : memref<1x128x128xf32, #tpu.memory_space<vmem>> -> memref<128x128xf32, #tpu.memory_space<vmem>>
      tpu.enqueue_dma source(%dma_start3A_229 : memref<128x128xf32, #tpu.memory_space<vmem>>) target(%dma_start3A_225 : memref<128x128xf32, #tpu.memory_space<vmem_shared>>) target_semaphore(%run_scoped3A_217 : memref<!tpu.dma_semaphore, #tpu.memory_space<semaphore_mem>>)
      %dma_wait3A_230 = arith.constant 0 : i32
      %dma_wait3A_231 = arith.constant 0 : i32
      %dma_wait3A_232 = tpu.memref_slice %arg8[%run_scoped3A_122, %dma_wait3A_230, %dma_wait3A_231] : memref<2x128x128xf32, #tpu.memory_space<vmem>> -> memref<1x128x128xf32, #tpu.memory_space<vmem>>
      %dma_wait3A_233 = tpu.memref_squeeze %dma_wait3A_232 : memref<1x128x128xf32, #tpu.memory_space<vmem>> -> memref<128x128xf32, #tpu.memory_space<vmem>>
      %dma_wait3A_234 = arith.constant 0 : i32
      %dma_wait3A_235 = tpu.memref_slice %arg6[%add3A_121, %dma_wait3A_234] : memref<10240x128xf32, #tpu.memory_space<vmem_shared>> -> memref<128x128xf32, #tpu.memory_space<vmem_shared>>
      %dma_wait3A_236 = arith.constant 0 : i32
      %dma_wait3A_237 = tpu.memref_slice %arg6[%add3A_121, %dma_wait3A_236] : memref<10240x128xf32, #tpu.memory_space<vmem_shared>> -> memref<128x128xf32, #tpu.memory_space<vmem_shared>>
      %dma_wait3A_238 = arith.constant 0 : i32
      %dma_wait3A_239 = arith.constant 0 : i32
      %dma_wait3A_240 = tpu.memref_slice %arg8[%run_scoped3A_122, %dma_wait3A_238, %dma_wait3A_239] : memref<2x128x128xf32, #tpu.memory_space<vmem>> -> memref<1x128x128xf32, #tpu.memory_space<vmem>>
      %dma_wait3A_241 = tpu.memref_squeeze %dma_wait3A_240 : memref<1x128x128xf32, #tpu.memory_space<vmem>> -> memref<128x128xf32, #tpu.memory_space<vmem>>
      tpu.wait_dma2 semaphore(%run_scoped3A_217 : memref<!tpu.dma_semaphore, #tpu.memory_space<semaphore_mem>>) src(%dma_wait3A_241 : memref<128x128xf32, #tpu.memory_space<vmem>>) dst(%dma_wait3A_237 : memref<128x128xf32, #tpu.memory_space<vmem_shared>>)
      tpu.yield
    }) : () -> ()
    %add3A_123 = arith.constant 384 : i32
    %add3A_124 = arith.addi %multiple_of3A, %add3A_123 : i32
    %run_scoped3A_125 = arith.constant 0 : i32
    "tpu.region"() ({
      %run_scoped3A_217 = tpu.sem_alloc : memref<!tpu.dma_semaphore, #tpu.memory_space<semaphore_mem>>
      %dma_start3A_218 = arith.constant 0 : i32
      %dma_start3A_219 = arith.constant 0 : i32
      %dma_start3A_220 = tpu.memref_slice %arg8[%run_scoped3A_125, %dma_start3A_218, %dma_start3A_219] : memref<2x128x128xf32, #tpu.memory_space<vmem>> -> memref<1x128x128xf32, #tpu.memory_space<vmem>>
      %dma_start3A_221 = tpu.memref_squeeze %dma_start3A_220 : memref<1x128x128xf32, #tpu.memory_space<vmem>> -> memref<128x128xf32, #tpu.memory_space<vmem>>
      %dma_start3A_222 = arith.constant 0 : i32
      %dma_start3A_223 = tpu.memref_slice %arg6[%add3A_124, %dma_start3A_222] : memref<10240x128xf32, #tpu.memory_space<vmem_shared>> -> memref<128x128xf32, #tpu.memory_space<vmem_shared>>
      %dma_start3A_224 = arith.constant 0 : i32
      %dma_start3A_225 = tpu.memref_slice %arg6[%add3A_124, %dma_start3A_224] : memref<10240x128xf32, #tpu.memory_space<vmem_shared>> -> memref<128x128xf32, #tpu.memory_space<vmem_shared>>
      %dma_start3A_226 = arith.constant 0 : i32
      %dma_start3A_227 = arith.constant 0 : i32
      %dma_start3A_228 = tpu.memref_slice %arg8[%run_scoped3A_125, %dma_start3A_226, %dma_start3A_227] : memref<2x128x128xf32, #tpu.memory_space<vmem>> -> memref<1x128x128xf32, #tpu.memory_space<vmem>>
      %dma_start3A_229 = tpu.memref_squeeze %dma_start3A_228 : memref<1x128x128xf32, #tpu.memory_space<vmem>> -> memref<128x128xf32, #tpu.memory_space<vmem>>
      tpu.enqueue_dma source(%dma_start3A_229 : memref<128x128xf32, #tpu.memory_space<vmem>>) target(%dma_start3A_225 : memref<128x128xf32, #tpu.memory_space<vmem_shared>>) target_semaphore(%run_scoped3A_217 : memref<!tpu.dma_semaphore, #tpu.memory_space<semaphore_mem>>)
      %dma_wait3A_230 = arith.constant 0 : i32
      %dma_wait3A_231 = arith.constant 0 : i32
      %dma_wait3A_232 = tpu.memref_slice %arg8[%run_scoped3A_125, %dma_wait3A_230, %dma_wait3A_231] : memref<2x128x128xf32, #tpu.memory_space<vmem>> -> memref<1x128x128xf32, #tpu.memory_space<vmem>>
      %dma_wait3A_233 = tpu.memref_squeeze %dma_wait3A_232 : memref<1x128x128xf32, #tpu.memory_space<vmem>> -> memref<128x128xf32, #tpu.memory_space<vmem>>
      %dma_wait3A_234 = arith.constant 0 : i32
      %dma_wait3A_235 = tpu.memref_slice %arg6[%add3A_124, %dma_wait3A_234] : memref<10240x128xf32, #tpu.memory_space<vmem_shared>> -> memref<128x128xf32, #tpu.memory_space<vmem_shared>>
      %dma_wait3A_236 = arith.constant 0 : i32
      %dma_wait3A_237 = tpu.memref_slice %arg6[%add3A_124, %dma_wait3A_236] : memref<10240x128xf32, #tpu.memory_space<vmem_shared>> -> memref<128x128xf32, #tpu.memory_space<vmem_shared>>
      %dma_wait3A_238 = arith.constant 0 : i32
      %dma_wait3A_239 = arith.constant 0 : i32
      %dma_wait3A_240 = tpu.memref_slice %arg8[%run_scoped3A_125, %dma_wait3A_238, %dma_wait3A_239] : memref<2x128x128xf32, #tpu.memory_space<vmem>> -> memref<1x128x128xf32, #tpu.memory_space<vmem>>
      %dma_wait3A_241 = tpu.memref_squeeze %dma_wait3A_240 : memref<1x128x128xf32, #tpu.memory_space<vmem>> -> memref<128x128xf32, #tpu.memory_space<vmem>>
      tpu.wait_dma2 semaphore(%run_scoped3A_217 : memref<!tpu.dma_semaphore, #tpu.memory_space<semaphore_mem>>) src(%dma_wait3A_241 : memref<128x128xf32, #tpu.memory_space<vmem>>) dst(%dma_wait3A_237 : memref<128x128xf32, #tpu.memory_space<vmem_shared>>)
      tpu.yield
    }) : () -> ()
    %add3A_126 = arith.constant 512 : i32
    %add3A_127 = arith.addi %multiple_of3A, %add3A_126 : i32
    %run_scoped3A_128 = arith.constant 0 : i32
    "tpu.region"() ({
      %run_scoped3A_217 = tpu.sem_alloc : memref<!tpu.dma_semaphore, #tpu.memory_space<semaphore_mem>>
      %dma_start3A_218 = arith.constant 0 : i32
      %dma_start3A_219 = arith.constant 0 : i32
      %dma_start3A_220 = tpu.memref_slice %arg8[%run_scoped3A_128, %dma_start3A_218, %dma_start3A_219] : memref<2x128x128xf32, #tpu.memory_space<vmem>> -> memref<1x128x128xf32, #tpu.memory_space<vmem>>
      %dma_start3A_221 = tpu.memref_squeeze %dma_start3A_220 : memref<1x128x128xf32, #tpu.memory_space<vmem>> -> memref<128x128xf32, #tpu.memory_space<vmem>>
      %dma_start3A_222 = arith.constant 0 : i32
      %dma_start3A_223 = tpu.memref_slice %arg6[%add3A_127, %dma_start3A_222] : memref<10240x128xf32, #tpu.memory_space<vmem_shared>> -> memref<128x128xf32, #tpu.memory_space<vmem_shared>>
      %dma_start3A_224 = arith.constant 0 : i32
      %dma_start3A_225 = tpu.memref_slice %arg6[%add3A_127, %dma_start3A_224] : memref<10240x128xf32, #tpu.memory_space<vmem_shared>> -> memref<128x128xf32, #tpu.memory_space<vmem_shared>>
      %dma_start3A_226 = arith.constant 0 : i32
      %dma_start3A_227 = arith.constant 0 : i32
      %dma_start3A_228 = tpu.memref_slice %arg8[%run_scoped3A_128, %dma_start3A_226, %dma_start3A_227] : memref<2x128x128xf32, #tpu.memory_space<vmem>> -> memref<1x128x128xf32, #tpu.memory_space<vmem>>
      %dma_start3A_229 = tpu.memref_squeeze %dma_start3A_228 : memref<1x128x128xf32, #tpu.memory_space<vmem>> -> memref<128x128xf32, #tpu.memory_space<vmem>>
      tpu.enqueue_dma source(%dma_start3A_229 : memref<128x128xf32, #tpu.memory_space<vmem>>) target(%dma_start3A_225 : memref<128x128xf32, #tpu.memory_space<vmem_shared>>) target_semaphore(%run_scoped3A_217 : memref<!tpu.dma_semaphore, #tpu.memory_space<semaphore_mem>>)
      %dma_wait3A_230 = arith.constant 0 : i32
      %dma_wait3A_231 = arith.constant 0 : i32
      %dma_wait3A_232 = tpu.memref_slice %arg8[%run_scoped3A_128, %dma_wait3A_230, %dma_wait3A_231] : memref<2x128x128xf32, #tpu.memory_space<vmem>> -> memref<1x128x128xf32, #tpu.memory_space<vmem>>
      %dma_wait3A_233 = tpu.memref_squeeze %dma_wait3A_232 : memref<1x128x128xf32, #tpu.memory_space<vmem>> -> memref<128x128xf32, #tpu.memory_space<vmem>>
      %dma_wait3A_234 = arith.constant 0 : i32
      %dma_wait3A_235 = tpu.memref_slice %arg6[%add3A_127, %dma_wait3A_234] : memref<10240x128xf32, #tpu.memory_space<vmem_shared>> -> memref<128x128xf32, #tpu.memory_space<vmem_shared>>
      %dma_wait3A_236 = arith.constant 0 : i32
      %dma_wait3A_237 = tpu.memref_slice %arg6[%add3A_127, %dma_wait3A_236] : memref<10240x128xf32, #tpu.memory_space<vmem_shared>> -> memref<128x128xf32, #tpu.memory_space<vmem_shared>>
      %dma_wait3A_238 = arith.constant 0 : i32
      %dma_wait3A_239 = arith.constant 0 : i32
      %dma_wait3A_240 = tpu.memref_slice %arg8[%run_scoped3A_128, %dma_wait3A_238, %dma_wait3A_239] : memref<2x128x128xf32, #tpu.memory_space<vmem>> -> memref<1x128x128xf32, #tpu.memory_space<vmem>>
      %dma_wait3A_241 = tpu.memref_squeeze %dma_wait3A_240 : memref<1x128x128xf32, #tpu.memory_space<vmem>> -> memref<128x128xf32, #tpu.memory_space<vmem>>
      tpu.wait_dma2 semaphore(%run_scoped3A_217 : memref<!tpu.dma_semaphore, #tpu.memory_space<semaphore_mem>>) src(%dma_wait3A_241 : memref<128x128xf32, #tpu.memory_space<vmem>>) dst(%dma_wait3A_237 : memref<128x128xf32, #tpu.memory_space<vmem_shared>>)
      tpu.yield
    }) : () -> ()
    %barrier3A_129 = arith.constant 0 : index
    tpu.barrier barrier_id(%barrier3A_129)
    %add3A_130 = arith.constant 0 : i32
    %add3A_131 = arith.addi %multiple_of3A_3, %add3A_130 : i32
    %multiple_of3A_132 = tpu.assume_multiple %add3A_131, 128 : i32
    %dma_start3A_133 = arith.constant 0 : i32
    %dma_start3A_134 = arith.constant 0 : i32
    %dma_start3A_135 = arith.constant 0 : i32
    %dma_start3A_136 = arith.constant 0 : i32
    %dma_start3A_137 = tpu.memref_slice %arg8[%dma_start3A_133, %dma_start3A_135, %dma_start3A_136] : memref<2x128x128xf32, #tpu.memory_space<vmem>> -> memref<1x128x128xf32, #tpu.memory_space<vmem>>
    %dma_start3A_138 = tpu.memref_squeeze %dma_start3A_137 : memref<1x128x128xf32, #tpu.memory_space<vmem>> -> memref<128x128xf32, #tpu.memory_space<vmem>>
    %dma_start3A_139 = arith.constant 0 : i32
    %dma_start3A_140 = tpu.memref_slice %arg3[%multiple_of3A_132, %dma_start3A_139] : memref<81920x128xf32, #tpu.memory_space<hbm>> -> memref<128x128xf32, #tpu.memory_space<hbm>>
    %dma_start3A_141 = tpu.memref_slice %arg9[%dma_start3A_134] : memref<2x!tpu.dma_semaphore, #tpu.memory_space<semaphore_mem>> -> memref<1x!tpu.dma_semaphore, #tpu.memory_space<semaphore_mem>>
    %dma_start3A_142 = tpu.memref_squeeze %dma_start3A_141 : memref<1x!tpu.dma_semaphore, #tpu.memory_space<semaphore_mem>> -> memref<!tpu.dma_semaphore, #tpu.memory_space<semaphore_mem>>
    %dma_start3A_143 = arith.constant 0 : i32
    %dma_start3A_144 = arith.constant 0 : i32
    %dma_start3A_145 = tpu.memref_slice %arg8[%dma_start3A_133, %dma_start3A_143, %dma_start3A_144] : memref<2x128x128xf32, #tpu.memory_space<vmem>> -> memref<1x128x128xf32, #tpu.memory_space<vmem>>
    %dma_start3A_146 = tpu.memref_squeeze %dma_start3A_145 : memref<1x128x128xf32, #tpu.memory_space<vmem>> -> memref<128x128xf32, #tpu.memory_space<vmem>>
    %dma_start3A_147 = arith.constant 0 : i32
    %dma_start3A_148 = tpu.memref_slice %arg3[%multiple_of3A_132, %dma_start3A_147] : memref<81920x128xf32, #tpu.memory_space<hbm>> -> memref<128x128xf32, #tpu.memory_space<hbm>>
    tpu.enqueue_dma source(%dma_start3A_148 : memref<128x128xf32, #tpu.memory_space<hbm>>) target(%dma_start3A_146 : memref<128x128xf32, #tpu.memory_space<vmem>>) target_semaphore(%dma_start3A_142 : memref<!tpu.dma_semaphore, #tpu.memory_space<semaphore_mem>>)
    %scan3A_149 = arith.constant 0 : i32
    %scan3A_150 = arith.constant 0 : i32
    %scan3A_151 = arith.constant 40 : i32
    %scan3A_152 = arith.addi %scan3A_150, %scan3A_151 : i32
    %scan3A_153 = arith.constant 1 : i32
    scf.for %scan3A_217 = %scan3A_150 to %scan3A_152 step %scan3A_153  : i32 {
      %rem3A = arith.constant 2 : i32
      %rem3A_218 = arith.remsi %scan3A_217, %rem3A : i32
      %add3A_219 = arith.constant 1 : i32
      %add3A_220 = arith.addi %scan3A_217, %add3A_219 : i32
      %lt3A = arith.constant 40 : i32
      %lt3A_221 = arith.cmpi slt, %add3A_220, %lt3A : i32
      %convert_element_type3A = arith.extui %lt3A_221 : i1 to i32
      %cond3A = arith.constant 0 : i32
      %cond3A_222 = arith.cmpi ne, %convert_element_type3A, %cond3A : i32
      scf.if %cond3A_222 {
        %rem3A_253 = arith.constant 2 : i32
        %rem3A_254 = arith.remsi %add3A_220, %rem3A_253 : i32
        %ge3A = arith.constant 2 : i32
        %ge3A_255 = arith.cmpi sge, %add3A_220, %ge3A : i32
        %convert_element_type3A_256 = arith.extui %ge3A_255 : i1 to i32
        %cond3A_257 = arith.constant 0 : i32
        %cond3A_258 = arith.cmpi ne, %convert_element_type3A_256, %cond3A_257 : i32
        scf.if %cond3A_258 {
          %sub3A = arith.constant 2 : i32
          %sub3A_277 = arith.subi %add3A_220, %sub3A : i32
          %dma_wait3A_278 = arith.constant 0 : i32
          %dma_wait3A_279 = arith.constant 0 : i32
          %dma_wait3A_280 = tpu.memref_slice %arg8[%rem3A_254, %dma_wait3A_278, %dma_wait3A_279] : memref<2x128x128xf32, #tpu.memory_space<vmem>> -> memref<1x128x128xf32, #tpu.memory_space<vmem>>
          %dma_wait3A_281 = tpu.memref_squeeze %dma_wait3A_280 : memref<1x128x128xf32, #tpu.memory_space<vmem>> -> memref<128x128xf32, #tpu.memory_space<vmem>>
          %dma_wait3A_282 = arith.constant 0 : i32
          %dma_wait3A_283 = tpu.memref_slice %arg7[%sub3A_277, %dma_wait3A_282] : memref<40x128xi32, #tpu.memory_space<vmem>> -> memref<1x128xi32, #tpu.memory_space<vmem>>
          %dma_wait3A_284 = tpu.memref_squeeze %dma_wait3A_283 : memref<1x128xi32, #tpu.memory_space<vmem>> -> memref<128xi32, #tpu.memory_space<vmem>>
          %dma_wait3A_285 = arith.constant 0 : i32
          %dma_wait3A_286 = arith.constant 0 : i32
          %dma_wait3A_287 = tpu.memref_slice %arg6[%dma_wait3A_285, %dma_wait3A_286] : memref<10240x128xf32, #tpu.memory_space<vmem_shared>> -> memref<10240x128xf32, #tpu.memory_space<vmem_shared>>
          %dma_wait3A_288 = tpu.memref_slice %arg10[%rem3A_254] : memref<2x!tpu.dma_semaphore, #tpu.memory_space<semaphore_mem>> -> memref<1x!tpu.dma_semaphore, #tpu.memory_space<semaphore_mem>>
          %dma_wait3A_289 = tpu.memref_squeeze %dma_wait3A_288 : memref<1x!tpu.dma_semaphore, #tpu.memory_space<semaphore_mem>> -> memref<!tpu.dma_semaphore, #tpu.memory_space<semaphore_mem>>
          tpu.wait_indirect_dma semaphore(%dma_wait3A_289 : memref<!tpu.dma_semaphore, #tpu.memory_space<semaphore_mem>>) src(%dma_wait3A_281 : memref<128x128xf32, #tpu.memory_space<vmem>>) dst(%dma_wait3A_287 : memref<10240x128xf32, #tpu.memory_space<vmem_shared>>)
        } else {
        }
        %mul3A_259 = arith.constant 128 : i32
        %mul3A_260 = arith.muli %add3A_220, %mul3A_259 : i32
        %add3A_261 = arith.addi %multiple_of3A_3, %mul3A_260 : i32
        %multiple_of3A_262 = tpu.assume_multiple %add3A_261, 128 : i32
        %dma_start3A_263 = arith.constant 0 : i32
        %dma_start3A_264 = arith.constant 0 : i32
        %dma_start3A_265 = tpu.memref_slice %arg8[%rem3A_254, %dma_start3A_263, %dma_start3A_264] : memref<2x128x128xf32, #tpu.memory_space<vmem>> -> memref<1x128x128xf32, #tpu.memory_space<vmem>>
        %dma_start3A_266 = tpu.memref_squeeze %dma_start3A_265 : memref<1x128x128xf32, #tpu.memory_space<vmem>> -> memref<128x128xf32, #tpu.memory_space<vmem>>
        %dma_start3A_267 = arith.constant 0 : i32
        %dma_start3A_268 = tpu.memref_slice %arg3[%multiple_of3A_262, %dma_start3A_267] : memref<81920x128xf32, #tpu.memory_space<hbm>> -> memref<128x128xf32, #tpu.memory_space<hbm>>
        %dma_start3A_269 = tpu.memref_slice %arg9[%rem3A_254] : memref<2x!tpu.dma_semaphore, #tpu.memory_space<semaphore_mem>> -> memref<1x!tpu.dma_semaphore, #tpu.memory_space<semaphore_mem>>
        %dma_start3A_270 = tpu.memref_squeeze %dma_start3A_269 : memref<1x!tpu.dma_semaphore, #tpu.memory_space<semaphore_mem>> -> memref<!tpu.dma_semaphore, #tpu.memory_space<semaphore_mem>>
        %dma_start3A_271 = arith.constant 0 : i32
        %dma_start3A_272 = arith.constant 0 : i32
        %dma_start3A_273 = tpu.memref_slice %arg8[%rem3A_254, %dma_start3A_271, %dma_start3A_272] : memref<2x128x128xf32, #tpu.memory_space<vmem>> -> memref<1x128x128xf32, #tpu.memory_space<vmem>>
        %dma_start3A_274 = tpu.memref_squeeze %dma_start3A_273 : memref<1x128x128xf32, #tpu.memory_space<vmem>> -> memref<128x128xf32, #tpu.memory_space<vmem>>
        %dma_start3A_275 = arith.constant 0 : i32
        %dma_start3A_276 = tpu.memref_slice %arg3[%multiple_of3A_262, %dma_start3A_275] : memref<81920x128xf32, #tpu.memory_space<hbm>> -> memref<128x128xf32, #tpu.memory_space<hbm>>
        tpu.enqueue_dma source(%dma_start3A_276 : memref<128x128xf32, #tpu.memory_space<hbm>>) target(%dma_start3A_274 : memref<128x128xf32, #tpu.memory_space<vmem>>) target_semaphore(%dma_start3A_270 : memref<!tpu.dma_semaphore, #tpu.memory_space<semaphore_mem>>)
      } else {
      }
      %mul3A_223 = arith.constant 128 : i32
      %mul3A_224 = arith.muli %scan3A_217, %mul3A_223 : i32
      %add3A_225 = arith.addi %multiple_of3A_3, %mul3A_224 : i32
      %multiple_of3A_226 = tpu.assume_multiple %add3A_225, 128 : i32
      %dma_wait3A_227 = arith.constant 0 : i32
      %dma_wait3A_228 = arith.constant 0 : i32
      %dma_wait3A_229 = tpu.memref_slice %arg8[%rem3A_218, %dma_wait3A_227, %dma_wait3A_228] : memref<2x128x128xf32, #tpu.memory_space<vmem>> -> memref<1x128x128xf32, #tpu.memory_space<vmem>>
      %dma_wait3A_230 = tpu.memref_squeeze %dma_wait3A_229 : memref<1x128x128xf32, #tpu.memory_space<vmem>> -> memref<128x128xf32, #tpu.memory_space<vmem>>
      %dma_wait3A_231 = arith.constant 0 : i32
      %dma_wait3A_232 = tpu.memref_slice %arg3[%multiple_of3A_226, %dma_wait3A_231] : memref<81920x128xf32, #tpu.memory_space<hbm>> -> memref<128x128xf32, #tpu.memory_space<hbm>>
      %dma_wait3A_233 = tpu.memref_slice %arg9[%rem3A_218] : memref<2x!tpu.dma_semaphore, #tpu.memory_space<semaphore_mem>> -> memref<1x!tpu.dma_semaphore, #tpu.memory_space<semaphore_mem>>
      %dma_wait3A_234 = tpu.memref_squeeze %dma_wait3A_233 : memref<1x!tpu.dma_semaphore, #tpu.memory_space<semaphore_mem>> -> memref<!tpu.dma_semaphore, #tpu.memory_space<semaphore_mem>>
      %dma_wait3A_235 = arith.constant 0 : i32
      %dma_wait3A_236 = arith.constant 0 : i32
      %dma_wait3A_237 = tpu.memref_slice %arg8[%rem3A_218, %dma_wait3A_235, %dma_wait3A_236] : memref<2x128x128xf32, #tpu.memory_space<vmem>> -> memref<1x128x128xf32, #tpu.memory_space<vmem>>
      %dma_wait3A_238 = tpu.memref_squeeze %dma_wait3A_237 : memref<1x128x128xf32, #tpu.memory_space<vmem>> -> memref<128x128xf32, #tpu.memory_space<vmem>>
      %dma_wait3A_239 = arith.constant 0 : i32
      %dma_wait3A_240 = tpu.memref_slice %arg3[%multiple_of3A_226, %dma_wait3A_239] : memref<81920x128xf32, #tpu.memory_space<hbm>> -> memref<128x128xf32, #tpu.memory_space<hbm>>
      tpu.wait_dma2 semaphore(%dma_wait3A_234 : memref<!tpu.dma_semaphore, #tpu.memory_space<semaphore_mem>>) src(%dma_wait3A_240 : memref<128x128xf32, #tpu.memory_space<hbm>>) dst(%dma_wait3A_238 : memref<128x128xf32, #tpu.memory_space<vmem>>)
      %dma_start3A_241 = arith.constant 0 : i32
      %dma_start3A_242 = arith.constant 0 : i32
      %dma_start3A_243 = tpu.memref_slice %arg8[%rem3A_218, %dma_start3A_241, %dma_start3A_242] : memref<2x128x128xf32, #tpu.memory_space<vmem>> -> memref<1x128x128xf32, #tpu.memory_space<vmem>>
      %dma_start3A_244 = tpu.memref_squeeze %dma_start3A_243 : memref<1x128x128xf32, #tpu.memory_space<vmem>> -> memref<128x128xf32, #tpu.memory_space<vmem>>
      %dma_start3A_245 = arith.constant 0 : i32
      %dma_start3A_246 = tpu.memref_slice %arg7[%scan3A_217, %dma_start3A_245] : memref<40x128xi32, #tpu.memory_space<vmem>> -> memref<1x128xi32, #tpu.memory_space<vmem>>
      %dma_start3A_247 = tpu.memref_squeeze %dma_start3A_246 : memref<1x128xi32, #tpu.memory_space<vmem>> -> memref<128xi32, #tpu.memory_space<vmem>>
      %dma_start3A_248 = arith.constant 0 : i32
      %dma_start3A_249 = arith.constant 0 : i32
      %dma_start3A_250 = tpu.memref_slice %arg6[%dma_start3A_248, %dma_start3A_249] : memref<10240x128xf32, #tpu.memory_space<vmem_shared>> -> memref<10240x128xf32, #tpu.memory_space<vmem_shared>>
      %dma_start3A_251 = tpu.memref_slice %arg10[%rem3A_218] : memref<2x!tpu.dma_semaphore, #tpu.memory_space<semaphore_mem>> -> memref<1x!tpu.dma_semaphore, #tpu.memory_space<semaphore_mem>>
      %dma_start3A_252 = tpu.memref_squeeze %dma_start3A_251 : memref<1x!tpu.dma_semaphore, #tpu.memory_space<semaphore_mem>> -> memref<!tpu.dma_semaphore, #tpu.memory_space<semaphore_mem>>
      tpu.enqueue_indirect_dma source(%dma_start3A_244 : memref<128x128xf32, #tpu.memory_space<vmem>>) target(%dma_start3A_250 : memref<10240x128xf32, #tpu.memory_space<vmem_shared>>) offsets(%dma_start3A_247 : memref<128xi32, #tpu.memory_space<vmem>>) semaphore(%dma_start3A_252 : memref<!tpu.dma_semaphore, #tpu.memory_space<semaphore_mem>>) {add = true}
    }
    %scan3A_154 = arith.constant 40 : i32
    %dma_wait3A_155 = arith.constant 0 : i32
    %dma_wait3A_156 = arith.constant 38 : i32
    %dma_wait3A_157 = arith.constant 0 : i32
    %dma_wait3A_158 = arith.constant 0 : i32
    %dma_wait3A_159 = arith.constant 0 : i32
    %dma_wait3A_160 = tpu.memref_slice %arg8[%dma_wait3A_155, %dma_wait3A_158, %dma_wait3A_159] : memref<2x128x128xf32, #tpu.memory_space<vmem>> -> memref<1x128x128xf32, #tpu.memory_space<vmem>>
    %dma_wait3A_161 = tpu.memref_squeeze %dma_wait3A_160 : memref<1x128x128xf32, #tpu.memory_space<vmem>> -> memref<128x128xf32, #tpu.memory_space<vmem>>
    %dma_wait3A_162 = arith.constant 0 : i32
    %dma_wait3A_163 = tpu.memref_slice %arg7[%dma_wait3A_156, %dma_wait3A_162] : memref<40x128xi32, #tpu.memory_space<vmem>> -> memref<1x128xi32, #tpu.memory_space<vmem>>
    %dma_wait3A_164 = tpu.memref_squeeze %dma_wait3A_163 : memref<1x128xi32, #tpu.memory_space<vmem>> -> memref<128xi32, #tpu.memory_space<vmem>>
    %dma_wait3A_165 = arith.constant 0 : i32
    %dma_wait3A_166 = arith.constant 0 : i32
    %dma_wait3A_167 = tpu.memref_slice %arg6[%dma_wait3A_165, %dma_wait3A_166] : memref<10240x128xf32, #tpu.memory_space<vmem_shared>> -> memref<10240x128xf32, #tpu.memory_space<vmem_shared>>
    %dma_wait3A_168 = tpu.memref_slice %arg10[%dma_wait3A_157] : memref<2x!tpu.dma_semaphore, #tpu.memory_space<semaphore_mem>> -> memref<1x!tpu.dma_semaphore, #tpu.memory_space<semaphore_mem>>
    %dma_wait3A_169 = tpu.memref_squeeze %dma_wait3A_168 : memref<1x!tpu.dma_semaphore, #tpu.memory_space<semaphore_mem>> -> memref<!tpu.dma_semaphore, #tpu.memory_space<semaphore_mem>>
    tpu.wait_indirect_dma semaphore(%dma_wait3A_169 : memref<!tpu.dma_semaphore, #tpu.memory_space<semaphore_mem>>) src(%dma_wait3A_161 : memref<128x128xf32, #tpu.memory_space<vmem>>) dst(%dma_wait3A_167 : memref<10240x128xf32, #tpu.memory_space<vmem_shared>>)
    %dma_wait3A_170 = arith.constant 1 : i32
    %dma_wait3A_171 = arith.constant 39 : i32
    %dma_wait3A_172 = arith.constant 1 : i32
    %dma_wait3A_173 = arith.constant 0 : i32
    %dma_wait3A_174 = arith.constant 0 : i32
    %dma_wait3A_175 = tpu.memref_slice %arg8[%dma_wait3A_170, %dma_wait3A_173, %dma_wait3A_174] : memref<2x128x128xf32, #tpu.memory_space<vmem>> -> memref<1x128x128xf32, #tpu.memory_space<vmem>>
    %dma_wait3A_176 = tpu.memref_squeeze %dma_wait3A_175 : memref<1x128x128xf32, #tpu.memory_space<vmem>> -> memref<128x128xf32, #tpu.memory_space<vmem>>
    %dma_wait3A_177 = arith.constant 0 : i32
    %dma_wait3A_178 = tpu.memref_slice %arg7[%dma_wait3A_171, %dma_wait3A_177] : memref<40x128xi32, #tpu.memory_space<vmem>> -> memref<1x128xi32, #tpu.memory_space<vmem>>
    %dma_wait3A_179 = tpu.memref_squeeze %dma_wait3A_178 : memref<1x128xi32, #tpu.memory_space<vmem>> -> memref<128xi32, #tpu.memory_space<vmem>>
    %dma_wait3A_180 = arith.constant 0 : i32
    %dma_wait3A_181 = arith.constant 0 : i32
    %dma_wait3A_182 = tpu.memref_slice %arg6[%dma_wait3A_180, %dma_wait3A_181] : memref<10240x128xf32, #tpu.memory_space<vmem_shared>> -> memref<10240x128xf32, #tpu.memory_space<vmem_shared>>
    %dma_wait3A_183 = tpu.memref_slice %arg10[%dma_wait3A_172] : memref<2x!tpu.dma_semaphore, #tpu.memory_space<semaphore_mem>> -> memref<1x!tpu.dma_semaphore, #tpu.memory_space<semaphore_mem>>
    %dma_wait3A_184 = tpu.memref_squeeze %dma_wait3A_183 : memref<1x!tpu.dma_semaphore, #tpu.memory_space<semaphore_mem>> -> memref<!tpu.dma_semaphore, #tpu.memory_space<semaphore_mem>>
    tpu.wait_indirect_dma semaphore(%dma_wait3A_184 : memref<!tpu.dma_semaphore, #tpu.memory_space<semaphore_mem>>) src(%dma_wait3A_176 : memref<128x128xf32, #tpu.memory_space<vmem>>) dst(%dma_wait3A_182 : memref<10240x128xf32, #tpu.memory_space<vmem_shared>>)
    %barrier3A_185 = arith.constant 0 : index
    tpu.barrier barrier_id(%barrier3A_185)
    %add3A_186 = arith.constant 0 : i32
    %add3A_187 = arith.addi %multiple_of3A, %add3A_186 : i32
    %multiple_of3A_188 = tpu.assume_multiple %add3A_187, 128 : i32
    %run_scoped3A_189 = arith.constant 0 : i32
    "tpu.region"() ({
      %run_scoped3A_217 = tpu.sem_alloc : memref<!tpu.dma_semaphore, #tpu.memory_space<semaphore_mem>>
      %dma_start3A_218 = arith.constant 0 : i32
      %dma_start3A_219 = arith.constant 0 : i32
      %dma_start3A_220 = tpu.memref_slice %arg8[%run_scoped3A_189, %dma_start3A_218, %dma_start3A_219] : memref<2x128x128xf32, #tpu.memory_space<vmem>> -> memref<1x128x128xf32, #tpu.memory_space<vmem>>
      %dma_start3A_221 = tpu.memref_squeeze %dma_start3A_220 : memref<1x128x128xf32, #tpu.memory_space<vmem>> -> memref<128x128xf32, #tpu.memory_space<vmem>>
      %dma_start3A_222 = arith.constant 0 : i32
      %dma_start3A_223 = tpu.memref_slice %arg6[%multiple_of3A_188, %dma_start3A_222] : memref<10240x128xf32, #tpu.memory_space<vmem_shared>> -> memref<128x128xf32, #tpu.memory_space<vmem_shared>>
      %dma_start3A_224 = arith.constant 0 : i32
      %dma_start3A_225 = arith.constant 0 : i32
      %dma_start3A_226 = tpu.memref_slice %arg8[%run_scoped3A_189, %dma_start3A_224, %dma_start3A_225] : memref<2x128x128xf32, #tpu.memory_space<vmem>> -> memref<1x128x128xf32, #tpu.memory_space<vmem>>
      %dma_start3A_227 = tpu.memref_squeeze %dma_start3A_226 : memref<1x128x128xf32, #tpu.memory_space<vmem>> -> memref<128x128xf32, #tpu.memory_space<vmem>>
      %dma_start3A_228 = arith.constant 0 : i32
      %dma_start3A_229 = tpu.memref_slice %arg6[%multiple_of3A_188, %dma_start3A_228] : memref<10240x128xf32, #tpu.memory_space<vmem_shared>> -> memref<128x128xf32, #tpu.memory_space<vmem_shared>>
      tpu.enqueue_dma source(%dma_start3A_229 : memref<128x128xf32, #tpu.memory_space<vmem_shared>>) target(%dma_start3A_227 : memref<128x128xf32, #tpu.memory_space<vmem>>) target_semaphore(%run_scoped3A_217 : memref<!tpu.dma_semaphore, #tpu.memory_space<semaphore_mem>>)
      %dma_wait3A_230 = arith.constant 0 : i32
      %dma_wait3A_231 = arith.constant 0 : i32
      %dma_wait3A_232 = tpu.memref_slice %arg8[%run_scoped3A_189, %dma_wait3A_230, %dma_wait3A_231] : memref<2x128x128xf32, #tpu.memory_space<vmem>> -> memref<1x128x128xf32, #tpu.memory_space<vmem>>
      %dma_wait3A_233 = tpu.memref_squeeze %dma_wait3A_232 : memref<1x128x128xf32, #tpu.memory_space<vmem>> -> memref<128x128xf32, #tpu.memory_space<vmem>>
      %dma_wait3A_234 = arith.constant 0 : i32
      %dma_wait3A_235 = tpu.memref_slice %arg6[%multiple_of3A_188, %dma_wait3A_234] : memref<10240x128xf32, #tpu.memory_space<vmem_shared>> -> memref<128x128xf32, #tpu.memory_space<vmem_shared>>
      %dma_wait3A_236 = arith.constant 0 : i32
      %dma_wait3A_237 = arith.constant 0 : i32
      %dma_wait3A_238 = tpu.memref_slice %arg8[%run_scoped3A_189, %dma_wait3A_236, %dma_wait3A_237] : memref<2x128x128xf32, #tpu.memory_space<vmem>> -> memref<1x128x128xf32, #tpu.memory_space<vmem>>
      %dma_wait3A_239 = tpu.memref_squeeze %dma_wait3A_238 : memref<1x128x128xf32, #tpu.memory_space<vmem>> -> memref<128x128xf32, #tpu.memory_space<vmem>>
      %dma_wait3A_240 = arith.constant 0 : i32
      %dma_wait3A_241 = tpu.memref_slice %arg6[%multiple_of3A_188, %dma_wait3A_240] : memref<10240x128xf32, #tpu.memory_space<vmem_shared>> -> memref<128x128xf32, #tpu.memory_space<vmem_shared>>
      tpu.wait_dma2 semaphore(%run_scoped3A_217 : memref<!tpu.dma_semaphore, #tpu.memory_space<semaphore_mem>>) src(%dma_wait3A_241 : memref<128x128xf32, #tpu.memory_space<vmem_shared>>) dst(%dma_wait3A_239 : memref<128x128xf32, #tpu.memory_space<vmem>>)
      tpu.yield
    }) : () -> ()
    %run_scoped3A_190 = arith.constant 0 : i32
    %run_scoped3A_191 = arith.constant 1 : i32
    "tpu.region"() ({
      %run_scoped3A_217 = tpu.sem_alloc : memref<!tpu.dma_semaphore, #tpu.memory_space<semaphore_mem>>
      %dma_start3A_218 = arith.constant 0 : i32
      %dma_start3A_219 = arith.constant 0 : i32
      %dma_start3A_220 = tpu.memref_slice %arg8[%run_scoped3A_190, %dma_start3A_218, %dma_start3A_219] : memref<2x128x128xf32, #tpu.memory_space<vmem>> -> memref<1x128x128xf32, #tpu.memory_space<vmem>>
      %dma_start3A_221 = tpu.memref_squeeze %dma_start3A_220 : memref<1x128x128xf32, #tpu.memory_space<vmem>> -> memref<128x128xf32, #tpu.memory_space<vmem>>
      %dma_start3A_222 = arith.constant 0 : i32
      %dma_start3A_223 = tpu.memref_slice %arg5[%arg0, %multiple_of3A_188, %run_scoped3A_191, %dma_start3A_222] : memref<2x10240x2x128xf32, #tpu.memory_space<hbm>> -> memref<1x128x1x128xf32, #tpu.memory_space<hbm>>
      %dma_start3A_224 = tpu.memref_squeeze %dma_start3A_223 : memref<1x128x1x128xf32, #tpu.memory_space<hbm>> -> memref<128x128xf32, #tpu.memory_space<hbm>>
      %dma_start3A_225 = arith.constant 0 : i32
      %dma_start3A_226 = tpu.memref_slice %arg5[%arg0, %multiple_of3A_188, %run_scoped3A_191, %dma_start3A_225] : memref<2x10240x2x128xf32, #tpu.memory_space<hbm>> -> memref<1x128x1x128xf32, #tpu.memory_space<hbm>>
      %dma_start3A_227 = tpu.memref_squeeze %dma_start3A_226 : memref<1x128x1x128xf32, #tpu.memory_space<hbm>> -> memref<128x128xf32, #tpu.memory_space<hbm>>
      %dma_start3A_228 = arith.constant 0 : i32
      %dma_start3A_229 = arith.constant 0 : i32
      %dma_start3A_230 = tpu.memref_slice %arg8[%run_scoped3A_190, %dma_start3A_228, %dma_start3A_229] : memref<2x128x128xf32, #tpu.memory_space<vmem>> -> memref<1x128x128xf32, #tpu.memory_space<vmem>>
      %dma_start3A_231 = tpu.memref_squeeze %dma_start3A_230 : memref<1x128x128xf32, #tpu.memory_space<vmem>> -> memref<128x128xf32, #tpu.memory_space<vmem>>
      tpu.enqueue_dma source(%dma_start3A_231 : memref<128x128xf32, #tpu.memory_space<vmem>>) target(%dma_start3A_227 : memref<128x128xf32, #tpu.memory_space<hbm>>) target_semaphore(%run_scoped3A_217 : memref<!tpu.dma_semaphore, #tpu.memory_space<semaphore_mem>>)
      %dma_wait3A_232 = arith.constant 0 : i32
      %dma_wait3A_233 = arith.constant 0 : i32
      %dma_wait3A_234 = tpu.memref_slice %arg8[%run_scoped3A_190, %dma_wait3A_232, %dma_wait3A_233] : memref<2x128x128xf32, #tpu.memory_space<vmem>> -> memref<1x128x128xf32, #tpu.memory_space<vmem>>
      %dma_wait3A_235 = tpu.memref_squeeze %dma_wait3A_234 : memref<1x128x128xf32, #tpu.memory_space<vmem>> -> memref<128x128xf32, #tpu.memory_space<vmem>>
      %dma_wait3A_236 = arith.constant 0 : i32
      %dma_wait3A_237 = tpu.memref_slice %arg5[%arg0, %multiple_of3A_188, %run_scoped3A_191, %dma_wait3A_236] : memref<2x10240x2x128xf32, #tpu.memory_space<hbm>> -> memref<1x128x1x128xf32, #tpu.memory_space<hbm>>
      %dma_wait3A_238 = tpu.memref_squeeze %dma_wait3A_237 : memref<1x128x1x128xf32, #tpu.memory_space<hbm>> -> memref<128x128xf32, #tpu.memory_space<hbm>>
      %dma_wait3A_239 = arith.constant 0 : i32
      %dma_wait3A_240 = tpu.memref_slice %arg5[%arg0, %multiple_of3A_188, %run_scoped3A_191, %dma_wait3A_239] : memref<2x10240x2x128xf32, #tpu.memory_space<hbm>> -> memref<1x128x1x128xf32, #tpu.memory_space<hbm>>
      %dma_wait3A_241 = tpu.memref_squeeze %dma_wait3A_240 : memref<1x128x1x128xf32, #tpu.memory_space<hbm>> -> memref<128x128xf32, #tpu.memory_space<hbm>>
      %dma_wait3A_242 = arith.constant 0 : i32
      %dma_wait3A_243 = arith.constant 0 : i32
      %dma_wait3A_244 = tpu.memref_slice %arg8[%run_scoped3A_190, %dma_wait3A_242, %dma_wait3A_243] : memref<2x128x128xf32, #tpu.memory_space<vmem>> -> memref<1x128x128xf32, #tpu.memory_space<vmem>>
      %dma_wait3A_245 = tpu.memref_squeeze %dma_wait3A_244 : memref<1x128x128xf32, #tpu.memory_space<vmem>> -> memref<128x128xf32, #tpu.memory_space<vmem>>
      tpu.wait_dma2 semaphore(%run_scoped3A_217 : memref<!tpu.dma_semaphore, #tpu.memory_space<semaphore_mem>>) src(%dma_wait3A_245 : memref<128x128xf32, #tpu.memory_space<vmem>>) dst(%dma_wait3A_241 : memref<128x128xf32, #tpu.memory_space<hbm>>)
      tpu.yield
    }) : () -> ()
    %add3A_192 = arith.constant 128 : i32
    %add3A_193 = arith.addi %multiple_of3A, %add3A_192 : i32
    %multiple_of3A_194 = tpu.assume_multiple %add3A_193, 128 : i32
    %run_scoped3A_195 = arith.constant 0 : i32
    "tpu.region"() ({
      %run_scoped3A_217 = tpu.sem_alloc : memref<!tpu.dma_semaphore, #tpu.memory_space<semaphore_mem>>
      %dma_start3A_218 = arith.constant 0 : i32
      %dma_start3A_219 = arith.constant 0 : i32
      %dma_start3A_220 = tpu.memref_slice %arg8[%run_scoped3A_195, %dma_start3A_218, %dma_start3A_219] : memref<2x128x128xf32, #tpu.memory_space<vmem>> -> memref<1x128x128xf32, #tpu.memory_space<vmem>>
      %dma_start3A_221 = tpu.memref_squeeze %dma_start3A_220 : memref<1x128x128xf32, #tpu.memory_space<vmem>> -> memref<128x128xf32, #tpu.memory_space<vmem>>
      %dma_start3A_222 = arith.constant 0 : i32
      %dma_start3A_223 = tpu.memref_slice %arg6[%multiple_of3A_194, %dma_start3A_222] : memref<10240x128xf32, #tpu.memory_space<vmem_shared>> -> memref<128x128xf32, #tpu.memory_space<vmem_shared>>
      %dma_start3A_224 = arith.constant 0 : i32
      %dma_start3A_225 = arith.constant 0 : i32
      %dma_start3A_226 = tpu.memref_slice %arg8[%run_scoped3A_195, %dma_start3A_224, %dma_start3A_225] : memref<2x128x128xf32, #tpu.memory_space<vmem>> -> memref<1x128x128xf32, #tpu.memory_space<vmem>>
      %dma_start3A_227 = tpu.memref_squeeze %dma_start3A_226 : memref<1x128x128xf32, #tpu.memory_space<vmem>> -> memref<128x128xf32, #tpu.memory_space<vmem>>
      %dma_start3A_228 = arith.constant 0 : i32
      %dma_start3A_229 = tpu.memref_slice %arg6[%multiple_of3A_194, %dma_start3A_228] : memref<10240x128xf32, #tpu.memory_space<vmem_shared>> -> memref<128x128xf32, #tpu.memory_space<vmem_shared>>
      tpu.enqueue_dma source(%dma_start3A_229 : memref<128x128xf32, #tpu.memory_space<vmem_shared>>) target(%dma_start3A_227 : memref<128x128xf32, #tpu.memory_space<vmem>>) target_semaphore(%run_scoped3A_217 : memref<!tpu.dma_semaphore, #tpu.memory_space<semaphore_mem>>)
      %dma_wait3A_230 = arith.constant 0 : i32
      %dma_wait3A_231 = arith.constant 0 : i32
      %dma_wait3A_232 = tpu.memref_slice %arg8[%run_scoped3A_195, %dma_wait3A_230, %dma_wait3A_231] : memref<2x128x128xf32, #tpu.memory_space<vmem>> -> memref<1x128x128xf32, #tpu.memory_space<vmem>>
      %dma_wait3A_233 = tpu.memref_squeeze %dma_wait3A_232 : memref<1x128x128xf32, #tpu.memory_space<vmem>> -> memref<128x128xf32, #tpu.memory_space<vmem>>
      %dma_wait3A_234 = arith.constant 0 : i32
      %dma_wait3A_235 = tpu.memref_slice %arg6[%multiple_of3A_194, %dma_wait3A_234] : memref<10240x128xf32, #tpu.memory_space<vmem_shared>> -> memref<128x128xf32, #tpu.memory_space<vmem_shared>>
      %dma_wait3A_236 = arith.constant 0 : i32
      %dma_wait3A_237 = arith.constant 0 : i32
      %dma_wait3A_238 = tpu.memref_slice %arg8[%run_scoped3A_195, %dma_wait3A_236, %dma_wait3A_237] : memref<2x128x128xf32, #tpu.memory_space<vmem>> -> memref<1x128x128xf32, #tpu.memory_space<vmem>>
      %dma_wait3A_239 = tpu.memref_squeeze %dma_wait3A_238 : memref<1x128x128xf32, #tpu.memory_space<vmem>> -> memref<128x128xf32, #tpu.memory_space<vmem>>
      %dma_wait3A_240 = arith.constant 0 : i32
      %dma_wait3A_241 = tpu.memref_slice %arg6[%multiple_of3A_194, %dma_wait3A_240] : memref<10240x128xf32, #tpu.memory_space<vmem_shared>> -> memref<128x128xf32, #tpu.memory_space<vmem_shared>>
      tpu.wait_dma2 semaphore(%run_scoped3A_217 : memref<!tpu.dma_semaphore, #tpu.memory_space<semaphore_mem>>) src(%dma_wait3A_241 : memref<128x128xf32, #tpu.memory_space<vmem_shared>>) dst(%dma_wait3A_239 : memref<128x128xf32, #tpu.memory_space<vmem>>)
      tpu.yield
    }) : () -> ()
    %run_scoped3A_196 = arith.constant 0 : i32
    %run_scoped3A_197 = arith.constant 1 : i32
    "tpu.region"() ({
      %run_scoped3A_217 = tpu.sem_alloc : memref<!tpu.dma_semaphore, #tpu.memory_space<semaphore_mem>>
      %dma_start3A_218 = arith.constant 0 : i32
      %dma_start3A_219 = arith.constant 0 : i32
      %dma_start3A_220 = tpu.memref_slice %arg8[%run_scoped3A_196, %dma_start3A_218, %dma_start3A_219] : memref<2x128x128xf32, #tpu.memory_space<vmem>> -> memref<1x128x128xf32, #tpu.memory_space<vmem>>
      %dma_start3A_221 = tpu.memref_squeeze %dma_start3A_220 : memref<1x128x128xf32, #tpu.memory_space<vmem>> -> memref<128x128xf32, #tpu.memory_space<vmem>>
      %dma_start3A_222 = arith.constant 0 : i32
      %dma_start3A_223 = tpu.memref_slice %arg5[%arg0, %multiple_of3A_194, %run_scoped3A_197, %dma_start3A_222] : memref<2x10240x2x128xf32, #tpu.memory_space<hbm>> -> memref<1x128x1x128xf32, #tpu.memory_space<hbm>>
      %dma_start3A_224 = tpu.memref_squeeze %dma_start3A_223 : memref<1x128x1x128xf32, #tpu.memory_space<hbm>> -> memref<128x128xf32, #tpu.memory_space<hbm>>
      %dma_start3A_225 = arith.constant 0 : i32
      %dma_start3A_226 = tpu.memref_slice %arg5[%arg0, %multiple_of3A_194, %run_scoped3A_197, %dma_start3A_225] : memref<2x10240x2x128xf32, #tpu.memory_space<hbm>> -> memref<1x128x1x128xf32, #tpu.memory_space<hbm>>
      %dma_start3A_227 = tpu.memref_squeeze %dma_start3A_226 : memref<1x128x1x128xf32, #tpu.memory_space<hbm>> -> memref<128x128xf32, #tpu.memory_space<hbm>>
      %dma_start3A_228 = arith.constant 0 : i32
      %dma_start3A_229 = arith.constant 0 : i32
      %dma_start3A_230 = tpu.memref_slice %arg8[%run_scoped3A_196, %dma_start3A_228, %dma_start3A_229] : memref<2x128x128xf32, #tpu.memory_space<vmem>> -> memref<1x128x128xf32, #tpu.memory_space<vmem>>
      %dma_start3A_231 = tpu.memref_squeeze %dma_start3A_230 : memref<1x128x128xf32, #tpu.memory_space<vmem>> -> memref<128x128xf32, #tpu.memory_space<vmem>>
      tpu.enqueue_dma source(%dma_start3A_231 : memref<128x128xf32, #tpu.memory_space<vmem>>) target(%dma_start3A_227 : memref<128x128xf32, #tpu.memory_space<hbm>>) target_semaphore(%run_scoped3A_217 : memref<!tpu.dma_semaphore, #tpu.memory_space<semaphore_mem>>)
      %dma_wait3A_232 = arith.constant 0 : i32
      %dma_wait3A_233 = arith.constant 0 : i32
      %dma_wait3A_234 = tpu.memref_slice %arg8[%run_scoped3A_196, %dma_wait3A_232, %dma_wait3A_233] : memref<2x128x128xf32, #tpu.memory_space<vmem>> -> memref<1x128x128xf32, #tpu.memory_space<vmem>>
      %dma_wait3A_235 = tpu.memref_squeeze %dma_wait3A_234 : memref<1x128x128xf32, #tpu.memory_space<vmem>> -> memref<128x128xf32, #tpu.memory_space<vmem>>
      %dma_wait3A_236 = arith.constant 0 : i32
      %dma_wait3A_237 = tpu.memref_slice %arg5[%arg0, %multiple_of3A_194, %run_scoped3A_197, %dma_wait3A_236] : memref<2x10240x2x128xf32, #tpu.memory_space<hbm>> -> memref<1x128x1x128xf32, #tpu.memory_space<hbm>>
      %dma_wait3A_238 = tpu.memref_squeeze %dma_wait3A_237 : memref<1x128x1x128xf32, #tpu.memory_space<hbm>> -> memref<128x128xf32, #tpu.memory_space<hbm>>
      %dma_wait3A_239 = arith.constant 0 : i32
      %dma_wait3A_240 = tpu.memref_slice %arg5[%arg0, %multiple_of3A_194, %run_scoped3A_197, %dma_wait3A_239] : memref<2x10240x2x128xf32, #tpu.memory_space<hbm>> -> memref<1x128x1x128xf32, #tpu.memory_space<hbm>>
      %dma_wait3A_241 = tpu.memref_squeeze %dma_wait3A_240 : memref<1x128x1x128xf32, #tpu.memory_space<hbm>> -> memref<128x128xf32, #tpu.memory_space<hbm>>
      %dma_wait3A_242 = arith.constant 0 : i32
      %dma_wait3A_243 = arith.constant 0 : i32
      %dma_wait3A_244 = tpu.memref_slice %arg8[%run_scoped3A_196, %dma_wait3A_242, %dma_wait3A_243] : memref<2x128x128xf32, #tpu.memory_space<vmem>> -> memref<1x128x128xf32, #tpu.memory_space<vmem>>
      %dma_wait3A_245 = tpu.memref_squeeze %dma_wait3A_244 : memref<1x128x128xf32, #tpu.memory_space<vmem>> -> memref<128x128xf32, #tpu.memory_space<vmem>>
      tpu.wait_dma2 semaphore(%run_scoped3A_217 : memref<!tpu.dma_semaphore, #tpu.memory_space<semaphore_mem>>) src(%dma_wait3A_245 : memref<128x128xf32, #tpu.memory_space<vmem>>) dst(%dma_wait3A_241 : memref<128x128xf32, #tpu.memory_space<hbm>>)
      tpu.yield
    }) : () -> ()
    %add3A_198 = arith.constant 256 : i32
    %add3A_199 = arith.addi %multiple_of3A, %add3A_198 : i32
    %multiple_of3A_200 = tpu.assume_multiple %add3A_199, 128 : i32
    %run_scoped3A_201 = arith.constant 0 : i32
    "tpu.region"() ({
      %run_scoped3A_217 = tpu.sem_alloc : memref<!tpu.dma_semaphore, #tpu.memory_space<semaphore_mem>>
      %dma_start3A_218 = arith.constant 0 : i32
      %dma_start3A_219 = arith.constant 0 : i32
      %dma_start3A_220 = tpu.memref_slice %arg8[%run_scoped3A_201, %dma_start3A_218, %dma_start3A_219] : memref<2x128x128xf32, #tpu.memory_space<vmem>> -> memref<1x128x128xf32, #tpu.memory_space<vmem>>
      %dma_start3A_221 = tpu.memref_squeeze %dma_start3A_220 : memref<1x128x128xf32, #tpu.memory_space<vmem>> -> memref<128x128xf32, #tpu.memory_space<vmem>>
      %dma_start3A_222 = arith.constant 0 : i32
      %dma_start3A_223 = tpu.memref_slice %arg6[%multiple_of3A_200, %dma_start3A_222] : memref<10240x128xf32, #tpu.memory_space<vmem_shared>> -> memref<128x128xf32, #tpu.memory_space<vmem_shared>>
      %dma_start3A_224 = arith.constant 0 : i32
      %dma_start3A_225 = arith.constant 0 : i32
      %dma_start3A_226 = tpu.memref_slice %arg8[%run_scoped3A_201, %dma_start3A_224, %dma_start3A_225] : memref<2x128x128xf32, #tpu.memory_space<vmem>> -> memref<1x128x128xf32, #tpu.memory_space<vmem>>
      %dma_start3A_227 = tpu.memref_squeeze %dma_start3A_226 : memref<1x128x128xf32, #tpu.memory_space<vmem>> -> memref<128x128xf32, #tpu.memory_space<vmem>>
      %dma_start3A_228 = arith.constant 0 : i32
      %dma_start3A_229 = tpu.memref_slice %arg6[%multiple_of3A_200, %dma_start3A_228] : memref<10240x128xf32, #tpu.memory_space<vmem_shared>> -> memref<128x128xf32, #tpu.memory_space<vmem_shared>>
      tpu.enqueue_dma source(%dma_start3A_229 : memref<128x128xf32, #tpu.memory_space<vmem_shared>>) target(%dma_start3A_227 : memref<128x128xf32, #tpu.memory_space<vmem>>) target_semaphore(%run_scoped3A_217 : memref<!tpu.dma_semaphore, #tpu.memory_space<semaphore_mem>>)
      %dma_wait3A_230 = arith.constant 0 : i32
      %dma_wait3A_231 = arith.constant 0 : i32
      %dma_wait3A_232 = tpu.memref_slice %arg8[%run_scoped3A_201, %dma_wait3A_230, %dma_wait3A_231] : memref<2x128x128xf32, #tpu.memory_space<vmem>> -> memref<1x128x128xf32, #tpu.memory_space<vmem>>
      %dma_wait3A_233 = tpu.memref_squeeze %dma_wait3A_232 : memref<1x128x128xf32, #tpu.memory_space<vmem>> -> memref<128x128xf32, #tpu.memory_space<vmem>>
      %dma_wait3A_234 = arith.constant 0 : i32
      %dma_wait3A_235 = tpu.memref_slice %arg6[%multiple_of3A_200, %dma_wait3A_234] : memref<10240x128xf32, #tpu.memory_space<vmem_shared>> -> memref<128x128xf32, #tpu.memory_space<vmem_shared>>
      %dma_wait3A_236 = arith.constant 0 : i32
      %dma_wait3A_237 = arith.constant 0 : i32
      %dma_wait3A_238 = tpu.memref_slice %arg8[%run_scoped3A_201, %dma_wait3A_236, %dma_wait3A_237] : memref<2x128x128xf32, #tpu.memory_space<vmem>> -> memref<1x128x128xf32, #tpu.memory_space<vmem>>
      %dma_wait3A_239 = tpu.memref_squeeze %dma_wait3A_238 : memref<1x128x128xf32, #tpu.memory_space<vmem>> -> memref<128x128xf32, #tpu.memory_space<vmem>>
      %dma_wait3A_240 = arith.constant 0 : i32
      %dma_wait3A_241 = tpu.memref_slice %arg6[%multiple_of3A_200, %dma_wait3A_240] : memref<10240x128xf32, #tpu.memory_space<vmem_shared>> -> memref<128x128xf32, #tpu.memory_space<vmem_shared>>
      tpu.wait_dma2 semaphore(%run_scoped3A_217 : memref<!tpu.dma_semaphore, #tpu.memory_space<semaphore_mem>>) src(%dma_wait3A_241 : memref<128x128xf32, #tpu.memory_space<vmem_shared>>) dst(%dma_wait3A_239 : memref<128x128xf32, #tpu.memory_space<vmem>>)
      tpu.yield
    }) : () -> ()
    %run_scoped3A_202 = arith.constant 0 : i32
    %run_scoped3A_203 = arith.constant 1 : i32
    "tpu.region"() ({
      %run_scoped3A_217 = tpu.sem_alloc : memref<!tpu.dma_semaphore, #tpu.memory_space<semaphore_mem>>
      %dma_start3A_218 = arith.constant 0 : i32
      %dma_start3A_219 = arith.constant 0 : i32
      %dma_start3A_220 = tpu.memref_slice %arg8[%run_scoped3A_202, %dma_start3A_218, %dma_start3A_219] : memref<2x128x128xf32, #tpu.memory_space<vmem>> -> memref<1x128x128xf32, #tpu.memory_space<vmem>>
      %dma_start3A_221 = tpu.memref_squeeze %dma_start3A_220 : memref<1x128x128xf32, #tpu.memory_space<vmem>> -> memref<128x128xf32, #tpu.memory_space<vmem>>
      %dma_start3A_222 = arith.constant 0 : i32
      %dma_start3A_223 = tpu.memref_slice %arg5[%arg0, %multiple_of3A_200, %run_scoped3A_203, %dma_start3A_222] : memref<2x10240x2x128xf32, #tpu.memory_space<hbm>> -> memref<1x128x1x128xf32, #tpu.memory_space<hbm>>
      %dma_start3A_224 = tpu.memref_squeeze %dma_start3A_223 : memref<1x128x1x128xf32, #tpu.memory_space<hbm>> -> memref<128x128xf32, #tpu.memory_space<hbm>>
      %dma_start3A_225 = arith.constant 0 : i32
      %dma_start3A_226 = tpu.memref_slice %arg5[%arg0, %multiple_of3A_200, %run_scoped3A_203, %dma_start3A_225] : memref<2x10240x2x128xf32, #tpu.memory_space<hbm>> -> memref<1x128x1x128xf32, #tpu.memory_space<hbm>>
      %dma_start3A_227 = tpu.memref_squeeze %dma_start3A_226 : memref<1x128x1x128xf32, #tpu.memory_space<hbm>> -> memref<128x128xf32, #tpu.memory_space<hbm>>
      %dma_start3A_228 = arith.constant 0 : i32
      %dma_start3A_229 = arith.constant 0 : i32
      %dma_start3A_230 = tpu.memref_slice %arg8[%run_scoped3A_202, %dma_start3A_228, %dma_start3A_229] : memref<2x128x128xf32, #tpu.memory_space<vmem>> -> memref<1x128x128xf32, #tpu.memory_space<vmem>>
      %dma_start3A_231 = tpu.memref_squeeze %dma_start3A_230 : memref<1x128x128xf32, #tpu.memory_space<vmem>> -> memref<128x128xf32, #tpu.memory_space<vmem>>
      tpu.enqueue_dma source(%dma_start3A_231 : memref<128x128xf32, #tpu.memory_space<vmem>>) target(%dma_start3A_227 : memref<128x128xf32, #tpu.memory_space<hbm>>) target_semaphore(%run_scoped3A_217 : memref<!tpu.dma_semaphore, #tpu.memory_space<semaphore_mem>>)
      %dma_wait3A_232 = arith.constant 0 : i32
      %dma_wait3A_233 = arith.constant 0 : i32
      %dma_wait3A_234 = tpu.memref_slice %arg8[%run_scoped3A_202, %dma_wait3A_232, %dma_wait3A_233] : memref<2x128x128xf32, #tpu.memory_space<vmem>> -> memref<1x128x128xf32, #tpu.memory_space<vmem>>
      %dma_wait3A_235 = tpu.memref_squeeze %dma_wait3A_234 : memref<1x128x128xf32, #tpu.memory_space<vmem>> -> memref<128x128xf32, #tpu.memory_space<vmem>>
      %dma_wait3A_236 = arith.constant 0 : i32
      %dma_wait3A_237 = tpu.memref_slice %arg5[%arg0, %multiple_of3A_200, %run_scoped3A_203, %dma_wait3A_236] : memref<2x10240x2x128xf32, #tpu.memory_space<hbm>> -> memref<1x128x1x128xf32, #tpu.memory_space<hbm>>
      %dma_wait3A_238 = tpu.memref_squeeze %dma_wait3A_237 : memref<1x128x1x128xf32, #tpu.memory_space<hbm>> -> memref<128x128xf32, #tpu.memory_space<hbm>>
      %dma_wait3A_239 = arith.constant 0 : i32
      %dma_wait3A_240 = tpu.memref_slice %arg5[%arg0, %multiple_of3A_200, %run_scoped3A_203, %dma_wait3A_239] : memref<2x10240x2x128xf32, #tpu.memory_space<hbm>> -> memref<1x128x1x128xf32, #tpu.memory_space<hbm>>
      %dma_wait3A_241 = tpu.memref_squeeze %dma_wait3A_240 : memref<1x128x1x128xf32, #tpu.memory_space<hbm>> -> memref<128x128xf32, #tpu.memory_space<hbm>>
      %dma_wait3A_242 = arith.constant 0 : i32
      %dma_wait3A_243 = arith.constant 0 : i32
      %dma_wait3A_244 = tpu.memref_slice %arg8[%run_scoped3A_202, %dma_wait3A_242, %dma_wait3A_243] : memref<2x128x128xf32, #tpu.memory_space<vmem>> -> memref<1x128x128xf32, #tpu.memory_space<vmem>>
      %dma_wait3A_245 = tpu.memref_squeeze %dma_wait3A_244 : memref<1x128x128xf32, #tpu.memory_space<vmem>> -> memref<128x128xf32, #tpu.memory_space<vmem>>
      tpu.wait_dma2 semaphore(%run_scoped3A_217 : memref<!tpu.dma_semaphore, #tpu.memory_space<semaphore_mem>>) src(%dma_wait3A_245 : memref<128x128xf32, #tpu.memory_space<vmem>>) dst(%dma_wait3A_241 : memref<128x128xf32, #tpu.memory_space<hbm>>)
      tpu.yield
    }) : () -> ()
    %add3A_204 = arith.constant 384 : i32
    %add3A_205 = arith.addi %multiple_of3A, %add3A_204 : i32
    %multiple_of3A_206 = tpu.assume_multiple %add3A_205, 128 : i32
    %run_scoped3A_207 = arith.constant 0 : i32
    "tpu.region"() ({
      %run_scoped3A_217 = tpu.sem_alloc : memref<!tpu.dma_semaphore, #tpu.memory_space<semaphore_mem>>
      %dma_start3A_218 = arith.constant 0 : i32
      %dma_start3A_219 = arith.constant 0 : i32
      %dma_start3A_220 = tpu.memref_slice %arg8[%run_scoped3A_207, %dma_start3A_218, %dma_start3A_219] : memref<2x128x128xf32, #tpu.memory_space<vmem>> -> memref<1x128x128xf32, #tpu.memory_space<vmem>>
      %dma_start3A_221 = tpu.memref_squeeze %dma_start3A_220 : memref<1x128x128xf32, #tpu.memory_space<vmem>> -> memref<128x128xf32, #tpu.memory_space<vmem>>
      %dma_start3A_222 = arith.constant 0 : i32
      %dma_start3A_223 = tpu.memref_slice %arg6[%multiple_of3A_206, %dma_start3A_222] : memref<10240x128xf32, #tpu.memory_space<vmem_shared>> -> memref<128x128xf32, #tpu.memory_space<vmem_shared>>
      %dma_start3A_224 = arith.constant 0 : i32
      %dma_start3A_225 = arith.constant 0 : i32
      %dma_start3A_226 = tpu.memref_slice %arg8[%run_scoped3A_207, %dma_start3A_224, %dma_start3A_225] : memref<2x128x128xf32, #tpu.memory_space<vmem>> -> memref<1x128x128xf32, #tpu.memory_space<vmem>>
      %dma_start3A_227 = tpu.memref_squeeze %dma_start3A_226 : memref<1x128x128xf32, #tpu.memory_space<vmem>> -> memref<128x128xf32, #tpu.memory_space<vmem>>
      %dma_start3A_228 = arith.constant 0 : i32
      %dma_start3A_229 = tpu.memref_slice %arg6[%multiple_of3A_206, %dma_start3A_228] : memref<10240x128xf32, #tpu.memory_space<vmem_shared>> -> memref<128x128xf32, #tpu.memory_space<vmem_shared>>
      tpu.enqueue_dma source(%dma_start3A_229 : memref<128x128xf32, #tpu.memory_space<vmem_shared>>) target(%dma_start3A_227 : memref<128x128xf32, #tpu.memory_space<vmem>>) target_semaphore(%run_scoped3A_217 : memref<!tpu.dma_semaphore, #tpu.memory_space<semaphore_mem>>)
      %dma_wait3A_230 = arith.constant 0 : i32
      %dma_wait3A_231 = arith.constant 0 : i32
      %dma_wait3A_232 = tpu.memref_slice %arg8[%run_scoped3A_207, %dma_wait3A_230, %dma_wait3A_231] : memref<2x128x128xf32, #tpu.memory_space<vmem>> -> memref<1x128x128xf32, #tpu.memory_space<vmem>>
      %dma_wait3A_233 = tpu.memref_squeeze %dma_wait3A_232 : memref<1x128x128xf32, #tpu.memory_space<vmem>> -> memref<128x128xf32, #tpu.memory_space<vmem>>
      %dma_wait3A_234 = arith.constant 0 : i32
      %dma_wait3A_235 = tpu.memref_slice %arg6[%multiple_of3A_206, %dma_wait3A_234] : memref<10240x128xf32, #tpu.memory_space<vmem_shared>> -> memref<128x128xf32, #tpu.memory_space<vmem_shared>>
      %dma_wait3A_236 = arith.constant 0 : i32
      %dma_wait3A_237 = arith.constant 0 : i32
      %dma_wait3A_238 = tpu.memref_slice %arg8[%run_scoped3A_207, %dma_wait3A_236, %dma_wait3A_237] : memref<2x128x128xf32, #tpu.memory_space<vmem>> -> memref<1x128x128xf32, #tpu.memory_space<vmem>>
      %dma_wait3A_239 = tpu.memref_squeeze %dma_wait3A_238 : memref<1x128x128xf32, #tpu.memory_space<vmem>> -> memref<128x128xf32, #tpu.memory_space<vmem>>
      %dma_wait3A_240 = arith.constant 0 : i32
      %dma_wait3A_241 = tpu.memref_slice %arg6[%multiple_of3A_206, %dma_wait3A_240] : memref<10240x128xf32, #tpu.memory_space<vmem_shared>> -> memref<128x128xf32, #tpu.memory_space<vmem_shared>>
      tpu.wait_dma2 semaphore(%run_scoped3A_217 : memref<!tpu.dma_semaphore, #tpu.memory_space<semaphore_mem>>) src(%dma_wait3A_241 : memref<128x128xf32, #tpu.memory_space<vmem_shared>>) dst(%dma_wait3A_239 : memref<128x128xf32, #tpu.memory_space<vmem>>)
      tpu.yield
    }) : () -> ()
    %run_scoped3A_208 = arith.constant 0 : i32
    %run_scoped3A_209 = arith.constant 1 : i32
    "tpu.region"() ({
      %run_scoped3A_217 = tpu.sem_alloc : memref<!tpu.dma_semaphore, #tpu.memory_space<semaphore_mem>>
      %dma_start3A_218 = arith.constant 0 : i32
      %dma_start3A_219 = arith.constant 0 : i32
      %dma_start3A_220 = tpu.memref_slice %arg8[%run_scoped3A_208, %dma_start3A_218, %dma_start3A_219] : memref<2x128x128xf32, #tpu.memory_space<vmem>> -> memref<1x128x128xf32, #tpu.memory_space<vmem>>
      %dma_start3A_221 = tpu.memref_squeeze %dma_start3A_220 : memref<1x128x128xf32, #tpu.memory_space<vmem>> -> memref<128x128xf32, #tpu.memory_space<vmem>>
      %dma_start3A_222 = arith.constant 0 : i32
      %dma_start3A_223 = tpu.memref_slice %arg5[%arg0, %multiple_of3A_206, %run_scoped3A_209, %dma_start3A_222] : memref<2x10240x2x128xf32, #tpu.memory_space<hbm>> -> memref<1x128x1x128xf32, #tpu.memory_space<hbm>>
      %dma_start3A_224 = tpu.memref_squeeze %dma_start3A_223 : memref<1x128x1x128xf32, #tpu.memory_space<hbm>> -> memref<128x128xf32, #tpu.memory_space<hbm>>
      %dma_start3A_225 = arith.constant 0 : i32
      %dma_start3A_226 = tpu.memref_slice %arg5[%arg0, %multiple_of3A_206, %run_scoped3A_209, %dma_start3A_225] : memref<2x10240x2x128xf32, #tpu.memory_space<hbm>> -> memref<1x128x1x128xf32, #tpu.memory_space<hbm>>
      %dma_start3A_227 = tpu.memref_squeeze %dma_start3A_226 : memref<1x128x1x128xf32, #tpu.memory_space<hbm>> -> memref<128x128xf32, #tpu.memory_space<hbm>>
      %dma_start3A_228 = arith.constant 0 : i32
      %dma_start3A_229 = arith.constant 0 : i32
      %dma_start3A_230 = tpu.memref_slice %arg8[%run_scoped3A_208, %dma_start3A_228, %dma_start3A_229] : memref<2x128x128xf32, #tpu.memory_space<vmem>> -> memref<1x128x128xf32, #tpu.memory_space<vmem>>
      %dma_start3A_231 = tpu.memref_squeeze %dma_start3A_230 : memref<1x128x128xf32, #tpu.memory_space<vmem>> -> memref<128x128xf32, #tpu.memory_space<vmem>>
      tpu.enqueue_dma source(%dma_start3A_231 : memref<128x128xf32, #tpu.memory_space<vmem>>) target(%dma_start3A_227 : memref<128x128xf32, #tpu.memory_space<hbm>>) target_semaphore(%run_scoped3A_217 : memref<!tpu.dma_semaphore, #tpu.memory_space<semaphore_mem>>)
      %dma_wait3A_232 = arith.constant 0 : i32
      %dma_wait3A_233 = arith.constant 0 : i32
      %dma_wait3A_234 = tpu.memref_slice %arg8[%run_scoped3A_208, %dma_wait3A_232, %dma_wait3A_233] : memref<2x128x128xf32, #tpu.memory_space<vmem>> -> memref<1x128x128xf32, #tpu.memory_space<vmem>>
      %dma_wait3A_235 = tpu.memref_squeeze %dma_wait3A_234 : memref<1x128x128xf32, #tpu.memory_space<vmem>> -> memref<128x128xf32, #tpu.memory_space<vmem>>
      %dma_wait3A_236 = arith.constant 0 : i32
      %dma_wait3A_237 = tpu.memref_slice %arg5[%arg0, %multiple_of3A_206, %run_scoped3A_209, %dma_wait3A_236] : memref<2x10240x2x128xf32, #tpu.memory_space<hbm>> -> memref<1x128x1x128xf32, #tpu.memory_space<hbm>>
      %dma_wait3A_238 = tpu.memref_squeeze %dma_wait3A_237 : memref<1x128x1x128xf32, #tpu.memory_space<hbm>> -> memref<128x128xf32, #tpu.memory_space<hbm>>
      %dma_wait3A_239 = arith.constant 0 : i32
      %dma_wait3A_240 = tpu.memref_slice %arg5[%arg0, %multiple_of3A_206, %run_scoped3A_209, %dma_wait3A_239] : memref<2x10240x2x128xf32, #tpu.memory_space<hbm>> -> memref<1x128x1x128xf32, #tpu.memory_space<hbm>>
      %dma_wait3A_241 = tpu.memref_squeeze %dma_wait3A_240 : memref<1x128x1x128xf32, #tpu.memory_space<hbm>> -> memref<128x128xf32, #tpu.memory_space<hbm>>
      %dma_wait3A_242 = arith.constant 0 : i32
      %dma_wait3A_243 = arith.constant 0 : i32
      %dma_wait3A_244 = tpu.memref_slice %arg8[%run_scoped3A_208, %dma_wait3A_242, %dma_wait3A_243] : memref<2x128x128xf32, #tpu.memory_space<vmem>> -> memref<1x128x128xf32, #tpu.memory_space<vmem>>
      %dma_wait3A_245 = tpu.memref_squeeze %dma_wait3A_244 : memref<1x128x128xf32, #tpu.memory_space<vmem>> -> memref<128x128xf32, #tpu.memory_space<vmem>>
      tpu.wait_dma2 semaphore(%run_scoped3A_217 : memref<!tpu.dma_semaphore, #tpu.memory_space<semaphore_mem>>) src(%dma_wait3A_245 : memref<128x128xf32, #tpu.memory_space<vmem>>) dst(%dma_wait3A_241 : memref<128x128xf32, #tpu.memory_space<hbm>>)
      tpu.yield
    }) : () -> ()
    %add3A_210 = arith.constant 512 : i32
    %add3A_211 = arith.addi %multiple_of3A, %add3A_210 : i32
    %multiple_of3A_212 = tpu.assume_multiple %add3A_211, 128 : i32
    %run_scoped3A_213 = arith.constant 0 : i32
    "tpu.region"() ({
      %run_scoped3A_217 = tpu.sem_alloc : memref<!tpu.dma_semaphore, #tpu.memory_space<semaphore_mem>>
      %dma_start3A_218 = arith.constant 0 : i32
      %dma_start3A_219 = arith.constant 0 : i32
      %dma_start3A_220 = tpu.memref_slice %arg8[%run_scoped3A_213, %dma_start3A_218, %dma_start3A_219] : memref<2x128x128xf32, #tpu.memory_space<vmem>> -> memref<1x128x128xf32, #tpu.memory_space<vmem>>
      %dma_start3A_221 = tpu.memref_squeeze %dma_start3A_220 : memref<1x128x128xf32, #tpu.memory_space<vmem>> -> memref<128x128xf32, #tpu.memory_space<vmem>>
      %dma_start3A_222 = arith.constant 0 : i32
      %dma_start3A_223 = tpu.memref_slice %arg6[%multiple_of3A_212, %dma_start3A_222] : memref<10240x128xf32, #tpu.memory_space<vmem_shared>> -> memref<128x128xf32, #tpu.memory_space<vmem_shared>>
      %dma_start3A_224 = arith.constant 0 : i32
      %dma_start3A_225 = arith.constant 0 : i32
      %dma_start3A_226 = tpu.memref_slice %arg8[%run_scoped3A_213, %dma_start3A_224, %dma_start3A_225] : memref<2x128x128xf32, #tpu.memory_space<vmem>> -> memref<1x128x128xf32, #tpu.memory_space<vmem>>
      %dma_start3A_227 = tpu.memref_squeeze %dma_start3A_226 : memref<1x128x128xf32, #tpu.memory_space<vmem>> -> memref<128x128xf32, #tpu.memory_space<vmem>>
      %dma_start3A_228 = arith.constant 0 : i32
      %dma_start3A_229 = tpu.memref_slice %arg6[%multiple_of3A_212, %dma_start3A_228] : memref<10240x128xf32, #tpu.memory_space<vmem_shared>> -> memref<128x128xf32, #tpu.memory_space<vmem_shared>>
      tpu.enqueue_dma source(%dma_start3A_229 : memref<128x128xf32, #tpu.memory_space<vmem_shared>>) target(%dma_start3A_227 : memref<128x128xf32, #tpu.memory_space<vmem>>) target_semaphore(%run_scoped3A_217 : memref<!tpu.dma_semaphore, #tpu.memory_space<semaphore_mem>>)
      %dma_wait3A_230 = arith.constant 0 : i32
      %dma_wait3A_231 = arith.constant 0 : i32
      %dma_wait3A_232 = tpu.memref_slice %arg8[%run_scoped3A_213, %dma_wait3A_230, %dma_wait3A_231] : memref<2x128x128xf32, #tpu.memory_space<vmem>> -> memref<1x128x128xf32, #tpu.memory_space<vmem>>
      %dma_wait3A_233 = tpu.memref_squeeze %dma_wait3A_232 : memref<1x128x128xf32, #tpu.memory_space<vmem>> -> memref<128x128xf32, #tpu.memory_space<vmem>>
      %dma_wait3A_234 = arith.constant 0 : i32
      %dma_wait3A_235 = tpu.memref_slice %arg6[%multiple_of3A_212, %dma_wait3A_234] : memref<10240x128xf32, #tpu.memory_space<vmem_shared>> -> memref<128x128xf32, #tpu.memory_space<vmem_shared>>
      %dma_wait3A_236 = arith.constant 0 : i32
      %dma_wait3A_237 = arith.constant 0 : i32
      %dma_wait3A_238 = tpu.memref_slice %arg8[%run_scoped3A_213, %dma_wait3A_236, %dma_wait3A_237] : memref<2x128x128xf32, #tpu.memory_space<vmem>> -> memref<1x128x128xf32, #tpu.memory_space<vmem>>
      %dma_wait3A_239 = tpu.memref_squeeze %dma_wait3A_238 : memref<1x128x128xf32, #tpu.memory_space<vmem>> -> memref<128x128xf32, #tpu.memory_space<vmem>>
      %dma_wait3A_240 = arith.constant 0 : i32
      %dma_wait3A_241 = tpu.memref_slice %arg6[%multiple_of3A_212, %dma_wait3A_240] : memref<10240x128xf32, #tpu.memory_space<vmem_shared>> -> memref<128x128xf32, #tpu.memory_space<vmem_shared>>
      tpu.wait_dma2 semaphore(%run_scoped3A_217 : memref<!tpu.dma_semaphore, #tpu.memory_space<semaphore_mem>>) src(%dma_wait3A_241 : memref<128x128xf32, #tpu.memory_space<vmem_shared>>) dst(%dma_wait3A_239 : memref<128x128xf32, #tpu.memory_space<vmem>>)
      tpu.yield
    }) : () -> ()
    %run_scoped3A_214 = arith.constant 0 : i32
    %run_scoped3A_215 = arith.constant 1 : i32
    "tpu.region"() ({
      %run_scoped3A_217 = tpu.sem_alloc : memref<!tpu.dma_semaphore, #tpu.memory_space<semaphore_mem>>
      %dma_start3A_218 = arith.constant 0 : i32
      %dma_start3A_219 = arith.constant 0 : i32
      %dma_start3A_220 = tpu.memref_slice %arg8[%run_scoped3A_214, %dma_start3A_218, %dma_start3A_219] : memref<2x128x128xf32, #tpu.memory_space<vmem>> -> memref<1x128x128xf32, #tpu.memory_space<vmem>>
      %dma_start3A_221 = tpu.memref_squeeze %dma_start3A_220 : memref<1x128x128xf32, #tpu.memory_space<vmem>> -> memref<128x128xf32, #tpu.memory_space<vmem>>
      %dma_start3A_222 = arith.constant 0 : i32
      %dma_start3A_223 = tpu.memref_slice %arg5[%arg0, %multiple_of3A_212, %run_scoped3A_215, %dma_start3A_222] : memref<2x10240x2x128xf32, #tpu.memory_space<hbm>> -> memref<1x128x1x128xf32, #tpu.memory_space<hbm>>
      %dma_start3A_224 = tpu.memref_squeeze %dma_start3A_223 : memref<1x128x1x128xf32, #tpu.memory_space<hbm>> -> memref<128x128xf32, #tpu.memory_space<hbm>>
      %dma_start3A_225 = arith.constant 0 : i32
      %dma_start3A_226 = tpu.memref_slice %arg5[%arg0, %multiple_of3A_212, %run_scoped3A_215, %dma_start3A_225] : memref<2x10240x2x128xf32, #tpu.memory_space<hbm>> -> memref<1x128x1x128xf32, #tpu.memory_space<hbm>>
      %dma_start3A_227 = tpu.memref_squeeze %dma_start3A_226 : memref<1x128x1x128xf32, #tpu.memory_space<hbm>> -> memref<128x128xf32, #tpu.memory_space<hbm>>
      %dma_start3A_228 = arith.constant 0 : i32
      %dma_start3A_229 = arith.constant 0 : i32
      %dma_start3A_230 = tpu.memref_slice %arg8[%run_scoped3A_214, %dma_start3A_228, %dma_start3A_229] : memref<2x128x128xf32, #tpu.memory_space<vmem>> -> memref<1x128x128xf32, #tpu.memory_space<vmem>>
      %dma_start3A_231 = tpu.memref_squeeze %dma_start3A_230 : memref<1x128x128xf32, #tpu.memory_space<vmem>> -> memref<128x128xf32, #tpu.memory_space<vmem>>
      tpu.enqueue_dma source(%dma_start3A_231 : memref<128x128xf32, #tpu.memory_space<vmem>>) target(%dma_start3A_227 : memref<128x128xf32, #tpu.memory_space<hbm>>) target_semaphore(%run_scoped3A_217 : memref<!tpu.dma_semaphore, #tpu.memory_space<semaphore_mem>>)
      %dma_wait3A_232 = arith.constant 0 : i32
      %dma_wait3A_233 = arith.constant 0 : i32
      %dma_wait3A_234 = tpu.memref_slice %arg8[%run_scoped3A_214, %dma_wait3A_232, %dma_wait3A_233] : memref<2x128x128xf32, #tpu.memory_space<vmem>> -> memref<1x128x128xf32, #tpu.memory_space<vmem>>
      %dma_wait3A_235 = tpu.memref_squeeze %dma_wait3A_234 : memref<1x128x128xf32, #tpu.memory_space<vmem>> -> memref<128x128xf32, #tpu.memory_space<vmem>>
      %dma_wait3A_236 = arith.constant 0 : i32
      %dma_wait3A_237 = tpu.memref_slice %arg5[%arg0, %multiple_of3A_212, %run_scoped3A_215, %dma_wait3A_236] : memref<2x10240x2x128xf32, #tpu.memory_space<hbm>> -> memref<1x128x1x128xf32, #tpu.memory_space<hbm>>
      %dma_wait3A_238 = tpu.memref_squeeze %dma_wait3A_237 : memref<1x128x1x128xf32, #tpu.memory_space<hbm>> -> memref<128x128xf32, #tpu.memory_space<hbm>>
      %dma_wait3A_239 = arith.constant 0 : i32
      %dma_wait3A_240 = tpu.memref_slice %arg5[%arg0, %multiple_of3A_212, %run_scoped3A_215, %dma_wait3A_239] : memref<2x10240x2x128xf32, #tpu.memory_space<hbm>> -> memref<1x128x1x128xf32, #tpu.memory_space<hbm>>
      %dma_wait3A_241 = tpu.memref_squeeze %dma_wait3A_240 : memref<1x128x1x128xf32, #tpu.memory_space<hbm>> -> memref<128x128xf32, #tpu.memory_space<hbm>>
      %dma_wait3A_242 = arith.constant 0 : i32
      %dma_wait3A_243 = arith.constant 0 : i32
      %dma_wait3A_244 = tpu.memref_slice %arg8[%run_scoped3A_214, %dma_wait3A_242, %dma_wait3A_243] : memref<2x128x128xf32, #tpu.memory_space<vmem>> -> memref<1x128x128xf32, #tpu.memory_space<vmem>>
      %dma_wait3A_245 = tpu.memref_squeeze %dma_wait3A_244 : memref<1x128x128xf32, #tpu.memory_space<vmem>> -> memref<128x128xf32, #tpu.memory_space<vmem>>
      tpu.wait_dma2 semaphore(%run_scoped3A_217 : memref<!tpu.dma_semaphore, #tpu.memory_space<semaphore_mem>>) src(%dma_wait3A_245 : memref<128x128xf32, #tpu.memory_space<vmem>>) dst(%dma_wait3A_241 : memref<128x128xf32, #tpu.memory_space<hbm>>)
      tpu.yield
    }) : () -> ()
    %barrier3A_216 = arith.constant 0 : index
    tpu.barrier barrier_id(%barrier3A_216)
    return
  }
}

#map = affine_map<(d0, d1) -> (0, 0)>
#map1 = affine_map<(d0, d1) -> (0)>
module attributes {stable_mosaic.version = 14 : i64} {
  func.func @_sc_gather(%arg0: i32, %arg1: i32, %arg2: memref<10000x256xf32, #tpu.memory_space<hbm>>, %arg3: memref<81920xi32, #tpu.memory_space<hbm>>, %arg4: memref<81920x256xf32, #tpu.memory_space<hbm>>, %arg5: memref<5120xi32, #tpu.memory_space<vmem>>, %arg6: memref<3x128x256xf32, #tpu.memory_space<vmem>>, %arg7: memref<3x!tpu.dma_semaphore, #tpu.memory_space<semaphore_mem>>, %arg8: memref<3x!tpu.dma_semaphore, #tpu.memory_space<semaphore_mem>>) attributes {dimension_semantics = [#tpu.dimension_semantics<core_parallel>, #tpu.dimension_semantics<subcore_parallel>], iteration_bounds = array<i64: 2, 16>, scalar_prefetch = 0 : i64, scratch_operands = 4 : i64, tpu.core_type = #tpu.core_type<sc_vector_subcore>, window_params = [{transform_indices = #map}, {transform_indices = #map1}, {transform_indices = #map}]} {
    %mul3A = arith.constant 5120 : i32
    %mul3A_0 = arith.muli %arg1, %mul3A : i32
    %multiple_of3A = tpu.assume_multiple %mul3A_0, 128 : i32
    %mul3A_1 = arith.constant 3584 : i32
    %mul3A_2 = arith.muli %arg0, %mul3A_1 : i32
    %multiple_of3A_3 = tpu.assume_multiple %mul3A_2, 128 : i32
    %add3A = arith.addi %multiple_of3A, %multiple_of3A_3 : i32
    %multiple_of3A_4 = tpu.assume_multiple %add3A, 128 : i32
    %eq3A = arith.constant 0 : i32
    %eq3A_5 = arith.cmpi eq, %arg0, %eq3A : i32
    %jit3A = arith.constant 28 : i32
    %jit3A_6 = arith.constant 12 : i32
    %select_n3A = arith.select %eq3A_5, %jit3A, %jit3A_6 : i32
    "tpu.region"() ({
      %run_scoped3A = tpu.sem_alloc : memref<!tpu.dma_semaphore, #tpu.memory_space<semaphore_mem>>
      %dma_start3A_95 = tpu.memref_slice %arg3[%multiple_of3A] : memref<81920xi32, #tpu.memory_space<hbm>> -> memref<5120xi32, #tpu.memory_space<hbm>>
      %dma_start3A_96 = tpu.memref_slice %arg3[%multiple_of3A] : memref<81920xi32, #tpu.memory_space<hbm>> -> memref<5120xi32, #tpu.memory_space<hbm>>
      tpu.enqueue_dma source(%dma_start3A_96 : memref<5120xi32, #tpu.memory_space<hbm>>) target(%arg5 : memref<5120xi32, #tpu.memory_space<vmem>>) target_semaphore(%run_scoped3A : memref<!tpu.dma_semaphore, #tpu.memory_space<semaphore_mem>>)
      %dma_wait3A_97 = tpu.memref_slice %arg3[%multiple_of3A] : memref<81920xi32, #tpu.memory_space<hbm>> -> memref<5120xi32, #tpu.memory_space<hbm>>
      %dma_wait3A_98 = tpu.memref_slice %arg3[%multiple_of3A] : memref<81920xi32, #tpu.memory_space<hbm>> -> memref<5120xi32, #tpu.memory_space<hbm>>
      tpu.wait_dma2 semaphore(%run_scoped3A : memref<!tpu.dma_semaphore, #tpu.memory_space<semaphore_mem>>) src(%dma_wait3A_98 : memref<5120xi32, #tpu.memory_space<hbm>>) dst(%arg5 : memref<5120xi32, #tpu.memory_space<vmem>>)
      tpu.yield
    }) : () -> ()
    %add3A_7 = arith.constant 0 : i32
    %add3A_8 = arith.addi %multiple_of3A_3, %add3A_7 : i32
    %multiple_of3A_9 = tpu.assume_multiple %add3A_8, 128 : i32
    %dma_start3A = arith.constant 0 : i32
    %dma_start3A_10 = arith.constant 0 : i32
    %dma_start3A_11 = arith.constant 0 : i32
    %dma_start3A_12 = arith.constant 0 : i32
    %dma_start3A_13 = tpu.memref_slice %arg6[%dma_start3A, %dma_start3A_11, %dma_start3A_12] : memref<3x128x256xf32, #tpu.memory_space<vmem>> -> memref<1x128x256xf32, #tpu.memory_space<vmem>>
    %dma_start3A_14 = tpu.memref_squeeze %dma_start3A_13 : memref<1x128x256xf32, #tpu.memory_space<vmem>> -> memref<128x256xf32, #tpu.memory_space<vmem>>
    %dma_start3A_15 = tpu.memref_slice %arg5[%multiple_of3A_9] : memref<5120xi32, #tpu.memory_space<vmem>> -> memref<128xi32, #tpu.memory_space<vmem>>
    %dma_start3A_16 = arith.constant 0 : i32
    %dma_start3A_17 = arith.constant 0 : i32
    %dma_start3A_18 = tpu.memref_slice %arg2[%dma_start3A_16, %dma_start3A_17] : memref<10000x256xf32, #tpu.memory_space<hbm>> -> memref<10000x256xf32, #tpu.memory_space<hbm>>
    %dma_start3A_19 = tpu.memref_slice %arg7[%dma_start3A_10] : memref<3x!tpu.dma_semaphore, #tpu.memory_space<semaphore_mem>> -> memref<1x!tpu.dma_semaphore, #tpu.memory_space<semaphore_mem>>
    %dma_start3A_20 = tpu.memref_squeeze %dma_start3A_19 : memref<1x!tpu.dma_semaphore, #tpu.memory_space<semaphore_mem>> -> memref<!tpu.dma_semaphore, #tpu.memory_space<semaphore_mem>>
    tpu.enqueue_indirect_dma source(%dma_start3A_18 : memref<10000x256xf32, #tpu.memory_space<hbm>>) target(%dma_start3A_14 : memref<128x256xf32, #tpu.memory_space<vmem>>) offsets(%dma_start3A_15 : memref<128xi32, #tpu.memory_space<vmem>>) semaphore(%dma_start3A_20 : memref<!tpu.dma_semaphore, #tpu.memory_space<semaphore_mem>>)
    %scan3A = arith.constant 0 : i32
    %scan3A_21 = arith.constant 0 : i32
    %scan3A_22 = arith.constant 28 : i32
    %scan3A_23 = arith.addi %scan3A_21, %scan3A_22 : i32
    %scan3A_24 = arith.constant 1 : i32
    scf.for %scan3A_95 = %scan3A_21 to %scan3A_23 step %scan3A_24  : i32 {
      %rem3A_96 = arith.constant 3 : i32
      %rem3A_97 = arith.remsi %scan3A_95, %rem3A_96 : i32
      %add3A_98 = arith.constant 1 : i32
      %add3A_99 = arith.addi %scan3A_95, %add3A_98 : i32
      %lt3A = arith.cmpi slt, %add3A_99, %select_n3A : i32
      %convert_element_type3A = arith.extui %lt3A : i1 to i32
      %cond3A = arith.constant 0 : i32
      %cond3A_100 = arith.cmpi ne, %convert_element_type3A, %cond3A : i32
      scf.if %cond3A_100 {
        %rem3A_105 = arith.constant 3 : i32
        %rem3A_106 = arith.remsi %add3A_99, %rem3A_105 : i32
        %ge3A = arith.constant 3 : i32
        %ge3A_107 = arith.cmpi sge, %add3A_99, %ge3A : i32
        %convert_element_type3A_108 = arith.extui %ge3A_107 : i1 to i32
        %cond3A_109 = arith.constant 0 : i32
        %cond3A_110 = arith.cmpi ne, %convert_element_type3A_108, %cond3A_109 : i32
        scf.if %cond3A_110 {
          %sub3A_125 = arith.constant 3 : i32
          %sub3A_126 = arith.subi %add3A_99, %sub3A_125 : i32
          %mul3A_127 = arith.constant 128 : i32
          %mul3A_128 = arith.muli %sub3A_126, %mul3A_127 : i32
          %add3A_129 = arith.addi %multiple_of3A_4, %mul3A_128 : i32
          %multiple_of3A_130 = tpu.assume_multiple %add3A_129, 128 : i32
          %dma_wait3A_131 = arith.constant 0 : i32
          %dma_wait3A_132 = arith.constant 0 : i32
          %dma_wait3A_133 = tpu.memref_slice %arg6[%rem3A_106, %dma_wait3A_131, %dma_wait3A_132] : memref<3x128x256xf32, #tpu.memory_space<vmem>> -> memref<1x128x256xf32, #tpu.memory_space<vmem>>
          %dma_wait3A_134 = tpu.memref_squeeze %dma_wait3A_133 : memref<1x128x256xf32, #tpu.memory_space<vmem>> -> memref<128x256xf32, #tpu.memory_space<vmem>>
          %dma_wait3A_135 = arith.constant 0 : i32
          %dma_wait3A_136 = tpu.memref_slice %arg4[%multiple_of3A_130, %dma_wait3A_135] : memref<81920x256xf32, #tpu.memory_space<hbm>> -> memref<128x256xf32, #tpu.memory_space<hbm>>
          %dma_wait3A_137 = tpu.memref_slice %arg8[%rem3A_106] : memref<3x!tpu.dma_semaphore, #tpu.memory_space<semaphore_mem>> -> memref<1x!tpu.dma_semaphore, #tpu.memory_space<semaphore_mem>>
          %dma_wait3A_138 = tpu.memref_squeeze %dma_wait3A_137 : memref<1x!tpu.dma_semaphore, #tpu.memory_space<semaphore_mem>> -> memref<!tpu.dma_semaphore, #tpu.memory_space<semaphore_mem>>
          %dma_wait3A_139 = arith.constant 0 : i32
          %dma_wait3A_140 = tpu.memref_slice %arg4[%multiple_of3A_130, %dma_wait3A_139] : memref<81920x256xf32, #tpu.memory_space<hbm>> -> memref<128x256xf32, #tpu.memory_space<hbm>>
          %dma_wait3A_141 = arith.constant 0 : i32
          %dma_wait3A_142 = arith.constant 0 : i32
          %dma_wait3A_143 = tpu.memref_slice %arg6[%rem3A_106, %dma_wait3A_141, %dma_wait3A_142] : memref<3x128x256xf32, #tpu.memory_space<vmem>> -> memref<1x128x256xf32, #tpu.memory_space<vmem>>
          %dma_wait3A_144 = tpu.memref_squeeze %dma_wait3A_143 : memref<1x128x256xf32, #tpu.memory_space<vmem>> -> memref<128x256xf32, #tpu.memory_space<vmem>>
          tpu.wait_dma2 semaphore(%dma_wait3A_138 : memref<!tpu.dma_semaphore, #tpu.memory_space<semaphore_mem>>) src(%dma_wait3A_144 : memref<128x256xf32, #tpu.memory_space<vmem>>) dst(%dma_wait3A_140 : memref<128x256xf32, #tpu.memory_space<hbm>>)
        } else {
        }
        %mul3A_111 = arith.constant 128 : i32
        %mul3A_112 = arith.muli %add3A_99, %mul3A_111 : i32
        %add3A_113 = arith.addi %multiple_of3A_3, %mul3A_112 : i32
        %multiple_of3A_114 = tpu.assume_multiple %add3A_113, 128 : i32
        %dma_start3A_115 = arith.constant 0 : i32
        %dma_start3A_116 = arith.constant 0 : i32
        %dma_start3A_117 = tpu.memref_slice %arg6[%rem3A_106, %dma_start3A_115, %dma_start3A_116] : memref<3x128x256xf32, #tpu.memory_space<vmem>> -> memref<1x128x256xf32, #tpu.memory_space<vmem>>
        %dma_start3A_118 = tpu.memref_squeeze %dma_start3A_117 : memref<1x128x256xf32, #tpu.memory_space<vmem>> -> memref<128x256xf32, #tpu.memory_space<vmem>>
        %dma_start3A_119 = tpu.memref_slice %arg5[%multiple_of3A_114] : memref<5120xi32, #tpu.memory_space<vmem>> -> memref<128xi32, #tpu.memory_space<vmem>>
        %dma_start3A_120 = arith.constant 0 : i32
        %dma_start3A_121 = arith.constant 0 : i32
        %dma_start3A_122 = tpu.memref_slice %arg2[%dma_start3A_120, %dma_start3A_121] : memref<10000x256xf32, #tpu.memory_space<hbm>> -> memref<10000x256xf32, #tpu.memory_space<hbm>>
        %dma_start3A_123 = tpu.memref_slice %arg7[%rem3A_106] : memref<3x!tpu.dma_semaphore, #tpu.memory_space<semaphore_mem>> -> memref<1x!tpu.dma_semaphore, #tpu.memory_space<semaphore_mem>>
        %dma_start3A_124 = tpu.memref_squeeze %dma_start3A_123 : memref<1x!tpu.dma_semaphore, #tpu.memory_space<semaphore_mem>> -> memref<!tpu.dma_semaphore, #tpu.memory_space<semaphore_mem>>
        tpu.enqueue_indirect_dma source(%dma_start3A_122 : memref<10000x256xf32, #tpu.memory_space<hbm>>) target(%dma_start3A_118 : memref<128x256xf32, #tpu.memory_space<vmem>>) offsets(%dma_start3A_119 : memref<128xi32, #tpu.memory_space<vmem>>) semaphore(%dma_start3A_124 : memref<!tpu.dma_semaphore, #tpu.memory_space<semaphore_mem>>)
      } else {
      }
      %lt3A_101 = arith.cmpi slt, %scan3A_95, %select_n3A : i32
      %convert_element_type3A_102 = arith.extui %lt3A_101 : i1 to i32
      %cond3A_103 = arith.constant 0 : i32
      %cond3A_104 = arith.cmpi ne, %convert_element_type3A_102, %cond3A_103 : i32
      scf.if %cond3A_104 {
        %mul3A_105 = arith.constant 128 : i32
        %mul3A_106 = arith.muli %scan3A_95, %mul3A_105 : i32
        %add3A_107 = arith.addi %multiple_of3A_3, %mul3A_106 : i32
        %multiple_of3A_108 = tpu.assume_multiple %add3A_107, 128 : i32
        %dma_wait3A_109 = arith.constant 0 : i32
        %dma_wait3A_110 = arith.constant 0 : i32
        %dma_wait3A_111 = tpu.memref_slice %arg6[%rem3A_97, %dma_wait3A_109, %dma_wait3A_110] : memref<3x128x256xf32, #tpu.memory_space<vmem>> -> memref<1x128x256xf32, #tpu.memory_space<vmem>>
        %dma_wait3A_112 = tpu.memref_squeeze %dma_wait3A_111 : memref<1x128x256xf32, #tpu.memory_space<vmem>> -> memref<128x256xf32, #tpu.memory_space<vmem>>
        %dma_wait3A_113 = tpu.memref_slice %arg5[%multiple_of3A_108] : memref<5120xi32, #tpu.memory_space<vmem>> -> memref<128xi32, #tpu.memory_space<vmem>>
        %dma_wait3A_114 = arith.constant 0 : i32
        %dma_wait3A_115 = arith.constant 0 : i32
        %dma_wait3A_116 = tpu.memref_slice %arg2[%dma_wait3A_114, %dma_wait3A_115] : memref<10000x256xf32, #tpu.memory_space<hbm>> -> memref<10000x256xf32, #tpu.memory_space<hbm>>
        %dma_wait3A_117 = tpu.memref_slice %arg7[%rem3A_97] : memref<3x!tpu.dma_semaphore, #tpu.memory_space<semaphore_mem>> -> memref<1x!tpu.dma_semaphore, #tpu.memory_space<semaphore_mem>>
        %dma_wait3A_118 = tpu.memref_squeeze %dma_wait3A_117 : memref<1x!tpu.dma_semaphore, #tpu.memory_space<semaphore_mem>> -> memref<!tpu.dma_semaphore, #tpu.memory_space<semaphore_mem>>
        tpu.wait_indirect_dma semaphore(%dma_wait3A_118 : memref<!tpu.dma_semaphore, #tpu.memory_space<semaphore_mem>>) src(%dma_wait3A_116 : memref<10000x256xf32, #tpu.memory_space<hbm>>) dst(%dma_wait3A_112 : memref<128x256xf32, #tpu.memory_space<vmem>>)
        %mul3A_119 = arith.constant 128 : i32
        %mul3A_120 = arith.muli %scan3A_95, %mul3A_119 : i32
        %add3A_121 = arith.addi %multiple_of3A_4, %mul3A_120 : i32
        %multiple_of3A_122 = tpu.assume_multiple %add3A_121, 128 : i32
        %dma_start3A_123 = arith.constant 0 : i32
        %dma_start3A_124 = arith.constant 0 : i32
        %dma_start3A_125 = tpu.memref_slice %arg6[%rem3A_97, %dma_start3A_123, %dma_start3A_124] : memref<3x128x256xf32, #tpu.memory_space<vmem>> -> memref<1x128x256xf32, #tpu.memory_space<vmem>>
        %dma_start3A_126 = tpu.memref_squeeze %dma_start3A_125 : memref<1x128x256xf32, #tpu.memory_space<vmem>> -> memref<128x256xf32, #tpu.memory_space<vmem>>
        %dma_start3A_127 = arith.constant 0 : i32
        %dma_start3A_128 = tpu.memref_slice %arg4[%multiple_of3A_122, %dma_start3A_127] : memref<81920x256xf32, #tpu.memory_space<hbm>> -> memref<128x256xf32, #tpu.memory_space<hbm>>
        %dma_start3A_129 = tpu.memref_slice %arg8[%rem3A_97] : memref<3x!tpu.dma_semaphore, #tpu.memory_space<semaphore_mem>> -> memref<1x!tpu.dma_semaphore, #tpu.memory_space<semaphore_mem>>
        %dma_start3A_130 = tpu.memref_squeeze %dma_start3A_129 : memref<1x!tpu.dma_semaphore, #tpu.memory_space<semaphore_mem>> -> memref<!tpu.dma_semaphore, #tpu.memory_space<semaphore_mem>>
        %dma_start3A_131 = arith.constant 0 : i32
        %dma_start3A_132 = tpu.memref_slice %arg4[%multiple_of3A_122, %dma_start3A_131] : memref<81920x256xf32, #tpu.memory_space<hbm>> -> memref<128x256xf32, #tpu.memory_space<hbm>>
        %dma_start3A_133 = arith.constant 0 : i32
        %dma_start3A_134 = arith.constant 0 : i32
        %dma_start3A_135 = tpu.memref_slice %arg6[%rem3A_97, %dma_start3A_133, %dma_start3A_134] : memref<3x128x256xf32, #tpu.memory_space<vmem>> -> memref<1x128x256xf32, #tpu.memory_space<vmem>>
        %dma_start3A_136 = tpu.memref_squeeze %dma_start3A_135 : memref<1x128x256xf32, #tpu.memory_space<vmem>> -> memref<128x256xf32, #tpu.memory_space<vmem>>
        tpu.enqueue_dma source(%dma_start3A_136 : memref<128x256xf32, #tpu.memory_space<vmem>>) target(%dma_start3A_132 : memref<128x256xf32, #tpu.memory_space<hbm>>) target_semaphore(%dma_start3A_130 : memref<!tpu.dma_semaphore, #tpu.memory_space<semaphore_mem>>)
      } else {
      }
    }
    %scan3A_25 = arith.constant 28 : i32
    %sub3A = arith.constant 3 : i32
    %sub3A_26 = arith.subi %select_n3A, %sub3A : i32
    %add3A_27 = arith.constant 0 : i32
    %add3A_28 = arith.addi %sub3A_26, %add3A_27 : i32
    %rem3A = arith.constant 3 : i32
    %rem3A_29 = arith.remsi %add3A_28, %rem3A : i32
    %mul3A_30 = arith.constant 128 : i32
    %mul3A_31 = arith.muli %add3A_28, %mul3A_30 : i32
    %add3A_32 = arith.addi %multiple_of3A_4, %mul3A_31 : i32
    %multiple_of3A_33 = tpu.assume_multiple %add3A_32, 128 : i32
    %dma_wait3A = arith.constant 0 : i32
    %dma_wait3A_34 = arith.constant 0 : i32
    %dma_wait3A_35 = tpu.memref_slice %arg6[%rem3A_29, %dma_wait3A, %dma_wait3A_34] : memref<3x128x256xf32, #tpu.memory_space<vmem>> -> memref<1x128x256xf32, #tpu.memory_space<vmem>>
    %dma_wait3A_36 = tpu.memref_squeeze %dma_wait3A_35 : memref<1x128x256xf32, #tpu.memory_space<vmem>> -> memref<128x256xf32, #tpu.memory_space<vmem>>
    %dma_wait3A_37 = arith.constant 0 : i32
    %dma_wait3A_38 = tpu.memref_slice %arg4[%multiple_of3A_33, %dma_wait3A_37] : memref<81920x256xf32, #tpu.memory_space<hbm>> -> memref<128x256xf32, #tpu.memory_space<hbm>>
    %dma_wait3A_39 = tpu.memref_slice %arg8[%rem3A_29] : memref<3x!tpu.dma_semaphore, #tpu.memory_space<semaphore_mem>> -> memref<1x!tpu.dma_semaphore, #tpu.memory_space<semaphore_mem>>
    %dma_wait3A_40 = tpu.memref_squeeze %dma_wait3A_39 : memref<1x!tpu.dma_semaphore, #tpu.memory_space<semaphore_mem>> -> memref<!tpu.dma_semaphore, #tpu.memory_space<semaphore_mem>>
    %dma_wait3A_41 = arith.constant 0 : i32
    %dma_wait3A_42 = tpu.memref_slice %arg4[%multiple_of3A_33, %dma_wait3A_41] : memref<81920x256xf32, #tpu.memory_space<hbm>> -> memref<128x256xf32, #tpu.memory_space<hbm>>
    %dma_wait3A_43 = arith.constant 0 : i32
    %dma_wait3A_44 = arith.constant 0 : i32
    %dma_wait3A_45 = tpu.memref_slice %arg6[%rem3A_29, %dma_wait3A_43, %dma_wait3A_44] : memref<3x128x256xf32, #tpu.memory_space<vmem>> -> memref<1x128x256xf32, #tpu.memory_space<vmem>>
    %dma_wait3A_46 = tpu.memref_squeeze %dma_wait3A_45 : memref<1x128x256xf32, #tpu.memory_space<vmem>> -> memref<128x256xf32, #tpu.memory_space<vmem>>
    tpu.wait_dma2 semaphore(%dma_wait3A_40 : memref<!tpu.dma_semaphore, #tpu.memory_space<semaphore_mem>>) src(%dma_wait3A_46 : memref<128x256xf32, #tpu.memory_space<vmem>>) dst(%dma_wait3A_42 : memref<128x256xf32, #tpu.memory_space<hbm>>)
    %sub3A_47 = arith.constant 3 : i32
    %sub3A_48 = arith.subi %select_n3A, %sub3A_47 : i32
    %add3A_49 = arith.constant 1 : i32
    %add3A_50 = arith.addi %sub3A_48, %add3A_49 : i32
    %rem3A_51 = arith.constant 3 : i32
    %rem3A_52 = arith.remsi %add3A_50, %rem3A_51 : i32
    %mul3A_53 = arith.constant 128 : i32
    %mul3A_54 = arith.muli %add3A_50, %mul3A_53 : i32
    %add3A_55 = arith.addi %multiple_of3A_4, %mul3A_54 : i32
    %multiple_of3A_56 = tpu.assume_multiple %add3A_55, 128 : i32
    %dma_wait3A_57 = arith.constant 0 : i32
    %dma_wait3A_58 = arith.constant 0 : i32
    %dma_wait3A_59 = tpu.memref_slice %arg6[%rem3A_52, %dma_wait3A_57, %dma_wait3A_58] : memref<3x128x256xf32, #tpu.memory_space<vmem>> -> memref<1x128x256xf32, #tpu.memory_space<vmem>>
    %dma_wait3A_60 = tpu.memref_squeeze %dma_wait3A_59 : memref<1x128x256xf32, #tpu.memory_space<vmem>> -> memref<128x256xf32, #tpu.memory_space<vmem>>
    %dma_wait3A_61 = arith.constant 0 : i32
    %dma_wait3A_62 = tpu.memref_slice %arg4[%multiple_of3A_56, %dma_wait3A_61] : memref<81920x256xf32, #tpu.memory_space<hbm>> -> memref<128x256xf32, #tpu.memory_space<hbm>>
    %dma_wait3A_63 = tpu.memref_slice %arg8[%rem3A_52] : memref<3x!tpu.dma_semaphore, #tpu.memory_space<semaphore_mem>> -> memref<1x!tpu.dma_semaphore, #tpu.memory_space<semaphore_mem>>
    %dma_wait3A_64 = tpu.memref_squeeze %dma_wait3A_63 : memref<1x!tpu.dma_semaphore, #tpu.memory_space<semaphore_mem>> -> memref<!tpu.dma_semaphore, #tpu.memory_space<semaphore_mem>>
    %dma_wait3A_65 = arith.constant 0 : i32
    %dma_wait3A_66 = tpu.memref_slice %arg4[%multiple_of3A_56, %dma_wait3A_65] : memref<81920x256xf32, #tpu.memory_space<hbm>> -> memref<128x256xf32, #tpu.memory_space<hbm>>
    %dma_wait3A_67 = arith.constant 0 : i32
    %dma_wait3A_68 = arith.constant 0 : i32
    %dma_wait3A_69 = tpu.memref_slice %arg6[%rem3A_52, %dma_wait3A_67, %dma_wait3A_68] : memref<3x128x256xf32, #tpu.memory_space<vmem>> -> memref<1x128x256xf32, #tpu.memory_space<vmem>>
    %dma_wait3A_70 = tpu.memref_squeeze %dma_wait3A_69 : memref<1x128x256xf32, #tpu.memory_space<vmem>> -> memref<128x256xf32, #tpu.memory_space<vmem>>
    tpu.wait_dma2 semaphore(%dma_wait3A_64 : memref<!tpu.dma_semaphore, #tpu.memory_space<semaphore_mem>>) src(%dma_wait3A_70 : memref<128x256xf32, #tpu.memory_space<vmem>>) dst(%dma_wait3A_66 : memref<128x256xf32, #tpu.memory_space<hbm>>)
    %sub3A_71 = arith.constant 3 : i32
    %sub3A_72 = arith.subi %select_n3A, %sub3A_71 : i32
    %add3A_73 = arith.constant 2 : i32
    %add3A_74 = arith.addi %sub3A_72, %add3A_73 : i32
    %rem3A_75 = arith.constant 3 : i32
    %rem3A_76 = arith.remsi %add3A_74, %rem3A_75 : i32
    %mul3A_77 = arith.constant 128 : i32
    %mul3A_78 = arith.muli %add3A_74, %mul3A_77 : i32
    %add3A_79 = arith.addi %multiple_of3A_4, %mul3A_78 : i32
    %multiple_of3A_80 = tpu.assume_multiple %add3A_79, 128 : i32
    %dma_wait3A_81 = arith.constant 0 : i32
    %dma_wait3A_82 = arith.constant 0 : i32
    %dma_wait3A_83 = tpu.memref_slice %arg6[%rem3A_76, %dma_wait3A_81, %dma_wait3A_82] : memref<3x128x256xf32, #tpu.memory_space<vmem>> -> memref<1x128x256xf32, #tpu.memory_space<vmem>>
    %dma_wait3A_84 = tpu.memref_squeeze %dma_wait3A_83 : memref<1x128x256xf32, #tpu.memory_space<vmem>> -> memref<128x256xf32, #tpu.memory_space<vmem>>
    %dma_wait3A_85 = arith.constant 0 : i32
    %dma_wait3A_86 = tpu.memref_slice %arg4[%multiple_of3A_80, %dma_wait3A_85] : memref<81920x256xf32, #tpu.memory_space<hbm>> -> memref<128x256xf32, #tpu.memory_space<hbm>>
    %dma_wait3A_87 = tpu.memref_slice %arg8[%rem3A_76] : memref<3x!tpu.dma_semaphore, #tpu.memory_space<semaphore_mem>> -> memref<1x!tpu.dma_semaphore, #tpu.memory_space<semaphore_mem>>
    %dma_wait3A_88 = tpu.memref_squeeze %dma_wait3A_87 : memref<1x!tpu.dma_semaphore, #tpu.memory_space<semaphore_mem>> -> memref<!tpu.dma_semaphore, #tpu.memory_space<semaphore_mem>>
    %dma_wait3A_89 = arith.constant 0 : i32
    %dma_wait3A_90 = tpu.memref_slice %arg4[%multiple_of3A_80, %dma_wait3A_89] : memref<81920x256xf32, #tpu.memory_space<hbm>> -> memref<128x256xf32, #tpu.memory_space<hbm>>
    %dma_wait3A_91 = arith.constant 0 : i32
    %dma_wait3A_92 = arith.constant 0 : i32
    %dma_wait3A_93 = tpu.memref_slice %arg6[%rem3A_76, %dma_wait3A_91, %dma_wait3A_92] : memref<3x128x256xf32, #tpu.memory_space<vmem>> -> memref<1x128x256xf32, #tpu.memory_space<vmem>>
    %dma_wait3A_94 = tpu.memref_squeeze %dma_wait3A_93 : memref<1x128x256xf32, #tpu.memory_space<vmem>> -> memref<128x256xf32, #tpu.memory_space<vmem>>
    tpu.wait_dma2 semaphore(%dma_wait3A_88 : memref<!tpu.dma_semaphore, #tpu.memory_space<semaphore_mem>>) src(%dma_wait3A_94 : memref<128x256xf32, #tpu.memory_space<vmem>>) dst(%dma_wait3A_90 : memref<128x256xf32, #tpu.memory_space<hbm>>)
    return
  }
}

module attributes {stable_mosaic.version = 14 : i64} {
  func.func @_mlp_body(%arg0: i32, %arg1: memref<1024x256xf32, #tpu.memory_space<vmem>>, %arg2: memref<1024x16xf32, #tpu.memory_space<vmem>>, %arg3: memref<1024x1xf32, #tpu.memory_space<vmem>>, %arg4: memref<256x512xbf16, #tpu.memory_space<vmem>>, %arg5: memref<16x512xbf16, #tpu.memory_space<vmem>>, %arg6: memref<1x512xf32, #tpu.memory_space<vmem>>, %arg7: memref<1024x128xf32, #tpu.memory_space<vmem>>, %arg8: memref<1024x128xf32, #tpu.memory_space<vmem>>) attributes {dimension_semantics = [#tpu.dimension_semantics<arbitrary>], iteration_bounds = array<i64: 80>, scalar_prefetch = 0 : i64, scratch_operands = 0 : i64, tpu.core_type = #tpu.core_type<tc>, window_params = [{transform_indices = @transform_0, window_bounds = array<i64: 1024, 256>}, {transform_indices = @transform_1, window_bounds = array<i64: 1024, 16>}, {transform_indices = @transform_2, window_bounds = array<i64: 1024, 1>}, {pipeline_mode = #tpu.pipeline_mode<synchronous>, transform_indices = @transform_3, window_bounds = array<i64: 256, 512>}, {pipeline_mode = #tpu.pipeline_mode<synchronous>, transform_indices = @transform_4, window_bounds = array<i64: 16, 512>}, {pipeline_mode = #tpu.pipeline_mode<synchronous>, transform_indices = @transform_5, window_bounds = array<i64: 1, 512>}, {transform_indices = @transform_6, window_bounds = array<i64: 1024, 128>}, {transform_indices = @transform_7, window_bounds = array<i64: 1024, 128>}]} {
    %get3A = arith.constant 0 : index
    %get3A_0 = arith.constant 0 : index
    %get3A_1 = vector.load %arg1[%get3A, %get3A_0] : memref<1024x256xf32, #tpu.memory_space<vmem>>, vector<1024x256xf32>
    %convert_element_type3A = arith.truncf %get3A_1 : vector<1024x256xf32> to vector<1024x256xbf16>
    %get3A_2 = arith.constant 0 : index
    %get3A_3 = arith.constant 0 : index
    %get3A_4 = vector.load %arg4[%get3A_2, %get3A_3] : memref<256x512xbf16, #tpu.memory_space<vmem>>, vector<256x512xbf16>
    %dot_general3A = arith.constant dense<0.000000e+00> : vector<1024x512xf32>
    %dot_general3A_5 = tpu.matmul %convert_element_type3A, %get3A_4, %dot_general3A {dimension_numbers = #tpu.dot_dimension_numbers<[1], [0], [0], [1], [0, 0, 1, 1], [], []>, transpose_lhs_hint = false} : vector<1024x256xbf16>, vector<256x512xbf16>, vector<1024x512xf32> -> vector<1024x512xf32>
    %get3A_6 = arith.constant 0 : index
    %get3A_7 = arith.constant 0 : index
    %get3A_8 = vector.load %arg2[%get3A_6, %get3A_7] : memref<1024x16xf32, #tpu.memory_space<vmem>>, vector<1024x16xf32>
    %convert_element_type3A_9 = arith.truncf %get3A_8 : vector<1024x16xf32> to vector<1024x16xbf16>
    %get3A_10 = arith.constant 0 : index
    %get3A_11 = arith.constant 0 : index
    %get3A_12 = vector.load %arg5[%get3A_10, %get3A_11] : memref<16x512xbf16, #tpu.memory_space<vmem>>, vector<16x512xbf16>
    %dot_general3A_13 = arith.constant dense<0.000000e+00> : vector<1024x512xf32>
    %dot_general3A_14 = tpu.matmul %convert_element_type3A_9, %get3A_12, %dot_general3A_13 {dimension_numbers = #tpu.dot_dimension_numbers<[1], [0], [0], [1], [0, 0, 1, 1], [], []>, transpose_lhs_hint = false} : vector<1024x16xbf16>, vector<16x512xbf16>, vector<1024x512xf32> -> vector<1024x512xf32>
    %add3A = arith.addf %dot_general3A_5, %dot_general3A_14 : vector<1024x512xf32>
    %get3A_15 = arith.constant 0 : index
    %get3A_16 = arith.constant 0 : index
    %get3A_17 = vector.load %arg6[%get3A_15, %get3A_16] : memref<1x512xf32, #tpu.memory_space<vmem>>, vector<1x512xf32>
    %add3A_18 = vector.broadcast %get3A_17 : vector<1x512xf32> to vector<1024x512xf32>
    %add3A_19 = arith.addf %add3A, %add3A_18 : vector<1024x512xf32>
    %max3A = arith.constant 0.000000e+00 : f32
    %max3A_20 = vector.broadcast %max3A : f32 to vector<1024x512xf32>
    %max3A_21 = arith.maximumf %add3A_19, %max3A_20 : vector<1024x512xf32>
    %get3A_22 = arith.constant 0 : index
    %get3A_23 = arith.constant 0 : index
    %get3A_24 = vector.load %arg3[%get3A_22, %get3A_23] : memref<1024x1xf32, #tpu.memory_space<vmem>>, vector<1024x1xf32>
    %gt3A = arith.constant 0.000000e+00 : f32
    %gt3A_25 = vector.broadcast %gt3A : f32 to vector<1024x1xf32>
    %gt3A_26 = arith.cmpf ogt, %get3A_24, %gt3A_25 : vector<1024x1xf32>
    %slice3A = vector.extract_strided_slice %max3A_21 {offsets = [0, 0], sizes = [1024, 256], strides = [1, 1]} : vector<1024x512xf32> to vector<1024x256xf32>
    %slice3A_27 = vector.extract_strided_slice %max3A_21 {offsets = [0, 256], sizes = [1024, 256], strides = [1, 1]} : vector<1024x512xf32> to vector<1024x256xf32>
    %broadcast_in_dim3A = vector.shape_cast %gt3A_26 : vector<1024x1xi1> to vector<1024x1xi1>
    %broadcast_in_dim3A_28 = vector.broadcast %broadcast_in_dim3A : vector<1024x1xi1> to vector<1024x256xi1>
    %select_n3A = arith.select %broadcast_in_dim3A_28, %slice3A, %slice3A_27 : vector<1024x256xi1>, vector<1024x256xf32>
    %slice3A_29 = vector.extract_strided_slice %select_n3A {offsets = [0, 0], sizes = [1024, 128], strides = [1, 1]} : vector<1024x256xf32> to vector<1024x128xf32>
    %swap3A = arith.constant 0 : index
    %swap3A_30 = arith.constant 0 : index
    %swap3A_31 = vector.load %arg7[%swap3A, %swap3A_30] : memref<1024x128xf32, #tpu.memory_space<vmem>>, vector<1024x128xf32>
    tpu.vector_store %arg7[%swap3A, %swap3A_30], %slice3A_29 {strides = array<i32>} : memref<1024x128xf32, #tpu.memory_space<vmem>>, vector<1024x128xf32>,
    %slice3A_32 = vector.extract_strided_slice %select_n3A {offsets = [0, 128], sizes = [1024, 128], strides = [1, 1]} : vector<1024x256xf32> to vector<1024x128xf32>
    %swap3A_33 = arith.constant 0 : index
    %swap3A_34 = arith.constant 0 : index
    %swap3A_35 = vector.load %arg8[%swap3A_33, %swap3A_34] : memref<1024x128xf32, #tpu.memory_space<vmem>>, vector<1024x128xf32>
    tpu.vector_store %arg8[%swap3A_33, %swap3A_34], %slice3A_32 {strides = array<i32>} : memref<1024x128xf32, #tpu.memory_space<vmem>>, vector<1024x128xf32>,
    return
  }
  func.func @transform_0(%arg0: i32) -> (i32, i32) {
    %c0_i32 = arith.constant 0 : i32
    %c0_i32_0 = arith.constant 0 : i32
    return %arg0, %c0_i32 : i32, i32
  }
  func.func @transform_1(%arg0: i32) -> (i32, i32) {
    %c0_i32 = arith.constant 0 : i32
    %c0_i32_0 = arith.constant 0 : i32
    return %arg0, %c0_i32 : i32, i32
  }
  func.func @transform_2(%arg0: i32) -> (i32, i32) {
    %c0_i32 = arith.constant 0 : i32
    %c0_i32_0 = arith.constant 0 : i32
    return %arg0, %c0_i32 : i32, i32
  }
  func.func @transform_3(%arg0: i32) -> (i32, i32) {
    %c0_i32 = arith.constant 0 : i32
    %c0_i32_0 = arith.constant 0 : i32
    %c0_i32_1 = arith.constant 0 : i32
    return %c0_i32, %c0_i32_0 : i32, i32
  }
  func.func @transform_4(%arg0: i32) -> (i32, i32) {
    %c0_i32 = arith.constant 0 : i32
    %c0_i32_0 = arith.constant 0 : i32
    %c0_i32_1 = arith.constant 0 : i32
    return %c0_i32, %c0_i32_0 : i32, i32
  }
  func.func @transform_5(%arg0: i32) -> (i32, i32) {
    %c0_i32 = arith.constant 0 : i32
    %c0_i32_0 = arith.constant 0 : i32
    %c0_i32_1 = arith.constant 0 : i32
    return %c0_i32, %c0_i32_0 : i32, i32
  }
  func.func @transform_6(%arg0: i32) -> (i32, i32) {
    %c0_i32 = arith.constant 0 : i32
    %c0_i32_0 = arith.constant 0 : i32
    return %arg0, %c0_i32 : i32, i32
  }
  func.func @transform_7(%arg0: i32) -> (i32, i32) {
    %c0_i32 = arith.constant 0 : i32
    %c0_i32_0 = arith.constant 0 : i32
    return %arg0, %c0_i32 : i32, i32
  }
}

module attributes {stable_mosaic.version = 14 : i64} {
  func.func @_node_body(%arg0: i32, %arg1: memref<512x256xf32, #tpu.memory_space<vmem>>, %arg2: memref<512x256xf32, #tpu.memory_space<vmem>>, %arg3: memref<512x256xf32, #tpu.memory_space<vmem>>, %arg4: memref<512x256xf32, #tpu.memory_space<vmem>>, %arg5: memref<256x256xf32, #tpu.memory_space<vmem>>, %arg6: memref<256x256xf32, #tpu.memory_space<vmem>>, %arg7: memref<1x256xf32, #tpu.memory_space<vmem>>, %arg8: memref<512x256xf32, #tpu.memory_space<vmem>>) attributes {dimension_semantics = [#tpu.dimension_semantics<arbitrary>], iteration_bounds = array<i64: 20>, scalar_prefetch = 0 : i64, scratch_operands = 0 : i64, tpu.core_type = #tpu.core_type<tc>, window_params = [{transform_indices = @transform_0, window_bounds = array<i64: 512, 256>}, {transform_indices = @transform_1, window_bounds = array<i64: 512, 256>}, {transform_indices = @transform_2, window_bounds = array<i64: 512, 256>}, {transform_indices = @transform_3, window_bounds = array<i64: 512, 256>}, {pipeline_mode = #tpu.pipeline_mode<synchronous>, transform_indices = @transform_4, window_bounds = array<i64: 256, 256>}, {pipeline_mode = #tpu.pipeline_mode<synchronous>, transform_indices = @transform_5, window_bounds = array<i64: 256, 256>}, {pipeline_mode = #tpu.pipeline_mode<synchronous>, transform_indices = @transform_6, window_bounds = array<i64: 1, 256>}, {transform_indices = @transform_7, window_bounds = array<i64: 512, 256>}]} {
    %get3A = arith.constant 0 : index
    %get3A_0 = arith.constant 0 : index
    %get3A_1 = vector.load %arg1[%get3A, %get3A_0] : memref<512x256xf32, #tpu.memory_space<vmem>>, vector<512x256xf32>
    %get3A_2 = arith.constant 0 : index
    %get3A_3 = arith.constant 0 : index
    %get3A_4 = vector.load %arg3[%get3A_2, %get3A_3] : memref<512x256xf32, #tpu.memory_space<vmem>>, vector<512x256xf32>
    %add3A = arith.addf %get3A_1, %get3A_4 : vector<512x256xf32>
    %get3A_5 = arith.constant 0 : index
    %get3A_6 = arith.constant 0 : index
    %get3A_7 = vector.load %arg5[%get3A_5, %get3A_6] : memref<256x256xf32, #tpu.memory_space<vmem>>, vector<256x256xf32>
    %dot_general3A = arith.constant dense<0.000000e+00> : vector<512x256xf32>
    %dot_general3A_8 = tpu.matmul %add3A, %get3A_7, %dot_general3A {dimension_numbers = #tpu.dot_dimension_numbers<[1], [0], [0], [1], [0, 0, 1, 1], [], []>, transpose_lhs_hint = false} : vector<512x256xf32>, vector<256x256xf32>, vector<512x256xf32> -> vector<512x256xf32>
    %get3A_9 = arith.constant 0 : index
    %get3A_10 = arith.constant 0 : index
    %get3A_11 = vector.load %arg2[%get3A_9, %get3A_10] : memref<512x256xf32, #tpu.memory_space<vmem>>, vector<512x256xf32>
    %get3A_12 = arith.constant 0 : index
    %get3A_13 = arith.constant 0 : index
    %get3A_14 = vector.load %arg4[%get3A_12, %get3A_13] : memref<512x256xf32, #tpu.memory_space<vmem>>, vector<512x256xf32>
    %add3A_15 = arith.addf %get3A_11, %get3A_14 : vector<512x256xf32>
    %get3A_16 = arith.constant 0 : index
    %get3A_17 = arith.constant 0 : index
    %get3A_18 = vector.load %arg6[%get3A_16, %get3A_17] : memref<256x256xf32, #tpu.memory_space<vmem>>, vector<256x256xf32>
    %dot_general3A_19 = arith.constant dense<0.000000e+00> : vector<512x256xf32>
    %dot_general3A_20 = tpu.matmul %add3A_15, %get3A_18, %dot_general3A_19 {dimension_numbers = #tpu.dot_dimension_numbers<[1], [0], [0], [1], [0, 0, 1, 1], [], []>, transpose_lhs_hint = false} : vector<512x256xf32>, vector<256x256xf32>, vector<512x256xf32> -> vector<512x256xf32>
    %add3A_21 = arith.addf %dot_general3A_8, %dot_general3A_20 : vector<512x256xf32>
    %get3A_22 = arith.constant 0 : index
    %get3A_23 = arith.constant 0 : index
    %get3A_24 = vector.load %arg7[%get3A_22, %get3A_23] : memref<1x256xf32, #tpu.memory_space<vmem>>, vector<1x256xf32>
    %add3A_25 = vector.broadcast %get3A_24 : vector<1x256xf32> to vector<512x256xf32>
    %add3A_26 = arith.addf %add3A_21, %add3A_25 : vector<512x256xf32>
    %max3A = arith.constant 0.000000e+00 : f32
    %max3A_27 = vector.broadcast %max3A : f32 to vector<512x256xf32>
    %max3A_28 = arith.maximumf %add3A_26, %max3A_27 : vector<512x256xf32>
    %swap3A = arith.constant 0 : index
    %swap3A_29 = arith.constant 0 : index
    %swap3A_30 = vector.load %arg8[%swap3A, %swap3A_29] : memref<512x256xf32, #tpu.memory_space<vmem>>, vector<512x256xf32>
    tpu.vector_store %arg8[%swap3A, %swap3A_29], %max3A_28 {strides = array<i32>} : memref<512x256xf32, #tpu.memory_space<vmem>>, vector<512x256xf32>,
    return
  }
  func.func @transform_0(%arg0: i32) -> (i32, i32) {
    %c0_i32 = arith.constant 0 : i32
    %c0_i32_0 = arith.constant 0 : i32
    return %arg0, %c0_i32 : i32, i32
  }
  func.func @transform_1(%arg0: i32) -> (i32, i32) {
    %add3A = arith.constant 20 : i32
    %add3A_0 = arith.addi %arg0, %add3A : i32
    %c0_i32 = arith.constant 0 : i32
    %c0_i32_1 = arith.constant 0 : i32
    return %add3A_0, %c0_i32 : i32, i32
  }
  func.func @transform_2(%arg0: i32) -> (i32, i32) {
    %c0_i32 = arith.constant 0 : i32
    %c0_i32_0 = arith.constant 0 : i32
    return %arg0, %c0_i32 : i32, i32
  }
  func.func @transform_3(%arg0: i32) -> (i32, i32) {
    %add3A = arith.constant 20 : i32
    %add3A_0 = arith.addi %arg0, %add3A : i32
    %c0_i32 = arith.constant 0 : i32
    %c0_i32_1 = arith.constant 0 : i32
    return %add3A_0, %c0_i32 : i32, i32
  }
  func.func @transform_4(%arg0: i32) -> (i32, i32) {
    %c0_i32 = arith.constant 0 : i32
    %c0_i32_0 = arith.constant 0 : i32
    %c0_i32_1 = arith.constant 0 : i32
    return %c0_i32, %c0_i32_0 : i32, i32
  }
  func.func @transform_5(%arg0: i32) -> (i32, i32) {
    %c0_i32 = arith.constant 0 : i32
    %c0_i32_0 = arith.constant 0 : i32
    %c0_i32_1 = arith.constant 0 : i32
    return %c0_i32, %c0_i32_0 : i32, i32
  }
  func.func @transform_6(%arg0: i32) -> (i32, i32) {
    %c0_i32 = arith.constant 0 : i32
    %c0_i32_0 = arith.constant 0 : i32
    %c0_i32_1 = arith.constant 0 : i32
    return %c0_i32, %c0_i32_0 : i32, i32
  }
  func.func @transform_7(%arg0: i32) -> (i32, i32) {
    %c0_i32 = arith.constant 0 : i32
    %c0_i32_0 = arith.constant 0 : i32
    return %arg0, %c0_i32 : i32, i32
  }
}

</mosaic_0001>

<sc_bundles>
// kernel: kernel.12.cloned.1.call-start
scs
__scs_entry_jumppad:
0x0: {  	(pc) =	sbr.rel $0x88, $3  }
0x1: {  	(tag) =	ssettag $0x0;
	lr =	simm.s32 $0x1  }
0x2: {  	[smem:$0x3F98] =	sst lr;
	_ =	strace $0xD0000000  }
0x3: {  	_ = 	snop  }
0x4: {  	_ = 	snop  }
0x5: {  	_ = 	snop  }
0x6: {  	_ = 	snop  }
0x7: {  	_ = 	snop  }
__scs_overlays_trampoline_lowered:
0x8: {  	[smem:$0x3FA7] =	sst s0  }
0x9: {  	[smem:$0x3FA8] =	sst s1  }
0xa: {  	[smem:$0x3FA9] =	sst s2  }
0xb: {  	[smem:$0x3FAA] =	sst s3  }
0xc: {  	[smem:$0x3FAB] =	sst s4  }
0xd: {  	[smem:$0x3FAC] =	sst s5  }
0xe: {  	[smem:$0x3FAD] =	sst s6  }
0xf: {  	[smem:$0x3FAE] =	sst s7  }
0x10: {  	[smem:$0x3FAF] =	sst s8  }
0x11: {  	[smem:$0x3FB0] =	sst s9;
	s0 =	simm.s32 @!p0 $0x0  }
0x12: {  	s1 =	sld [smem:$0x3F96];
	s0 =	simm.s32 @p0 $0x1  }
0x13: {  	[smem:$0x3FB1] =	sst s0;
	s0 =	simm.s32 @!p1 $0x0  }
0x14: {  	s2 =	sld [smem:$0x3F95];
	s0 =	simm.s32 @p1 $0x1  }
0x15: {  	[smem:$0x3FB2] =	sst s0;
	s0 =	simm.s32 @!p2 $0x0  }
0x16: {  	s3 =	sld [smem:$0x3FDB];
	s0 =	simm.s32 @p2 $0x1  }
0x17: {  	s4 =	simm.s32 $0x1BF5;
	[smem:$0x3FB4] =	sst s0  }
0x18: {  	s0 =	sld [smem:$0x3F97];
	_ =	swait.ge [sflag:s4], $0x0  }
0x19: {  	s7 =	sld [smem:$0x3F98]  }
0x1a: {  	s8 =	sadd.s32 $0xFFFFE003, lr  }
0x1b: {  	s9 =	sadd.s32 $0xFFFFFEF7, lr;
	s5 =	simm.s32 $0xFFFFFFFF;
	p2 =	slt.u32 s8, $0xFFFFF086  }
0x1c: {  	p1 =	slt.u32 s9, $0xF7A;
	s5 =	simm.s32 @!p2 $0x0  }
0x1d: {  	s5 =	simm.s32 @p1 $0x1;
	p0 =	seq.s32 s7, s2  }
0x1e: {  	s7 =	smul.u32 @!p0 $0xF7A, s2;
	p2 =	seq.s32 @!p0 s5, $0x0  }
0x1f: {  	s9 =	smul.u32 $0xF7A, s1;
	s8 =	simm.s32 @!p0 $0x1BF5;
	p2 =	por !p2, p0  }
0x20: {  	[sflag:s8] =	ssyncset.s32 @!p0 $0xFFFFF086;
	s6 =	sadd.s32 @!p0 s3, s7;
	s7 =	simm.s32 @!p0 $0x108  }
0x21: {  	s3 =	sadd.s32 s3, s9;
	s6 =	sadd.s32 @!p0 $0x88, s6;
	s7 =	simm.s32 @p2 $0x1082  }
0x22: {  	[simem:s7], [sflag:s8] =	dma.local @!p0 [hbm:s6], $0xF7A  }
0x23: {  	s9 =	sor.u32 $0xD0000000, s2;
	s6 =	simm.s32 $0x108;
	_ =	swait.ge @!p0 [sflag:s8], $0x0  }
0x24: {  	s3 =	sadd.s32 $0x88, s3;
	s6 =	simm.s32 @!p1 $0x1082;
	[sflag:s4] =	ssyncset.s32 $0xFFFFF086  }
0x25: {  	[simem:s6], [sflag:s4] =	dma.local [hbm:s3], $0xF7A  }
0x26: {  	[smem:$0x3F98] =	sst s1;
	(tag) =	ssettag s2;
	_ =	strace s9  }
0x27: {  	s1 =	sld [smem:$0x3FA8]  }
0x28: {  	s2 =	sld [smem:$0x3FA9]  }
0x29: {  	s4 =	sld [smem:$0x3FAB]  }
0x2a: {  	p0 =	seq.s32 s5, $0x0;
	s5 =	sld [smem:$0x3FAC]  }
0x2b: {  	s6 =	sld [smem:$0x3FAD]  }
0x2c: {  	s7 =	sld [smem:$0x3FAE]  }
0x2d: {  	s3 =	simm.s32 $0x108;
	s8 =	sld [smem:$0x3FAF]  }
0x2e: {  	s3 =	simm.s32 @!p0 $0x1082;
	s9 =	sld [smem:$0x3FB0]  }
0x2f: {  	lr =	sadd.s32 s0, s3;
	s0 =	sld [smem:$0x3FA7]  }
0x30: {  	s3 =	sld [smem:$0x3FAA]  }
0x31: {  	[smem:$0x3FB3] =	sst s10  }
0x32: {  	s10 =	sld [smem:$0x3FB1];
	_ =	sdelay $0x3  }
0x33: {  	p0 =	seq.s32 s10, $0x1;
	s10 =	sld [smem:$0x3FB3];
	_ =	sdelay $0x3  }
0x34: {  	[smem:$0x3FB3] =	sst s10  }
0x35: {  	s10 =	sld [smem:$0x3FB2];
	_ =	sdelay $0x3  }
0x36: {  	p1 =	seq.s32 s10, $0x1;
	s10 =	sld [smem:$0x3FB3];
	_ =	sdelay $0x3  }
0x37: {  	[smem:$0x3FB3] =	sst s10  }
0x38: {  	s10 =	sld [smem:$0x3FB4]  }
0x39: {  	_ = 	snop;
	(pc) =	sbr.ind lr, $3  }
0x3a: {  	_ = 	snop  }
0x3b: {  	_ = 	snop  }
0x3c: {  	p2 =	seq.s32 s10, $0x1;
	s10 =	sld [smem:$0x3FB3]  }
0x3d: {  	_ =	shalt  }
0x3e: {  	_ =	shalt  }
0x3f: {  	_ =	shalt  }
0x40: {  	_ =	shalt  }
0x41: {  	_ =	shalt  }
0x42: {  	_ =	shalt  }
0x43: {  	_ =	shalt  }
0x44: {  	_ =	shalt  }
0x45: {  	_ =	shalt  }
0x46: {  	_ =	shalt  }
0x47: {  	_ =	shalt  }
0x48: {  	_ =	shalt  }
0x49: {  	_ =	shalt  }
0x4a: {  	_ =	shalt  }
0x4b: {  	_ =	shalt  }
0x4c: {  	_ =	shalt  }
0x4d: {  	_ =	shalt  }
0x4e: {  	_ =	shalt  }
0x4f: {  	_ =	shalt  }
0x50: {  	_ =	shalt  }
0x51: {  	_ =	shalt  }
0x52: {  	_ =	shalt  }
0x53: {  	_ =	shalt  }
0x54: {  	_ =	shalt  }
0x55: {  	_ =	shalt  }
0x56: {  	_ =	shalt  }
0x57: {  	_ =	shalt  }
0x58: {  	_ =	shalt  }
0x59: {  	_ =	shalt  }
0x5a: {  	_ =	shalt  }
0x5b: {  	_ =	shalt  }
0x5c: {  	_ =	shalt  }
0x5d: {  	_ =	shalt  }
0x5e: {  	_ =	shalt  }
0x5f: {  	_ =	shalt  }
0x60: {  	_ =	shalt  }
0x61: {  	_ =	shalt  }
0x62: {  	_ =	shalt  }
0x63: {  	_ =	shalt  }
0x64: {  	_ =	shalt  }
0x65: {  	_ =	shalt  }
0x66: {  	_ =	shalt  }
0x67: {  	_ =	shalt  }
0x68: {  	_ =	shalt  }
0x69: {  	_ =	shalt  }
0x6a: {  	_ =	shalt  }
0x6b: {  	_ =	shalt  }
0x6c: {  	_ =	shalt  }
0x6d: {  	_ =	shalt  }
0x6e: {  	_ =	shalt  }
0x6f: {  	_ =	shalt  }
0x70: {  	_ =	shalt  }
0x71: {  	_ =	shalt  }
0x72: {  	_ =	shalt  }
0x73: {  	_ =	shalt  }
0x74: {  	_ =	shalt  }
0x75: {  	_ =	shalt  }
0x76: {  	_ =	shalt  }
0x77: {  	_ =	shalt  }
0x78: {  	_ =	shalt  }
0x79: {  	_ =	shalt  }
0x7a: {  	_ =	shalt  }
0x7b: {  	_ =	shalt  }
0x7c: {  	_ =	shalt  }
0x7d: {  	_ =	shalt  }
0x7e: {  	_ =	shalt  }
0x7f: {  	_ =	shalt  }
0x80: {  	_ =	shalt  }
0x81: {  	_ =	shalt  }
0x82: {  	_ =	shalt  }
0x83: {  	_ =	shalt  }
0x84: {  	_ =	shalt  }
0x85: {  	_ =	shalt  }
0x86: {  	_ =	shalt  }
0x87: {  	_ =	shalt  }
.Lfunc_end0:
.L_simem_size_0:
called_computation.1_lowered:
.L_overlay_start_0:
0x88: {  	s2 =	sld [smem:$0x3FD9]  }
0x89: {  	s3 =	sld [smem:$0x3FFE];
	_ =	sdelay $0x1  }
0x8a: {  	s1 =	srdreg.scid  }
0x8b: {  	s0 =	sand.u32 $0x1, s1  }
0x8c: {  	s17 =	sshll.u32 s0, $0xA;
	s2 =	sadd.s32 s3, s2  }
0x8d: {  	s2 =	sadd.s32 s2, s17  }
0x8e: {  	[smem:$0x3FBF] =	sst s2  }
0x8f: {  	_ = 	snop  }
0x90: {  	s2 =	sld [smem:$0x3FC9];
	(tm) =	ssettm $0x1  }
0x91: {  	s18 =	sld [smem:$0x3FFB];
	_ =	sdelay $0x3  }
0x92: {  	_ =	strace s18  }
0x93: {  	s3 =	sld [smem:$0x3FFC];
	_ =	sdelay $0x3  }
0x94: {  	_ =	strace s3  }
0x95: {  	s3 =	sld [smem:$0x3FFD];
	_ =	sdelay $0x3  }
0x96: {  	_ =	strace s3  }
0x97: {  	_ =	strace $0x8FFFFFFF  }
0x98: {  	s19 =	sld [smem:$0x3FDB];
	_ =	sdelay $0x1  }
0x99: {  	s4 =	simm.s32 $_scs_section_size  }
0x9a: {  	s5 =	simm.s32 $_size__tile_overlayer_lowered;
	s6 =	simm.s32 $_tile_overlayer_lowered  }
0x9b: {  	s22 =	simm.s32 $0x1BFF;
	s21 =	sshll.u32 s6, $0x1;
	s3 =	sadd.s32 s4, s19  }
0x9c: {  	s7 =	simm.s32 $0x0;
	s20 =	sshll.u32 s5, $0x1;
	s5 =	sadd.s32 s21, s3  }
0x9d: {  	[timem:s7], [sflag:s22] =	dma.local [hbm:s5], s20  }
0x9e: {  	_ =	swait.ge [sflag:s22], s20  }
0x9f: {  	s4 =	ssub.s32 $0x0, s20;
	[sflag:s22] =	ssyncset.done $0x0  }
0xa0: {  	[sflag:s22] =	ssyncadd.s32 s4;
	_ =	sdelay $0x1  }
0xa1: {  	s23 =	simm.s32 $0x1B8B  }
0xa2: {  	_ =	swait.ge [sflag:s23], $0x1  }
0xa3: {  	[sflag:s23] =	ssyncset.done $0x0  }
0xa4: {  	s25 =	simm.s32 $0x1B8E;
	s24 =	sld [smem:$0x3FFE];
	[sflag:s23] =	ssyncadd.s32 $0xFFFFFFFF  }
0xa5: {  	s26 =	simm.s32 $execute0_lowered;
	[smem:$0x3FD2] =	sst s25  }
0xa6: {  	s5 =	sshll.u32 s26, $0x1;
	_ =	strace $0x80000046;
	[dreg:$0x1] =	wrdreg $0xFFFFFFFF  }
0xa7: {  	s28 =	simm.s32 $_size_execute0_lowered;
	s3 =	sadd.s32 s3, s5;
	[dreg:$0x0] =	wrdreg $0x0  }
0xa8: {  	s5 =	sshll.u32 s28, $0x1;
	[dreg:$0x2] =	wrdreg s3  }
0xa9: {  	[dreg:$0x3] =	wrdreg s5  }
0xaa: {  	[dreg:$0x4] =	wrdreg $0xC0  }
0xab: {  	_ =	task [dreg:s7], $0x5FFFF  }
0xac: {  	[dreg:$0x1] =	wrdreg $0xFFFFFFFF  }
0xad: {  	[dreg:$0x0] =	wrdreg $0x60  }
0xae: {  	[dreg:$0x2] =	wrdreg s2  }
0xaf: {  	[dreg:$0x3] =	wrdreg s24  }
0xb0: {  	[dreg:$0x4] =	wrdreg $0xA  }
0xb1: {  	_ =	task.clear_ibuf [dreg:s7], $0x5FFFF;
	_ =	strace $0x90000046  }
0xb2: {  	s29 =	simm.s32 $0xA;
	_ =	strace $0x80000048  }
0xb3: {  	_ =	swait.ge [sflag:s29], $0x1  }
0xb4: {  	[sflag:s29] =	ssyncadd.s32 $0xFFFFFFFF  }
0xb5: {  	_ =	strace $0x90000048  }
0xb6: {  	_ =	sfence  }
0xb7: {  	s30 =	sld [smem:$0x0];
	_ =	sdelay $0x2  }
0xb8: {  	s31 =	sshll.u32 s1, $0xD;
	s1 =	sshrl.u32 s1, $0x2  }
0xb9: {  	s3 =	sand.u32 $0x4000, s31;
	s1 =	sadd.s32 s1, s30  }
0xba: {  	s0 =	sor.u32 s3, s0;
	s1 =	sshll.u32 s1, $0x11  }
0xbb: {  	s0 =	sor.u32 s1, s0  }
0xbc: {  	s0 =	sadd.s32 $0x8F2B, s0  }
0xbd: {  	[sflag:s0] =	ssyncadd.remote.s32 $0x1  }
0xbe: {  	_ =	sfence.sel $0xFFFF  }
0xbf: {  	[dreg:$0x0] =	wrdreg $0xFFFFFFFF;
	(pc) =	sbr.abs _section_cstart, $3  }
0xc0: {  	[dreg:$0x1] =	wrdreg $0xFFFFFFFF  }
0xc1: {  	_ =	task.clear_ibuf [dreg:s7], $0x2FFFF;
	_ =	strace $0x9FFFFFFF  }
0xc2: {  	(tm) =	ssettm $0x7FFFFFFF  }
0xc3: {  	_ =	shalt  }
tec
execute0_lowered:
.L_overlay_start_1:
0x0: {  	(tag) =	ssettag $0x1  }
0x1: {  	s1 =	rddreg [dreg:$0x0];
	s0 =	srdreg.scid  }
0x2: {  	s2 =	rddreg [dreg:$0x1];
	s7 =	stileid.u32  }
0x3: {  	s3 =	simm.s32 $0x1C;
	s4 =	simm.s32 $0x0;
	s13 =	simm.s32 $0x7  }
0x4: {  	s19 =	simm.s32 $0x3C00;
	s28 =	simm.s32 $0x7C00;
	s0 =	sand.u32 $0x1, s0  }
0x5: {  	s29 =	simm.s32 $0x8400;
	s5 =	smul.u32 $0x1400, s7;
	p0 =	seq.s32 s0, $0x0  }
0x6: {  	s30 =	simm.s32 $0x8C00;
	s7 =	smul.u32 $0x28000, s7;
	s3 =	simm.s32 @!p0 $0xC  }
0x7: {  	s31 =	simm.s32 $0x0;
	[smem:$0x7FF] =	sst s4;
	s6 =	smul.u32 $0x56, s3  }
0x8: {  	_ =	strace $0x80000047;
	s21 =	ssub.s32 $0x2, s0;
	s25 =	smul.u32 $0x1C000, s0  }
0x9: {  	s5 =	sshrl.u32 s5, $0x3;
	s9 =	sshrl.u32 s21, $0x1;
	s20 =	sadd.s32 $0xFFFFFEFE, s6  }
0xa: {  	s8 =	sadd.s32 s5, s2;
	s2 =	sadd.s32 s7, s2;
	s5 =	sshrl.u32 s20, $0x8  }
0xb: {  	s12 =	ssub.s32 s21, s9;
	s11 =	sadd.s32 $0xFFFFFF54, s6;
	s10 =	smul.u32 $0x3, s5  }
0xc: {  	s6 =	sadd.s32 $0xFFFFFFAA, s6;
	s11 =	sshrl.u32 s11, $0x8;
	s5 =	smul.u32 $0xE00, s0  }
0xd: {  	s21 =	simm.s32 $0x4C00;
	s6 =	sshrl.u32 s6, $0x8;
	s11 =	smul.u32 $0x3, s11  }
0xe: {  	s2 =	sadd.s32 s25, s2;
	s25 =	simm.s32 $0x6C00;
	s23 =	smul.u32 $0x3, s6  }
0xf: {  	s20 =	simm.s32 $0x4400;
	s6 =	sadd.s32 $0x8400, s8;
	s0 =	smul.u32 $0x3800, s0  }
0x10: {  	s10 =	ssub.s32 s3, s10;
	s24 =	ssub.s32 s3, s11;
	s9 =	sxor.u32 $0xFFFFFFFF, s23  }
0x11: {  	s26 =	sshrl.u32 s0, $0x2;
	s0 =	sadd.s32 $0xAC00, s2;
	s23 =	simm.s32 $0x5C00  }
.Ltmp0:
0x12: {  	s22 =	sadd.s32 $0xFFFFFFFD, s10;
	s8 =	sadd.s32 $0xFFFFFFFE, s24;
	(pc) =	sbr.rel .LBB2_1-.Ltmp0, $4  }
0x13: {  	s9 =	sadd.s32 s3, s9;
	s10 =	smax.u32 s12, $0x1;
	s2 =	sor.u32 $0xF0, s26  }
0x14: {  	v2 =	vlaneseq.u32;
	s24 =	simm.s32 $0x6400;
	s26 =	simm.s32 $0x7400;
	s7 =	sor.u32 $0x4, s22  }
0x15: {  	vm0 =	vmmov $0xffff;
	v1 =	vshrl.u32 v2, $0x3;
	s8 =	sor.u32 $0x4, s8;
	s9 =	sor.u32 $0x4, s9;
	s22 =	simm.s32 $0x5400  }
0x16: {  	v0 =	vand.u32 $0x7, v2;
	v2 =	vor.u32 $0x8, v2;
	v1 =	vmul.u32 $0x8, v1;
	s7 =	sand.u32 $0xFF, s7;
	s8 =	sand.u32 $0xFF, s8;
	s9 =	sand.u32 $0xFF, s9  }
.LBB2_5:
0x17: {  	_ =	swait.ge [sflag:s7], $0x8000  }
0x18: {  	[sflag:s7] =	ssyncset.done $0x0  }
0x19: {  	s31 =	sadd.s32 $0x1, s31;
	[sflag:s7] =	ssyncadd.s32 $0xFFFF8000  }
0x1a: {  	p0 =	sne.s32 s31, s10;
	_ =	swait.ge [sflag:s8], $0x8000  }
.Ltmp1:
0x1b: {  	[sflag:s8] =	ssyncset.done $0x0;
	(pc) =	sbr.rel @!p0 .LBB2_6-.Ltmp1, $4  }
0x1c: {  	[sflag:s8] =	ssyncadd.s32 $0xFFFF8000  }
0x1d: {  	_ =	swait.ge [sflag:s9], $0x8000  }
0x1e: {  	[sflag:s9] =	ssyncset.done $0x0  }
0x1f: {  	[sflag:s9] =	ssyncadd.s32 $0xFFFF8000  }
.LBB2_1:
0x20: {  	[tilespmem:s4], [sflag:$0x7] =	stream.linear.gather [hbm4b:s6+s4], $0x1400, $0x38;
	[tilespmem:$0x19400] =	vst v63  }
0x21: {  	_ =	swait.ge [sflag:s13], $0x1400  }
0x22: {  	[sflag:s13] =	ssyncset.done $0x0  }
0x23: {  	[sflag:s13] =	ssyncadd.s32 $0xFFFFEC00  }
0x24: {  	v3 =	vld [tilespmem:s5+$0x0];
	_ =	sdelay $0x4  }
0x25: {  	v4 =	vshll.u32 v3, $0x1  }
0x26: {  	v3 =	vand.u32 $0x7, v3;
	v4 =	vand.u32 $0xFFFFFFF0, v4  }
0x27: {  	v3 =	vor.u32 v3, v4  }
0x28: {  	v4 =	vperm.xlane v3, v0;
	_ =	sdelay $0x1  }
0x29: {  	v3 =	vperm.xlane v3, v2;
	v4 =	vadd.s32 v1, v4;
	_ =	sdelay $0x1  }
0x2a: {  	v3 =	vadd.s32 v1, v3;
	_ =	sdelay $0x1  }
0x2b: {  	s11 =	simm.s32 $0x1400  }
0x2c: {  	[tilespmem:s11], [sflag:$0x1] =	stream.indirect_vreg.gather [hbm4b:s1+s4], $0x80, v4, vm0, $0xb8;
	[tilespmem:$0x19400] =	vst v63  }
0x2d: {  	s15 =	simm.s32 $0x1C00  }
0x2e: {  	[tilespmem:s15], [sflag:$0x1] =	stream.indirect_vreg.gather [hbm4b:s1+s4], $0x80, v3, vm0, $0xb8;
	[tilespmem:$0x19400] =	vst v63  }
0x2f: {  	v3 =	vld [tilespmem:s5+$0x10];
	_ =	sdelay $0x4  }
0x30: {  	v57 =	vshll.u32 v3, $0x1  }
0x31: {  	v3 =	vand.u32 $0x7, v3;
	v4 =	vand.u32 $0xFFFFFFF0, v57  }
0x32: {  	v3 =	vor.u32 v3, v4  }
0x33: {  	v4 =	vperm.xlane v3, v0;
	_ =	sdelay $0x1  }
0x34: {  	v3 =	vperm.xlane v3, v2;
	v4 =	vadd.s32 v1, v4;
	_ =	sdelay $0x1  }
0x35: {  	v3 =	vadd.s32 v1, v3;
	_ =	sdelay $0x1  }
0x36: {  	s16 =	simm.s32 $0x2400  }
0x37: {  	[tilespmem:s16], [sflag:$0x1] =	stream.indirect_vreg.gather [hbm4b:s1+s4], $0x80, v4, vm0, $0xb8;
	[tilespmem:$0x19400] =	vst v63  }
0x38: {  	s17 =	simm.s32 $0x2C00  }
0x39: {  	[tilespmem:s17], [sflag:$0x1] =	stream.indirect_vreg.gather [hbm4b:s1+s4], $0x80, v3, vm0, $0xb8;
	[tilespmem:$0x19400] =	vst v63  }
0x3a: {  	v3 =	vld [tilespmem:s5+$0x20];
	_ =	sdelay $0x4  }
0x3b: {  	v58 =	vshll.u32 v3, $0x1  }
0x3c: {  	v3 =	vand.u32 $0x7, v3;
	v4 =	vand.u32 $0xFFFFFFF0, v58  }
0x3d: {  	v3 =	vor.u32 v3, v4  }
0x3e: {  	v4 =	vperm.xlane v3, v0;
	_ =	sdelay $0x1  }
0x3f: {  	v3 =	vperm.xlane v3, v2;
	v4 =	vadd.s32 v1, v4;
	_ =	sdelay $0x1  }
0x40: {  	v3 =	vadd.s32 v1, v3;
	_ =	sdelay $0x1  }
0x41: {  	s18 =	simm.s32 $0x3400  }
0x42: {  	[tilespmem:s18], [sflag:$0x1] =	stream.indirect_vreg.gather [hbm4b:s1+s4], $0x80, v4, vm0, $0xb8;
	[tilespmem:$0x19400] =	vst v63  }
0x43: {  	_ = 	snop  }
0x44: {  	[tilespmem:s19], [sflag:$0x1] =	stream.indirect_vreg.gather [hbm4b:s1+s4], $0x80, v3, vm0, $0xb8;
	[tilespmem:$0x19400] =	vst v63  }
0x45: {  	v3 =	vld [tilespmem:s5+$0x30];
	_ =	sdelay $0x4  }
0x46: {  	v59 =	vshll.u32 v3, $0x1  }
0x47: {  	v3 =	vand.u32 $0x7, v3;
	v4 =	vand.u32 $0xFFFFFFF0, v59  }
0x48: {  	v3 =	vor.u32 v3, v4  }
0x49: {  	v4 =	vperm.xlane v3, v0;
	_ =	sdelay $0x1  }
0x4a: {  	v3 =	vperm.xlane v3, v2;
	v4 =	vadd.s32 v1, v4;
	_ =	sdelay $0x1  }
0x4b: {  	v3 =	vadd.s32 v1, v3;
	_ =	sdelay $0x2  }
0x4c: {  	[tilespmem:s20], [sflag:$0x1] =	stream.indirect_vreg.gather [hbm4b:s1+s4], $0x80, v4, vm0, $0xb8;
	[tilespmem:$0x19400] =	vst v63  }
0x4d: {  	_ = 	snop  }
0x4e: {  	[tilespmem:s21], [sflag:$0x1] =	stream.indirect_vreg.gather [hbm4b:s1+s4], $0x80, v3, vm0, $0xb8;
	[tilespmem:$0x19400] =	vst v63  }
0x4f: {  	v3 =	vld [tilespmem:s5+$0x40];
	_ =	sdelay $0x4  }
0x50: {  	v60 =	vshll.u32 v3, $0x1  }
0x51: {  	v3 =	vand.u32 $0x7, v3;
	v4 =	vand.u32 $0xFFFFFFF0, v60  }
0x52: {  	v3 =	vor.u32 v3, v4  }
0x53: {  	v4 =	vperm.xlane v3, v0;
	_ =	sdelay $0x1  }
0x54: {  	v3 =	vperm.xlane v3, v2;
	v4 =	vadd.s32 v1, v4;
	_ =	sdelay $0x1  }
0x55: {  	v3 =	vadd.s32 v1, v3;
	_ =	sdelay $0x2  }
0x56: {  	[tilespmem:s22], [sflag:$0x1] =	stream.indirect_vreg.gather [hbm4b:s1+s4], $0x80, v4, vm0, $0xb8;
	[tilespmem:$0x19400] =	vst v63  }
0x57: {  	_ = 	snop  }
0x58: {  	[tilespmem:s23], [sflag:$0x1] =	stream.indirect_vreg.gather [hbm4b:s1+s4], $0x80, v3, vm0, $0xb8;
	[tilespmem:$0x19400] =	vst v63  }
0x59: {  	v3 =	vld [tilespmem:s5+$0x50];
	_ =	sdelay $0x4  }
0x5a: {  	v61 =	vshll.u32 v3, $0x1  }
0x5b: {  	v3 =	vand.u32 $0x7, v3;
	v4 =	vand.u32 $0xFFFFFFF0, v61  }
0x5c: {  	v3 =	vor.u32 v3, v4  }
0x5d: {  	v4 =	vperm.xlane v3, v0;
	_ =	sdelay $0x1  }
0x5e: {  	v3 =	vperm.xlane v3, v2;
	v4 =	vadd.s32 v1, v4;
	_ =	sdelay $0x1  }
0x5f: {  	v3 =	vadd.s32 v1, v3;
	_ =	sdelay $0x2  }
0x60: {  	[tilespmem:s24], [sflag:$0x1] =	stream.indirect_vreg.gather [hbm4b:s1+s4], $0x80, v4, vm0, $0xb8;
	[tilespmem:$0x19400] =	vst v63  }
0x61: {  	_ = 	snop  }
0x62: {  	[tilespmem:s25], [sflag:$0x1] =	stream.indirect_vreg.gather [hbm4b:s1+s4], $0x80, v3, vm0, $0xb8;
	[tilespmem:$0x19400] =	vst v63  }
0x63: {  	v3 =	vld [tilespmem:s5+$0x60];
	_ =	sdelay $0x4  }
0x64: {  	v62 =	vshll.u32 v3, $0x1  }
0x65: {  	v3 =	vand.u32 $0x7, v3;
	v4 =	vand.u32 $0xFFFFFFF0, v62  }
0x66: {  	v3 =	vor.u32 v3, v4  }
0x67: {  	v4 =	vperm.xlane v3, v0;
	_ =	sdelay $0x1  }
0x68: {  	v3 =	vperm.xlane v3, v2;
	v4 =	vadd.s32 v1, v4;
	_ =	sdelay $0x1  }
0x69: {  	v3 =	vadd.s32 v1, v3;
	_ =	sdelay $0x2  }
0x6a: {  	[tilespmem:s26], [sflag:$0x1] =	stream.indirect_vreg.gather [hbm4b:s1+s4], $0x80, v4, vm0, $0xb8;
	[tilespmem:$0x19400] =	vst v63  }
0x6b: {  	_ = 	snop  }
0x6c: {  	[tilespmem:s28], [sflag:$0x1] =	stream.indirect_vreg.gather [hbm4b:s1+s4], $0x80, v3, vm0, $0xb8;
	[tilespmem:$0x19400] =	vst v63  }
0x6d: {  	v3 =	vld [tilespmem:s5+$0x70];
	_ =	sdelay $0x4  }
0x6e: {  	v63 =	vshll.u32 v3, $0x1  }
0x6f: {  	v3 =	vand.u32 $0x7, v3;
	v4 =	vand.u32 $0xFFFFFFF0, v63  }
0x70: {  	v3 =	vor.u32 v3, v4  }
0x71: {  	v4 =	vperm.xlane v3, v0;
	_ =	sdelay $0x1  }
0x72: {  	v3 =	vperm.xlane v3, v2;
	v4 =	vadd.s32 v1, v4;
	_ =	sdelay $0x1  }
0x73: {  	v3 =	vadd.s32 v1, v3  }
.Ltmp2:
0x74: {  	_ = 	snop;
	(pc) =	sbr.rel .LBB2_2-.Ltmp2, $4  }
0x75: {  	_ = 	snop  }
0x76: {  	[tilespmem:s29], [sflag:$0x1] =	stream.indirect_vreg.gather [hbm4b:s1+s4], $0x80, v4, vm0, $0xb8;
	[tilespmem:$0x19400] =	vst v63  }
0x77: {  	s12 =	smov.u32 s2;
	s14 =	simm.s32 $0x0;
	s11 =	smov.u32 s0  }
0x78: {  	[tilespmem:s30], [sflag:$0x1] =	stream.indirect_vreg.gather [hbm4b:s1+s4], $0x80, v3, vm0, $0xb8;
	[tilespmem:$0x19400] =	vst v63  }
.LBB2_4:
0x79: {  	s16 =	smul.u32 $0xAB, s14;
	_ =	sdelay $0x1  }
0x7a: {  	s16 =	sshrl.u32 s16, $0x9  }
0x7b: {  	s16 =	sand.u32 $0x7F, s16  }
0x7c: {  	s16 =	smul.u32 $0x3, s16;
	_ =	sdelay $0x1  }
0x7d: {  	s16 =	ssub.s32 s14, s16  }
0x7e: {  	p0 =	sge.u32 s14, s3;
	s16 =	sand.u32 $0xFF, s16  }
0x7f: {  	s14 =	sadd.s32 @!p0 $0x1, s16  }
0x80: {  	_ =	swait.ge @!p0 [sflag:s14], $0x8000  }
0x81: {  	[sflag:s14] =	ssyncset.done @!p0 $0x0  }
0x82: {  	[sflag:s14] =	ssyncadd.s32 @!p0 $0xFFFF8000;
	s14 =	sshll.u32 @!p0 s16, $0xF  }
0x83: {  	s17 =	simm.s32 @!p0 $0x0;
	s16 =	sadd.s32 @!p0 $0x4, s16;
	s14 =	sor.u32 @!p0 $0x1400, s14  }
0x84: {  	[hbm4b:s11+s17] =	stream.linear.scatter @!p0 [tilespmem:s14], [sflag:s16], $0x8000, $0x38;
	[tilespmem:$0x19400] =	vst v63  }
0x85: {  	p0 =	sne.s32 s15, $0x1C  }
.Ltmp3:
0x86: {  	_ = 	snop;
	(pc) =	sbr.rel @!p0 .LBB2_5-.Ltmp3, $2  }
0x87: {  	_ =	sdelay $0x2  }
0x88: {  	s12 =	sadd.s32 $0x80, s12;
	s11 =	sadd.s32 $0x1000, s11;
	s14 =	smov.u32 s15  }
.LBB2_2:
0x89: {  	s15 =	sadd.s32 $0x1, s14  }
0x8a: {  	p0 =	sge.u32 s15, s3  }
.Ltmp4:
0x8b: {  	_ = 	snop;
	(pc) =	sbr.rel @p0 .LBB2_4-.Ltmp4, $1  }
0x8c: {  	_ =	sdelay $0x3  }
0x8d: {  	s16 =	smul.u32 $0xAB, s15;
	_ =	sdelay $0x1  }
0x8e: {  	s16 =	sshrl.u32 s16, $0x9  }
0x8f: {  	s16 =	sand.u32 $0x7F, s16  }
0x90: {  	s16 =	smul.u32 $0x3, s16;
	_ =	sdelay $0x1  }
0x91: {  	s16 =	ssub.s32 s15, s16  }
0x92: {  	p0 =	slt.u32 s14, $0x2;
	s17 =	sand.u32 $0xFF, s16  }
0x93: {  	s16 =	sadd.s32 @!p0 $0x4, s17  }
0x94: {  	_ =	swait.ge @!p0 [sflag:s16], $0x8000  }
0x95: {  	[sflag:s16] =	ssyncset.done @!p0 $0x0  }
0x96: {  	[sflag:s16] =	ssyncadd.s32 @!p0 $0xFFFF8000  }
0x97: {  	v3 =	vld [tilespmem:s12+$0xFFFFFF90];
	_ =	sdelay $0x4  }
0x98: {  	v4 =	vshll.u32 v3, $0x1  }
0x99: {  	v3 =	vand.u32 $0x7, v3;
	v4 =	vand.u32 $0xFFFFFFF0, v4  }
0x9a: {  	v3 =	vor.u32 v3, v4  }
0x9b: {  	v4 =	vperm.xlane v3, v0;
	_ =	sdelay $0x1  }
0x9c: {  	v3 =	vperm.xlane v3, v2;
	v4 =	vadd.s32 v1, v4;
	_ =	sdelay $0x1  }
0x9d: {  	v3 =	vadd.s32 v1, v3  }
0x9e: {  	s16 =	sshll.u32 s17, $0xF  }
0x9f: {  	s17 =	sadd.s32 $0x1, s17;
	s18 =	sor.u32 $0x1400, s16  }
0xa0: {  	[tilespmem:s18], [sflag:s17] =	stream.indirect_vreg.gather [hbm4b:s1+s4], $0x80, v4, vm0, $0xb8;
	[tilespmem:$0x19400] =	vst v63  }
0xa1: {  	s18 =	sor.u32 $0x1C00, s16  }
0xa2: {  	[tilespmem:s18], [sflag:s17] =	stream.indirect_vreg.gather [hbm4b:s1+s4], $0x80, v3, vm0, $0xb8;
	[tilespmem:$0x19400] =	vst v63  }
0xa3: {  	v3 =	vld [tilespmem:s12+$0xFFFFFFA0];
	_ =	sdelay $0x4  }
0xa4: {  	v57 =	vshll.u32 v3, $0x1  }
0xa5: {  	v3 =	vand.u32 $0x7, v3;
	v4 =	vand.u32 $0xFFFFFFF0, v57  }
0xa6: {  	v3 =	vor.u32 v3, v4  }
0xa7: {  	v4 =	vperm.xlane v3, v0;
	_ =	sdelay $0x1  }
0xa8: {  	v3 =	vperm.xlane v3, v2;
	v4 =	vadd.s32 v1, v4;
	_ =	sdelay $0x1  }
0xa9: {  	v3 =	vadd.s32 v1, v3;
	_ =	sdelay $0x1  }
0xaa: {  	s18 =	sor.u32 $0x2400, s16  }
0xab: {  	[tilespmem:s18], [sflag:s17] =	stream.indirect_vreg.gather [hbm4b:s1+s4], $0x80, v4, vm0, $0xb8;
	[tilespmem:$0x19400] =	vst v63  }
0xac: {  	s18 =	sor.u32 $0x2C00, s16  }
0xad: {  	[tilespmem:s18], [sflag:s17] =	stream.indirect_vreg.gather [hbm4b:s1+s4], $0x80, v3, vm0, $0xb8;
	[tilespmem:$0x19400] =	vst v63  }
0xae: {  	v3 =	vld [tilespmem:s12+$0xFFFFFFB0];
	_ =	sdelay $0x4  }
0xaf: {  	v58 =	vshll.u32 v3, $0x1  }
0xb0: {  	v3 =	vand.u32 $0x7, v3;
	v4 =	vand.u32 $0xFFFFFFF0, v58  }
0xb1: {  	v3 =	vor.u32 v3, v4  }
0xb2: {  	v4 =	vperm.xlane v3, v0;
	_ =	sdelay $0x1  }
0xb3: {  	v3 =	vperm.xlane v3, v2;
	v4 =	vadd.s32 v1, v4;
	_ =	sdelay $0x1  }
0xb4: {  	v3 =	vadd.s32 v1, v3;
	_ =	sdelay $0x1  }
0xb5: {  	s18 =	sor.u32 $0x3400, s16  }
0xb6: {  	[tilespmem:s18], [sflag:s17] =	stream.indirect_vreg.gather [hbm4b:s1+s4], $0x80, v4, vm0, $0xb8;
	[tilespmem:$0x19400] =	vst v63  }
0xb7: {  	s18 =	sor.u32 $0x3C00, s16  }
0xb8: {  	[tilespmem:s18], [sflag:s17] =	stream.indirect_vreg.gather [hbm4b:s1+s4], $0x80, v3, vm0, $0xb8;
	[tilespmem:$0x19400] =	vst v63  }
0xb9: {  	v3 =	vld [tilespmem:s12+$0xFFFFFFC0];
	_ =	sdelay $0x4  }
0xba: {  	v59 =	vshll.u32 v3, $0x1  }
0xbb: {  	v3 =	vand.u32 $0x7, v3;
	v4 =	vand.u32 $0xFFFFFFF0, v59  }
0xbc: {  	v3 =	vor.u32 v3, v4  }
0xbd: {  	v4 =	vperm.xlane v3, v0;
	_ =	sdelay $0x1  }
0xbe: {  	v3 =	vperm.xlane v3, v2;
	v4 =	vadd.s32 v1, v4;
	_ =	sdelay $0x1  }
0xbf: {  	v3 =	vadd.s32 v1, v3;
	_ =	sdelay $0x1  }
0xc0: {  	s18 =	sor.u32 $0x4400, s16  }
0xc1: {  	[tilespmem:s18], [sflag:s17] =	stream.indirect_vreg.gather [hbm4b:s1+s4], $0x80, v4, vm0, $0xb8;
	[tilespmem:$0x19400] =	vst v63  }
0xc2: {  	s18 =	sor.u32 $0x4C00, s16  }
0xc3: {  	[tilespmem:s18], [sflag:s17] =	stream.indirect_vreg.gather [hbm4b:s1+s4], $0x80, v3, vm0, $0xb8;
	[tilespmem:$0x19400] =	vst v63  }
0xc4: {  	v3 =	vld [tilespmem:s12+$0xFFFFFFD0];
	_ =	sdelay $0x4  }
0xc5: {  	v60 =	vshll.u32 v3, $0x1  }
0xc6: {  	v3 =	vand.u32 $0x7, v3;
	v4 =	vand.u32 $0xFFFFFFF0, v60  }
0xc7: {  	v3 =	vor.u32 v3, v4  }
0xc8: {  	v4 =	vperm.xlane v3, v0;
	_ =	sdelay $0x1  }
0xc9: {  	v3 =	vperm.xlane v3, v2;
	v4 =	vadd.s32 v1, v4;
	_ =	sdelay $0x1  }
0xca: {  	v3 =	vadd.s32 v1, v3;
	_ =	sdelay $0x1  }
0xcb: {  	s18 =	sor.u32 $0x5400, s16  }
0xcc: {  	[tilespmem:s18], [sflag:s17] =	stream.indirect_vreg.gather [hbm4b:s1+s4], $0x80, v4, vm0, $0xb8;
	[tilespmem:$0x19400] =	vst v63  }
0xcd: {  	s18 =	sor.u32 $0x5C00, s16  }
0xce: {  	[tilespmem:s18], [sflag:s17] =	stream.indirect_vreg.gather [hbm4b:s1+s4], $0x80, v3, vm0, $0xb8;
	[tilespmem:$0x19400] =	vst v63  }
0xcf: {  	v3 =	vld [tilespmem:s12+$0xFFFFFFE0];
	_ =	sdelay $0x4  }
0xd0: {  	v61 =	vshll.u32 v3, $0x1  }
0xd1: {  	v3 =	vand.u32 $0x7, v3;
	v4 =	vand.u32 $0xFFFFFFF0, v61  }
0xd2: {  	v3 =	vor.u32 v3, v4  }
0xd3: {  	v4 =	vperm.xlane v3, v0;
	_ =	sdelay $0x1  }
0xd4: {  	v3 =	vperm.xlane v3, v2;
	v4 =	vadd.s32 v1, v4;
	_ =	sdelay $0x1  }
0xd5: {  	v3 =	vadd.s32 v1, v3;
	_ =	sdelay $0x1  }
0xd6: {  	s18 =	sor.u32 $0x6400, s16  }
0xd7: {  	[tilespmem:s18], [sflag:s17] =	stream.indirect_vreg.gather [hbm4b:s1+s4], $0x80, v4, vm0, $0xb8;
	[tilespmem:$0x19400] =	vst v63  }
0xd8: {  	s18 =	sor.u32 $0x6C00, s16  }
0xd9: {  	[tilespmem:s18], [sflag:s17] =	stream.indirect_vreg.gather [hbm4b:s1+s4], $0x80, v3, vm0, $0xb8;
	[tilespmem:$0x19400] =	vst v63  }
0xda: {  	v3 =	vld [tilespmem:s12+$0xFFFFFFF0];
	_ =	sdelay $0x4  }
0xdb: {  	v62 =	vshll.u32 v3, $0x1  }
0xdc: {  	v3 =	vand.u32 $0x7, v3;
	v4 =	vand.u32 $0xFFFFFFF0, v62  }
0xdd: {  	v3 =	vor.u32 v3, v4  }
0xde: {  	v4 =	vperm.xlane v3, v0;
	_ =	sdelay $0x1  }
0xdf: {  	v3 =	vperm.xlane v3, v2;
	v4 =	vadd.s32 v1, v4;
	_ =	sdelay $0x1  }
0xe0: {  	v3 =	vadd.s32 v1, v3;
	_ =	sdelay $0x1  }
0xe1: {  	s18 =	sor.u32 $0x7400, s16  }
0xe2: {  	[tilespmem:s18], [sflag:s17] =	stream.indirect_vreg.gather [hbm4b:s1+s4], $0x80, v4, vm0, $0xb8;
	[tilespmem:$0x19400] =	vst v63  }
0xe3: {  	s18 =	sor.u32 $0x7C00, s16  }
0xe4: {  	[tilespmem:s18], [sflag:s17] =	stream.indirect_vreg.gather [hbm4b:s1+s4], $0x80, v3, vm0, $0xb8;
	[tilespmem:$0x19400] =	vst v63  }
0xe5: {  	v3 =	vld [tilespmem:s12+$0x0];
	_ =	sdelay $0x4  }
0xe6: {  	v63 =	vshll.u32 v3, $0x1  }
0xe7: {  	v3 =	vand.u32 $0x7, v3;
	v4 =	vand.u32 $0xFFFFFFF0, v63  }
0xe8: {  	v3 =	vor.u32 v3, v4  }
0xe9: {  	v4 =	vperm.xlane v3, v0;
	_ =	sdelay $0x1  }
0xea: {  	v3 =	vperm.xlane v3, v2;
	v4 =	vadd.s32 v1, v4;
	_ =	sdelay $0x1  }
0xeb: {  	v3 =	vadd.s32 v1, v3  }
.Ltmp5:
0xec: {  	_ = 	snop;
	(pc) =	sbr.rel .LBB2_4-.Ltmp5, $4  }
0xed: {  	s18 =	sadd.s32 $0x8400, s16  }
0xee: {  	[tilespmem:s18], [sflag:s17] =	stream.indirect_vreg.gather [hbm4b:s1+s4], $0x80, v4, vm0, $0xb8;
	[tilespmem:$0x19400] =	vst v63  }
0xef: {  	s16 =	sadd.s32 $0x8C00, s16  }
0xf0: {  	[tilespmem:s16], [sflag:s17] =	stream.indirect_vreg.gather [hbm4b:s1+s4], $0x80, v3, vm0, $0xb8;
	[tilespmem:$0x19400] =	vst v63  }
.LBB2_6:
0xf1: {  	_ =	sfence.sel $0x180000  }
0xf2: {  	[bflag:$0x0] =	sbarrier.arrive $0xFFFF  }
0xf3: {  	_ =	strace $0x90000047  }
0xf4: {  	s0 =	stileid.u32;
	[bflag:$0x2] =	sbarrier.arrive $0xFFFF  }
0xf5: {  	p0 =	sne.s32 s0, $0x0;
	s0 =	rddreg [dreg:$0x2]  }
0xf6: {  	s0 =	sadd.s32 @!p0 $0x100000, s0  }
0xf7: {  	[sflag:s0] =	ssyncadd.tile.s32 @!p0 $0x1;
	_ =	shalt  }
.Lfunc_end2:
_tile_overlayer_lowered:
.L_overlay_start_2:
0xf8: {  	(tag) =	ssettag $0x2  }
0xf9: {  	s0 =	rddreg [dreg:$0x0];
	s2 =	stileid.u32  }
0xfa: {  	s1 =	rddreg [dreg:$0x1];
	p0 =	sne.s32 s2, $0x0  }
0xfb: {  	s3 =	rddreg [dreg:$0x2];
	[bflag:$0x3] =	sbarrier.arrive $0xFFFF;
	s2 =	simm.s32 @!p0 $0x1C07  }
0xfc: {  	[timem:s3], [sflag:s2] =	dma.local @!p0 [hbm:s0], s1  }
0xfd: {  	s0 =	simm.s32 @!p0 $0x7  }
0xfe: {  	_ =	swait.ge @!p0 [sflag:s0], s1  }
0xff: {  	s1 =	ssub.s32 @!p0 $0x0, s1;
	[sflag:s0] =	ssyncset.done @!p0 $0x0  }
0x100: {  	[sflag:s0] =	ssyncadd.s32 @!p0 s1  }
0x101: {  	[bflag:$0x3] =	sbarrier.arrive $0xFFFF  }
0x102: {  	_ =	shalt  }

// kernel: kernel.15.cloned.1.call-start
scs
__scs_entry_jumppad:
0x0: {  	(pc) =	sbr.rel $0x88, $3  }
0x1: {  	(tag) =	ssettag $0x0;
	lr =	simm.s32 $0x1  }
0x2: {  	[smem:$0x3F98] =	sst lr;
	_ =	strace $0xD0000000  }
0x3: {  	_ = 	snop  }
0x4: {  	_ = 	snop  }
0x5: {  	_ = 	snop  }
0x6: {  	_ = 	snop  }
0x7: {  	_ = 	snop  }
__scs_overlays_trampoline_lowered:
0x8: {  	[smem:$0x3FA7] =	sst s0  }
0x9: {  	[smem:$0x3FA8] =	sst s1  }
0xa: {  	[smem:$0x3FA9] =	sst s2  }
0xb: {  	[smem:$0x3FAA] =	sst s3  }
0xc: {  	[smem:$0x3FAB] =	sst s4  }
0xd: {  	[smem:$0x3FAC] =	sst s5  }
0xe: {  	[smem:$0x3FAD] =	sst s6  }
0xf: {  	[smem:$0x3FAE] =	sst s7  }
0x10: {  	[smem:$0x3FAF] =	sst s8  }
0x11: {  	[smem:$0x3FB0] =	sst s9;
	s0 =	simm.s32 @!p0 $0x0  }
0x12: {  	s1 =	sld [smem:$0x3F96];
	s0 =	simm.s32 @p0 $0x1  }
0x13: {  	[smem:$0x3FB1] =	sst s0;
	s0 =	simm.s32 @!p1 $0x0  }
0x14: {  	s2 =	sld [smem:$0x3F95];
	s0 =	simm.s32 @p1 $0x1  }
0x15: {  	[smem:$0x3FB2] =	sst s0;
	s0 =	simm.s32 @!p2 $0x0  }
0x16: {  	s3 =	sld [smem:$0x3FDB];
	s0 =	simm.s32 @p2 $0x1  }
0x17: {  	s4 =	simm.s32 $0x1BF5;
	[smem:$0x3FB4] =	sst s0  }
0x18: {  	s0 =	sld [smem:$0x3F97];
	_ =	swait.ge [sflag:s4], $0x0  }
0x19: {  	s7 =	sld [smem:$0x3F98]  }
0x1a: {  	s8 =	sadd.s32 $0xFFFFE003, lr  }
0x1b: {  	s9 =	sadd.s32 $0xFFFFFEF7, lr;
	s5 =	simm.s32 $0xFFFFFFFF;
	p2 =	slt.u32 s8, $0xFFFFF086  }
0x1c: {  	p1 =	slt.u32 s9, $0xF7A;
	s5 =	simm.s32 @!p2 $0x0  }
0x1d: {  	s5 =	simm.s32 @p1 $0x1;
	p0 =	seq.s32 s7, s2  }
0x1e: {  	s7 =	smul.u32 @!p0 $0xF7A, s2;
	p2 =	seq.s32 @!p0 s5, $0x0  }
0x1f: {  	s9 =	smul.u32 $0xF7A, s1;
	s8 =	simm.s32 @!p0 $0x1BF5;
	p2 =	por !p2, p0  }
0x20: {  	[sflag:s8] =	ssyncset.s32 @!p0 $0xFFFFF086;
	s6 =	sadd.s32 @!p0 s3, s7;
	s7 =	simm.s32 @!p0 $0x108  }
0x21: {  	s3 =	sadd.s32 s3, s9;
	s6 =	sadd.s32 @!p0 $0x88, s6;
	s7 =	simm.s32 @p2 $0x1082  }
0x22: {  	[simem:s7], [sflag:s8] =	dma.local @!p0 [hbm:s6], $0xF7A  }
0x23: {  	s9 =	sor.u32 $0xD0000000, s2;
	s6 =	simm.s32 $0x108;
	_ =	swait.ge @!p0 [sflag:s8], $0x0  }
0x24: {  	s3 =	sadd.s32 $0x88, s3;
	s6 =	simm.s32 @!p1 $0x1082;
	[sflag:s4] =	ssyncset.s32 $0xFFFFF086  }
0x25: {  	[simem:s6], [sflag:s4] =	dma.local [hbm:s3], $0xF7A  }
0x26: {  	[smem:$0x3F98] =	sst s1;
	(tag) =	ssettag s2;
	_ =	strace s9  }
0x27: {  	s1 =	sld [smem:$0x3FA8]  }
0x28: {  	s2 =	sld [smem:$0x3FA9]  }
0x29: {  	s4 =	sld [smem:$0x3FAB]  }
0x2a: {  	p0 =	seq.s32 s5, $0x0;
	s5 =	sld [smem:$0x3FAC]  }
0x2b: {  	s6 =	sld [smem:$0x3FAD]  }
0x2c: {  	s7 =	sld [smem:$0x3FAE]  }
0x2d: {  	s3 =	simm.s32 $0x108;
	s8 =	sld [smem:$0x3FAF]  }
0x2e: {  	s3 =	simm.s32 @!p0 $0x1082;
	s9 =	sld [smem:$0x3FB0]  }
0x2f: {  	lr =	sadd.s32 s0, s3;
	s0 =	sld [smem:$0x3FA7]  }
0x30: {  	s3 =	sld [smem:$0x3FAA]  }
0x31: {  	[smem:$0x3FB3] =	sst s10  }
0x32: {  	s10 =	sld [smem:$0x3FB1];
	_ =	sdelay $0x3  }
0x33: {  	p0 =	seq.s32 s10, $0x1;
	s10 =	sld [smem:$0x3FB3];
	_ =	sdelay $0x3  }
0x34: {  	[smem:$0x3FB3] =	sst s10  }
0x35: {  	s10 =	sld [smem:$0x3FB2];
	_ =	sdelay $0x3  }
0x36: {  	p1 =	seq.s32 s10, $0x1;
	s10 =	sld [smem:$0x3FB3];
	_ =	sdelay $0x3  }
0x37: {  	[smem:$0x3FB3] =	sst s10  }
0x38: {  	s10 =	sld [smem:$0x3FB4]  }
0x39: {  	_ = 	snop;
	(pc) =	sbr.ind lr, $3  }
0x3a: {  	_ = 	snop  }
0x3b: {  	_ = 	snop  }
0x3c: {  	p2 =	seq.s32 s10, $0x1;
	s10 =	sld [smem:$0x3FB3]  }
0x3d: {  	_ =	shalt  }
0x3e: {  	_ =	shalt  }
0x3f: {  	_ =	shalt  }
0x40: {  	_ =	shalt  }
0x41: {  	_ =	shalt  }
0x42: {  	_ =	shalt  }
0x43: {  	_ =	shalt  }
0x44: {  	_ =	shalt  }
0x45: {  	_ =	shalt  }
0x46: {  	_ =	shalt  }
0x47: {  	_ =	shalt  }
0x48: {  	_ =	shalt  }
0x49: {  	_ =	shalt  }
0x4a: {  	_ =	shalt  }
0x4b: {  	_ =	shalt  }
0x4c: {  	_ =	shalt  }
0x4d: {  	_ =	shalt  }
0x4e: {  	_ =	shalt  }
0x4f: {  	_ =	shalt  }
0x50: {  	_ =	shalt  }
0x51: {  	_ =	shalt  }
0x52: {  	_ =	shalt  }
0x53: {  	_ =	shalt  }
0x54: {  	_ =	shalt  }
0x55: {  	_ =	shalt  }
0x56: {  	_ =	shalt  }
0x57: {  	_ =	shalt  }
0x58: {  	_ =	shalt  }
0x59: {  	_ =	shalt  }
0x5a: {  	_ =	shalt  }
0x5b: {  	_ =	shalt  }
0x5c: {  	_ =	shalt  }
0x5d: {  	_ =	shalt  }
0x5e: {  	_ =	shalt  }
0x5f: {  	_ =	shalt  }
0x60: {  	_ =	shalt  }
0x61: {  	_ =	shalt  }
0x62: {  	_ =	shalt  }
0x63: {  	_ =	shalt  }
0x64: {  	_ =	shalt  }
0x65: {  	_ =	shalt  }
0x66: {  	_ =	shalt  }
0x67: {  	_ =	shalt  }
0x68: {  	_ =	shalt  }
0x69: {  	_ =	shalt  }
0x6a: {  	_ =	shalt  }
0x6b: {  	_ =	shalt  }
0x6c: {  	_ =	shalt  }
0x6d: {  	_ =	shalt  }
0x6e: {  	_ =	shalt  }
0x6f: {  	_ =	shalt  }
0x70: {  	_ =	shalt  }
0x71: {  	_ =	shalt  }
0x72: {  	_ =	shalt  }
0x73: {  	_ =	shalt  }
0x74: {  	_ =	shalt  }
0x75: {  	_ =	shalt  }
0x76: {  	_ =	shalt  }
0x77: {  	_ =	shalt  }
0x78: {  	_ =	shalt  }
0x79: {  	_ =	shalt  }
0x7a: {  	_ =	shalt  }
0x7b: {  	_ =	shalt  }
0x7c: {  	_ =	shalt  }
0x7d: {  	_ =	shalt  }
0x7e: {  	_ =	shalt  }
0x7f: {  	_ =	shalt  }
0x80: {  	_ =	shalt  }
0x81: {  	_ =	shalt  }
0x82: {  	_ =	shalt  }
0x83: {  	_ =	shalt  }
0x84: {  	_ =	shalt  }
0x85: {  	_ =	shalt  }
0x86: {  	_ =	shalt  }
0x87: {  	_ =	shalt  }
.Lfunc_end0:
.L_simem_size_0:
called_computation.2_lowered:
.L_overlay_start_0:
0x88: {  	s2 =	sld [smem:$0x3FD9]  }
0x89: {  	s3 =	sld [smem:$0x3FFE];
	_ =	sdelay $0x1  }
0x8a: {  	s1 =	srdreg.scid  }
0x8b: {  	s0 =	sand.u32 $0x1, s1  }
0x8c: {  	s17 =	sshll.u32 s0, $0xA;
	s2 =	sadd.s32 s3, s2  }
0x8d: {  	s2 =	sadd.s32 s2, s17  }
0x8e: {  	[smem:$0x3FBF] =	sst s2  }
0x8f: {  	_ = 	snop  }
0x90: {  	s18 =	sld [smem:$0x3FD0];
	(tm) =	ssettm $0x1  }
0x91: {  	s19 =	sld [smem:$0x3FFB];
	_ =	sdelay $0x3  }
0x92: {  	_ =	strace s19  }
0x93: {  	s2 =	sld [smem:$0x3FFC];
	_ =	sdelay $0x3  }
0x94: {  	_ =	strace s2  }
0x95: {  	s2 =	sld [smem:$0x3FFD];
	_ =	sdelay $0x3  }
0x96: {  	_ =	strace s2  }
0x97: {  	_ =	strace $0x8FFFFFFF  }
0x98: {  	s20 =	sld [smem:$0x3FDB];
	_ =	sdelay $0x1  }
0x99: {  	s4 =	simm.s32 $_scs_section_size  }
0x9a: {  	s5 =	simm.s32 $_size__tile_overlayer_lowered;
	s6 =	simm.s32 $_tile_overlayer_lowered  }
0x9b: {  	s7 =	simm.s32 $0x1BFF;
	s21 =	sshll.u32 s6, $0x1;
	s4 =	sadd.s32 s4, s20  }
0x9c: {  	s22 =	simm.s32 $0x0;
	s5 =	sshll.u32 s5, $0x1;
	s6 =	sadd.s32 s21, s4  }
0x9d: {  	[timem:s22], [sflag:s7] =	dma.local [hbm:s6], s5  }
0x9e: {  	_ =	swait.ge [sflag:s7], s5  }
0x9f: {  	s5 =	ssub.s32 $0x0, s5;
	[sflag:s7] =	ssyncset.done $0x0  }
0xa0: {  	[sflag:s7] =	ssyncadd.s32 s5;
	_ =	sdelay $0x1  }
0xa1: {  	s23 =	simm.s32 $0x1B8B  }
0xa2: {  	_ =	swait.ge [sflag:s23], $0x1  }
0xa3: {  	[sflag:s23] =	ssyncset.done $0x0  }
0xa4: {  	[sflag:s23] =	ssyncadd.s32 $0xFFFFFFFF  }
0xa5: {  	s5 =	sld [smem:$0x0]  }
0xa6: {  	s6 =	sand.u32 $0xFFFFFFFE, s1  }
0xa7: {  	p0 =	sne.s32 s1, s6  }
0xa8: {  	s6 =	sshll.u32 @p0 s6, $0xE  }
0xa9: {  	s6 =	sadd.s32 @p0 $0x11B8D, s6;
	s7 =	sshll.u32 @p0 s5, $0x11  }
0xaa: {  	s6 =	sor.u32 @p0 s7, s6  }
0xab: {  	[sflag:s6] =	ssyncadd.remote.s32 @p0 $0x1;
	_ =	sdelay $0x1  }
0xac: {  	s6 =	simm.s32 @p0 $0x1B8D  }
0xad: {  	_ =	swait.eq @p0 [sflag:s6], $0x1  }
0xae: {  	[sflag:s6] =	ssyncadd.s32 @p0 $0xFFFFFFFF  }
0xaf: {  	s7 =	sshll.u32 @!p0 s1, $0xE  }
0xb0: {  	s7 =	sor.u32 @!p0 $0x4000, s7;
	s6 =	simm.s32 @!p0 $0x1B8D  }
0xb1: {  	s5 =	sshll.u32 @!p0 s5, $0x11;
	s7 =	sadd.s32 @!p0 $0x11B8D, s7;
	_ =	swait.eq @!p0 [sflag:s6], $0x1  }
0xb2: {  	s5 =	sor.u32 @!p0 s5, s7;
	[sflag:s6] =	ssyncadd.s32 @!p0 $0xFFFFFFFF  }
0xb3: {  	s25 =	simm.s32 $0x1B8E;
	s24 =	sld [smem:$0x3FFE];
	[sflag:s5] =	ssyncadd.remote.s32 @!p0 $0x1  }
0xb4: {  	s26 =	simm.s32 $execute0_lowered;
	[smem:$0x3FD2] =	sst s25  }
0xb5: {  	s6 =	sshll.u32 s26, $0x1;
	_ =	strace $0x8000004F;
	[dreg:$0x1] =	wrdreg $0xFFFFFFFF  }
0xb6: {  	s28 =	simm.s32 $_size_execute0_lowered;
	s4 =	sadd.s32 s4, s6;
	[dreg:$0x0] =	wrdreg $0x0  }
0xb7: {  	s6 =	sshll.u32 s28, $0x1;
	[dreg:$0x2] =	wrdreg s4  }
0xb8: {  	[dreg:$0x3] =	wrdreg s6  }
0xb9: {  	[dreg:$0x4] =	wrdreg $0xC0  }
0xba: {  	_ =	task [dreg:s22], $0x5FFFF  }
0xbb: {  	[dreg:$0x1] =	wrdreg $0xFFFFFFFF  }
0xbc: {  	[dreg:$0x0] =	wrdreg $0x60  }
0xbd: {  	[dreg:$0x2] =	wrdreg s24  }
0xbe: {  	[dreg:$0x3] =	wrdreg s18  }
0xbf: {  	[dreg:$0x4] =	wrdreg $0x0  }
0xc0: {  	[dreg:$0x5] =	wrdreg $0x9  }
0xc1: {  	_ =	task.clear_ibuf [dreg:s22], $0x6FFFF;
	_ =	strace $0x9000004F  }
0xc2: {  	s29 =	simm.s32 $0x9;
	_ =	strace $0x80000051  }
0xc3: {  	_ =	swait.ge [sflag:s29], $0x1  }
0xc4: {  	[sflag:s29] =	ssyncadd.s32 $0xFFFFFFFF  }
0xc5: {  	_ =	strace $0x90000051  }
0xc6: {  	_ =	sfence  }
0xc7: {  	s30 =	sld [smem:$0x0];
	_ =	sdelay $0x2  }
0xc8: {  	s31 =	sshll.u32 s1, $0xD;
	s1 =	sshrl.u32 s1, $0x2  }
0xc9: {  	s4 =	sand.u32 $0x4000, s31;
	s1 =	sadd.s32 s1, s30  }
0xca: {  	s0 =	sor.u32 s4, s0;
	s1 =	sshll.u32 s1, $0x11  }
0xcb: {  	s0 =	sor.u32 s1, s0  }
0xcc: {  	s0 =	sadd.s32 $0x8F2B, s0  }
0xcd: {  	[sflag:s0] =	ssyncadd.remote.s32 $0x1  }
0xce: {  	_ =	sfence.sel $0xFFFF  }
0xcf: {  	[dreg:$0x0] =	wrdreg $0xFFFFFFFF;
	(pc) =	sbr.abs _section_cstart, $3  }
0xd0: {  	[dreg:$0x1] =	wrdreg $0xFFFFFFFF  }
0xd1: {  	_ =	task.clear_ibuf [dreg:s22], $0x2FFFF;
	_ =	strace $0x9FFFFFFF  }
0xd2: {  	(tm) =	ssettm $0x7FFFFFFF  }
0xd3: {  	_ =	shalt  }
tec
execute0_lowered:
.L_overlay_start_1:
0x0: {  	(tag) =	ssettag $0x1  }
0x1: {  	s0 =	rddreg [dreg:$0x0]  }
0x2: {  	s2 =	rddreg [dreg:$0x1]  }
0x3: {  	s1 =	rddreg [dreg:$0x2]  }
0x4: {  	s3 =	simm.s32 $0x0;
	s4 =	srdreg.scid;
	s19 =	stileid.u32  }
0x5: {  	s28 =	simm.s32 $0x14000;
	s29 =	simm.s32 $0x5;
	s6 =	smul.u32 $0x1400, s19  }
0x6: {  	s30 =	simm.s32 $0x15400;
	s31 =	simm.s32 $0x19400;
	s8 =	smul.u32 $0x280, s19  }
0x7: {  	[smem:$0x7FF] =	sst s3;
	s11 =	sadd.s32 $0x143400, s0;
	s9 =	smul.u32 $0x50000, s19  }
0x8: {  	s4 =	sand.u32 $0x1, s4;
	s12 =	sadd.s32 $0x963400, s0;
	s17 =	smul.u32 $0x28000, s19  }
0x9: {  	s10 =	sadd.s32 $0x3400, s0;
	s0 =	sadd.s32 $0x963410, s0;
	s5 =	smul.u32 $0x14000, s4  }
0xa: {  	_ =	strace $0x80000050;
	s7 =	ssub.s32 $0x2, s4;
	s4 =	smul.u32 $0x280000, s4  }
0xb: {  	s25 =	sshrl.u32 s7, $0x1;
	s26 =	sadd.s32 $0x80, s8;
	s18 =	sshrl.u32 s9, $0x2  }
0xc: {  	s14 =	sadd.s32 $0x100, s8;
	s15 =	sadd.s32 $0x180, s8;
	s16 =	sadd.s32 $0x200, s8  }
0xd: {  	s5 =	sadd.s32 s6, s5;
	s13 =	ssub.s32 s7, s25;
	s20 =	sshll.u32 s26, $0x7  }
0xe: {  	s21 =	sshll.u32 s14, $0x7;
	s22 =	sshll.u32 s15, $0x7;
	s23 =	sshll.u32 s16, $0x7  }
0xf: {  	s17 =	sadd.s32 s17, s4;
	s14 =	sshll.u32 s14, $0x8;
	s15 =	sshll.u32 s15, $0x8  }
0x10: {  	s16 =	sshll.u32 s16, $0x8;
	s5 =	sshrl.u32 s5, $0x3;
	s6 =	sadd.s32 s20, s1  }
0x11: {  	s7 =	sadd.s32 s21, s1;
	s8 =	sadd.s32 s22, s1;
	s9 =	sadd.s32 s23, s1  }
0x12: {  	s17 =	sshrl.u32 s17, $0x3;
	s14 =	sadd.s32 s4, s14;
	s15 =	sadd.s32 s4, s15  }
0x13: {  	s2 =	sadd.s32 s2, s5;
	s5 =	sadd.s32 s18, s1;
	s18 =	smul.u32 $0x14000, s19  }
0x14: {  	s20 =	sadd.s32 s12, s17;
	s14 =	sshrl.u32 s14, $0x3;
	[dreg:$0x4] =	wrdreg s2  }
0x15: {  	s15 =	sshrl.u32 s15, $0x3;
	[dreg:$0x5] =	wrdreg s20;
	s25 =	sadd.s32 s12, s14  }
0x16: {  	s2 =	sshll.u32 s26, $0x8;
	s26 =	sadd.s32 s12, s15;
	[dreg:$0x7] =	wrdreg s25  }
0x17: {  	s19 =	smul.u32 $0xA0000, s19;
	s20 =	sadd.s32 s17, s0;
	[dreg:$0x8] =	wrdreg s26  }
0x18: {  	s21 =	sadd.s32 s14, s0;
	s22 =	sadd.s32 s15, s0;
	[dreg:$0xa] =	wrdreg s20  }
0x19: {  	s14 =	simm.s32 $0x0;
	s2 =	sadd.s32 s4, s2;
	[dreg:$0xc] =	wrdreg s21  }
0x1a: {  	s4 =	sadd.s32 s4, s16;
	[dreg:$0xd] =	wrdreg s22;
	s23 =	sshrl.u32 s19, $0x3  }
0x1b: {  	s20 =	sadd.s32 s10, s18;
	s25 =	smax.u32 s13, $0x1;
	s2 =	sshrl.u32 s2, $0x3  }
0x1c: {  	s4 =	sshrl.u32 s4, $0x3;
	[dreg:$0xf] =	wrdreg s25;
	s24 =	sadd.s32 s12, s2  }
0x1d: {  	s21 =	sadd.s32 s11, s18;
	s12 =	sadd.s32 s12, s4;
	[dreg:$0x6] =	wrdreg s24  }
0x1e: {  	s13 =	simm.s32 $0x100;
	s2 =	sadd.s32 s2, s0;
	[dreg:$0x9] =	wrdreg s12  }
0x1f: {  	s17 =	sadd.s32 $0x1000, s20;
	s0 =	sadd.s32 s4, s0;
	[dreg:$0xb] =	wrdreg s2  }
0x20: {  	s4 =	simm.s32 $0x2;
	[dreg:$0xe] =	wrdreg s0;
	s24 =	sor.u32 $0x800, s23  }
0x21: {  	s2 =	simm.s32 $0x80;
	s12 =	simm.s32 $0x4;
	s26 =	sadd.s32 s10, s24  }
0x22: {  	s0 =	sadd.s32 s11, s24;
	s11 =	simm.s32 $0x3;
	[dreg:$0x10] =	wrdreg s26  }
0x23: {  	v0 =	vimm.f32 $0.0e+00;
	[dreg:$0x11] =	wrdreg s0;
	s26 =	sadd.s32 $0x1000, s21;
	s0 =	simm.s32 $0x1  }
.LBB2_1:
0x24: {  	s10 =	rddreg [dreg:$0x4]  }
0x25: {  	[tilespmem:s28], [sflag:$0x5] =	stream.linear.gather [hbm4b:s10+s3], $0x1400, $0x38;
	[tilespmem:$0x1D400] =	vst v63  }
0x26: {  	_ =	swait.ge [sflag:s29], $0x1400  }
0x27: {  	[sflag:s29] =	ssyncset.done $0x0  }
0x28: {  	s15 =	simm.s32 $0x0;
	s16 =	simm.s32 $0x200;
	[sflag:s29] =	ssyncadd.s32 $0xFFFFEC00  }
.LBB2_2:
0x29: {  	p0 =	sne.s32 s16, $0xFE00;
	[tilespmem:s15+$0x15470] =	vst v0  }
0x2a: {  	[tilespmem:s15+$0x15400] =	vst v0  }
0x2b: {  	[tilespmem:s15+$0x15410] =	vst v0  }
.Ltmp0:
0x2c: {  	[tilespmem:s15+$0x15420] =	vst v0;
	(pc) =	sbr.rel @p0 .LBB2_2-.Ltmp0, $4  }
0x2d: {  	[tilespmem:s15+$0x15430] =	vst v0  }
0x2e: {  	[tilespmem:s15+$0x15440] =	vst v0  }
0x2f: {  	[tilespmem:s15+$0x15450] =	vst v0  }
0x30: {  	[tilespmem:s15+$0x15460] =	vst v0;
	s15 =	sshra.s32 s16, $0x2;
	s16 =	sadd.s32 $0x200, s16  }
0x31: {  	[tilespmem:s15+$0x15470] =	vst v0  }
0x32: {  	[tilespmem:s15+$0x15400] =	vst v0  }
0x33: {  	[tilespmem:s15+$0x15410] =	vst v0  }
0x34: {  	[tilespmem:s15+$0x15420] =	vst v0  }
0x35: {  	[tilespmem:s15+$0x15430] =	vst v0  }
0x36: {  	[tilespmem:s15+$0x15440] =	vst v0  }
0x37: {  	[tilespmem:s15+$0x15450] =	vst v0  }
0x38: {  	[tilespmem:s15+$0x15460] =	vst v0  }
0x39: {  	[spmem:s5] =	stream.linear.scatter [tilespmem:s30], [sflag:$0x5], $0x4000, $0x38;
	[tilespmem:$0x1D400] =	vst v63  }
0x3a: {  	_ =	swait.ge [sflag:s29], $0x4000  }
0x3b: {  	[sflag:s29] =	ssyncset.done $0x0  }
0x3c: {  	[sflag:s29] =	ssyncadd.s32 $0xFFFFC000  }
0x3d: {  	[spmem:s6] =	stream.linear.scatter [tilespmem:s30], [sflag:$0x5], $0x4000, $0x38;
	[tilespmem:$0x1D400] =	vst v63  }
0x3e: {  	_ =	swait.ge [sflag:s29], $0x4000  }
0x3f: {  	[sflag:s29] =	ssyncset.done $0x0  }
0x40: {  	[sflag:s29] =	ssyncadd.s32 $0xFFFFC000  }
0x41: {  	[spmem:s7] =	stream.linear.scatter [tilespmem:s30], [sflag:$0x5], $0x4000, $0x38;
	[tilespmem:$0x1D400] =	vst v63  }
0x42: {  	_ =	swait.ge [sflag:s29], $0x4000  }
0x43: {  	[sflag:s29] =	ssyncset.done $0x0  }
0x44: {  	[sflag:s29] =	ssyncadd.s32 $0xFFFFC000  }
0x45: {  	[spmem:s8] =	stream.linear.scatter [tilespmem:s30], [sflag:$0x5], $0x4000, $0x38;
	[tilespmem:$0x1D400] =	vst v63  }
0x46: {  	_ =	swait.ge [sflag:s29], $0x4000  }
0x47: {  	[sflag:s29] =	ssyncset.done $0x0  }
0x48: {  	[sflag:s29] =	ssyncadd.s32 $0xFFFFC000  }
0x49: {  	[spmem:s9] =	stream.linear.scatter [tilespmem:s30], [sflag:$0x5], $0x4000, $0x38;
	[tilespmem:$0x1D400] =	vst v63  }
0x4a: {  	_ =	swait.ge [sflag:s29], $0x4000  }
0x4b: {  	[sflag:s29] =	ssyncset.done $0x0  }
0x4c: {  	[sflag:s29] =	ssyncadd.s32 $0xFFFFC000  }
0x4d: {  	[bflag:$0x0] =	sbarrier.arrive $0xFFFF  }
0x4e: {  	[tilespmem:s30], [sflag:$0x1] =	stream.linear.gather [hbm4b:s20+s3], $0x4000, $0x38;
	[tilespmem:$0x1D400] =	vst v63  }
0x4f: {  	s10 =	rddreg [dreg:$0x10]  }
0x50: {  	[tilespmem:s31], [sflag:$0x2] =	stream.linear.gather [hbm4b:s10+s3], $0x4000, $0x38;
	[tilespmem:$0x1D400] =	vst v63  }
0x51: {  	s23 =	simm.s32 $0x2;
	s19 =	simm.s32 $0x1;
	_ =	swait.ge [sflag:s0], $0x4000  }
0x52: {  	s15 =	sand.u32 $0x1, s23;
	s23 =	sand.u32 $0x1, s19;
	[sflag:s0] =	ssyncset.done $0x0  }
0x53: {  	s16 =	sadd.s32 $0x3, s15;
	s18 =	sshll.u32 s15, $0xE;
	[sflag:s0] =	ssyncadd.s32 $0xFFFFC000  }
0x54: {  	[spmem:s1] =	stream.indirect.scatter.add.f32 [tilespmem:s30], [sflag:$0x3], $0x80, s28, s2, $0xb8;
	[tilespmem:$0x1D400] =	vst v63  }
0x55: {  	s15 =	sadd.s32 $0x1, s15;
	s19 =	sadd.s32 $0x1, s23;
	_ =	swait.ge [sflag:s16], $0x4000  }
0x56: {  	s25 =	sshll.u32 s23, $0xE;
	s23 =	sadd.s32 $0x3, s23;
	[sflag:s16] =	ssyncset.done $0x0  }
0x57: {  	s24 =	sadd.s32 $0x15400, s18;
	s22 =	sadd.s32 $0x15400, s25;
	[sflag:s16] =	ssyncadd.s32 $0xFFFFC000  }
0x58: {  	[tilespmem:s24], [sflag:s15] =	stream.linear.gather [hbm4b:s17+s3], $0x4000, $0x38;
	[tilespmem:$0x1D400] =	vst v63  }
0x59: {  	s25 =	smov.u32 s17;
	s18 =	simm.s32 $0x14080;
	_ =	swait.ge [sflag:s19], $0x4000  }
0x5a: {  	s16 =	simm.s32 $0x3;
	s15 =	simm.s32 $0x14080;
	[sflag:s19] =	ssyncset.done $0x0  }
.LBB2_4:
0x5b: {  	[sflag:s19] =	ssyncadd.s32 $0xFFFFC000  }
0x5c: {  	s15 =	sadd.s32 $0x80, s15;
	s25 =	sadd.s32 $0x800, s25;
	s19 =	smov.u32 s16  }
0x5d: {  	[spmem:s1] =	stream.indirect.scatter.add.f32 [tilespmem:s22], [sflag:s23], $0x80, s18, s2, $0xb8;
	[tilespmem:$0x1D400] =	vst v63  }
0x5e: {  	p0 =	sne.s32 s16, $0x27;
	s16 =	sadd.s32 $0x1, s16;
	s22 =	sand.u32 $0x1, s19  }
0x5f: {  	s18 =	smov.u32 s15;
	s23 =	sadd.s32 $0x3, s22;
	s24 =	sshll.u32 s22, $0xE  }
0x60: {  	s19 =	sadd.s32 $0xFFFFFFFF, s19;
	_ =	swait.ge [sflag:s23], $0x4000  }
0x61: {  	s22 =	sadd.s32 $0x1, s22;
	s10 =	sand.u32 $0x1, s19;
	[sflag:s23] =	ssyncset.done $0x0  }
.Ltmp1:
0x62: {  	s19 =	sadd.s32 $0x15400, s24;
	[sflag:s23] =	ssyncadd.s32 $0xFFFFC000;
	(pc) =	sbr.rel @p0 .LBB2_4-.Ltmp1, $4  }
0x63: {  	[tilespmem:s19], [sflag:s22] =	stream.linear.gather [hbm4b:s25+s3], $0x4000, $0x38;
	[tilespmem:$0x1D400] =	vst v63  }
0x64: {  	s19 =	sadd.s32 $0x1, s10;
	s22 =	sshll.u32 s10, $0xE  }
0x65: {  	_ =	swait.ge [sflag:s19], $0x4000  }
0x66: {  	s23 =	sadd.s32 $0x3, s10;
	s22 =	sadd.s32 $0x15400, s22;
	[sflag:s19] =	ssyncset.done $0x0  }
0x67: {  	[sflag:s19] =	ssyncadd.s32 $0xFFFFC000  }
0x68: {  	[spmem:s1] =	stream.indirect.scatter.add.f32 [tilespmem:s22], [sflag:s23], $0x80, s18, s2, $0xb8;
	[tilespmem:$0x1D400] =	vst v63  }
0x69: {  	_ =	swait.ge [sflag:s4], $0x4000  }
0x6a: {  	[sflag:s4] =	ssyncset.done $0x0  }
0x6b: {  	s24 =	simm.s32 $0x15380;
	[sflag:s4] =	ssyncadd.s32 $0xFFFFC000  }
0x6c: {  	[spmem:s1] =	stream.indirect.scatter.add.f32 [tilespmem:s31], [sflag:$0x4], $0x80, s24, s2, $0xb8;
	[tilespmem:$0x1D400] =	vst v63  }
0x6d: {  	_ =	swait.ge [sflag:s11], $0x4000  }
0x6e: {  	[sflag:s11] =	ssyncset.done $0x0  }
0x6f: {  	[sflag:s11] =	ssyncadd.s32 $0xFFFFC000  }
0x70: {  	_ =	swait.ge [sflag:s12], $0x4000  }
0x71: {  	[sflag:s12] =	ssyncset.done $0x0  }
0x72: {  	[sflag:s12] =	ssyncadd.s32 $0xFFFFC000  }
0x73: {  	[bflag:$0x0] =	sbarrier.arrive $0xFFFF  }
0x74: {  	[tilespmem:s30], [sflag:$0x5] =	stream.linear.gather [spmem:s5], $0x4000, $0x38;
	[tilespmem:$0x1D400] =	vst v63  }
0x75: {  	_ =	swait.ge [sflag:s29], $0x4000  }
0x76: {  	[sflag:s29] =	ssyncset.done $0x0  }
0x77: {  	s10 =	rddreg [dreg:$0x5];
	[sflag:s29] =	ssyncadd.s32 $0xFFFFC000  }
0x78: {  	[hbm4b:s10+s2] =	stream.strided.scatter [tilespmem:s30], [sflag:$0x5], $0x4000, s13, s2, $0x38;
	[tilespmem:$0x1D400] =	vst v63  }
0x79: {  	_ =	swait.ge [sflag:s29], $0x4000  }
0x7a: {  	[sflag:s29] =	ssyncset.done $0x0  }
0x7b: {  	[sflag:s29] =	ssyncadd.s32 $0xFFFFC000  }
0x7c: {  	[tilespmem:s30], [sflag:$0x5] =	stream.linear.gather [spmem:s6], $0x4000, $0x38;
	[tilespmem:$0x1D400] =	vst v63  }
0x7d: {  	_ =	swait.ge [sflag:s29], $0x4000  }
0x7e: {  	[sflag:s29] =	ssyncset.done $0x0  }
0x7f: {  	s19 =	rddreg [dreg:$0x6];
	[sflag:s29] =	ssyncadd.s32 $0xFFFFC000  }
0x80: {  	[hbm4b:s19+s2] =	stream.strided.scatter [tilespmem:s30], [sflag:$0x5], $0x4000, s13, s2, $0x38;
	[tilespmem:$0x1D400] =	vst v63  }
0x81: {  	_ =	swait.ge [sflag:s29], $0x4000  }
0x82: {  	[sflag:s29] =	ssyncset.done $0x0  }
0x83: {  	[sflag:s29] =	ssyncadd.s32 $0xFFFFC000  }
0x84: {  	[tilespmem:s30], [sflag:$0x5] =	stream.linear.gather [spmem:s7], $0x4000, $0x38;
	[tilespmem:$0x1D400] =	vst v63  }
0x85: {  	_ =	swait.ge [sflag:s29], $0x4000  }
0x86: {  	[sflag:s29] =	ssyncset.done $0x0  }
0x87: {  	s22 =	rddreg [dreg:$0x7];
	[sflag:s29] =	ssyncadd.s32 $0xFFFFC000  }
0x88: {  	[hbm4b:s22+s2] =	stream.strided.scatter [tilespmem:s30], [sflag:$0x5], $0x4000, s13, s2, $0x38;
	[tilespmem:$0x1D400] =	vst v63  }
0x89: {  	_ =	swait.ge [sflag:s29], $0x4000  }
0x8a: {  	[sflag:s29] =	ssyncset.done $0x0  }
0x8b: {  	[sflag:s29] =	ssyncadd.s32 $0xFFFFC000  }
0x8c: {  	[tilespmem:s30], [sflag:$0x5] =	stream.linear.gather [spmem:s8], $0x4000, $0x38;
	[tilespmem:$0x1D400] =	vst v63  }
0x8d: {  	_ =	swait.ge [sflag:s29], $0x4000  }
0x8e: {  	[sflag:s29] =	ssyncset.done $0x0  }
0x8f: {  	s23 =	rddreg [dreg:$0x8];
	[sflag:s29] =	ssyncadd.s32 $0xFFFFC000  }
0x90: {  	[hbm4b:s23+s2] =	stream.strided.scatter [tilespmem:s30], [sflag:$0x5], $0x4000, s13, s2, $0x38;
	[tilespmem:$0x1D400] =	vst v63  }
0x91: {  	_ =	swait.ge [sflag:s29], $0x4000  }
0x92: {  	[sflag:s29] =	ssyncset.done $0x0  }
0x93: {  	[sflag:s29] =	ssyncadd.s32 $0xFFFFC000  }
0x94: {  	[tilespmem:s30], [sflag:$0x5] =	stream.linear.gather [spmem:s9], $0x4000, $0x38;
	[tilespmem:$0x1D400] =	vst v63  }
0x95: {  	_ =	swait.ge [sflag:s29], $0x4000  }
0x96: {  	[sflag:s29] =	ssyncset.done $0x0  }
0x97: {  	s25 =	rddreg [dreg:$0x9];
	[sflag:s29] =	ssyncadd.s32 $0xFFFFC000  }
0x98: {  	[hbm4b:s25+s2] =	stream.strided.scatter [tilespmem:s30], [sflag:$0x5], $0x4000, s13, s2, $0x38;
	[tilespmem:$0x1D400] =	vst v63  }
0x99: {  	_ =	swait.ge [sflag:s29], $0x4000  }
0x9a: {  	[sflag:s29] =	ssyncset.done $0x0  }
0x9b: {  	[sflag:s29] =	ssyncadd.s32 $0xFFFFC000  }
0x9c: {  	s15 =	simm.s32 $0x0;
	s16 =	simm.s32 $0x200;
	[bflag:$0x0] =	sbarrier.arrive $0xFFFF  }
.LBB2_6:
0x9d: {  	p0 =	sne.s32 s16, $0xFE00;
	[tilespmem:s15+$0x15470] =	vst v0  }
0x9e: {  	[tilespmem:s15+$0x15400] =	vst v0  }
0x9f: {  	[tilespmem:s15+$0x15410] =	vst v0  }
.Ltmp2:
0xa0: {  	[tilespmem:s15+$0x15420] =	vst v0;
	(pc) =	sbr.rel @p0 .LBB2_6-.Ltmp2, $4  }
0xa1: {  	[tilespmem:s15+$0x15430] =	vst v0  }
0xa2: {  	[tilespmem:s15+$0x15440] =	vst v0  }
0xa3: {  	[tilespmem:s15+$0x15450] =	vst v0  }
0xa4: {  	[tilespmem:s15+$0x15460] =	vst v0;
	s15 =	sshra.s32 s16, $0x2;
	s16 =	sadd.s32 $0x200, s16  }
0xa5: {  	[tilespmem:s15+$0x15470] =	vst v0  }
0xa6: {  	[tilespmem:s15+$0x15400] =	vst v0  }
0xa7: {  	[tilespmem:s15+$0x15410] =	vst v0  }
0xa8: {  	[tilespmem:s15+$0x15420] =	vst v0  }
0xa9: {  	[tilespmem:s15+$0x15430] =	vst v0  }
0xaa: {  	[tilespmem:s15+$0x15440] =	vst v0  }
0xab: {  	[tilespmem:s15+$0x15450] =	vst v0  }
0xac: {  	[tilespmem:s15+$0x15460] =	vst v0  }
0xad: {  	[spmem:s5] =	stream.linear.scatter [tilespmem:s30], [sflag:$0x5], $0x4000, $0x38;
	[tilespmem:$0x1D400] =	vst v63  }
0xae: {  	_ =	swait.ge [sflag:s29], $0x4000  }
0xaf: {  	[sflag:s29] =	ssyncset.done $0x0  }
0xb0: {  	[sflag:s29] =	ssyncadd.s32 $0xFFFFC000  }
0xb1: {  	[spmem:s6] =	stream.linear.scatter [tilespmem:s30], [sflag:$0x5], $0x4000, $0x38;
	[tilespmem:$0x1D400] =	vst v63  }
0xb2: {  	_ =	swait.ge [sflag:s29], $0x4000  }
0xb3: {  	[sflag:s29] =	ssyncset.done $0x0  }
0xb4: {  	[sflag:s29] =	ssyncadd.s32 $0xFFFFC000  }
0xb5: {  	[spmem:s7] =	stream.linear.scatter [tilespmem:s30], [sflag:$0x5], $0x4000, $0x38;
	[tilespmem:$0x1D400] =	vst v63  }
0xb6: {  	_ =	swait.ge [sflag:s29], $0x4000  }
0xb7: {  	[sflag:s29] =	ssyncset.done $0x0  }
0xb8: {  	[sflag:s29] =	ssyncadd.s32 $0xFFFFC000  }
0xb9: {  	[spmem:s8] =	stream.linear.scatter [tilespmem:s30], [sflag:$0x5], $0x4000, $0x38;
	[tilespmem:$0x1D400] =	vst v63  }
0xba: {  	_ =	swait.ge [sflag:s29], $0x4000  }
0xbb: {  	[sflag:s29] =	ssyncset.done $0x0  }
0xbc: {  	[sflag:s29] =	ssyncadd.s32 $0xFFFFC000  }
0xbd: {  	[spmem:s9] =	stream.linear.scatter [tilespmem:s30], [sflag:$0x5], $0x4000, $0x38;
	[tilespmem:$0x1D400] =	vst v63  }
0xbe: {  	_ =	swait.ge [sflag:s29], $0x4000  }
0xbf: {  	[sflag:s29] =	ssyncset.done $0x0  }
0xc0: {  	[sflag:s29] =	ssyncadd.s32 $0xFFFFC000  }
0xc1: {  	[bflag:$0x0] =	sbarrier.arrive $0xFFFF  }
0xc2: {  	[tilespmem:s30], [sflag:$0x1] =	stream.linear.gather [hbm4b:s21+s3], $0x4000, $0x38;
	[tilespmem:$0x1D400] =	vst v63  }
0xc3: {  	s10 =	rddreg [dreg:$0x11]  }
0xc4: {  	[tilespmem:s31], [sflag:$0x2] =	stream.linear.gather [hbm4b:s10+s3], $0x4000, $0x38;
	[tilespmem:$0x1D400] =	vst v63  }
0xc5: {  	s19 =	simm.s32 $0x2;
	s18 =	simm.s32 $0x1;
	_ =	swait.ge [sflag:s0], $0x4000  }
0xc6: {  	s15 =	simm.s32 $0x14080;
	s10 =	sand.u32 $0x1, s19;
	[sflag:s0] =	ssyncset.done $0x0  }
0xc7: {  	s18 =	sand.u32 $0x1, s18;
	s22 =	sadd.s32 $0x3, s10;
	[sflag:s0] =	ssyncadd.s32 $0xFFFFC000  }
0xc8: {  	[spmem:s1] =	stream.indirect.scatter.add.f32 [tilespmem:s30], [sflag:$0x3], $0x80, s28, s2, $0xb8;
	[tilespmem:$0x1D400] =	vst v63  }
0xc9: {  	s25 =	sshll.u32 s18, $0xE;
	s19 =	sadd.s32 $0x1, s18;
	_ =	swait.ge [sflag:s22], $0x4000  }
0xca: {  	s16 =	sshll.u32 s10, $0xE;
	s10 =	sadd.s32 $0x1, s10;
	[sflag:s22] =	ssyncset.done $0x0  }
0xcb: {  	s23 =	sadd.s32 $0x15400, s16;
	s16 =	simm.s32 $0x3;
	[sflag:s22] =	ssyncadd.s32 $0xFFFFC000  }
0xcc: {  	[tilespmem:s23], [sflag:s10] =	stream.linear.gather [hbm4b:s26+s3], $0x4000, $0x38;
	[tilespmem:$0x1D400] =	vst v63  }
0xcd: {  	s22 =	sadd.s32 $0x15400, s25;
	s25 =	smov.u32 s26;
	_ =	swait.ge [sflag:s19], $0x4000  }
0xce: {  	s23 =	sadd.s32 $0x3, s18;
	s18 =	simm.s32 $0x14080;
	[sflag:s19] =	ssyncset.done $0x0  }
.LBB2_8:
0xcf: {  	[sflag:s19] =	ssyncadd.s32 $0xFFFFC000  }
0xd0: {  	s15 =	sadd.s32 $0x80, s15;
	s25 =	sadd.s32 $0x800, s25;
	s10 =	smov.u32 s16  }
0xd1: {  	[spmem:s1] =	stream.indirect.scatter.add.f32 [tilespmem:s22], [sflag:s23], $0x80, s18, s2, $0xb8;
	[tilespmem:$0x1D400] =	vst v63  }
0xd2: {  	p0 =	sne.s32 s16, $0x27;
	s16 =	sadd.s32 $0x1, s16;
	s19 =	sand.u32 $0x1, s10  }
0xd3: {  	s18 =	smov.u32 s15;
	s22 =	sadd.s32 $0x3, s19;
	s23 =	sshll.u32 s19, $0xE  }
0xd4: {  	s10 =	sadd.s32 $0xFFFFFFFF, s10;
	_ =	swait.ge [sflag:s22], $0x4000  }
0xd5: {  	s19 =	sadd.s32 $0x1, s19;
	s10 =	sand.u32 $0x1, s10;
	[sflag:s22] =	ssyncset.done $0x0  }
.Ltmp3:
0xd6: {  	[sflag:s22] =	ssyncadd.s32 $0xFFFFC000;
	s22 =	sadd.s32 $0x15400, s23;
	(pc) =	sbr.rel @p0 .LBB2_8-.Ltmp3, $4  }
0xd7: {  	[tilespmem:s22], [sflag:s19] =	stream.linear.gather [hbm4b:s25+s3], $0x4000, $0x38;
	[tilespmem:$0x1D400] =	vst v63  }
0xd8: {  	s19 =	sadd.s32 $0x1, s10;
	s22 =	sshll.u32 s10, $0xE  }
0xd9: {  	_ =	swait.ge [sflag:s19], $0x4000  }
0xda: {  	s23 =	sadd.s32 $0x3, s10;
	s22 =	sadd.s32 $0x15400, s22;
	[sflag:s19] =	ssyncset.done $0x0  }
0xdb: {  	[sflag:s19] =	ssyncadd.s32 $0xFFFFC000  }
0xdc: {  	[spmem:s1] =	stream.indirect.scatter.add.f32 [tilespmem:s22], [sflag:s23], $0x80, s18, s2, $0xb8;
	[tilespmem:$0x1D400] =	vst v63  }
0xdd: {  	_ =	swait.ge [sflag:s4], $0x4000  }
0xde: {  	[sflag:s4] =	ssyncset.done $0x0  }
0xdf: {  	[sflag:s4] =	ssyncadd.s32 $0xFFFFC000  }
0xe0: {  	[spmem:s1] =	stream.indirect.scatter.add.f32 [tilespmem:s31], [sflag:$0x4], $0x80, s24, s2, $0xb8;
	[tilespmem:$0x1D400] =	vst v63  }
0xe1: {  	_ =	swait.ge [sflag:s11], $0x4000  }
0xe2: {  	[sflag:s11] =	ssyncset.done $0x0  }
0xe3: {  	[sflag:s11] =	ssyncadd.s32 $0xFFFFC000  }
0xe4: {  	_ =	swait.ge [sflag:s12], $0x4000  }
0xe5: {  	[sflag:s12] =	ssyncset.done $0x0  }
0xe6: {  	[sflag:s12] =	ssyncadd.s32 $0xFFFFC000  }
0xe7: {  	[bflag:$0x0] =	sbarrier.arrive $0xFFFF  }
0xe8: {  	[tilespmem:s30], [sflag:$0x5] =	stream.linear.gather [spmem:s5], $0x4000, $0x38;
	[tilespmem:$0x1D400] =	vst v63  }
0xe9: {  	_ =	swait.ge [sflag:s29], $0x4000  }
0xea: {  	[sflag:s29] =	ssyncset.done $0x0  }
0xeb: {  	s10 =	rddreg [dreg:$0xa];
	[sflag:s29] =	ssyncadd.s32 $0xFFFFC000  }
0xec: {  	[hbm4b:s10+s2] =	stream.strided.scatter [tilespmem:s30], [sflag:$0x5], $0x4000, s13, s2, $0x38;
	[tilespmem:$0x1D400] =	vst v63  }
0xed: {  	_ =	swait.ge [sflag:s29], $0x4000  }
0xee: {  	[sflag:s29] =	ssyncset.done $0x0  }
0xef: {  	[sflag:s29] =	ssyncadd.s32 $0xFFFFC000  }
0xf0: {  	[tilespmem:s30], [sflag:$0x5] =	stream.linear.gather [spmem:s6], $0x4000, $0x38;
	[tilespmem:$0x1D400] =	vst v63  }
0xf1: {  	_ =	swait.ge [sflag:s29], $0x4000  }
0xf2: {  	[sflag:s29] =	ssyncset.done $0x0  }
0xf3: {  	s19 =	rddreg [dreg:$0xb];
	[sflag:s29] =	ssyncadd.s32 $0xFFFFC000  }
0xf4: {  	[hbm4b:s19+s2] =	stream.strided.scatter [tilespmem:s30], [sflag:$0x5], $0x4000, s13, s2, $0x38;
	[tilespmem:$0x1D400] =	vst v63  }
0xf5: {  	_ =	swait.ge [sflag:s29], $0x4000  }
0xf6: {  	[sflag:s29] =	ssyncset.done $0x0  }
0xf7: {  	[sflag:s29] =	ssyncadd.s32 $0xFFFFC000  }
0xf8: {  	[tilespmem:s30], [sflag:$0x5] =	stream.linear.gather [spmem:s7], $0x4000, $0x38;
	[tilespmem:$0x1D400] =	vst v63  }
0xf9: {  	_ =	swait.ge [sflag:s29], $0x4000  }
0xfa: {  	[sflag:s29] =	ssyncset.done $0x0  }
0xfb: {  	s22 =	rddreg [dreg:$0xc];
	[sflag:s29] =	ssyncadd.s32 $0xFFFFC000  }
0xfc: {  	[hbm4b:s22+s2] =	stream.strided.scatter [tilespmem:s30], [sflag:$0x5], $0x4000, s13, s2, $0x38;
	[tilespmem:$0x1D400] =	vst v63  }
0xfd: {  	_ =	swait.ge [sflag:s29], $0x4000  }
0xfe: {  	[sflag:s29] =	ssyncset.done $0x0  }
0xff: {  	[sflag:s29] =	ssyncadd.s32 $0xFFFFC000  }
0x100: {  	[tilespmem:s30], [sflag:$0x5] =	stream.linear.gather [spmem:s8], $0x4000, $0x38;
	[tilespmem:$0x1D400] =	vst v63  }
0x101: {  	_ =	swait.ge [sflag:s29], $0x4000  }
0x102: {  	[sflag:s29] =	ssyncset.done $0x0  }
0x103: {  	s23 =	rddreg [dreg:$0xd];
	[sflag:s29] =	ssyncadd.s32 $0xFFFFC000  }
0x104: {  	[hbm4b:s23+s2] =	stream.strided.scatter [tilespmem:s30], [sflag:$0x5], $0x4000, s13, s2, $0x38;
	[tilespmem:$0x1D400] =	vst v63  }
0x105: {  	_ =	swait.ge [sflag:s29], $0x4000  }
0x106: {  	[sflag:s29] =	ssyncset.done $0x0  }
0x107: {  	[sflag:s29] =	ssyncadd.s32 $0xFFFFC000  }
0x108: {  	[tilespmem:s30], [sflag:$0x5] =	stream.linear.gather [spmem:s9], $0x4000, $0x38;
	[tilespmem:$0x1D400] =	vst v63  }
0x109: {  	_ =	swait.ge [sflag:s29], $0x4000  }
0x10a: {  	[sflag:s29] =	ssyncset.done $0x0  }
0x10b: {  	s24 =	rddreg [dreg:$0xe];
	[sflag:s29] =	ssyncadd.s32 $0xFFFFC000  }
0x10c: {  	[hbm4b:s24+s2] =	stream.strided.scatter [tilespmem:s30], [sflag:$0x5], $0x4000, s13, s2, $0x38;
	[tilespmem:$0x1D400] =	vst v63  }
0x10d: {  	_ =	swait.ge [sflag:s29], $0x4000  }
0x10e: {  	s14 =	sadd.s32 $0x1, s14;
	s25 =	rddreg [dreg:$0xf]  }
0x10f: {  	p0 =	sne.s32 s14, s25  }
.Ltmp4:
0x110: {  	_ = 	snop;
	(pc) =	sbr.rel @p0 .LBB2_1-.Ltmp4, $3  }
0x111: {  	[sflag:s29] =	ssyncset.done $0x0  }
0x112: {  	[sflag:s29] =	ssyncadd.s32 $0xFFFFC000  }
0x113: {  	[bflag:$0x0] =	sbarrier.arrive $0xFFFF;
	_ =	sdelay $0x1  }
0x114: {  	_ =	sfence.sel $0x180000  }
0x115: {  	[bflag:$0x0] =	sbarrier.arrive $0xFFFF  }
0x116: {  	_ =	strace $0x90000050  }
0x117: {  	s0 =	stileid.u32;
	[bflag:$0x2] =	sbarrier.arrive $0xFFFF  }
0x118: {  	p0 =	sne.s32 s0, $0x0;
	s0 =	rddreg [dreg:$0x3]  }
0x119: {  	s0 =	sadd.s32 @!p0 $0x100000, s0  }
0x11a: {  	[sflag:s0] =	ssyncadd.tile.s32 @!p0 $0x1;
	_ =	shalt  }
.Lfunc_end2:
_tile_overlayer_lowered:
.L_overlay_start_2:
0x11b: {  	(tag) =	ssettag $0x2  }
0x11c: {  	s0 =	rddreg [dreg:$0x0];
	s2 =	stileid.u32  }
0x11d: {  	s1 =	rddreg [dreg:$0x1];
	p0 =	sne.s32 s2, $0x0  }
0x11e: {  	s3 =	rddreg [dreg:$0x2];
	[bflag:$0x3] =	sbarrier.arrive $0xFFFF;
	s2 =	simm.s32 @!p0 $0x1C05  }
0x11f: {  	[timem:s3], [sflag:s2] =	dma.local @!p0 [hbm:s0], s1  }
0x120: {  	s0 =	simm.s32 @!p0 $0x5  }
0x121: {  	_ =	swait.ge @!p0 [sflag:s0], s1  }
0x122: {  	s1 =	ssub.s32 @!p0 $0x0, s1;
	[sflag:s0] =	ssyncset.done @!p0 $0x0  }
0x123: {  	[sflag:s0] =	ssyncadd.s32 @!p0 s1  }
0x124: {  	[bflag:$0x3] =	sbarrier.arrive $0xFFFF  }
0x125: {  	_ =	shalt  }

// kernel: kernel.18.cloned.1.call-start
scs
__scs_entry_jumppad:
0x0: {  	(pc) =	sbr.rel $0x88, $3  }
0x1: {  	(tag) =	ssettag $0x0;
	lr =	simm.s32 $0x1  }
0x2: {  	[smem:$0x3F98] =	sst lr;
	_ =	strace $0xD0000000  }
0x3: {  	_ = 	snop  }
0x4: {  	_ = 	snop  }
0x5: {  	_ = 	snop  }
0x6: {  	_ = 	snop  }
0x7: {  	_ = 	snop  }
__scs_overlays_trampoline_lowered:
0x8: {  	[smem:$0x3FA7] =	sst s0  }
0x9: {  	[smem:$0x3FA8] =	sst s1  }
0xa: {  	[smem:$0x3FA9] =	sst s2  }
0xb: {  	[smem:$0x3FAA] =	sst s3  }
0xc: {  	[smem:$0x3FAB] =	sst s4  }
0xd: {  	[smem:$0x3FAC] =	sst s5  }
0xe: {  	[smem:$0x3FAD] =	sst s6  }
0xf: {  	[smem:$0x3FAE] =	sst s7  }
0x10: {  	[smem:$0x3FAF] =	sst s8  }
0x11: {  	[smem:$0x3FB0] =	sst s9;
	s0 =	simm.s32 @!p0 $0x0  }
0x12: {  	s1 =	sld [smem:$0x3F96];
	s0 =	simm.s32 @p0 $0x1  }
0x13: {  	[smem:$0x3FB1] =	sst s0;
	s0 =	simm.s32 @!p1 $0x0  }
0x14: {  	s2 =	sld [smem:$0x3F95];
	s0 =	simm.s32 @p1 $0x1  }
0x15: {  	[smem:$0x3FB2] =	sst s0;
	s0 =	simm.s32 @!p2 $0x0  }
0x16: {  	s3 =	sld [smem:$0x3FDB];
	s0 =	simm.s32 @p2 $0x1  }
0x17: {  	s4 =	simm.s32 $0x1BF5;
	[smem:$0x3FB4] =	sst s0  }
0x18: {  	s0 =	sld [smem:$0x3F97];
	_ =	swait.ge [sflag:s4], $0x0  }
0x19: {  	s7 =	sld [smem:$0x3F98]  }
0x1a: {  	s8 =	sadd.s32 $0xFFFFE003, lr  }
0x1b: {  	s9 =	sadd.s32 $0xFFFFFEF7, lr;
	s5 =	simm.s32 $0xFFFFFFFF;
	p2 =	slt.u32 s8, $0xFFFFF086  }
0x1c: {  	p1 =	slt.u32 s9, $0xF7A;
	s5 =	simm.s32 @!p2 $0x0  }
0x1d: {  	s5 =	simm.s32 @p1 $0x1;
	p0 =	seq.s32 s7, s2  }
0x1e: {  	s7 =	smul.u32 @!p0 $0xF7A, s2;
	p2 =	seq.s32 @!p0 s5, $0x0  }
0x1f: {  	s9 =	smul.u32 $0xF7A, s1;
	s8 =	simm.s32 @!p0 $0x1BF5;
	p2 =	por !p2, p0  }
0x20: {  	[sflag:s8] =	ssyncset.s32 @!p0 $0xFFFFF086;
	s6 =	sadd.s32 @!p0 s3, s7;
	s7 =	simm.s32 @!p0 $0x108  }
0x21: {  	s3 =	sadd.s32 s3, s9;
	s6 =	sadd.s32 @!p0 $0x88, s6;
	s7 =	simm.s32 @p2 $0x1082  }
0x22: {  	[simem:s7], [sflag:s8] =	dma.local @!p0 [hbm:s6], $0xF7A  }
0x23: {  	s9 =	sor.u32 $0xD0000000, s2;
	s6 =	simm.s32 $0x108;
	_ =	swait.ge @!p0 [sflag:s8], $0x0  }
0x24: {  	s3 =	sadd.s32 $0x88, s3;
	s6 =	simm.s32 @!p1 $0x1082;
	[sflag:s4] =	ssyncset.s32 $0xFFFFF086  }
0x25: {  	[simem:s6], [sflag:s4] =	dma.local [hbm:s3], $0xF7A  }
0x26: {  	[smem:$0x3F98] =	sst s1;
	(tag) =	ssettag s2;
	_ =	strace s9  }
0x27: {  	s1 =	sld [smem:$0x3FA8]  }
0x28: {  	s2 =	sld [smem:$0x3FA9]  }
0x29: {  	s4 =	sld [smem:$0x3FAB]  }
0x2a: {  	p0 =	seq.s32 s5, $0x0;
	s5 =	sld [smem:$0x3FAC]  }
0x2b: {  	s6 =	sld [smem:$0x3FAD]  }
0x2c: {  	s7 =	sld [smem:$0x3FAE]  }
0x2d: {  	s3 =	simm.s32 $0x108;
	s8 =	sld [smem:$0x3FAF]  }
0x2e: {  	s3 =	simm.s32 @!p0 $0x1082;
	s9 =	sld [smem:$0x3FB0]  }
0x2f: {  	lr =	sadd.s32 s0, s3;
	s0 =	sld [smem:$0x3FA7]  }
0x30: {  	s3 =	sld [smem:$0x3FAA]  }
0x31: {  	[smem:$0x3FB3] =	sst s10  }
0x32: {  	s10 =	sld [smem:$0x3FB1];
	_ =	sdelay $0x3  }
0x33: {  	p0 =	seq.s32 s10, $0x1;
	s10 =	sld [smem:$0x3FB3];
	_ =	sdelay $0x3  }
0x34: {  	[smem:$0x3FB3] =	sst s10  }
0x35: {  	s10 =	sld [smem:$0x3FB2];
	_ =	sdelay $0x3  }
0x36: {  	p1 =	seq.s32 s10, $0x1;
	s10 =	sld [smem:$0x3FB3];
	_ =	sdelay $0x3  }
0x37: {  	[smem:$0x3FB3] =	sst s10  }
0x38: {  	s10 =	sld [smem:$0x3FB4]  }
0x39: {  	_ = 	snop;
	(pc) =	sbr.ind lr, $3  }
0x3a: {  	_ = 	snop  }
0x3b: {  	_ = 	snop  }
0x3c: {  	p2 =	seq.s32 s10, $0x1;
	s10 =	sld [smem:$0x3FB3]  }
0x3d: {  	_ =	shalt  }
0x3e: {  	_ =	shalt  }
0x3f: {  	_ =	shalt  }
0x40: {  	_ =	shalt  }
0x41: {  	_ =	shalt  }
0x42: {  	_ =	shalt  }
0x43: {  	_ =	shalt  }
0x44: {  	_ =	shalt  }
0x45: {  	_ =	shalt  }
0x46: {  	_ =	shalt  }
0x47: {  	_ =	shalt  }
0x48: {  	_ =	shalt  }
0x49: {  	_ =	shalt  }
0x4a: {  	_ =	shalt  }
0x4b: {  	_ =	shalt  }
0x4c: {  	_ =	shalt  }
0x4d: {  	_ =	shalt  }
0x4e: {  	_ =	shalt  }
0x4f: {  	_ =	shalt  }
0x50: {  	_ =	shalt  }
0x51: {  	_ =	shalt  }
0x52: {  	_ =	shalt  }
0x53: {  	_ =	shalt  }
0x54: {  	_ =	shalt  }
0x55: {  	_ =	shalt  }
0x56: {  	_ =	shalt  }
0x57: {  	_ =	shalt  }
0x58: {  	_ =	shalt  }
0x59: {  	_ =	shalt  }
0x5a: {  	_ =	shalt  }
0x5b: {  	_ =	shalt  }
0x5c: {  	_ =	shalt  }
0x5d: {  	_ =	shalt  }
0x5e: {  	_ =	shalt  }
0x5f: {  	_ =	shalt  }
0x60: {  	_ =	shalt  }
0x61: {  	_ =	shalt  }
0x62: {  	_ =	shalt  }
0x63: {  	_ =	shalt  }
0x64: {  	_ =	shalt  }
0x65: {  	_ =	shalt  }
0x66: {  	_ =	shalt  }
0x67: {  	_ =	shalt  }
0x68: {  	_ =	shalt  }
0x69: {  	_ =	shalt  }
0x6a: {  	_ =	shalt  }
0x6b: {  	_ =	shalt  }
0x6c: {  	_ =	shalt  }
0x6d: {  	_ =	shalt  }
0x6e: {  	_ =	shalt  }
0x6f: {  	_ =	shalt  }
0x70: {  	_ =	shalt  }
0x71: {  	_ =	shalt  }
0x72: {  	_ =	shalt  }
0x73: {  	_ =	shalt  }
0x74: {  	_ =	shalt  }
0x75: {  	_ =	shalt  }
0x76: {  	_ =	shalt  }
0x77: {  	_ =	shalt  }
0x78: {  	_ =	shalt  }
0x79: {  	_ =	shalt  }
0x7a: {  	_ =	shalt  }
0x7b: {  	_ =	shalt  }
0x7c: {  	_ =	shalt  }
0x7d: {  	_ =	shalt  }
0x7e: {  	_ =	shalt  }
0x7f: {  	_ =	shalt  }
0x80: {  	_ =	shalt  }
0x81: {  	_ =	shalt  }
0x82: {  	_ =	shalt  }
0x83: {  	_ =	shalt  }
0x84: {  	_ =	shalt  }
0x85: {  	_ =	shalt  }
0x86: {  	_ =	shalt  }
0x87: {  	_ =	shalt  }
.Lfunc_end0:
.L_simem_size_0:
called_computation.3_lowered:
.L_overlay_start_0:
0x88: {  	s2 =	sld [smem:$0x3FD9]  }
0x89: {  	s3 =	sld [smem:$0x3FFE];
	_ =	sdelay $0x1  }
0x8a: {  	s1 =	srdreg.scid  }
0x8b: {  	s0 =	sand.u32 $0x1, s1  }
0x8c: {  	s17 =	sshll.u32 s0, $0xA;
	s2 =	sadd.s32 s3, s2  }
0x8d: {  	s2 =	sadd.s32 s2, s17  }
0x8e: {  	[smem:$0x3FBF] =	sst s2  }
0x8f: {  	_ = 	snop  }
0x90: {  	(tm) =	ssettm $0x1  }
0x91: {  	s18 =	sld [smem:$0x3FFB];
	_ =	sdelay $0x3  }
0x92: {  	_ =	strace s18  }
0x93: {  	s2 =	sld [smem:$0x3FFC];
	_ =	sdelay $0x3  }
0x94: {  	_ =	strace s2  }
0x95: {  	s2 =	sld [smem:$0x3FFD];
	_ =	sdelay $0x3  }
0x96: {  	_ =	strace s2  }
0x97: {  	_ =	strace $0x8FFFFFFF  }
0x98: {  	s19 =	sld [smem:$0x3FDB];
	_ =	sdelay $0x1  }
0x99: {  	s20 =	simm.s32 $_scs_section_size  }
0x9a: {  	s4 =	simm.s32 $_size__tile_overlayer_lowered;
	s5 =	simm.s32 $_tile_overlayer_lowered  }
0x9b: {  	s6 =	simm.s32 $0x1BFF;
	s21 =	sshll.u32 s5, $0x1;
	s3 =	sadd.s32 s20, s19  }
0x9c: {  	s22 =	simm.s32 $0x0;
	s4 =	sshll.u32 s4, $0x1;
	s5 =	sadd.s32 s21, s3  }
0x9d: {  	[timem:s22], [sflag:s6] =	dma.local [hbm:s5], s4  }
0x9e: {  	_ =	swait.ge [sflag:s6], s4  }
0x9f: {  	s4 =	ssub.s32 $0x0, s4;
	[sflag:s6] =	ssyncset.done $0x0  }
0xa0: {  	[sflag:s6] =	ssyncadd.s32 s4;
	_ =	sdelay $0x1  }
0xa1: {  	s23 =	simm.s32 $0x1B8B  }
0xa2: {  	_ =	swait.ge [sflag:s23], $0x1  }
0xa3: {  	[sflag:s23] =	ssyncset.done $0x0  }
0xa4: {  	[sflag:s23] =	ssyncadd.s32 $0xFFFFFFFF  }
0xa5: {  	s4 =	sld [smem:$0x0]  }
0xa6: {  	s5 =	sand.u32 $0xFFFFFFFE, s1  }
0xa7: {  	p0 =	sne.s32 s1, s5  }
0xa8: {  	s5 =	sshll.u32 @p0 s5, $0xE  }
0xa9: {  	s5 =	sadd.s32 @p0 $0x11B8D, s5;
	s6 =	sshll.u32 @p0 s4, $0x11  }
0xaa: {  	s5 =	sor.u32 @p0 s6, s5  }
0xab: {  	[sflag:s5] =	ssyncadd.remote.s32 @p0 $0x1;
	_ =	sdelay $0x1  }
0xac: {  	s5 =	simm.s32 @p0 $0x1B8D  }
0xad: {  	_ =	swait.eq @p0 [sflag:s5], $0x1  }
0xae: {  	[sflag:s5] =	ssyncadd.s32 @p0 $0xFFFFFFFF  }
0xaf: {  	s6 =	sshll.u32 @!p0 s1, $0xE  }
0xb0: {  	s6 =	sor.u32 @!p0 $0x4000, s6;
	s5 =	simm.s32 @!p0 $0x1B8D  }
0xb1: {  	s4 =	sshll.u32 @!p0 s4, $0x11;
	s6 =	sadd.s32 @!p0 $0x11B8D, s6;
	_ =	swait.eq @!p0 [sflag:s5], $0x1  }
0xb2: {  	s4 =	sor.u32 @!p0 s4, s6;
	[sflag:s5] =	ssyncadd.s32 @!p0 $0xFFFFFFFF  }
0xb3: {  	s25 =	simm.s32 $0x1B8E;
	s24 =	sld [smem:$0x3FFE];
	[sflag:s4] =	ssyncadd.remote.s32 @!p0 $0x1  }
0xb4: {  	s26 =	simm.s32 $execute0_lowered;
	[smem:$0x3FD2] =	sst s25  }
0xb5: {  	s5 =	sshll.u32 s26, $0x1;
	_ =	strace $0x8000004C;
	[dreg:$0x1] =	wrdreg $0xFFFFFFFF  }
0xb6: {  	s28 =	simm.s32 $_size_execute0_lowered;
	s3 =	sadd.s32 s3, s5;
	[dreg:$0x0] =	wrdreg $0x0  }
0xb7: {  	s5 =	sshll.u32 s28, $0x1;
	[dreg:$0x2] =	wrdreg s3  }
0xb8: {  	[dreg:$0x3] =	wrdreg s5  }
0xb9: {  	[dreg:$0x4] =	wrdreg $0xC0  }
0xba: {  	_ =	task [dreg:s22], $0x5FFFF  }
0xbb: {  	[dreg:$0x1] =	wrdreg $0xFFFFFFFF  }
0xbc: {  	[dreg:$0x0] =	wrdreg $0x60  }
0xbd: {  	[dreg:$0x2] =	wrdreg s24  }
0xbe: {  	[dreg:$0x3] =	wrdreg $0x0  }
0xbf: {  	[dreg:$0x4] =	wrdreg $0xA  }
0xc0: {  	_ =	task.clear_ibuf [dreg:s22], $0x5FFFF;
	_ =	strace $0x9000004C  }
0xc1: {  	s29 =	simm.s32 $0xA;
	_ =	strace $0x8000004E  }
0xc2: {  	_ =	swait.ge [sflag:s29], $0x1  }
0xc3: {  	[sflag:s29] =	ssyncadd.s32 $0xFFFFFFFF  }
0xc4: {  	_ =	strace $0x9000004E  }
0xc5: {  	_ =	sfence  }
0xc6: {  	s30 =	sld [smem:$0x0];
	_ =	sdelay $0x2  }
0xc7: {  	s31 =	sshll.u32 s1, $0xD;
	s1 =	sshrl.u32 s1, $0x2  }
0xc8: {  	s4 =	sand.u32 $0x4000, s31;
	s1 =	sadd.s32 s1, s30  }
0xc9: {  	s0 =	sor.u32 s4, s0;
	s1 =	sshll.u32 s1, $0x11  }
0xca: {  	s0 =	sor.u32 s1, s0  }
0xcb: {  	s0 =	sadd.s32 $0x8F2B, s0  }
0xcc: {  	[sflag:s0] =	ssyncadd.remote.s32 $0x1  }
0xcd: {  	_ =	sfence.sel $0xFFFF  }
0xce: {  	[dreg:$0x0] =	wrdreg $0xFFFFFFFF;
	(pc) =	sbr.abs _section_cstart, $3  }
0xcf: {  	[dreg:$0x1] =	wrdreg $0xFFFFFFFF  }
0xd0: {  	_ =	task.clear_ibuf [dreg:s22], $0x2FFFF;
	_ =	strace $0x9FFFFFFF  }
0xd1: {  	(tm) =	ssettm $0x7FFFFFFF  }
tec
execute0_lowered:
.L_overlay_start_1:
0x0: {  	(tag) =	ssettag $0x1  }
0x1: {  	s0 =	rddreg [dreg:$0x0]  }
0x2: {  	s1 =	srdreg.scid;
	s2 =	rddreg [dreg:$0x1]  }
0x3: {  	s19 =	stileid.u32;
	s3 =	simm.s32 $0x0;
	s28 =	simm.s32 $0x14000  }
0x4: {  	s29 =	simm.s32 $0x5;
	s30 =	simm.s32 $0x15400;
	s5 =	smul.u32 $0x1400, s19  }
0x5: {  	s31 =	simm.s32 $0x19400;
	s10 =	sadd.s32 $0x50D400, s0;
	s7 =	smul.u32 $0x280, s19  }
0x6: {  	s1 =	sand.u32 $0x1, s1;
	s11 =	sadd.s32 $0xB43400, s0;
	s8 =	smul.u32 $0x50000, s19  }
0x7: {  	[smem:$0x7FF] =	sst s3;
	s12 =	sadd.s32 $0x8C3400, s0;
	s4 =	smul.u32 $0x14000, s1  }
0x8: {  	_ =	strace $0x8000004D;
	s18 =	ssub.s32 $0x2, s1;
	s1 =	smul.u32 $0x280000, s1  }
0x9: {  	s6 =	sshrl.u32 s18, $0x1;
	s20 =	sadd.s32 $0x80, s7;
	s21 =	sshrl.u32 s8, $0x2  }
0xa: {  	s14 =	sadd.s32 $0x100, s7;
	s15 =	sadd.s32 $0x180, s7;
	s16 =	sadd.s32 $0x200, s7  }
0xb: {  	s4 =	sadd.s32 s5, s4;
	s13 =	ssub.s32 s18, s6;
	s22 =	sshll.u32 s20, $0x7  }
0xc: {  	s5 =	sadd.s32 s21, s2;
	s23 =	sshll.u32 s14, $0x7;
	s9 =	sshll.u32 s15, $0x7  }
0xd: {  	s17 =	sshll.u32 s16, $0x7;
	s18 =	smul.u32 $0x28000, s19;
	s14 =	sshll.u32 s14, $0x8  }
0xe: {  	s15 =	sshll.u32 s15, $0x8;
	s16 =	sshll.u32 s16, $0x8;
	s4 =	sshrl.u32 s4, $0x3  }
0xf: {  	s8 =	sadd.s32 s9, s2;
	s9 =	sadd.s32 s17, s2;
	s17 =	smul.u32 $0x14000, s19  }
0x10: {  	s6 =	sadd.s32 s22, s2;
	s7 =	sadd.s32 s23, s2;
	s19 =	smul.u32 $0xA0000, s19  }
0x11: {  	s14 =	sadd.s32 s1, s14;
	s15 =	sadd.s32 s1, s15;
	s4 =	sadd.s32 s4, s0  }
0x12: {  	s18 =	sadd.s32 s18, s1;
	s14 =	sshrl.u32 s14, $0x3;
	s15 =	sshrl.u32 s15, $0x3  }
0x13: {  	s0 =	sadd.s32 $0x8C3410, s0;
	s4 =	sadd.s32 $0x8BE400, s4;
	s18 =	sshrl.u32 s18, $0x3  }
0x14: {  	s25 =	sadd.s32 s12, s14;
	s26 =	sadd.s32 s12, s15;
	[dreg:$0x3] =	wrdreg s4  }
0x15: {  	s21 =	sadd.s32 s14, s0;
	s22 =	sadd.s32 s15, s0;
	[dreg:$0x6] =	wrdreg s25  }
0x16: {  	s23 =	sshrl.u32 s19, $0x3;
	s14 =	simm.s32 $0x0;
	[dreg:$0x7] =	wrdreg s26  }
0x17: {  	s4 =	sshll.u32 s20, $0x8;
	s20 =	sadd.s32 s12, s18;
	[dreg:$0xb] =	wrdreg s21  }
0x18: {  	[dreg:$0xc] =	wrdreg s22;
	s21 =	sadd.s32 s11, s17;
	s25 =	smax.u32 s13, $0x1  }
0x19: {  	s4 =	sadd.s32 s1, s4;
	[dreg:$0x4] =	wrdreg s20;
	s1 =	sadd.s32 s1, s16  }
0x1a: {  	s20 =	sadd.s32 s18, s0;
	[dreg:$0xe] =	wrdreg s25;
	s4 =	sshrl.u32 s4, $0x3  }
0x1b: {  	s1 =	sshrl.u32 s1, $0x3;
	[dreg:$0x9] =	wrdreg s20;
	s24 =	sadd.s32 s12, s4  }
0x1c: {  	s13 =	simm.s32 $0x100;
	s12 =	sadd.s32 s12, s1;
	[dreg:$0x5] =	wrdreg s24  }
0x1d: {  	s20 =	sadd.s32 s10, s17;
	s4 =	sadd.s32 s4, s0;
	[dreg:$0x8] =	wrdreg s12  }
0x1e: {  	s0 =	sadd.s32 s1, s0;
	s17 =	sadd.s32 $0x1000, s20;
	[dreg:$0xa] =	wrdreg s4  }
0x1f: {  	s1 =	simm.s32 $0x80;
	[dreg:$0xd] =	wrdreg s0;
	s24 =	sor.u32 $0x800, s23  }
0x20: {  	s4 =	simm.s32 $0x2;
	s12 =	simm.s32 $0x4;
	s26 =	sadd.s32 s10, s24  }
0x21: {  	s0 =	sadd.s32 s11, s24;
	s11 =	simm.s32 $0x3;
	[dreg:$0xf] =	wrdreg s26  }
0x22: {  	v0 =	vimm.f32 $0.0e+00;
	[dreg:$0x10] =	wrdreg s0;
	s26 =	sadd.s32 $0x1000, s21;
	s0 =	simm.s32 $0x1  }
.LBB2_1:
0x23: {  	s10 =	rddreg [dreg:$0x3]  }
0x24: {  	[tilespmem:s28], [sflag:$0x5] =	stream.linear.gather [hbm4b:s10+s3], $0x1400, $0x38;
	[tilespmem:$0x1D400] =	vst v63  }
0x25: {  	_ =	swait.ge [sflag:s29], $0x1400  }
0x26: {  	[sflag:s29] =	ssyncset.done $0x0  }
0x27: {  	s15 =	simm.s32 $0x0;
	s16 =	simm.s32 $0x200;
	[sflag:s29] =	ssyncadd.s32 $0xFFFFEC00  }
.LBB2_2:
0x28: {  	p0 =	sne.s32 s16, $0xFE00;
	[tilespmem:s15+$0x15470] =	vst v0  }
0x29: {  	[tilespmem:s15+$0x15400] =	vst v0  }
0x2a: {  	[tilespmem:s15+$0x15410] =	vst v0  }
.Ltmp0:
0x2b: {  	[tilespmem:s15+$0x15420] =	vst v0;
	(pc) =	sbr.rel @p0 .LBB2_2-.Ltmp0, $4  }
0x2c: {  	[tilespmem:s15+$0x15430] =	vst v0  }
0x2d: {  	[tilespmem:s15+$0x15440] =	vst v0  }
0x2e: {  	[tilespmem:s15+$0x15450] =	vst v0  }
0x2f: {  	[tilespmem:s15+$0x15460] =	vst v0;
	s15 =	sshra.s32 s16, $0x2;
	s16 =	sadd.s32 $0x200, s16  }
0x30: {  	[tilespmem:s15+$0x15470] =	vst v0  }
0x31: {  	[tilespmem:s15+$0x15400] =	vst v0  }
0x32: {  	[tilespmem:s15+$0x15410] =	vst v0  }
0x33: {  	[tilespmem:s15+$0x15420] =	vst v0  }
0x34: {  	[tilespmem:s15+$0x15430] =	vst v0  }
0x35: {  	[tilespmem:s15+$0x15440] =	vst v0  }
0x36: {  	[tilespmem:s15+$0x15450] =	vst v0  }
0x37: {  	[tilespmem:s15+$0x15460] =	vst v0  }
0x38: {  	[spmem:s5] =	stream.linear.scatter [tilespmem:s30], [sflag:$0x5], $0x4000, $0x38;
	[tilespmem:$0x1D400] =	vst v63  }
0x39: {  	_ =	swait.ge [sflag:s29], $0x4000  }
0x3a: {  	[sflag:s29] =	ssyncset.done $0x0  }
0x3b: {  	[sflag:s29] =	ssyncadd.s32 $0xFFFFC000  }
0x3c: {  	[spmem:s6] =	stream.linear.scatter [tilespmem:s30], [sflag:$0x5], $0x4000, $0x38;
	[tilespmem:$0x1D400] =	vst v63  }
0x3d: {  	_ =	swait.ge [sflag:s29], $0x4000  }
0x3e: {  	[sflag:s29] =	ssyncset.done $0x0  }
0x3f: {  	[sflag:s29] =	ssyncadd.s32 $0xFFFFC000  }
0x40: {  	[spmem:s7] =	stream.linear.scatter [tilespmem:s30], [sflag:$0x5], $0x4000, $0x38;
	[tilespmem:$0x1D400] =	vst v63  }
0x41: {  	_ =	swait.ge [sflag:s29], $0x4000  }
0x42: {  	[sflag:s29] =	ssyncset.done $0x0  }
0x43: {  	[sflag:s29] =	ssyncadd.s32 $0xFFFFC000  }
0x44: {  	[spmem:s8] =	stream.linear.scatter [tilespmem:s30], [sflag:$0x5], $0x4000, $0x38;
	[tilespmem:$0x1D400] =	vst v63  }
0x45: {  	_ =	swait.ge [sflag:s29], $0x4000  }
0x46: {  	[sflag:s29] =	ssyncset.done $0x0  }
0x47: {  	[sflag:s29] =	ssyncadd.s32 $0xFFFFC000  }
0x48: {  	[spmem:s9] =	stream.linear.scatter [tilespmem:s30], [sflag:$0x5], $0x4000, $0x38;
	[tilespmem:$0x1D400] =	vst v63  }
0x49: {  	_ =	swait.ge [sflag:s29], $0x4000  }
0x4a: {  	[sflag:s29] =	ssyncset.done $0x0  }
0x4b: {  	[sflag:s29] =	ssyncadd.s32 $0xFFFFC000  }
0x4c: {  	[bflag:$0x0] =	sbarrier.arrive $0xFFFF  }
0x4d: {  	[tilespmem:s30], [sflag:$0x1] =	stream.linear.gather [hbm4b:s20+s3], $0x4000, $0x38;
	[tilespmem:$0x1D400] =	vst v63  }
0x4e: {  	s10 =	rddreg [dreg:$0xf]  }
0x4f: {  	[tilespmem:s31], [sflag:$0x2] =	stream.linear.gather [hbm4b:s10+s3], $0x4000, $0x38;
	[tilespmem:$0x1D400] =	vst v63  }
0x50: {  	s23 =	simm.s32 $0x2;
	s19 =	simm.s32 $0x1;
	_ =	swait.ge [sflag:s0], $0x4000  }
0x51: {  	s15 =	sand.u32 $0x1, s23;
	s23 =	sand.u32 $0x1, s19;
	[sflag:s0] =	ssyncset.done $0x0  }
0x52: {  	s16 =	sadd.s32 $0x3, s15;
	s18 =	sshll.u32 s15, $0xE;
	[sflag:s0] =	ssyncadd.s32 $0xFFFFC000  }
0x53: {  	[spmem:s2] =	stream.indirect.scatter.add.f32 [tilespmem:s30], [sflag:$0x3], $0x80, s28, s1, $0xb8;
	[tilespmem:$0x1D400] =	vst v63  }
0x54: {  	s15 =	sadd.s32 $0x1, s15;
	s19 =	sadd.s32 $0x1, s23;
	_ =	swait.ge [sflag:s16], $0x4000  }
0x55: {  	s25 =	sshll.u32 s23, $0xE;
	s23 =	sadd.s32 $0x3, s23;
	[sflag:s16] =	ssyncset.done $0x0  }
0x56: {  	s24 =	sadd.s32 $0x15400, s18;
	s22 =	sadd.s32 $0x15400, s25;
	[sflag:s16] =	ssyncadd.s32 $0xFFFFC000  }
0x57: {  	[tilespmem:s24], [sflag:s15] =	stream.linear.gather [hbm4b:s17+s3], $0x4000, $0x38;
	[tilespmem:$0x1D400] =	vst v63  }
0x58: {  	s25 =	smov.u32 s17;
	s18 =	simm.s32 $0x14080;
	_ =	swait.ge [sflag:s19], $0x4000  }
0x59: {  	s16 =	simm.s32 $0x3;
	s15 =	simm.s32 $0x14080;
	[sflag:s19] =	ssyncset.done $0x0  }
.LBB2_4:
0x5a: {  	[sflag:s19] =	ssyncadd.s32 $0xFFFFC000  }
0x5b: {  	s15 =	sadd.s32 $0x80, s15;
	s25 =	sadd.s32 $0x800, s25;
	s19 =	smov.u32 s16  }
0x5c: {  	[spmem:s2] =	stream.indirect.scatter.add.f32 [tilespmem:s22], [sflag:s23], $0x80, s18, s1, $0xb8;
	[tilespmem:$0x1D400] =	vst v63  }
0x5d: {  	p0 =	sne.s32 s16, $0x27;
	s16 =	sadd.s32 $0x1, s16;
	s22 =	sand.u32 $0x1, s19  }
0x5e: {  	s18 =	smov.u32 s15;
	s23 =	sadd.s32 $0x3, s22;
	s24 =	sshll.u32 s22, $0xE  }
0x5f: {  	s19 =	sadd.s32 $0xFFFFFFFF, s19;
	_ =	swait.ge [sflag:s23], $0x4000  }
0x60: {  	s22 =	sadd.s32 $0x1, s22;
	s10 =	sand.u32 $0x1, s19;
	[sflag:s23] =	ssyncset.done $0x0  }
.Ltmp1:
0x61: {  	s19 =	sadd.s32 $0x15400, s24;
	[sflag:s23] =	ssyncadd.s32 $0xFFFFC000;
	(pc) =	sbr.rel @p0 .LBB2_4-.Ltmp1, $4  }
0x62: {  	[tilespmem:s19], [sflag:s22] =	stream.linear.gather [hbm4b:s25+s3], $0x4000, $0x38;
	[tilespmem:$0x1D400] =	vst v63  }
0x63: {  	s19 =	sadd.s32 $0x1, s10;
	s22 =	sshll.u32 s10, $0xE  }
0x64: {  	_ =	swait.ge [sflag:s19], $0x4000  }
0x65: {  	s23 =	sadd.s32 $0x3, s10;
	s22 =	sadd.s32 $0x15400, s22;
	[sflag:s19] =	ssyncset.done $0x0  }
0x66: {  	[sflag:s19] =	ssyncadd.s32 $0xFFFFC000  }
0x67: {  	[spmem:s2] =	stream.indirect.scatter.add.f32 [tilespmem:s22], [sflag:s23], $0x80, s18, s1, $0xb8;
	[tilespmem:$0x1D400] =	vst v63  }
0x68: {  	_ =	swait.ge [sflag:s4], $0x4000  }
0x69: {  	[sflag:s4] =	ssyncset.done $0x0  }
0x6a: {  	s24 =	simm.s32 $0x15380;
	[sflag:s4] =	ssyncadd.s32 $0xFFFFC000  }
0x6b: {  	[spmem:s2] =	stream.indirect.scatter.add.f32 [tilespmem:s31], [sflag:$0x4], $0x80, s24, s1, $0xb8;
	[tilespmem:$0x1D400] =	vst v63  }
0x6c: {  	_ =	swait.ge [sflag:s11], $0x4000  }
0x6d: {  	[sflag:s11] =	ssyncset.done $0x0  }
0x6e: {  	[sflag:s11] =	ssyncadd.s32 $0xFFFFC000  }
0x6f: {  	_ =	swait.ge [sflag:s12], $0x4000  }
0x70: {  	[sflag:s12] =	ssyncset.done $0x0  }
0x71: {  	[sflag:s12] =	ssyncadd.s32 $0xFFFFC000  }
0x72: {  	[bflag:$0x0] =	sbarrier.arrive $0xFFFF  }
0x73: {  	[tilespmem:s30], [sflag:$0x5] =	stream.linear.gather [spmem:s5], $0x4000, $0x38;
	[tilespmem:$0x1D400] =	vst v63  }
0x74: {  	_ =	swait.ge [sflag:s29], $0x4000  }
0x75: {  	[sflag:s29] =	ssyncset.done $0x0  }
0x76: {  	s10 =	rddreg [dreg:$0x4];
	[sflag:s29] =	ssyncadd.s32 $0xFFFFC000  }
0x77: {  	[hbm4b:s10+s1] =	stream.strided.scatter [tilespmem:s30], [sflag:$0x5], $0x4000, s13, s1, $0x38;
	[tilespmem:$0x1D400] =	vst v63  }
0x78: {  	_ =	swait.ge [sflag:s29], $0x4000  }
0x79: {  	[sflag:s29] =	ssyncset.done $0x0  }
0x7a: {  	[sflag:s29] =	ssyncadd.s32 $0xFFFFC000  }
0x7b: {  	[tilespmem:s30], [sflag:$0x5] =	stream.linear.gather [spmem:s6], $0x4000, $0x38;
	[tilespmem:$0x1D400] =	vst v63  }
0x7c: {  	_ =	swait.ge [sflag:s29], $0x4000  }
0x7d: {  	[sflag:s29] =	ssyncset.done $0x0  }
0x7e: {  	s19 =	rddreg [dreg:$0x5];
	[sflag:s29] =	ssyncadd.s32 $0xFFFFC000  }
0x7f: {  	[hbm4b:s19+s1] =	stream.strided.scatter [tilespmem:s30], [sflag:$0x5], $0x4000, s13, s1, $0x38;
	[tilespmem:$0x1D400] =	vst v63  }
0x80: {  	_ =	swait.ge [sflag:s29], $0x4000  }
0x81: {  	[sflag:s29] =	ssyncset.done $0x0  }
0x82: {  	[sflag:s29] =	ssyncadd.s32 $0xFFFFC000  }
0x83: {  	[tilespmem:s30], [sflag:$0x5] =	stream.linear.gather [spmem:s7], $0x4000, $0x38;
	[tilespmem:$0x1D400] =	vst v63  }
0x84: {  	_ =	swait.ge [sflag:s29], $0x4000  }
0x85: {  	[sflag:s29] =	ssyncset.done $0x0  }
0x86: {  	s22 =	rddreg [dreg:$0x6];
	[sflag:s29] =	ssyncadd.s32 $0xFFFFC000  }
0x87: {  	[hbm4b:s22+s1] =	stream.strided.scatter [tilespmem:s30], [sflag:$0x5], $0x4000, s13, s1, $0x38;
	[tilespmem:$0x1D400] =	vst v63  }
0x88: {  	_ =	swait.ge [sflag:s29], $0x4000  }
0x89: {  	[sflag:s29] =	ssyncset.done $0x0  }
0x8a: {  	[sflag:s29] =	ssyncadd.s32 $0xFFFFC000  }
0x8b: {  	[tilespmem:s30], [sflag:$0x5] =	stream.linear.gather [spmem:s8], $0x4000, $0x38;
	[tilespmem:$0x1D400] =	vst v63  }
0x8c: {  	_ =	swait.ge [sflag:s29], $0x4000  }
0x8d: {  	[sflag:s29] =	ssyncset.done $0x0  }
0x8e: {  	s23 =	rddreg [dreg:$0x7];
	[sflag:s29] =	ssyncadd.s32 $0xFFFFC000  }
0x8f: {  	[hbm4b:s23+s1] =	stream.strided.scatter [tilespmem:s30], [sflag:$0x5], $0x4000, s13, s1, $0x38;
	[tilespmem:$0x1D400] =	vst v63  }
0x90: {  	_ =	swait.ge [sflag:s29], $0x4000  }
0x91: {  	[sflag:s29] =	ssyncset.done $0x0  }
0x92: {  	[sflag:s29] =	ssyncadd.s32 $0xFFFFC000  }
0x93: {  	[tilespmem:s30], [sflag:$0x5] =	stream.linear.gather [spmem:s9], $0x4000, $0x38;
	[tilespmem:$0x1D400] =	vst v63  }
0x94: {  	_ =	swait.ge [sflag:s29], $0x4000  }
0x95: {  	[sflag:s29] =	ssyncset.done $0x0  }
0x96: {  	s25 =	rddreg [dreg:$0x8];
	[sflag:s29] =	ssyncadd.s32 $0xFFFFC000  }
0x97: {  	[hbm4b:s25+s1] =	stream.strided.scatter [tilespmem:s30], [sflag:$0x5], $0x4000, s13, s1, $0x38;
	[tilespmem:$0x1D400] =	vst v63  }
0x98: {  	_ =	swait.ge [sflag:s29], $0x4000  }
0x99: {  	[sflag:s29] =	ssyncset.done $0x0  }
0x9a: {  	[sflag:s29] =	ssyncadd.s32 $0xFFFFC000  }
0x9b: {  	s15 =	simm.s32 $0x0;
	s16 =	simm.s32 $0x200;
	[bflag:$0x0] =	sbarrier.arrive $0xFFFF  }
.LBB2_6:
0x9c: {  	p0 =	sne.s32 s16, $0xFE00;
	[tilespmem:s15+$0x15470] =	vst v0  }
0x9d: {  	[tilespmem:s15+$0x15400] =	vst v0  }
0x9e: {  	[tilespmem:s15+$0x15410] =	vst v0  }
.Ltmp2:
0x9f: {  	[tilespmem:s15+$0x15420] =	vst v0;
	(pc) =	sbr.rel @p0 .LBB2_6-.Ltmp2, $4  }
0xa0: {  	[tilespmem:s15+$0x15430] =	vst v0  }
0xa1: {  	[tilespmem:s15+$0x15440] =	vst v0  }
0xa2: {  	[tilespmem:s15+$0x15450] =	vst v0  }
0xa3: {  	[tilespmem:s15+$0x15460] =	vst v0;
	s15 =	sshra.s32 s16, $0x2;
	s16 =	sadd.s32 $0x200, s16  }
0xa4: {  	[tilespmem:s15+$0x15470] =	vst v0  }
0xa5: {  	[tilespmem:s15+$0x15400] =	vst v0  }
0xa6: {  	[tilespmem:s15+$0x15410] =	vst v0  }
0xa7: {  	[tilespmem:s15+$0x15420] =	vst v0  }
0xa8: {  	[tilespmem:s15+$0x15430] =	vst v0  }
0xa9: {  	[tilespmem:s15+$0x15440] =	vst v0  }
0xaa: {  	[tilespmem:s15+$0x15450] =	vst v0  }
0xab: {  	[tilespmem:s15+$0x15460] =	vst v0  }
0xac: {  	[spmem:s5] =	stream.linear.scatter [tilespmem:s30], [sflag:$0x5], $0x4000, $0x38;
	[tilespmem:$0x1D400] =	vst v63  }
0xad: {  	_ =	swait.ge [sflag:s29], $0x4000  }
0xae: {  	[sflag:s29] =	ssyncset.done $0x0  }
0xaf: {  	[sflag:s29] =	ssyncadd.s32 $0xFFFFC000  }
0xb0: {  	[spmem:s6] =	stream.linear.scatter [tilespmem:s30], [sflag:$0x5], $0x4000, $0x38;
	[tilespmem:$0x1D400] =	vst v63  }
0xb1: {  	_ =	swait.ge [sflag:s29], $0x4000  }
0xb2: {  	[sflag:s29] =	ssyncset.done $0x0  }
0xb3: {  	[sflag:s29] =	ssyncadd.s32 $0xFFFFC000  }
0xb4: {  	[spmem:s7] =	stream.linear.scatter [tilespmem:s30], [sflag:$0x5], $0x4000, $0x38;
	[tilespmem:$0x1D400] =	vst v63  }
0xb5: {  	_ =	swait.ge [sflag:s29], $0x4000  }
0xb6: {  	[sflag:s29] =	ssyncset.done $0x0  }
0xb7: {  	[sflag:s29] =	ssyncadd.s32 $0xFFFFC000  }
0xb8: {  	[spmem:s8] =	stream.linear.scatter [tilespmem:s30], [sflag:$0x5], $0x4000, $0x38;
	[tilespmem:$0x1D400] =	vst v63  }
0xb9: {  	_ =	swait.ge [sflag:s29], $0x4000  }
0xba: {  	[sflag:s29] =	ssyncset.done $0x0  }
0xbb: {  	[sflag:s29] =	ssyncadd.s32 $0xFFFFC000  }
0xbc: {  	[spmem:s9] =	stream.linear.scatter [tilespmem:s30], [sflag:$0x5], $0x4000, $0x38;
	[tilespmem:$0x1D400] =	vst v63  }
0xbd: {  	_ =	swait.ge [sflag:s29], $0x4000  }
0xbe: {  	[sflag:s29] =	ssyncset.done $0x0  }
0xbf: {  	[sflag:s29] =	ssyncadd.s32 $0xFFFFC000  }
0xc0: {  	[bflag:$0x0] =	sbarrier.arrive $0xFFFF  }
0xc1: {  	[tilespmem:s30], [sflag:$0x1] =	stream.linear.gather [hbm4b:s21+s3], $0x4000, $0x38;
	[tilespmem:$0x1D400] =	vst v63  }
0xc2: {  	s10 =	rddreg [dreg:$0x10]  }
0xc3: {  	[tilespmem:s31], [sflag:$0x2] =	stream.linear.gather [hbm4b:s10+s3], $0x4000, $0x38;
	[tilespmem:$0x1D400] =	vst v63  }
0xc4: {  	s19 =	simm.s32 $0x2;
	s18 =	simm.s32 $0x1;
	_ =	swait.ge [sflag:s0], $0x4000  }
0xc5: {  	s15 =	simm.s32 $0x14080;
	s10 =	sand.u32 $0x1, s19;
	[sflag:s0] =	ssyncset.done $0x0  }
0xc6: {  	s18 =	sand.u32 $0x1, s18;
	s22 =	sadd.s32 $0x3, s10;
	[sflag:s0] =	ssyncadd.s32 $0xFFFFC000  }
0xc7: {  	[spmem:s2] =	stream.indirect.scatter.add.f32 [tilespmem:s30], [sflag:$0x3], $0x80, s28, s1, $0xb8;
	[tilespmem:$0x1D400] =	vst v63  }
0xc8: {  	s25 =	sshll.u32 s18, $0xE;
	s19 =	sadd.s32 $0x1, s18;
	_ =	swait.ge [sflag:s22], $0x4000  }
0xc9: {  	s16 =	sshll.u32 s10, $0xE;
	s10 =	sadd.s32 $0x1, s10;
	[sflag:s22] =	ssyncset.done $0x0  }
0xca: {  	s23 =	sadd.s32 $0x15400, s16;
	s16 =	simm.s32 $0x3;
	[sflag:s22] =	ssyncadd.s32 $0xFFFFC000  }
0xcb: {  	[tilespmem:s23], [sflag:s10] =	stream.linear.gather [hbm4b:s26+s3], $0x4000, $0x38;
	[tilespmem:$0x1D400] =	vst v63  }
0xcc: {  	s22 =	sadd.s32 $0x15400, s25;
	s25 =	smov.u32 s26;
	_ =	swait.ge [sflag:s19], $0x4000  }
0xcd: {  	s23 =	sadd.s32 $0x3, s18;
	s18 =	simm.s32 $0x14080;
	[sflag:s19] =	ssyncset.done $0x0  }
.LBB2_8:
0xce: {  	[sflag:s19] =	ssyncadd.s32 $0xFFFFC000  }
0xcf: {  	s15 =	sadd.s32 $0x80, s15;
	s25 =	sadd.s32 $0x800, s25;
	s10 =	smov.u32 s16  }
0xd0: {  	[spmem:s2] =	stream.indirect.scatter.add.f32 [tilespmem:s22], [sflag:s23], $0x80, s18, s1, $0xb8;
	[tilespmem:$0x1D400] =	vst v63  }
0xd1: {  	p0 =	sne.s32 s16, $0x27;
	s16 =	sadd.s32 $0x1, s16;
	s19 =	sand.u32 $0x1, s10  }
0xd2: {  	s18 =	smov.u32 s15;
	s22 =	sadd.s32 $0x3, s19;
	s23 =	sshll.u32 s19, $0xE  }
0xd3: {  	s10 =	sadd.s32 $0xFFFFFFFF, s10;
	_ =	swait.ge [sflag:s22], $0x4000  }
0xd4: {  	s19 =	sadd.s32 $0x1, s19;
	s10 =	sand.u32 $0x1, s10;
	[sflag:s22] =	ssyncset.done $0x0  }
.Ltmp3:
0xd5: {  	[sflag:s22] =	ssyncadd.s32 $0xFFFFC000;
	s22 =	sadd.s32 $0x15400, s23;
	(pc) =	sbr.rel @p0 .LBB2_8-.Ltmp3, $4  }
0xd6: {  	[tilespmem:s22], [sflag:s19] =	stream.linear.gather [hbm4b:s25+s3], $0x4000, $0x38;
	[tilespmem:$0x1D400] =	vst v63  }
0xd7: {  	s19 =	sadd.s32 $0x1, s10;
	s22 =	sshll.u32 s10, $0xE  }
0xd8: {  	_ =	swait.ge [sflag:s19], $0x4000  }
0xd9: {  	s23 =	sadd.s32 $0x3, s10;
	s22 =	sadd.s32 $0x15400, s22;
	[sflag:s19] =	ssyncset.done $0x0  }
0xda: {  	[sflag:s19] =	ssyncadd.s32 $0xFFFFC000  }
0xdb: {  	[spmem:s2] =	stream.indirect.scatter.add.f32 [tilespmem:s22], [sflag:s23], $0x80, s18, s1, $0xb8;
	[tilespmem:$0x1D400] =	vst v63  }
0xdc: {  	_ =	swait.ge [sflag:s4], $0x4000  }
0xdd: {  	[sflag:s4] =	ssyncset.done $0x0  }
0xde: {  	[sflag:s4] =	ssyncadd.s32 $0xFFFFC000  }
0xdf: {  	[spmem:s2] =	stream.indirect.scatter.add.f32 [tilespmem:s31], [sflag:$0x4], $0x80, s24, s1, $0xb8;
	[tilespmem:$0x1D400] =	vst v63  }
0xe0: {  	_ =	swait.ge [sflag:s11], $0x4000  }
0xe1: {  	[sflag:s11] =	ssyncset.done $0x0  }
0xe2: {  	[sflag:s11] =	ssyncadd.s32 $0xFFFFC000  }
0xe3: {  	_ =	swait.ge [sflag:s12], $0x4000  }
0xe4: {  	[sflag:s12] =	ssyncset.done $0x0  }
0xe5: {  	[sflag:s12] =	ssyncadd.s32 $0xFFFFC000  }
0xe6: {  	[bflag:$0x0] =	sbarrier.arrive $0xFFFF  }
0xe7: {  	[tilespmem:s30], [sflag:$0x5] =	stream.linear.gather [spmem:s5], $0x4000, $0x38;
	[tilespmem:$0x1D400] =	vst v63  }
0xe8: {  	_ =	swait.ge [sflag:s29], $0x4000  }
0xe9: {  	[sflag:s29] =	ssyncset.done $0x0  }
0xea: {  	s10 =	rddreg [dreg:$0x9];
	[sflag:s29] =	ssyncadd.s32 $0xFFFFC000  }
0xeb: {  	[hbm4b:s10+s1] =	stream.strided.scatter [tilespmem:s30], [sflag:$0x5], $0x4000, s13, s1, $0x38;
	[tilespmem:$0x1D400] =	vst v63  }
0xec: {  	_ =	swait.ge [sflag:s29], $0x4000  }
0xed: {  	[sflag:s29] =	ssyncset.done $0x0  }
0xee: {  	[sflag:s29] =	ssyncadd.s32 $0xFFFFC000  }
0xef: {  	[tilespmem:s30], [sflag:$0x5] =	stream.linear.gather [spmem:s6], $0x4000, $0x38;
	[tilespmem:$0x1D400] =	vst v63  }
0xf0: {  	_ =	swait.ge [sflag:s29], $0x4000  }
0xf1: {  	[sflag:s29] =	ssyncset.done $0x0  }
0xf2: {  	s19 =	rddreg [dreg:$0xa];
	[sflag:s29] =	ssyncadd.s32 $0xFFFFC000  }
0xf3: {  	[hbm4b:s19+s1] =	stream.strided.scatter [tilespmem:s30], [sflag:$0x5], $0x4000, s13, s1, $0x38;
	[tilespmem:$0x1D400] =	vst v63  }
0xf4: {  	_ =	swait.ge [sflag:s29], $0x4000  }
0xf5: {  	[sflag:s29] =	ssyncset.done $0x0  }
0xf6: {  	[sflag:s29] =	ssyncadd.s32 $0xFFFFC000  }
0xf7: {  	[tilespmem:s30], [sflag:$0x5] =	stream.linear.gather [spmem:s7], $0x4000, $0x38;
	[tilespmem:$0x1D400] =	vst v63  }
0xf8: {  	_ =	swait.ge [sflag:s29], $0x4000  }
0xf9: {  	[sflag:s29] =	ssyncset.done $0x0  }
0xfa: {  	s22 =	rddreg [dreg:$0xb];
	[sflag:s29] =	ssyncadd.s32 $0xFFFFC000  }
0xfb: {  	[hbm4b:s22+s1] =	stream.strided.scatter [tilespmem:s30], [sflag:$0x5], $0x4000, s13, s1, $0x38;
	[tilespmem:$0x1D400] =	vst v63  }
0xfc: {  	_ =	swait.ge [sflag:s29], $0x4000  }
0xfd: {  	[sflag:s29] =	ssyncset.done $0x0  }
0xfe: {  	[sflag:s29] =	ssyncadd.s32 $0xFFFFC000  }
0xff: {  	[tilespmem:s30], [sflag:$0x5] =	stream.linear.gather [spmem:s8], $0x4000, $0x38;
	[tilespmem:$0x1D400] =	vst v63  }
0x100: {  	_ =	swait.ge [sflag:s29], $0x4000  }
0x101: {  	[sflag:s29] =	ssyncset.done $0x0  }
0x102: {  	s23 =	rddreg [dreg:$0xc];
	[sflag:s29] =	ssyncadd.s32 $0xFFFFC000  }
0x103: {  	[hbm4b:s23+s1] =	stream.strided.scatter [tilespmem:s30], [sflag:$0x5], $0x4000, s13, s1, $0x38;
	[tilespmem:$0x1D400] =	vst v63  }
0x104: {  	_ =	swait.ge [sflag:s29], $0x4000  }
0x105: {  	[sflag:s29] =	ssyncset.done $0x0  }
0x106: {  	[sflag:s29] =	ssyncadd.s32 $0xFFFFC000  }
0x107: {  	[tilespmem:s30], [sflag:$0x5] =	stream.linear.gather [spmem:s9], $0x4000, $0x38;
	[tilespmem:$0x1D400] =	vst v63  }
0x108: {  	_ =	swait.ge [sflag:s29], $0x4000  }
0x109: {  	[sflag:s29] =	ssyncset.done $0x0  }
0x10a: {  	s24 =	rddreg [dreg:$0xd];
	[sflag:s29] =	ssyncadd.s32 $0xFFFFC000  }
0x10b: {  	[hbm4b:s24+s1] =	stream.strided.scatter [tilespmem:s30], [sflag:$0x5], $0x4000, s13, s1, $0x38;
	[tilespmem:$0x1D400] =	vst v63  }
0x10c: {  	_ =	swait.ge [sflag:s29], $0x4000  }
0x10d: {  	s14 =	sadd.s32 $0x1, s14;
	s25 =	rddreg [dreg:$0xe]  }
0x10e: {  	p0 =	sne.s32 s14, s25  }
.Ltmp4:
0x10f: {  	_ = 	snop;
	(pc) =	sbr.rel @p0 .LBB2_1-.Ltmp4, $3  }
0x110: {  	[sflag:s29] =	ssyncset.done $0x0  }
0x111: {  	[sflag:s29] =	ssyncadd.s32 $0xFFFFC000  }
0x112: {  	[bflag:$0x0] =	sbarrier.arrive $0xFFFF;
	_ =	sdelay $0x1  }
0x113: {  	_ =	sfence.sel $0x180000  }
0x114: {  	[bflag:$0x0] =	sbarrier.arrive $0xFFFF  }
0x115: {  	_ =	strace $0x9000004D  }
0x116: {  	s0 =	stileid.u32;
	[bflag:$0x2] =	sbarrier.arrive $0xFFFF  }
0x117: {  	p0 =	sne.s32 s0, $0x0;
	s0 =	rddreg [dreg:$0x2]  }
0x118: {  	s0 =	sadd.s32 @!p0 $0x100000, s0  }
0x119: {  	[sflag:s0] =	ssyncadd.tile.s32 @!p0 $0x1;
	_ =	shalt  }
.Lfunc_end2:
_tile_overlayer_lowered:
.L_overlay_start_2:
0x11a: {  	(tag) =	ssettag $0x2  }
0x11b: {  	s0 =	rddreg [dreg:$0x0];
	s2 =	stileid.u32  }
0x11c: {  	s1 =	rddreg [dreg:$0x1];
	p0 =	sne.s32 s2, $0x0  }
0x11d: {  	s3 =	rddreg [dreg:$0x2];
	[bflag:$0x3] =	sbarrier.arrive $0xFFFF;
	s2 =	simm.s32 @!p0 $0x1C05  }
0x11e: {  	[timem:s3], [sflag:s2] =	dma.local @!p0 [hbm:s0], s1  }
0x11f: {  	s0 =	simm.s32 @!p0 $0x5  }
0x120: {  	_ =	swait.ge @!p0 [sflag:s0], s1  }
0x121: {  	s1 =	ssub.s32 @!p0 $0x0, s1;
	[sflag:s0] =	ssyncset.done @!p0 $0x0  }
0x122: {  	[sflag:s0] =	ssyncadd.s32 @!p0 s1  }
0x123: {  	[bflag:$0x3] =	sbarrier.arrive $0xFFFF  }
0x124: {  	_ =	shalt  }

// kernel: kernel.9.cloned.1.call-start
scs
__scs_entry_jumppad:
0x0: {  	(pc) =	sbr.rel $0x88, $3  }
0x1: {  	(tag) =	ssettag $0x0;
	lr =	simm.s32 $0x1  }
0x2: {  	[smem:$0x3F98] =	sst lr;
	_ =	strace $0xD0000000  }
0x3: {  	_ = 	snop  }
0x4: {  	_ = 	snop  }
0x5: {  	_ = 	snop  }
0x6: {  	_ = 	snop  }
0x7: {  	_ = 	snop  }
__scs_overlays_trampoline_lowered:
0x8: {  	[smem:$0x3FA7] =	sst s0  }
0x9: {  	[smem:$0x3FA8] =	sst s1  }
0xa: {  	[smem:$0x3FA9] =	sst s2  }
0xb: {  	[smem:$0x3FAA] =	sst s3  }
0xc: {  	[smem:$0x3FAB] =	sst s4  }
0xd: {  	[smem:$0x3FAC] =	sst s5  }
0xe: {  	[smem:$0x3FAD] =	sst s6  }
0xf: {  	[smem:$0x3FAE] =	sst s7  }
0x10: {  	[smem:$0x3FAF] =	sst s8  }
0x11: {  	[smem:$0x3FB0] =	sst s9;
	s0 =	simm.s32 @!p0 $0x0  }
0x12: {  	s1 =	sld [smem:$0x3F96];
	s0 =	simm.s32 @p0 $0x1  }
0x13: {  	[smem:$0x3FB1] =	sst s0;
	s0 =	simm.s32 @!p1 $0x0  }
0x14: {  	s2 =	sld [smem:$0x3F95];
	s0 =	simm.s32 @p1 $0x1  }
0x15: {  	[smem:$0x3FB2] =	sst s0;
	s0 =	simm.s32 @!p2 $0x0  }
0x16: {  	s3 =	sld [smem:$0x3FDB];
	s0 =	simm.s32 @p2 $0x1  }
0x17: {  	s4 =	simm.s32 $0x1BF5;
	[smem:$0x3FB4] =	sst s0  }
0x18: {  	s0 =	sld [smem:$0x3F97];
	_ =	swait.ge [sflag:s4], $0x0  }
0x19: {  	s7 =	sld [smem:$0x3F98]  }
0x1a: {  	s8 =	sadd.s32 $0xFFFFE003, lr  }
0x1b: {  	s9 =	sadd.s32 $0xFFFFFEF7, lr;
	s5 =	simm.s32 $0xFFFFFFFF;
	p2 =	slt.u32 s8, $0xFFFFF086  }
0x1c: {  	p1 =	slt.u32 s9, $0xF7A;
	s5 =	simm.s32 @!p2 $0x0  }
0x1d: {  	s5 =	simm.s32 @p1 $0x1;
	p0 =	seq.s32 s7, s2  }
0x1e: {  	s7 =	smul.u32 @!p0 $0xF7A, s2;
	p2 =	seq.s32 @!p0 s5, $0x0  }
0x1f: {  	s9 =	smul.u32 $0xF7A, s1;
	s8 =	simm.s32 @!p0 $0x1BF5;
	p2 =	por !p2, p0  }
0x20: {  	[sflag:s8] =	ssyncset.s32 @!p0 $0xFFFFF086;
	s6 =	sadd.s32 @!p0 s3, s7;
	s7 =	simm.s32 @!p0 $0x108  }
0x21: {  	s3 =	sadd.s32 s3, s9;
	s6 =	sadd.s32 @!p0 $0x88, s6;
	s7 =	simm.s32 @p2 $0x1082  }
0x22: {  	[simem:s7], [sflag:s8] =	dma.local @!p0 [hbm:s6], $0xF7A  }
0x23: {  	s9 =	sor.u32 $0xD0000000, s2;
	s6 =	simm.s32 $0x108;
	_ =	swait.ge @!p0 [sflag:s8], $0x0  }
0x24: {  	s3 =	sadd.s32 $0x88, s3;
	s6 =	simm.s32 @!p1 $0x1082;
	[sflag:s4] =	ssyncset.s32 $0xFFFFF086  }
0x25: {  	[simem:s6], [sflag:s4] =	dma.local [hbm:s3], $0xF7A  }
0x26: {  	[smem:$0x3F98] =	sst s1;
	(tag) =	ssettag s2;
	_ =	strace s9  }
0x27: {  	s1 =	sld [smem:$0x3FA8]  }
0x28: {  	s2 =	sld [smem:$0x3FA9]  }
0x29: {  	s4 =	sld [smem:$0x3FAB]  }
0x2a: {  	p0 =	seq.s32 s5, $0x0;
	s5 =	sld [smem:$0x3FAC]  }
0x2b: {  	s6 =	sld [smem:$0x3FAD]  }
0x2c: {  	s7 =	sld [smem:$0x3FAE]  }
0x2d: {  	s3 =	simm.s32 $0x108;
	s8 =	sld [smem:$0x3FAF]  }
0x2e: {  	s3 =	simm.s32 @!p0 $0x1082;
	s9 =	sld [smem:$0x3FB0]  }
0x2f: {  	lr =	sadd.s32 s0, s3;
	s0 =	sld [smem:$0x3FA7]  }
0x30: {  	s3 =	sld [smem:$0x3FAA]  }
0x31: {  	[smem:$0x3FB3] =	sst s10  }
0x32: {  	s10 =	sld [smem:$0x3FB1];
	_ =	sdelay $0x3  }
0x33: {  	p0 =	seq.s32 s10, $0x1;
	s10 =	sld [smem:$0x3FB3];
	_ =	sdelay $0x3  }
0x34: {  	[smem:$0x3FB3] =	sst s10  }
0x35: {  	s10 =	sld [smem:$0x3FB2];
	_ =	sdelay $0x3  }
0x36: {  	p1 =	seq.s32 s10, $0x1;
	s10 =	sld [smem:$0x3FB3];
	_ =	sdelay $0x3  }
0x37: {  	[smem:$0x3FB3] =	sst s10  }
0x38: {  	s10 =	sld [smem:$0x3FB4]  }
0x39: {  	_ = 	snop;
	(pc) =	sbr.ind lr, $3  }
0x3a: {  	_ = 	snop  }
0x3b: {  	_ = 	snop  }
0x3c: {  	p2 =	seq.s32 s10, $0x1;
	s10 =	sld [smem:$0x3FB3]  }
0x3d: {  	_ =	shalt  }
0x3e: {  	_ =	shalt  }
0x3f: {  	_ =	shalt  }
0x40: {  	_ =	shalt  }
0x41: {  	_ =	shalt  }
0x42: {  	_ =	shalt  }
0x43: {  	_ =	shalt  }
0x44: {  	_ =	shalt  }
0x45: {  	_ =	shalt  }
0x46: {  	_ =	shalt  }
0x47: {  	_ =	shalt  }
0x48: {  	_ =	shalt  }
0x49: {  	_ =	shalt  }
0x4a: {  	_ =	shalt  }
0x4b: {  	_ =	shalt  }
0x4c: {  	_ =	shalt  }
0x4d: {  	_ =	shalt  }
0x4e: {  	_ =	shalt  }
0x4f: {  	_ =	shalt  }
0x50: {  	_ =	shalt  }
0x51: {  	_ =	shalt  }
0x52: {  	_ =	shalt  }
0x53: {  	_ =	shalt  }
0x54: {  	_ =	shalt  }
0x55: {  	_ =	shalt  }
0x56: {  	_ =	shalt  }
0x57: {  	_ =	shalt  }
0x58: {  	_ =	shalt  }
0x59: {  	_ =	shalt  }
0x5a: {  	_ =	shalt  }
0x5b: {  	_ =	shalt  }
0x5c: {  	_ =	shalt  }
0x5d: {  	_ =	shalt  }
0x5e: {  	_ =	shalt  }
0x5f: {  	_ =	shalt  }
0x60: {  	_ =	shalt  }
0x61: {  	_ =	shalt  }
0x62: {  	_ =	shalt  }
0x63: {  	_ =	shalt  }
0x64: {  	_ =	shalt  }
0x65: {  	_ =	shalt  }
0x66: {  	_ =	shalt  }
0x67: {  	_ =	shalt  }
0x68: {  	_ =	shalt  }
0x69: {  	_ =	shalt  }
0x6a: {  	_ =	shalt  }
0x6b: {  	_ =	shalt  }
0x6c: {  	_ =	shalt  }
0x6d: {  	_ =	shalt  }
0x6e: {  	_ =	shalt  }
0x6f: {  	_ =	shalt  }
0x70: {  	_ =	shalt  }
0x71: {  	_ =	shalt  }
0x72: {  	_ =	shalt  }
0x73: {  	_ =	shalt  }
0x74: {  	_ =	shalt  }
0x75: {  	_ =	shalt  }
0x76: {  	_ =	shalt  }
0x77: {  	_ =	shalt  }
0x78: {  	_ =	shalt  }
0x79: {  	_ =	shalt  }
0x7a: {  	_ =	shalt  }
0x7b: {  	_ =	shalt  }
0x7c: {  	_ =	shalt  }
0x7d: {  	_ =	shalt  }
0x7e: {  	_ =	shalt  }
0x7f: {  	_ =	shalt  }
0x80: {  	_ =	shalt  }
0x81: {  	_ =	shalt  }
0x82: {  	_ =	shalt  }
0x83: {  	_ =	shalt  }
0x84: {  	_ =	shalt  }
0x85: {  	_ =	shalt  }
0x86: {  	_ =	shalt  }
0x87: {  	_ =	shalt  }
.Lfunc_end0:
.L_simem_size_0:
called_computation_lowered:
.L_overlay_start_0:
0x88: {  	s2 =	sld [smem:$0x3FD9]  }
0x89: {  	s3 =	sld [smem:$0x3FFE];
	_ =	sdelay $0x1  }
0x8a: {  	s1 =	srdreg.scid  }
0x8b: {  	s0 =	sand.u32 $0x1, s1  }
0x8c: {  	s17 =	sshll.u32 s0, $0xA;
	s2 =	sadd.s32 s3, s2  }
0x8d: {  	s2 =	sadd.s32 s2, s17  }
0x8e: {  	[smem:$0x3FBF] =	sst s2  }
0x8f: {  	_ = 	snop  }
0x90: {  	s18 =	sld [smem:$0x3FC9];
	(tm) =	ssettm $0x1  }
0x91: {  	s19 =	sld [smem:$0x3FFB];
	_ =	sdelay $0x3  }
0x92: {  	_ =	strace s19  }
0x93: {  	s2 =	sld [smem:$0x3FFC];
	_ =	sdelay $0x3  }
0x94: {  	_ =	strace s2  }
0x95: {  	s2 =	sld [smem:$0x3FFD];
	_ =	sdelay $0x3  }
0x96: {  	_ =	strace s2  }
0x97: {  	_ =	strace $0x8FFFFFFF  }
0x98: {  	s20 =	sld [smem:$0x3FDB];
	_ =	sdelay $0x1  }
0x99: {  	s4 =	simm.s32 $_scs_section_size  }
0x9a: {  	s5 =	simm.s32 $_size__tile_overlayer_lowered;
	s6 =	simm.s32 $_tile_overlayer_lowered  }
0x9b: {  	s7 =	simm.s32 $0x1BFF;
	s21 =	sshll.u32 s6, $0x1;
	s4 =	sadd.s32 s4, s20  }
0x9c: {  	s22 =	simm.s32 $0x0;
	s5 =	sshll.u32 s5, $0x1;
	s6 =	sadd.s32 s21, s4  }
0x9d: {  	[timem:s22], [sflag:s7] =	dma.local [hbm:s6], s5  }
0x9e: {  	_ =	swait.ge [sflag:s7], s5  }
0x9f: {  	s5 =	ssub.s32 $0x0, s5;
	[sflag:s7] =	ssyncset.done $0x0  }
0xa0: {  	[sflag:s7] =	ssyncadd.s32 s5;
	_ =	sdelay $0x1  }
0xa1: {  	s23 =	simm.s32 $0x1B8B  }
0xa2: {  	_ =	swait.ge [sflag:s23], $0x1  }
0xa3: {  	[sflag:s23] =	ssyncset.done $0x0  }
0xa4: {  	[sflag:s23] =	ssyncadd.s32 $0xFFFFFFFF  }
0xa5: {  	s5 =	sld [smem:$0x0]  }
0xa6: {  	s6 =	sand.u32 $0xFFFFFFFE, s1  }
0xa7: {  	p0 =	sne.s32 s1, s6  }
0xa8: {  	s6 =	sshll.u32 @p0 s6, $0xE  }
0xa9: {  	s6 =	sadd.s32 @p0 $0x11B8D, s6;
	s7 =	sshll.u32 @p0 s5, $0x11  }
0xaa: {  	s6 =	sor.u32 @p0 s7, s6  }
0xab: {  	[sflag:s6] =	ssyncadd.remote.s32 @p0 $0x1;
	_ =	sdelay $0x1  }
0xac: {  	s6 =	simm.s32 @p0 $0x1B8D  }
0xad: {  	_ =	swait.eq @p0 [sflag:s6], $0x1  }
0xae: {  	[sflag:s6] =	ssyncadd.s32 @p0 $0xFFFFFFFF  }
0xaf: {  	s7 =	sshll.u32 @!p0 s1, $0xE  }
0xb0: {  	s7 =	sor.u32 @!p0 $0x4000, s7;
	s6 =	simm.s32 @!p0 $0x1B8D  }
0xb1: {  	s5 =	sshll.u32 @!p0 s5, $0x11;
	s7 =	sadd.s32 @!p0 $0x11B8D, s7;
	_ =	swait.eq @!p0 [sflag:s6], $0x1  }
0xb2: {  	s5 =	sor.u32 @!p0 s5, s7;
	[sflag:s6] =	ssyncadd.s32 @!p0 $0xFFFFFFFF  }
0xb3: {  	s25 =	simm.s32 $0x1B8E;
	s24 =	sld [smem:$0x3FFE];
	[sflag:s5] =	ssyncadd.remote.s32 @!p0 $0x1  }
0xb4: {  	s26 =	simm.s32 $execute0_lowered;
	[smem:$0x3FD2] =	sst s25  }
0xb5: {  	s6 =	sshll.u32 s26, $0x1;
	_ =	strace $0x80000049;
	[dreg:$0x1] =	wrdreg $0xFFFFFFFF  }
0xb6: {  	s28 =	simm.s32 $_size_execute0_lowered;
	s4 =	sadd.s32 s4, s6;
	[dreg:$0x0] =	wrdreg $0x0  }
0xb7: {  	s6 =	sshll.u32 s28, $0x1;
	[dreg:$0x2] =	wrdreg s4  }
0xb8: {  	[dreg:$0x3] =	wrdreg s6  }
0xb9: {  	[dreg:$0x4] =	wrdreg $0xC0  }
0xba: {  	_ =	task [dreg:s22], $0x5FFFF  }
0xbb: {  	[dreg:$0x1] =	wrdreg $0xFFFFFFFF  }
0xbc: {  	[dreg:$0x0] =	wrdreg $0x60  }
0xbd: {  	[dreg:$0x2] =	wrdreg s18  }
0xbe: {  	[dreg:$0x3] =	wrdreg s24  }
0xbf: {  	[dreg:$0x4] =	wrdreg $0x9  }
0xc0: {  	_ =	task.clear_ibuf [dreg:s22], $0x5FFFF;
	_ =	strace $0x90000049  }
0xc1: {  	s29 =	simm.s32 $0x9;
	_ =	strace $0x8000004B  }
0xc2: {  	_ =	swait.ge [sflag:s29], $0x1  }
0xc3: {  	[sflag:s29] =	ssyncadd.s32 $0xFFFFFFFF  }
0xc4: {  	_ =	strace $0x9000004B  }
0xc5: {  	_ =	sfence  }
0xc6: {  	s30 =	sld [smem:$0x0];
	_ =	sdelay $0x2  }
0xc7: {  	s31 =	sshll.u32 s1, $0xD;
	s1 =	sshrl.u32 s1, $0x2  }
0xc8: {  	s4 =	sand.u32 $0x4000, s31;
	s1 =	sadd.s32 s1, s30  }
0xc9: {  	s0 =	sor.u32 s4, s0;
	s1 =	sshll.u32 s1, $0x11  }
0xca: {  	s0 =	sor.u32 s1, s0  }
0xcb: {  	s0 =	sadd.s32 $0x8F2B, s0  }
0xcc: {  	[sflag:s0] =	ssyncadd.remote.s32 $0x1  }
0xcd: {  	_ =	sfence.sel $0xFFFF  }
0xce: {  	[dreg:$0x0] =	wrdreg $0xFFFFFFFF;
	(pc) =	sbr.abs _section_cstart, $3  }
0xcf: {  	[dreg:$0x1] =	wrdreg $0xFFFFFFFF  }
0xd0: {  	_ =	task.clear_ibuf [dreg:s22], $0x2FFFF;
	_ =	strace $0x9FFFFFFF  }
0xd1: {  	(tm) =	ssettm $0x7FFFFFFF  }
tec
execute0_lowered:
.L_overlay_start_1:
0x0: {  	(tag) =	ssettag $0x1  }
0x1: {  	s1 =	rddreg [dreg:$0x0];
	s0 =	srdreg.scid  }
0x2: {  	s2 =	rddreg [dreg:$0x1];
	s7 =	stileid.u32  }
0x3: {  	s3 =	simm.s32 $0x1C;
	s4 =	simm.s32 $0x0;
	s13 =	simm.s32 $0x7  }
0x4: {  	s19 =	simm.s32 $0x3C00;
	s28 =	simm.s32 $0x7C00;
	s0 =	sand.u32 $0x1, s0  }
0x5: {  	s29 =	simm.s32 $0x8400;
	s5 =	smul.u32 $0x1400, s7;
	p0 =	seq.s32 s0, $0x0  }
0x6: {  	s30 =	simm.s32 $0x8C00;
	s7 =	smul.u32 $0x28000, s7;
	s3 =	simm.s32 @!p0 $0xC  }
0x7: {  	s31 =	simm.s32 $0x0;
	[smem:$0x7FF] =	sst s4;
	s6 =	smul.u32 $0x56, s3  }
0x8: {  	_ =	strace $0x8000004A;
	s21 =	ssub.s32 $0x2, s0;
	s25 =	smul.u32 $0x1C000, s0  }
0x9: {  	s5 =	sshrl.u32 s5, $0x3;
	s9 =	sshrl.u32 s21, $0x1;
	s20 =	sadd.s32 $0xFFFFFEFE, s6  }
0xa: {  	s8 =	sadd.s32 s5, s2;
	s2 =	sadd.s32 s7, s2;
	s5 =	sshrl.u32 s20, $0x8  }
0xb: {  	s12 =	ssub.s32 s21, s9;
	s11 =	sadd.s32 $0xFFFFFF54, s6;
	s10 =	smul.u32 $0x3, s5  }
0xc: {  	s6 =	sadd.s32 $0xFFFFFFAA, s6;
	s11 =	sshrl.u32 s11, $0x8;
	s5 =	smul.u32 $0xE00, s0  }
0xd: {  	s21 =	simm.s32 $0x4C00;
	s6 =	sshrl.u32 s6, $0x8;
	s11 =	smul.u32 $0x3, s11  }
0xe: {  	s2 =	sadd.s32 s25, s2;
	s25 =	simm.s32 $0x6C00;
	s23 =	smul.u32 $0x3, s6  }
0xf: {  	s20 =	simm.s32 $0x4400;
	s6 =	sadd.s32 $0x28AC00, s8;
	s0 =	smul.u32 $0x3800, s0  }
0x10: {  	s10 =	ssub.s32 s3, s10;
	s24 =	ssub.s32 s3, s11;
	s9 =	sxor.u32 $0xFFFFFFFF, s23  }
0x11: {  	s26 =	sshrl.u32 s0, $0x2;
	s0 =	sadd.s32 $0x28D400, s2;
	s23 =	simm.s32 $0x5C00  }
.Ltmp0:
0x12: {  	s22 =	sadd.s32 $0xFFFFFFFD, s10;
	s8 =	sadd.s32 $0xFFFFFFFE, s24;
	(pc) =	sbr.rel .LBB2_1-.Ltmp0, $4  }
0x13: {  	s9 =	sadd.s32 s3, s9;
	s10 =	smax.u32 s12, $0x1;
	s2 =	sor.u32 $0xF0, s26  }
0x14: {  	v2 =	vlaneseq.u32;
	s24 =	simm.s32 $0x6400;
	s26 =	simm.s32 $0x7400;
	s7 =	sor.u32 $0x4, s22  }
0x15: {  	vm0 =	vmmov $0xffff;
	v1 =	vshrl.u32 v2, $0x3;
	s8 =	sor.u32 $0x4, s8;
	s9 =	sor.u32 $0x4, s9;
	s22 =	simm.s32 $0x5400  }
0x16: {  	v0 =	vand.u32 $0x7, v2;
	v2 =	vor.u32 $0x8, v2;
	v1 =	vmul.u32 $0x8, v1;
	s7 =	sand.u32 $0xFF, s7;
	s8 =	sand.u32 $0xFF, s8;
	s9 =	sand.u32 $0xFF, s9  }
.LBB2_5:
0x17: {  	_ =	swait.ge [sflag:s7], $0x8000  }
0x18: {  	[sflag:s7] =	ssyncset.done $0x0  }
0x19: {  	s31 =	sadd.s32 $0x1, s31;
	[sflag:s7] =	ssyncadd.s32 $0xFFFF8000  }
0x1a: {  	p0 =	sne.s32 s31, s10;
	_ =	swait.ge [sflag:s8], $0x8000  }
.Ltmp1:
0x1b: {  	[sflag:s8] =	ssyncset.done $0x0;
	(pc) =	sbr.rel @!p0 .LBB2_6-.Ltmp1, $4  }
0x1c: {  	[sflag:s8] =	ssyncadd.s32 $0xFFFF8000  }
0x1d: {  	_ =	swait.ge [sflag:s9], $0x8000  }
0x1e: {  	[sflag:s9] =	ssyncset.done $0x0  }
0x1f: {  	[sflag:s9] =	ssyncadd.s32 $0xFFFF8000  }
.LBB2_1:
0x20: {  	[tilespmem:s4], [sflag:$0x7] =	stream.linear.gather [hbm4b:s6+s4], $0x1400, $0x38;
	[tilespmem:$0x19400] =	vst v63  }
0x21: {  	_ =	swait.ge [sflag:s13], $0x1400  }
0x22: {  	[sflag:s13] =	ssyncset.done $0x0  }
0x23: {  	[sflag:s13] =	ssyncadd.s32 $0xFFFFEC00  }
0x24: {  	v3 =	vld [tilespmem:s5+$0x0];
	_ =	sdelay $0x4  }
0x25: {  	v4 =	vshll.u32 v3, $0x1  }
0x26: {  	v3 =	vand.u32 $0x7, v3;
	v4 =	vand.u32 $0xFFFFFFF0, v4  }
0x27: {  	v3 =	vor.u32 v3, v4  }
0x28: {  	v4 =	vperm.xlane v3, v0;
	_ =	sdelay $0x1  }
0x29: {  	v3 =	vperm.xlane v3, v2;
	v4 =	vadd.s32 v1, v4;
	_ =	sdelay $0x1  }
0x2a: {  	v3 =	vadd.s32 v1, v3;
	_ =	sdelay $0x1  }
0x2b: {  	s11 =	simm.s32 $0x1400  }
0x2c: {  	[tilespmem:s11], [sflag:$0x1] =	stream.indirect_vreg.gather [hbm4b:s1+s4], $0x80, v4, vm0, $0xb8;
	[tilespmem:$0x19400] =	vst v63  }
0x2d: {  	s15 =	simm.s32 $0x1C00  }
0x2e: {  	[tilespmem:s15], [sflag:$0x1] =	stream.indirect_vreg.gather [hbm4b:s1+s4], $0x80, v3, vm0, $0xb8;
	[tilespmem:$0x19400] =	vst v63  }
0x2f: {  	v3 =	vld [tilespmem:s5+$0x10];
	_ =	sdelay $0x4  }
0x30: {  	v57 =	vshll.u32 v3, $0x1  }
0x31: {  	v3 =	vand.u32 $0x7, v3;
	v4 =	vand.u32 $0xFFFFFFF0, v57  }
0x32: {  	v3 =	vor.u32 v3, v4  }
0x33: {  	v4 =	vperm.xlane v3, v0;
	_ =	sdelay $0x1  }
0x34: {  	v3 =	vperm.xlane v3, v2;
	v4 =	vadd.s32 v1, v4;
	_ =	sdelay $0x1  }
0x35: {  	v3 =	vadd.s32 v1, v3;
	_ =	sdelay $0x1  }
0x36: {  	s16 =	simm.s32 $0x2400  }
0x37: {  	[tilespmem:s16], [sflag:$0x1] =	stream.indirect_vreg.gather [hbm4b:s1+s4], $0x80, v4, vm0, $0xb8;
	[tilespmem:$0x19400] =	vst v63  }
0x38: {  	s17 =	simm.s32 $0x2C00  }
0x39: {  	[tilespmem:s17], [sflag:$0x1] =	stream.indirect_vreg.gather [hbm4b:s1+s4], $0x80, v3, vm0, $0xb8;
	[tilespmem:$0x19400] =	vst v63  }
0x3a: {  	v3 =	vld [tilespmem:s5+$0x20];
	_ =	sdelay $0x4  }
0x3b: {  	v58 =	vshll.u32 v3, $0x1  }
0x3c: {  	v3 =	vand.u32 $0x7, v3;
	v4 =	vand.u32 $0xFFFFFFF0, v58  }
0x3d: {  	v3 =	vor.u32 v3, v4  }
0x3e: {  	v4 =	vperm.xlane v3, v0;
	_ =	sdelay $0x1  }
0x3f: {  	v3 =	vperm.xlane v3, v2;
	v4 =	vadd.s32 v1, v4;
	_ =	sdelay $0x1  }
0x40: {  	v3 =	vadd.s32 v1, v3;
	_ =	sdelay $0x1  }
0x41: {  	s18 =	simm.s32 $0x3400  }
0x42: {  	[tilespmem:s18], [sflag:$0x1] =	stream.indirect_vreg.gather [hbm4b:s1+s4], $0x80, v4, vm0, $0xb8;
	[tilespmem:$0x19400] =	vst v63  }
0x43: {  	_ = 	snop  }
0x44: {  	[tilespmem:s19], [sflag:$0x1] =	stream.indirect_vreg.gather [hbm4b:s1+s4], $0x80, v3, vm0, $0xb8;
	[tilespmem:$0x19400] =	vst v63  }
0x45: {  	v3 =	vld [tilespmem:s5+$0x30];
	_ =	sdelay $0x4  }
0x46: {  	v59 =	vshll.u32 v3, $0x1  }
0x47: {  	v3 =	vand.u32 $0x7, v3;
	v4 =	vand.u32 $0xFFFFFFF0, v59  }
0x48: {  	v3 =	vor.u32 v3, v4  }
0x49: {  	v4 =	vperm.xlane v3, v0;
	_ =	sdelay $0x1  }
0x4a: {  	v3 =	vperm.xlane v3, v2;
	v4 =	vadd.s32 v1, v4;
	_ =	sdelay $0x1  }
0x4b: {  	v3 =	vadd.s32 v1, v3;
	_ =	sdelay $0x2  }
0x4c: {  	[tilespmem:s20], [sflag:$0x1] =	stream.indirect_vreg.gather [hbm4b:s1+s4], $0x80, v4, vm0, $0xb8;
	[tilespmem:$0x19400] =	vst v63  }
0x4d: {  	_ = 	snop  }
0x4e: {  	[tilespmem:s21], [sflag:$0x1] =	stream.indirect_vreg.gather [hbm4b:s1+s4], $0x80, v3, vm0, $0xb8;
	[tilespmem:$0x19400] =	vst v63  }
0x4f: {  	v3 =	vld [tilespmem:s5+$0x40];
	_ =	sdelay $0x4  }
0x50: {  	v60 =	vshll.u32 v3, $0x1  }
0x51: {  	v3 =	vand.u32 $0x7, v3;
	v4 =	vand.u32 $0xFFFFFFF0, v60  }
0x52: {  	v3 =	vor.u32 v3, v4  }
0x53: {  	v4 =	vperm.xlane v3, v0;
	_ =	sdelay $0x1  }
0x54: {  	v3 =	vperm.xlane v3, v2;
	v4 =	vadd.s32 v1, v4;
	_ =	sdelay $0x1  }
0x55: {  	v3 =	vadd.s32 v1, v3;
	_ =	sdelay $0x2  }
0x56: {  	[tilespmem:s22], [sflag:$0x1] =	stream.indirect_vreg.gather [hbm4b:s1+s4], $0x80, v4, vm0, $0xb8;
	[tilespmem:$0x19400] =	vst v63  }
0x57: {  	_ = 	snop  }
0x58: {  	[tilespmem:s23], [sflag:$0x1] =	stream.indirect_vreg.gather [hbm4b:s1+s4], $0x80, v3, vm0, $0xb8;
	[tilespmem:$0x19400] =	vst v63  }
0x59: {  	v3 =	vld [tilespmem:s5+$0x50];
	_ =	sdelay $0x4  }
0x5a: {  	v61 =	vshll.u32 v3, $0x1  }
0x5b: {  	v3 =	vand.u32 $0x7, v3;
	v4 =	vand.u32 $0xFFFFFFF0, v61  }
0x5c: {  	v3 =	vor.u32 v3, v4  }
0x5d: {  	v4 =	vperm.xlane v3, v0;
	_ =	sdelay $0x1  }
0x5e: {  	v3 =	vperm.xlane v3, v2;
	v4 =	vadd.s32 v1, v4;
	_ =	sdelay $0x1  }
0x5f: {  	v3 =	vadd.s32 v1, v3;
	_ =	sdelay $0x2  }
0x60: {  	[tilespmem:s24], [sflag:$0x1] =	stream.indirect_vreg.gather [hbm4b:s1+s4], $0x80, v4, vm0, $0xb8;
	[tilespmem:$0x19400] =	vst v63  }
0x61: {  	_ = 	snop  }
0x62: {  	[tilespmem:s25], [sflag:$0x1] =	stream.indirect_vreg.gather [hbm4b:s1+s4], $0x80, v3, vm0, $0xb8;
	[tilespmem:$0x19400] =	vst v63  }
0x63: {  	v3 =	vld [tilespmem:s5+$0x60];
	_ =	sdelay $0x4  }
0x64: {  	v62 =	vshll.u32 v3, $0x1  }
0x65: {  	v3 =	vand.u32 $0x7, v3;
	v4 =	vand.u32 $0xFFFFFFF0, v62  }
0x66: {  	v3 =	vor.u32 v3, v4  }
0x67: {  	v4 =	vperm.xlane v3, v0;
	_ =	sdelay $0x1  }
0x68: {  	v3 =	vperm.xlane v3, v2;
	v4 =	vadd.s32 v1, v4;
	_ =	sdelay $0x1  }
0x69: {  	v3 =	vadd.s32 v1, v3;
	_ =	sdelay $0x2  }
0x6a: {  	[tilespmem:s26], [sflag:$0x1] =	stream.indirect_vreg.gather [hbm4b:s1+s4], $0x80, v4, vm0, $0xb8;
	[tilespmem:$0x19400] =	vst v63  }
0x6b: {  	_ = 	snop  }
0x6c: {  	[tilespmem:s28], [sflag:$0x1] =	stream.indirect_vreg.gather [hbm4b:s1+s4], $0x80, v3, vm0, $0xb8;
	[tilespmem:$0x19400] =	vst v63  }
0x6d: {  	v3 =	vld [tilespmem:s5+$0x70];
	_ =	sdelay $0x4  }
0x6e: {  	v63 =	vshll.u32 v3, $0x1  }
0x6f: {  	v3 =	vand.u32 $0x7, v3;
	v4 =	vand.u32 $0xFFFFFFF0, v63  }
0x70: {  	v3 =	vor.u32 v3, v4  }
0x71: {  	v4 =	vperm.xlane v3, v0;
	_ =	sdelay $0x1  }
0x72: {  	v3 =	vperm.xlane v3, v2;
	v4 =	vadd.s32 v1, v4;
	_ =	sdelay $0x1  }
0x73: {  	v3 =	vadd.s32 v1, v3  }
.Ltmp2:
0x74: {  	_ = 	snop;
	(pc) =	sbr.rel .LBB2_2-.Ltmp2, $4  }
0x75: {  	_ = 	snop  }
0x76: {  	[tilespmem:s29], [sflag:$0x1] =	stream.indirect_vreg.gather [hbm4b:s1+s4], $0x80, v4, vm0, $0xb8;
	[tilespmem:$0x19400] =	vst v63  }
0x77: {  	s12 =	smov.u32 s2;
	s14 =	simm.s32 $0x0;
	s11 =	smov.u32 s0  }
0x78: {  	[tilespmem:s30], [sflag:$0x1] =	stream.indirect_vreg.gather [hbm4b:s1+s4], $0x80, v3, vm0, $0xb8;
	[tilespmem:$0x19400] =	vst v63  }
.LBB2_4:
0x79: {  	s16 =	smul.u32 $0xAB, s14;
	_ =	sdelay $0x1  }
0x7a: {  	s16 =	sshrl.u32 s16, $0x9  }
0x7b: {  	s16 =	sand.u32 $0x7F, s16  }
0x7c: {  	s16 =	smul.u32 $0x3, s16;
	_ =	sdelay $0x1  }
0x7d: {  	s16 =	ssub.s32 s14, s16  }
0x7e: {  	p0 =	sge.u32 s14, s3;
	s16 =	sand.u32 $0xFF, s16  }
0x7f: {  	s14 =	sadd.s32 @!p0 $0x1, s16  }
0x80: {  	_ =	swait.ge @!p0 [sflag:s14], $0x8000  }
0x81: {  	[sflag:s14] =	ssyncset.done @!p0 $0x0  }
0x82: {  	[sflag:s14] =	ssyncadd.s32 @!p0 $0xFFFF8000;
	s14 =	sshll.u32 @!p0 s16, $0xF  }
0x83: {  	s17 =	simm.s32 @!p0 $0x0;
	s16 =	sadd.s32 @!p0 $0x4, s16;
	s14 =	sor.u32 @!p0 $0x1400, s14  }
0x84: {  	[hbm4b:s11+s17] =	stream.linear.scatter @!p0 [tilespmem:s14], [sflag:s16], $0x8000, $0x38;
	[tilespmem:$0x19400] =	vst v63  }
0x85: {  	p0 =	sne.s32 s15, $0x1C  }
.Ltmp3:
0x86: {  	_ = 	snop;
	(pc) =	sbr.rel @!p0 .LBB2_5-.Ltmp3, $2  }
0x87: {  	_ =	sdelay $0x2  }
0x88: {  	s12 =	sadd.s32 $0x80, s12;
	s11 =	sadd.s32 $0x1000, s11;
	s14 =	smov.u32 s15  }
.LBB2_2:
0x89: {  	s15 =	sadd.s32 $0x1, s14  }
0x8a: {  	p0 =	sge.u32 s15, s3  }
.Ltmp4:
0x8b: {  	_ = 	snop;
	(pc) =	sbr.rel @p0 .LBB2_4-.Ltmp4, $1  }
0x8c: {  	_ =	sdelay $0x3  }
0x8d: {  	s16 =	smul.u32 $0xAB, s15;
	_ =	sdelay $0x1  }
0x8e: {  	s16 =	sshrl.u32 s16, $0x9  }
0x8f: {  	s16 =	sand.u32 $0x7F, s16  }
0x90: {  	s16 =	smul.u32 $0x3, s16;
	_ =	sdelay $0x1  }
0x91: {  	s16 =	ssub.s32 s15, s16  }
0x92: {  	p0 =	slt.u32 s14, $0x2;
	s17 =	sand.u32 $0xFF, s16  }
0x93: {  	s16 =	sadd.s32 @!p0 $0x4, s17  }
0x94: {  	_ =	swait.ge @!p0 [sflag:s16], $0x8000  }
0x95: {  	[sflag:s16] =	ssyncset.done @!p0 $0x0  }
0x96: {  	[sflag:s16] =	ssyncadd.s32 @!p0 $0xFFFF8000  }
0x97: {  	v3 =	vld [tilespmem:s12+$0xFFFFFF90];
	_ =	sdelay $0x4  }
0x98: {  	v4 =	vshll.u32 v3, $0x1  }
0x99: {  	v3 =	vand.u32 $0x7, v3;
	v4 =	vand.u32 $0xFFFFFFF0, v4  }
0x9a: {  	v3 =	vor.u32 v3, v4  }
0x9b: {  	v4 =	vperm.xlane v3, v0;
	_ =	sdelay $0x1  }
0x9c: {  	v3 =	vperm.xlane v3, v2;
	v4 =	vadd.s32 v1, v4;
	_ =	sdelay $0x1  }
0x9d: {  	v3 =	vadd.s32 v1, v3  }
0x9e: {  	s16 =	sshll.u32 s17, $0xF  }
0x9f: {  	s17 =	sadd.s32 $0x1, s17;
	s18 =	sor.u32 $0x1400, s16  }
0xa0: {  	[tilespmem:s18], [sflag:s17] =	stream.indirect_vreg.gather [hbm4b:s1+s4], $0x80, v4, vm0, $0xb8;
	[tilespmem:$0x19400] =	vst v63  }
0xa1: {  	s18 =	sor.u32 $0x1C00, s16  }
0xa2: {  	[tilespmem:s18], [sflag:s17] =	stream.indirect_vreg.gather [hbm4b:s1+s4], $0x80, v3, vm0, $0xb8;
	[tilespmem:$0x19400] =	vst v63  }
0xa3: {  	v3 =	vld [tilespmem:s12+$0xFFFFFFA0];
	_ =	sdelay $0x4  }
0xa4: {  	v57 =	vshll.u32 v3, $0x1  }
0xa5: {  	v3 =	vand.u32 $0x7, v3;
	v4 =	vand.u32 $0xFFFFFFF0, v57  }
0xa6: {  	v3 =	vor.u32 v3, v4  }
0xa7: {  	v4 =	vperm.xlane v3, v0;
	_ =	sdelay $0x1  }
0xa8: {  	v3 =	vperm.xlane v3, v2;
	v4 =	vadd.s32 v1, v4;
	_ =	sdelay $0x1  }
0xa9: {  	v3 =	vadd.s32 v1, v3;
	_ =	sdelay $0x1  }
0xaa: {  	s18 =	sor.u32 $0x2400, s16  }
0xab: {  	[tilespmem:s18], [sflag:s17] =	stream.indirect_vreg.gather [hbm4b:s1+s4], $0x80, v4, vm0, $0xb8;
	[tilespmem:$0x19400] =	vst v63  }
0xac: {  	s18 =	sor.u32 $0x2C00, s16  }
0xad: {  	[tilespmem:s18], [sflag:s17] =	stream.indirect_vreg.gather [hbm4b:s1+s4], $0x80, v3, vm0, $0xb8;
	[tilespmem:$0x19400] =	vst v63  }
0xae: {  	v3 =	vld [tilespmem:s12+$0xFFFFFFB0];
	_ =	sdelay $0x4  }
0xaf: {  	v58 =	vshll.u32 v3, $0x1  }
0xb0: {  	v3 =	vand.u32 $0x7, v3;
	v4 =	vand.u32 $0xFFFFFFF0, v58  }
0xb1: {  	v3 =	vor.u32 v3, v4  }
0xb2: {  	v4 =	vperm.xlane v3, v0;
	_ =	sdelay $0x1  }
0xb3: {  	v3 =	vperm.xlane v3, v2;
	v4 =	vadd.s32 v1, v4;
	_ =	sdelay $0x1  }
0xb4: {  	v3 =	vadd.s32 v1, v3;
	_ =	sdelay $0x1  }
0xb5: {  	s18 =	sor.u32 $0x3400, s16  }
0xb6: {  	[tilespmem:s18], [sflag:s17] =	stream.indirect_vreg.gather [hbm4b:s1+s4], $0x80, v4, vm0, $0xb8;
	[tilespmem:$0x19400] =	vst v63  }
0xb7: {  	s18 =	sor.u32 $0x3C00, s16  }
0xb8: {  	[tilespmem:s18], [sflag:s17] =	stream.indirect_vreg.gather [hbm4b:s1+s4], $0x80, v3, vm0, $0xb8;
	[tilespmem:$0x19400] =	vst v63  }
0xb9: {  	v3 =	vld [tilespmem:s12+$0xFFFFFFC0];
	_ =	sdelay $0x4  }
0xba: {  	v59 =	vshll.u32 v3, $0x1  }
0xbb: {  	v3 =	vand.u32 $0x7, v3;
	v4 =	vand.u32 $0xFFFFFFF0, v59  }
0xbc: {  	v3 =	vor.u32 v3, v4  }
0xbd: {  	v4 =	vperm.xlane v3, v0;
	_ =	sdelay $0x1  }
0xbe: {  	v3 =	vperm.xlane v3, v2;
	v4 =	vadd.s32 v1, v4;
	_ =	sdelay $0x1  }
0xbf: {  	v3 =	vadd.s32 v1, v3;
	_ =	sdelay $0x1  }
0xc0: {  	s18 =	sor.u32 $0x4400, s16  }
0xc1: {  	[tilespmem:s18], [sflag:s17] =	stream.indirect_vreg.gather [hbm4b:s1+s4], $0x80, v4, vm0, $0xb8;
	[tilespmem:$0x19400] =	vst v63  }
0xc2: {  	s18 =	sor.u32 $0x4C00, s16  }
0xc3: {  	[tilespmem:s18], [sflag:s17] =	stream.indirect_vreg.gather [hbm4b:s1+s4], $0x80, v3, vm0, $0xb8;
	[tilespmem:$0x19400] =	vst v63  }
0xc4: {  	v3 =	vld [tilespmem:s12+$0xFFFFFFD0];
	_ =	sdelay $0x4  }
0xc5: {  	v60 =	vshll.u32 v3, $0x1  }
0xc6: {  	v3 =	vand.u32 $0x7, v3;
	v4 =	vand.u32 $0xFFFFFFF0, v60  }
0xc7: {  	v3 =	vor.u32 v3, v4  }
0xc8: {  	v4 =	vperm.xlane v3, v0;
	_ =	sdelay $0x1  }
0xc9: {  	v3 =	vperm.xlane v3, v2;
	v4 =	vadd.s32 v1, v4;
	_ =	sdelay $0x1  }
0xca: {  	v3 =	vadd.s32 v1, v3;
	_ =	sdelay $0x1  }
0xcb: {  	s18 =	sor.u32 $0x5400, s16  }
0xcc: {  	[tilespmem:s18], [sflag:s17] =	stream.indirect_vreg.gather [hbm4b:s1+s4], $0x80, v4, vm0, $0xb8;
	[tilespmem:$0x19400] =	vst v63  }
0xcd: {  	s18 =	sor.u32 $0x5C00, s16  }
0xce: {  	[tilespmem:s18], [sflag:s17] =	stream.indirect_vreg.gather [hbm4b:s1+s4], $0x80, v3, vm0, $0xb8;
	[tilespmem:$0x19400] =	vst v63  }
0xcf: {  	v3 =	vld [tilespmem:s12+$0xFFFFFFE0];
	_ =	sdelay $0x4  }
0xd0: {  	v61 =	vshll.u32 v3, $0x1  }
0xd1: {  	v3 =	vand.u32 $0x7, v3;
	v4 =	vand.u32 $0xFFFFFFF0, v61  }
0xd2: {  	v3 =	vor.u32 v3, v4  }
0xd3: {  	v4 =	vperm.xlane v3, v0;
	_ =	sdelay $0x1  }
0xd4: {  	v3 =	vperm.xlane v3, v2;
	v4 =	vadd.s32 v1, v4;
	_ =	sdelay $0x1  }
0xd5: {  	v3 =	vadd.s32 v1, v3;
	_ =	sdelay $0x1  }
0xd6: {  	s18 =	sor.u32 $0x6400, s16  }
0xd7: {  	[tilespmem:s18], [sflag:s17] =	stream.indirect_vreg.gather [hbm4b:s1+s4], $0x80, v4, vm0, $0xb8;
	[tilespmem:$0x19400] =	vst v63  }
0xd8: {  	s18 =	sor.u32 $0x6C00, s16  }
0xd9: {  	[tilespmem:s18], [sflag:s17] =	stream.indirect_vreg.gather [hbm4b:s1+s4], $0x80, v3, vm0, $0xb8;
	[tilespmem:$0x19400] =	vst v63  }
0xda: {  	v3 =	vld [tilespmem:s12+$0xFFFFFFF0];
	_ =	sdelay $0x4  }
0xdb: {  	v62 =	vshll.u32 v3, $0x1  }
0xdc: {  	v3 =	vand.u32 $0x7, v3;
	v4 =	vand.u32 $0xFFFFFFF0, v62  }
0xdd: {  	v3 =	vor.u32 v3, v4  }
0xde: {  	v4 =	vperm.xlane v3, v0;
	_ =	sdelay $0x1  }
0xdf: {  	v3 =	vperm.xlane v3, v2;
	v4 =	vadd.s32 v1, v4;
	_ =	sdelay $0x1  }
0xe0: {  	v3 =	vadd.s32 v1, v3;
	_ =	sdelay $0x1  }
0xe1: {  	s18 =	sor.u32 $0x7400, s16  }
0xe2: {  	[tilespmem:s18], [sflag:s17] =	stream.indirect_vreg.gather [hbm4b:s1+s4], $0x80, v4, vm0, $0xb8;
	[tilespmem:$0x19400] =	vst v63  }
0xe3: {  	s18 =	sor.u32 $0x7C00, s16  }
0xe4: {  	[tilespmem:s18], [sflag:s17] =	stream.indirect_vreg.gather [hbm4b:s1+s4], $0x80, v3, vm0, $0xb8;
	[tilespmem:$0x19400] =	vst v63  }
0xe5: {  	v3 =	vld [tilespmem:s12+$0x0];
	_ =	sdelay $0x4  }
0xe6: {  	v63 =	vshll.u32 v3, $0x1  }
0xe7: {  	v3 =	vand.u32 $0x7, v3;
	v4 =	vand.u32 $0xFFFFFFF0, v63  }
0xe8: {  	v3 =	vor.u32 v3, v4  }
0xe9: {  	v4 =	vperm.xlane v3, v0;
	_ =	sdelay $0x1  }
0xea: {  	v3 =	vperm.xlane v3, v2;
	v4 =	vadd.s32 v1, v4;
	_ =	sdelay $0x1  }
0xeb: {  	v3 =	vadd.s32 v1, v3  }
.Ltmp5:
0xec: {  	_ = 	snop;
	(pc) =	sbr.rel .LBB2_4-.Ltmp5, $4  }
0xed: {  	s18 =	sadd.s32 $0x8400, s16  }
0xee: {  	[tilespmem:s18], [sflag:s17] =	stream.indirect_vreg.gather [hbm4b:s1+s4], $0x80, v4, vm0, $0xb8;
	[tilespmem:$0x19400] =	vst v63  }
0xef: {  	s16 =	sadd.s32 $0x8C00, s16  }
0xf0: {  	[tilespmem:s16], [sflag:s17] =	stream.indirect_vreg.gather [hbm4b:s1+s4], $0x80, v3, vm0, $0xb8;
	[tilespmem:$0x19400] =	vst v63  }
.LBB2_6:
0xf1: {  	_ =	sfence.sel $0x180000  }
0xf2: {  	[bflag:$0x0] =	sbarrier.arrive $0xFFFF  }
0xf3: {  	_ =	strace $0x9000004A  }
0xf4: {  	s0 =	stileid.u32;
	[bflag:$0x2] =	sbarrier.arrive $0xFFFF  }
0xf5: {  	p0 =	sne.s32 s0, $0x0;
	s0 =	rddreg [dreg:$0x2]  }
0xf6: {  	s0 =	sadd.s32 @!p0 $0x100000, s0  }
0xf7: {  	[sflag:s0] =	ssyncadd.tile.s32 @!p0 $0x1;
	_ =	shalt  }
.Lfunc_end2:
_tile_overlayer_lowered:
.L_overlay_start_2:
0xf8: {  	(tag) =	ssettag $0x2  }
0xf9: {  	s0 =	rddreg [dreg:$0x0];
	s2 =	stileid.u32  }
0xfa: {  	s1 =	rddreg [dreg:$0x1];
	p0 =	sne.s32 s2, $0x0  }
0xfb: {  	s3 =	rddreg [dreg:$0x2];
	[bflag:$0x3] =	sbarrier.arrive $0xFFFF;
	s2 =	simm.s32 @!p0 $0x1C07  }
0xfc: {  	[timem:s3], [sflag:s2] =	dma.local @!p0 [hbm:s0], s1  }
0xfd: {  	s0 =	simm.s32 @!p0 $0x7  }
0xfe: {  	_ =	swait.ge @!p0 [sflag:s0], s1  }
0xff: {  	s1 =	ssub.s32 @!p0 $0x0, s1;
	[sflag:s0] =	ssyncset.done @!p0 $0x0  }
0x100: {  	[sflag:s0] =	ssyncadd.s32 @!p0 s1  }
0x101: {  	[bflag:$0x3] =	sbarrier.arrive $0xFFFF  }
0x102: {  	_ =	shalt  }

</sc_bundles>
